<compile_context>
chip_gen: v7x
topology: tpu7x:2x2x1
jax: 0.10.2.dev20260603
libtpu: 0.0.44.dev20260713+nightly
codegen_flags: <defaults>
</compile_context>

<pallas_src>
import jax
import jax.numpy as jnp
from jax import lax
from jax.experimental import pallas as pl
from jax.experimental.pallas import tpu as pltpu
from jax.experimental.pallas import tpu_sc as plsc

VOCAB = 16384
HIDDEN = 1024
C = 16
S = VOCAB // C
N = 4096
B = 64
BSH = 6
NBLK = N // B + C
NPAD = NBLK * B
L = 16
NSUB = 16
TPW = N // NSUB
SPAD = 8
GW = 32
RPW = NPAD // GW
NCH = 5
GCH = RPW // NCH
NBUF = 3


def _lane():
    return lax.broadcasted_iota(jnp.int32, (L,), 0)


_GDN = lax.GatherDimensionNumbers(
    offset_dims=(), collapsed_slice_dims=(0,), start_index_map=(0,))


def _vperm(vals, idx):
    return lax.gather(vals, idx[:, None], _GDN, (1,),
                      mode=lax.GatherScatterMode.PROMISE_IN_BOUNDS)


HW = HIDDEN // 2


def _pack_body(x_ref, o_ref):
    u = pltpu.bitcast(x_ref[...], jnp.uint32)
    r = (u + jnp.uint32(0x7FFF) + ((u >> 16) & jnp.uint32(1))) >> 16
    packed = (r[:, HW:] << 16) | r[:, :HW]
    o_ref[...] = pltpu.bitcast(packed, jnp.int32)


def _pack_x(x):
    return pl.pallas_call(
        _pack_body,
        grid=(8,),
        in_specs=[pl.BlockSpec((N // 8, HIDDEN), lambda i: (i, 0))],
        out_specs=pl.BlockSpec((N // 8, HW), lambda i: (i, 0)),
        out_shape=jax.ShapeDtypeStruct((N, HW), jnp.int32),
    )(x)


def _route_body(ypos_hbm, y_hbm, slot_hbm, perm_hbm, tcol_hbm, bc_hbm,
                yp_v, y_v, hist_v, cur_v, all_v, slot_v, sall_v, tall_v,
                call_v, sidx0_v, sidx1_v, tok0_v, tok1_v, tc0_v, tc1_v,
                bc_v, shared_hist, sem):
    w = lax.axis_index("s")
    t0 = w * TPW
    lane = _lane()
    ones = jnp.ones((L,), jnp.int32)
    pltpu.sync_copy(ypos_hbm.at[pl.ds(t0, TPW)], yp_v)
    pltpu.sync_copy(y_hbm.at[pl.ds(t0, TPW)], y_v)

    hist_v[...] = jnp.zeros((L,), jnp.int32)

    def hist_step(k, _):
        v = yp_v[pl.ds(k * L, L)]
        plsc.addupdate_scatter(hist_v, [v], ones)
        return 0

    lax.fori_loop(0, TPW // L, hist_step, 0)
    pltpu.sync_copy(hist_v, shared_hist.at[w + SPAD])
    plsc.subcore_barrier()
    plsc.subcore_barrier()
    pltpu.sync_copy(shared_hist.at[pl.ds(SPAD, NSUB)], all_v)

    prefix = jnp.zeros((L,), jnp.int32)
    total = jnp.zeros((L,), jnp.int32)
    for w2 in range(NSUB):
        h = all_v[w2]
        prefix = prefix + h * jnp.where(w2 < w, 1, 0)
        total = total + h
    nblk = (total + (B - 1)) >> BSH
    blkstart = plsc.cumsum(nblk) - nblk
    base = (blkstart << BSH) + prefix

    cur_v[...] = base

    def slot_step(k, _):
        v = yp_v[pl.ds(k * L, L)]
        yv = y_v[pl.ds(k * L, L)]
        rank = jnp.zeros((L,), jnp.int32)
        for sft in range(1, L):
            sh = _vperm(v, jnp.maximum(lane - sft, 0))
            rank = rank + jnp.where((lane >= sft) & (sh == v), 1, 0)
        slotv = _vperm(cur_v[...], v) + rank
        plsc.addupdate_scatter(cur_v, [v], ones)
        slot_v[pl.ds(k * L, L)] = slotv
        sall_v[pl.ds(k * L, L)] = slotv
        tall_v[pl.ds(k * L, L)] = t0 + k * L + lane
        call_v[pl.ds(k * L, L)] = yv & (S - 1)
        return 0

    lax.fori_loop(0, TPW // L, slot_step, 0)

    for q in range(8):
        o = q * L
        sidx0_v[pl.ds(o, L)] = sall_v[pl.ds(o, L)]
        tok0_v[pl.ds(o, L)] = tall_v[pl.ds(o, L)]
        tc0_v[pl.ds(o, L)] = call_v[pl.ds(o, L)]
        sidx1_v[pl.ds(o, L)] = sall_v[pl.ds(128 + o, L)]
        tok1_v[pl.ds(o, L)] = tall_v[pl.ds(128 + o, L)]
        tc1_v[pl.ds(o, L)] = call_v[pl.ds(128 + o, L)]

    pltpu.sync_copy(slot_v, slot_hbm.at[pl.ds(t0, TPW)])
    d0 = pltpu.async_copy(tok0_v, perm_hbm.at[sidx0_v], sem)
    d1 = pltpu.async_copy(tok1_v, perm_hbm.at[sidx1_v], sem)
    d2 = pltpu.async_copy(tc0_v, tcol_hbm.at[sidx0_v], sem)
    d3 = pltpu.async_copy(tc1_v, tcol_hbm.at[sidx1_v], sem)
    d0.wait()
    d1.wait()
    d2.wait()
    d3.wait()

    @pl.when(w == 0)
    def _():
        for r in range(NBLK // L):
            bi = lane + r * L
            cnt = jnp.zeros((L,), jnp.int32)
            for b in range(C):
                st = _vperm(blkstart, jnp.zeros((L,), jnp.int32) + b)
                cnt = cnt + jnp.where(st <= bi, 1, 0)
            bc_v[pl.ds(r * L, L)] = jnp.minimum(cnt - 1, C - 1)
        pltpu.sync_copy(bc_v, bc_hbm)


def _route(y_pos, y):
    mesh = plsc.VectorSubcoreMesh(
        core_axis_name="c", subcore_axis_name="s", num_cores=1)
    f = pl.kernel(
        _route_body,
        compiler_params=pltpu.CompilerParams(needs_layout_passes=False),
        out_type=(
            jax.ShapeDtypeStruct((N,), jnp.int32),
            jax.ShapeDtypeStruct((NPAD,), jnp.int32),
            jax.ShapeDtypeStruct((NPAD,), jnp.int32),
            jax.ShapeDtypeStruct((NBLK,), jnp.int32),
        ),
        mesh=mesh,
        scratch_types=[
            pltpu.VMEM((TPW,), jnp.int32),
            pltpu.VMEM((TPW,), jnp.int32),
            pltpu.VMEM((L,), jnp.int32),
            pltpu.VMEM((L,), jnp.int32),
            pltpu.VMEM((NSUB, L), jnp.int32),
            pltpu.VMEM((TPW,), jnp.int32),
            pltpu.VMEM((TPW,), jnp.int32),
            pltpu.VMEM((TPW,), jnp.int32),
            pltpu.VMEM((TPW,), jnp.int32),
            pltpu.VMEM((128,), jnp.int32),
            pltpu.VMEM((128,), jnp.int32),
            pltpu.VMEM((128,), jnp.int32),
            pltpu.VMEM((128,), jnp.int32),
            pltpu.VMEM((128,), jnp.int32),
            pltpu.VMEM((128,), jnp.int32),
            pltpu.VMEM((NBLK,), jnp.int32),
            pltpu.VMEM_SHARED((NSUB + SPAD, L), jnp.int32),
            pltpu.SemaphoreType.DMA,
        ],
    )
    return f(y_pos, y)


def _gather_body(x_hbm, perm_hbm, xs_hbm, idx_v, r0, r1, r2, s0):
    wid = lax.axis_index("s") * 2 + lax.axis_index("c")
    base = wid * RPW
    for j in range(NCH):
        pltpu.sync_copy(perm_hbm.at[pl.ds(base + j * GCH, GCH)], idx_v.at[j])
    for q in range(RPW // L):
        r, o = q // (GCH // L), (q % (GCH // L)) * L
        iv = idx_v[r, pl.ds(o, L)]
        idx_v[r, pl.ds(o, L)] = jnp.minimum(jnp.maximum(iv, 0), N - 1)
    rows = (r0, r1, r2)
    for ph in range(0, NCH, NBUF):
        k = min(NBUF, NCH - ph)
        pend = []
        for j in range(k):
            pend.append(pltpu.async_copy(
                x_hbm.at[idx_v.at[ph + j]], rows[j], s0))
        for j in range(k):
            pend[j].wait()
        for j in range(k):
            pltpu.sync_copy(
                rows[j], xs_hbm.at[pl.ds(base + (ph + j) * GCH, GCH)])


def _gather_rows(x, perm):
    mesh = plsc.VectorSubcoreMesh(core_axis_name="c", subcore_axis_name="s")
    f = pl.kernel(
        _gather_body,
        out_type=jax.ShapeDtypeStruct((NPAD, HW), jnp.int32),
        mesh=mesh,
        scratch_types=[pltpu.VMEM((NCH, GCH), jnp.int32)]
        + [pltpu.VMEM((GCH, HW), jnp.int32)] * NBUF
        + [pltpu.SemaphoreType.DMA],
    )
    return f(x, perm)


def _mm_body(bc_ref, xs_ref, w_ref, wc_ref, tcol_ref, out_ref,
             wb_ref, wcb_ref):
    i = pl.program_id(0)
    c = bc_ref[i]
    prev = bc_ref[jnp.maximum(i - 1, 0)]

    @pl.when(i == 0)
    def _():
        wcb_ref[...] = wc_ref[...].astype(jnp.bfloat16)

    @pl.when((i == 0) | (c != prev))
    def _():
        wb_ref[...] = w_ref[...].astype(jnp.bfloat16)

    ub = pltpu.bitcast(xs_ref[...], jnp.uint32)
    lo = pltpu.bitcast(ub << 16, jnp.float32)
    hi = pltpu.bitcast(ub & jnp.uint32(0xFFFF0000), jnp.float32)
    xb = jnp.concatenate([lo, hi], axis=1).astype(jnp.bfloat16)
    t = jnp.dot(xb, wb_ref[...],
                preferred_element_type=jnp.float32)
    lse = jnp.log(jnp.sum(jnp.exp(t), axis=1, keepdims=True))
    tcol = tcol_ref[0]
    tgt = jnp.sum(jnp.where(
        lax.broadcasted_iota(jnp.int32, (B, S), 1) == tcol, t, 0.0),
        axis=1, keepdims=True)

    cl = lax.dot_general(xb, wcb_ref[...], (((1,), (1,)), ((), ())),
                         preferred_element_type=jnp.float32)
    lse_c = jnp.log(jnp.sum(jnp.exp(cl), axis=1, keepdims=True))
    sel = jnp.sum(jnp.where(
        lax.broadcasted_iota(jnp.int32, (B, C), 1) == c, cl, 0.0),
        axis=1, keepdims=True)

    out_ref[0] = (lse_c - sel) + (lse - tgt)


def _tail_nll(bc, xs, logits, W_cluster, tcol):
    grid_spec = pltpu.PrefetchScalarGridSpec(
        num_scalar_prefetch=1,
        grid=(NBLK,),
        in_specs=[
            pl.BlockSpec((B, HW), lambda i, bc: (i, 0)),
            pl.BlockSpec((HIDDEN, S), lambda i, bc: (0, bc[i])),
            pl.BlockSpec((C, HIDDEN), lambda i, bc: (0, 0)),
            pl.BlockSpec((1, B, 1), lambda i, bc: (i, 0, 0)),
        ],
        out_specs=pl.BlockSpec((1, B, 1), lambda i, bc: (i, 0, 0)),
        scratch_shapes=[
            pltpu.VMEM((HIDDEN, S), jnp.bfloat16),
            pltpu.VMEM((C, HIDDEN), jnp.bfloat16),
        ],
    )
    return pl.pallas_call(
        _mm_body,
        grid_spec=grid_spec,
        out_shape=jax.ShapeDtypeStruct((NBLK, B, 1), jnp.float32),
    )(bc, xs, logits, W_cluster, tcol.reshape(NBLK, B, 1))


def _final_body(slot_hbm, nlls_hbm, out_hbm, sidx_v, vals_v, sem):
    wid = lax.axis_index("s") * 2 + lax.axis_index("c")
    base = wid * (N // GW)
    pltpu.sync_copy(slot_hbm.at[pl.ds(base, N // GW)], sidx_v)
    for q in range((N // GW) // L):
        iv = sidx_v[pl.ds(q * L, L)]
        sidx_v[pl.ds(q * L, L)] = jnp.minimum(jnp.maximum(iv, 0), NPAD - 1)
    pltpu.async_copy(nlls_hbm.at[sidx_v], vals_v, sem).wait()
    pltpu.sync_copy(vals_v, out_hbm.at[pl.ds(base, N // GW)])


def _finalize(slot, nlls):
    mesh = plsc.VectorSubcoreMesh(core_axis_name="c", subcore_axis_name="s")
    f = pl.kernel(
        _final_body,
        out_type=jax.ShapeDtypeStruct((N,), jnp.float32),
        mesh=mesh,
        scratch_types=[
            pltpu.VMEM((N // GW,), jnp.int32),
            pltpu.VMEM((N // GW,), jnp.float32),
            pltpu.SemaphoreType.DMA,
        ],
    )
    return f(slot, nlls)


def kernel(x, y, y_pos, W_cluster, logits):
    x2 = _pack_x(x)
    slot, perm, tcol, bc = _route(y_pos, y)
    xs2 = _gather_rows(x2, perm)
    nlls = _tail_nll(bc, xs2, logits, W_cluster, tcol)
    return _finalize(slot, nlls.reshape(NPAD))

# --- scband reference (transcript-rebuilt; emitter-appended) ---
"""Pipeline reference for scband-pos-guided-softmax-4028679324209 (READ-ONLY COPY).

The authoritative reference and input builder live on the scoring server;
editing this copy changes nothing except your own understanding.
"""

import jax, jax.numpy as jnp
import numpy as np

VOCAB = 16384
HIDDEN = 1024
N_CLUSTERS = 16
CLUSTER_SIZE = VOCAB // N_CLUSTERS
N_TOKENS = 4096


def setup_inputs(seed: int = 0) -> dict:
    key = jax.random.key(seed)
    k1, k2, k3, k4, k5 = jax.random.split(key, 5)
    x = jax.random.normal(k1, (N_TOKENS, HIDDEN), dtype=jnp.float32)
    y = jax.random.randint(k2, (N_TOKENS,), 0, VOCAB, dtype=jnp.int32)
    y_pos = jax.random.randint(k3, (N_TOKENS,), 0, N_CLUSTERS, dtype=jnp.int32)
    # learned params: router weight (nn.Linear(hidden, n_clusters, bias=False)) and output logits matrix
    W_cluster = jax.random.normal(k4, (N_CLUSTERS, HIDDEN), dtype=jnp.float32) * 0.02
    logits = jax.random.normal(k5, (HIDDEN, VOCAB), dtype=jnp.float32) * 0.02
    return {"x": x, "y": y, "y_pos": y_pos, "W_cluster": W_cluster, "logits": logits}


def reference(x, y, y_pos, W_cluster, logits):
    # Faithful translation of POS_Guided_Softmax.forward with contiguous equal-size
    # POS clusters: pos2token[i] = [i*S, (i+1)*S), token_in_pos_id[i][t] = t % S.
    n = x.shape[0]
    n_clusters = W_cluster.shape[0]
    vocab = logits.shape[1]
    s = vocab // n_clusters
    # router / cluster log-likelihood
    cl = x @ W_cluster.T                      # [N, C]
    cluster_ll = jax.nn.log_softmax(cl, axis=1)
    # tail logits for every cluster slice; log_softmax within each cluster's token set.
    # Equivalent to the per-cluster loop: tail_logit = x[idx] @ logits[:, pos2token[i]]
    all_tail = (x @ logits).reshape(n, n_clusters, s)   # [N, C, S]
    tail_lp = jax.nn.log_softmax(all_tail, axis=2)
    rows = jnp.arange(n)
    target_in_pos = y % s                      # token_in_pos_id[y_pos][y]
    # gather the row's own cluster (selected by y_pos) and in-cluster target log-prob
    nll = -cluster_ll[rows, y_pos] - tail_lp[rows, y_pos, target_in_pos]
    return nll

if __name__ == "__main__":
    import jax
    _d = setup_inputs()
    print(jax.jit(kernel)(*tuple(_d.values())))

</pallas_src>

<mosaic_0001>
#map = affine_map<(d0, d1) -> (0, 0)>
#map1 = affine_map<(d0, d1) -> (0)>
module attributes {stable_mosaic.version = 14 : i64} {
  func.func @_gather_body(%arg0: i32, %arg1: i32, %arg2: memref<4096x512xi32, #tpu.memory_space<hbm>>, %arg3: memref<5120xi32, #tpu.memory_space<hbm>>, %arg4: memref<5120x512xi32, #tpu.memory_space<hbm>>, %arg5: memref<5x32xi32, #tpu.memory_space<vmem>>, %arg6: memref<32x512xi32, #tpu.memory_space<vmem>>, %arg7: memref<32x512xi32, #tpu.memory_space<vmem>>, %arg8: memref<32x512xi32, #tpu.memory_space<vmem>>, %arg9: memref<!tpu.dma_semaphore, #tpu.memory_space<semaphore_mem>>) attributes {dimension_semantics = [#tpu.dimension_semantics<core_parallel>, #tpu.dimension_semantics<subcore_parallel>], iteration_bounds = array<i64: 2, 16>, scalar_prefetch = 0 : i64, scratch_operands = 5 : i64, tpu.core_type = #tpu.core_type<sc_vector_subcore>, window_params = [{transform_indices = #map}, {transform_indices = #map1}, {transform_indices = #map}]} {
    %mul3A = arith.constant 2 : i32
    %mul3A_0 = arith.muli %arg1, %mul3A : i32
    %add3A = arith.addi %mul3A_0, %arg0 : i32
    %mul3A_1 = arith.constant 160 : i32
    %mul3A_2 = arith.muli %add3A, %mul3A_1 : i32
    %add3A_3 = arith.constant 0 : i32
    %add3A_4 = arith.addi %mul3A_2, %add3A_3 : i32
    %run_scoped3A = arith.constant 0 : i32
    "tpu.region"() ({
      %run_scoped3A_261 = tpu.sem_alloc : memref<!tpu.dma_semaphore, #tpu.memory_space<semaphore_mem>>
      %dma_start3A_262 = arith.constant 0 : i32
      %dma_start3A_263 = tpu.memref_slice %arg5[%run_scoped3A, %dma_start3A_262] : memref<5x32xi32, #tpu.memory_space<vmem>> -> memref<1x32xi32, #tpu.memory_space<vmem>>
      %dma_start3A_264 = tpu.memref_squeeze %dma_start3A_263 : memref<1x32xi32, #tpu.memory_space<vmem>> -> memref<32xi32, #tpu.memory_space<vmem>>
      %dma_start3A_265 = tpu.memref_slice %arg3[%add3A_4] : memref<5120xi32, #tpu.memory_space<hbm>> -> memref<32xi32, #tpu.memory_space<hbm>>
      %dma_start3A_266 = arith.constant 0 : i32
      %dma_start3A_267 = tpu.memref_slice %arg5[%run_scoped3A, %dma_start3A_266] : memref<5x32xi32, #tpu.memory_space<vmem>> -> memref<1x32xi32, #tpu.memory_space<vmem>>
      %dma_start3A_268 = tpu.memref_squeeze %dma_start3A_267 : memref<1x32xi32, #tpu.memory_space<vmem>> -> memref<32xi32, #tpu.memory_space<vmem>>
      %dma_start3A_269 = tpu.memref_slice %arg3[%add3A_4] : memref<5120xi32, #tpu.memory_space<hbm>> -> memref<32xi32, #tpu.memory_space<hbm>>
      tpu.enqueue_dma source(%dma_start3A_269 : memref<32xi32, #tpu.memory_space<hbm>>) target(%dma_start3A_268 : memref<32xi32, #tpu.memory_space<vmem>>) target_semaphore(%run_scoped3A_261 : memref<!tpu.dma_semaphore, #tpu.memory_space<semaphore_mem>>)
      %dma_wait3A_270 = arith.constant 0 : i32
      %dma_wait3A_271 = tpu.memref_slice %arg5[%run_scoped3A, %dma_wait3A_270] : memref<5x32xi32, #tpu.memory_space<vmem>> -> memref<1x32xi32, #tpu.memory_space<vmem>>
      %dma_wait3A_272 = tpu.memref_squeeze %dma_wait3A_271 : memref<1x32xi32, #tpu.memory_space<vmem>> -> memref<32xi32, #tpu.memory_space<vmem>>
      %dma_wait3A_273 = tpu.memref_slice %arg3[%add3A_4] : memref<5120xi32, #tpu.memory_space<hbm>> -> memref<32xi32, #tpu.memory_space<hbm>>
      %dma_wait3A_274 = arith.constant 0 : i32
      %dma_wait3A_275 = tpu.memref_slice %arg5[%run_scoped3A, %dma_wait3A_274] : memref<5x32xi32, #tpu.memory_space<vmem>> -> memref<1x32xi32, #tpu.memory_space<vmem>>
      %dma_wait3A_276 = tpu.memref_squeeze %dma_wait3A_275 : memref<1x32xi32, #tpu.memory_space<vmem>> -> memref<32xi32, #tpu.memory_space<vmem>>
      %dma_wait3A_277 = tpu.memref_slice %arg3[%add3A_4] : memref<5120xi32, #tpu.memory_space<hbm>> -> memref<32xi32, #tpu.memory_space<hbm>>
      tpu.wait_dma2 semaphore(%run_scoped3A_261 : memref<!tpu.dma_semaphore, #tpu.memory_space<semaphore_mem>>) src(%dma_wait3A_277 : memref<32xi32, #tpu.memory_space<hbm>>) dst(%dma_wait3A_276 : memref<32xi32, #tpu.memory_space<vmem>>)
      tpu.yield
    }) : () -> ()
    %add3A_5 = arith.constant 32 : i32
    %add3A_6 = arith.addi %mul3A_2, %add3A_5 : i32
    %run_scoped3A_7 = arith.constant 1 : i32
    "tpu.region"() ({
      %run_scoped3A_261 = tpu.sem_alloc : memref<!tpu.dma_semaphore, #tpu.memory_space<semaphore_mem>>
      %dma_start3A_262 = arith.constant 0 : i32
      %dma_start3A_263 = tpu.memref_slice %arg5[%run_scoped3A_7, %dma_start3A_262] : memref<5x32xi32, #tpu.memory_space<vmem>> -> memref<1x32xi32, #tpu.memory_space<vmem>>
      %dma_start3A_264 = tpu.memref_squeeze %dma_start3A_263 : memref<1x32xi32, #tpu.memory_space<vmem>> -> memref<32xi32, #tpu.memory_space<vmem>>
      %dma_start3A_265 = tpu.memref_slice %arg3[%add3A_6] : memref<5120xi32, #tpu.memory_space<hbm>> -> memref<32xi32, #tpu.memory_space<hbm>>
      %dma_start3A_266 = arith.constant 0 : i32
      %dma_start3A_267 = tpu.memref_slice %arg5[%run_scoped3A_7, %dma_start3A_266] : memref<5x32xi32, #tpu.memory_space<vmem>> -> memref<1x32xi32, #tpu.memory_space<vmem>>
      %dma_start3A_268 = tpu.memref_squeeze %dma_start3A_267 : memref<1x32xi32, #tpu.memory_space<vmem>> -> memref<32xi32, #tpu.memory_space<vmem>>
      %dma_start3A_269 = tpu.memref_slice %arg3[%add3A_6] : memref<5120xi32, #tpu.memory_space<hbm>> -> memref<32xi32, #tpu.memory_space<hbm>>
      tpu.enqueue_dma source(%dma_start3A_269 : memref<32xi32, #tpu.memory_space<hbm>>) target(%dma_start3A_268 : memref<32xi32, #tpu.memory_space<vmem>>) target_semaphore(%run_scoped3A_261 : memref<!tpu.dma_semaphore, #tpu.memory_space<semaphore_mem>>)
      %dma_wait3A_270 = arith.constant 0 : i32
      %dma_wait3A_271 = tpu.memref_slice %arg5[%run_scoped3A_7, %dma_wait3A_270] : memref<5x32xi32, #tpu.memory_space<vmem>> -> memref<1x32xi32, #tpu.memory_space<vmem>>
      %dma_wait3A_272 = tpu.memref_squeeze %dma_wait3A_271 : memref<1x32xi32, #tpu.memory_space<vmem>> -> memref<32xi32, #tpu.memory_space<vmem>>
      %dma_wait3A_273 = tpu.memref_slice %arg3[%add3A_6] : memref<5120xi32, #tpu.memory_space<hbm>> -> memref<32xi32, #tpu.memory_space<hbm>>
      %dma_wait3A_274 = arith.constant 0 : i32
      %dma_wait3A_275 = tpu.memref_slice %arg5[%run_scoped3A_7, %dma_wait3A_274] : memref<5x32xi32, #tpu.memory_space<vmem>> -> memref<1x32xi32, #tpu.memory_space<vmem>>
      %dma_wait3A_276 = tpu.memref_squeeze %dma_wait3A_275 : memref<1x32xi32, #tpu.memory_space<vmem>> -> memref<32xi32, #tpu.memory_space<vmem>>
      %dma_wait3A_277 = tpu.memref_slice %arg3[%add3A_6] : memref<5120xi32, #tpu.memory_space<hbm>> -> memref<32xi32, #tpu.memory_space<hbm>>
      tpu.wait_dma2 semaphore(%run_scoped3A_261 : memref<!tpu.dma_semaphore, #tpu.memory_space<semaphore_mem>>) src(%dma_wait3A_277 : memref<32xi32, #tpu.memory_space<hbm>>) dst(%dma_wait3A_276 : memref<32xi32, #tpu.memory_space<vmem>>)
      tpu.yield
    }) : () -> ()
    %add3A_8 = arith.constant 64 : i32
    %add3A_9 = arith.addi %mul3A_2, %add3A_8 : i32
    %run_scoped3A_10 = arith.constant 2 : i32
    "tpu.region"() ({
      %run_scoped3A_261 = tpu.sem_alloc : memref<!tpu.dma_semaphore, #tpu.memory_space<semaphore_mem>>
      %dma_start3A_262 = arith.constant 0 : i32
      %dma_start3A_263 = tpu.memref_slice %arg5[%run_scoped3A_10, %dma_start3A_262] : memref<5x32xi32, #tpu.memory_space<vmem>> -> memref<1x32xi32, #tpu.memory_space<vmem>>
      %dma_start3A_264 = tpu.memref_squeeze %dma_start3A_263 : memref<1x32xi32, #tpu.memory_space<vmem>> -> memref<32xi32, #tpu.memory_space<vmem>>
      %dma_start3A_265 = tpu.memref_slice %arg3[%add3A_9] : memref<5120xi32, #tpu.memory_space<hbm>> -> memref<32xi32, #tpu.memory_space<hbm>>
      %dma_start3A_266 = arith.constant 0 : i32
      %dma_start3A_267 = tpu.memref_slice %arg5[%run_scoped3A_10, %dma_start3A_266] : memref<5x32xi32, #tpu.memory_space<vmem>> -> memref<1x32xi32, #tpu.memory_space<vmem>>
      %dma_start3A_268 = tpu.memref_squeeze %dma_start3A_267 : memref<1x32xi32, #tpu.memory_space<vmem>> -> memref<32xi32, #tpu.memory_space<vmem>>
      %dma_start3A_269 = tpu.memref_slice %arg3[%add3A_9] : memref<5120xi32, #tpu.memory_space<hbm>> -> memref<32xi32, #tpu.memory_space<hbm>>
      tpu.enqueue_dma source(%dma_start3A_269 : memref<32xi32, #tpu.memory_space<hbm>>) target(%dma_start3A_268 : memref<32xi32, #tpu.memory_space<vmem>>) target_semaphore(%run_scoped3A_261 : memref<!tpu.dma_semaphore, #tpu.memory_space<semaphore_mem>>)
      %dma_wait3A_270 = arith.constant 0 : i32
      %dma_wait3A_271 = tpu.memref_slice %arg5[%run_scoped3A_10, %dma_wait3A_270] : memref<5x32xi32, #tpu.memory_space<vmem>> -> memref<1x32xi32, #tpu.memory_space<vmem>>
      %dma_wait3A_272 = tpu.memref_squeeze %dma_wait3A_271 : memref<1x32xi32, #tpu.memory_space<vmem>> -> memref<32xi32, #tpu.memory_space<vmem>>
      %dma_wait3A_273 = tpu.memref_slice %arg3[%add3A_9] : memref<5120xi32, #tpu.memory_space<hbm>> -> memref<32xi32, #tpu.memory_space<hbm>>
      %dma_wait3A_274 = arith.constant 0 : i32
      %dma_wait3A_275 = tpu.memref_slice %arg5[%run_scoped3A_10, %dma_wait3A_274] : memref<5x32xi32, #tpu.memory_space<vmem>> -> memref<1x32xi32, #tpu.memory_space<vmem>>
      %dma_wait3A_276 = tpu.memref_squeeze %dma_wait3A_275 : memref<1x32xi32, #tpu.memory_space<vmem>> -> memref<32xi32, #tpu.memory_space<vmem>>
      %dma_wait3A_277 = tpu.memref_slice %arg3[%add3A_9] : memref<5120xi32, #tpu.memory_space<hbm>> -> memref<32xi32, #tpu.memory_space<hbm>>
      tpu.wait_dma2 semaphore(%run_scoped3A_261 : memref<!tpu.dma_semaphore, #tpu.memory_space<semaphore_mem>>) src(%dma_wait3A_277 : memref<32xi32, #tpu.memory_space<hbm>>) dst(%dma_wait3A_276 : memref<32xi32, #tpu.memory_space<vmem>>)
      tpu.yield
    }) : () -> ()
    %add3A_11 = arith.constant 96 : i32
    %add3A_12 = arith.addi %mul3A_2, %add3A_11 : i32
    %run_scoped3A_13 = arith.constant 3 : i32
    "tpu.region"() ({
      %run_scoped3A_261 = tpu.sem_alloc : memref<!tpu.dma_semaphore, #tpu.memory_space<semaphore_mem>>
      %dma_start3A_262 = arith.constant 0 : i32
      %dma_start3A_263 = tpu.memref_slice %arg5[%run_scoped3A_13, %dma_start3A_262] : memref<5x32xi32, #tpu.memory_space<vmem>> -> memref<1x32xi32, #tpu.memory_space<vmem>>
      %dma_start3A_264 = tpu.memref_squeeze %dma_start3A_263 : memref<1x32xi32, #tpu.memory_space<vmem>> -> memref<32xi32, #tpu.memory_space<vmem>>
      %dma_start3A_265 = tpu.memref_slice %arg3[%add3A_12] : memref<5120xi32, #tpu.memory_space<hbm>> -> memref<32xi32, #tpu.memory_space<hbm>>
      %dma_start3A_266 = arith.constant 0 : i32
      %dma_start3A_267 = tpu.memref_slice %arg5[%run_scoped3A_13, %dma_start3A_266] : memref<5x32xi32, #tpu.memory_space<vmem>> -> memref<1x32xi32, #tpu.memory_space<vmem>>
      %dma_start3A_268 = tpu.memref_squeeze %dma_start3A_267 : memref<1x32xi32, #tpu.memory_space<vmem>> -> memref<32xi32, #tpu.memory_space<vmem>>
      %dma_start3A_269 = tpu.memref_slice %arg3[%add3A_12] : memref<5120xi32, #tpu.memory_space<hbm>> -> memref<32xi32, #tpu.memory_space<hbm>>
      tpu.enqueue_dma source(%dma_start3A_269 : memref<32xi32, #tpu.memory_space<hbm>>) target(%dma_start3A_268 : memref<32xi32, #tpu.memory_space<vmem>>) target_semaphore(%run_scoped3A_261 : memref<!tpu.dma_semaphore, #tpu.memory_space<semaphore_mem>>)
      %dma_wait3A_270 = arith.constant 0 : i32
      %dma_wait3A_271 = tpu.memref_slice %arg5[%run_scoped3A_13, %dma_wait3A_270] : memref<5x32xi32, #tpu.memory_space<vmem>> -> memref<1x32xi32, #tpu.memory_space<vmem>>
      %dma_wait3A_272 = tpu.memref_squeeze %dma_wait3A_271 : memref<1x32xi32, #tpu.memory_space<vmem>> -> memref<32xi32, #tpu.memory_space<vmem>>
      %dma_wait3A_273 = tpu.memref_slice %arg3[%add3A_12] : memref<5120xi32, #tpu.memory_space<hbm>> -> memref<32xi32, #tpu.memory_space<hbm>>
      %dma_wait3A_274 = arith.constant 0 : i32
      %dma_wait3A_275 = tpu.memref_slice %arg5[%run_scoped3A_13, %dma_wait3A_274] : memref<5x32xi32, #tpu.memory_space<vmem>> -> memref<1x32xi32, #tpu.memory_space<vmem>>
      %dma_wait3A_276 = tpu.memref_squeeze %dma_wait3A_275 : memref<1x32xi32, #tpu.memory_space<vmem>> -> memref<32xi32, #tpu.memory_space<vmem>>
      %dma_wait3A_277 = tpu.memref_slice %arg3[%add3A_12] : memref<5120xi32, #tpu.memory_space<hbm>> -> memref<32xi32, #tpu.memory_space<hbm>>
      tpu.wait_dma2 semaphore(%run_scoped3A_261 : memref<!tpu.dma_semaphore, #tpu.memory_space<semaphore_mem>>) src(%dma_wait3A_277 : memref<32xi32, #tpu.memory_space<hbm>>) dst(%dma_wait3A_276 : memref<32xi32, #tpu.memory_space<vmem>>)
      tpu.yield
    }) : () -> ()
    %add3A_14 = arith.constant 128 : i32
    %add3A_15 = arith.addi %mul3A_2, %add3A_14 : i32
    %run_scoped3A_16 = arith.constant 4 : i32
    "tpu.region"() ({
      %run_scoped3A_261 = tpu.sem_alloc : memref<!tpu.dma_semaphore, #tpu.memory_space<semaphore_mem>>
      %dma_start3A_262 = arith.constant 0 : i32
      %dma_start3A_263 = tpu.memref_slice %arg5[%run_scoped3A_16, %dma_start3A_262] : memref<5x32xi32, #tpu.memory_space<vmem>> -> memref<1x32xi32, #tpu.memory_space<vmem>>
      %dma_start3A_264 = tpu.memref_squeeze %dma_start3A_263 : memref<1x32xi32, #tpu.memory_space<vmem>> -> memref<32xi32, #tpu.memory_space<vmem>>
      %dma_start3A_265 = tpu.memref_slice %arg3[%add3A_15] : memref<5120xi32, #tpu.memory_space<hbm>> -> memref<32xi32, #tpu.memory_space<hbm>>
      %dma_start3A_266 = arith.constant 0 : i32
      %dma_start3A_267 = tpu.memref_slice %arg5[%run_scoped3A_16, %dma_start3A_266] : memref<5x32xi32, #tpu.memory_space<vmem>> -> memref<1x32xi32, #tpu.memory_space<vmem>>
      %dma_start3A_268 = tpu.memref_squeeze %dma_start3A_267 : memref<1x32xi32, #tpu.memory_space<vmem>> -> memref<32xi32, #tpu.memory_space<vmem>>
      %dma_start3A_269 = tpu.memref_slice %arg3[%add3A_15] : memref<5120xi32, #tpu.memory_space<hbm>> -> memref<32xi32, #tpu.memory_space<hbm>>
      tpu.enqueue_dma source(%dma_start3A_269 : memref<32xi32, #tpu.memory_space<hbm>>) target(%dma_start3A_268 : memref<32xi32, #tpu.memory_space<vmem>>) target_semaphore(%run_scoped3A_261 : memref<!tpu.dma_semaphore, #tpu.memory_space<semaphore_mem>>)
      %dma_wait3A_270 = arith.constant 0 : i32
      %dma_wait3A_271 = tpu.memref_slice %arg5[%run_scoped3A_16, %dma_wait3A_270] : memref<5x32xi32, #tpu.memory_space<vmem>> -> memref<1x32xi32, #tpu.memory_space<vmem>>
      %dma_wait3A_272 = tpu.memref_squeeze %dma_wait3A_271 : memref<1x32xi32, #tpu.memory_space<vmem>> -> memref<32xi32, #tpu.memory_space<vmem>>
      %dma_wait3A_273 = tpu.memref_slice %arg3[%add3A_15] : memref<5120xi32, #tpu.memory_space<hbm>> -> memref<32xi32, #tpu.memory_space<hbm>>
      %dma_wait3A_274 = arith.constant 0 : i32
      %dma_wait3A_275 = tpu.memref_slice %arg5[%run_scoped3A_16, %dma_wait3A_274] : memref<5x32xi32, #tpu.memory_space<vmem>> -> memref<1x32xi32, #tpu.memory_space<vmem>>
      %dma_wait3A_276 = tpu.memref_squeeze %dma_wait3A_275 : memref<1x32xi32, #tpu.memory_space<vmem>> -> memref<32xi32, #tpu.memory_space<vmem>>
      %dma_wait3A_277 = tpu.memref_slice %arg3[%add3A_15] : memref<5120xi32, #tpu.memory_space<hbm>> -> memref<32xi32, #tpu.memory_space<hbm>>
      tpu.wait_dma2 semaphore(%run_scoped3A_261 : memref<!tpu.dma_semaphore, #tpu.memory_space<semaphore_mem>>) src(%dma_wait3A_277 : memref<32xi32, #tpu.memory_space<hbm>>) dst(%dma_wait3A_276 : memref<32xi32, #tpu.memory_space<vmem>>)
      tpu.yield
    }) : () -> ()
    %get3A = arith.constant 0 : i32
    %get3A_17 = arith.index_cast %get3A : i32 to index
    %get3A_18 = arith.constant 0 : index
    %get3A_19 = tpu.vector_load %arg5[%get3A_17, %get3A_18] {strides = array<i32>} : memref<5x32xi32, #tpu.memory_space<vmem>>, vector<1x16xi32>,
    %get3A_20 = vector.shape_cast %get3A_19 : vector<1x16xi32> to vector<16xi32>
    %max3A = arith.constant 0 : i32
    %max3A_21 = vector.broadcast %max3A : i32 to vector<16xi32>
    %max3A_22 = arith.maxsi %get3A_20, %max3A_21 : vector<16xi32>
    %min3A = arith.constant 4095 : i32
    %min3A_23 = vector.broadcast %min3A : i32 to vector<16xi32>
    %min3A_24 = arith.minsi %max3A_22, %min3A_23 : vector<16xi32>
    %swap3A = arith.constant 0 : i32
    %swap3A_25 = arith.index_cast %swap3A : i32 to index
    %swap3A_26 = arith.constant 0 : index
    %swap3A_27 = tpu.vector_load %arg5[%swap3A_25, %swap3A_26] {strides = array<i32>} : memref<5x32xi32, #tpu.memory_space<vmem>>, vector<1x16xi32>,
    %swap3A_28 = vector.shape_cast %swap3A_27 : vector<1x16xi32> to vector<16xi32>
    %swap3A_29 = vector.shape_cast %min3A_24 : vector<16xi32> to vector<1x16xi32>
    tpu.vector_store %arg5[%swap3A_25, %swap3A_26], %swap3A_29 {strides = array<i32>} : memref<5x32xi32, #tpu.memory_space<vmem>>, vector<1x16xi32>,
    %get3A_30 = arith.constant 0 : i32
    %get3A_31 = arith.index_cast %get3A_30 : i32 to index
    %get3A_32 = arith.constant 16 : index
    %get3A_33 = tpu.vector_load %arg5[%get3A_31, %get3A_32] {strides = array<i32>} : memref<5x32xi32, #tpu.memory_space<vmem>>, vector<1x16xi32>,
    %get3A_34 = vector.shape_cast %get3A_33 : vector<1x16xi32> to vector<16xi32>
    %max3A_35 = arith.constant 0 : i32
    %max3A_36 = vector.broadcast %max3A_35 : i32 to vector<16xi32>
    %max3A_37 = arith.maxsi %get3A_34, %max3A_36 : vector<16xi32>
    %min3A_38 = arith.constant 4095 : i32
    %min3A_39 = vector.broadcast %min3A_38 : i32 to vector<16xi32>
    %min3A_40 = arith.minsi %max3A_37, %min3A_39 : vector<16xi32>
    %swap3A_41 = arith.constant 0 : i32
    %swap3A_42 = arith.index_cast %swap3A_41 : i32 to index
    %swap3A_43 = arith.constant 16 : index
    %swap3A_44 = tpu.vector_load %arg5[%swap3A_42, %swap3A_43] {strides = array<i32>} : memref<5x32xi32, #tpu.memory_space<vmem>>, vector<1x16xi32>,
    %swap3A_45 = vector.shape_cast %swap3A_44 : vector<1x16xi32> to vector<16xi32>
    %swap3A_46 = vector.shape_cast %min3A_40 : vector<16xi32> to vector<1x16xi32>
    tpu.vector_store %arg5[%swap3A_42, %swap3A_43], %swap3A_46 {strides = array<i32>} : memref<5x32xi32, #tpu.memory_space<vmem>>, vector<1x16xi32>,
    %get3A_47 = arith.constant 1 : i32
    %get3A_48 = arith.index_cast %get3A_47 : i32 to index
    %get3A_49 = arith.constant 0 : index
    %get3A_50 = tpu.vector_load %arg5[%get3A_48, %get3A_49] {strides = array<i32>} : memref<5x32xi32, #tpu.memory_space<vmem>>, vector<1x16xi32>,
    %get3A_51 = vector.shape_cast %get3A_50 : vector<1x16xi32> to vector<16xi32>
    %max3A_52 = arith.constant 0 : i32
    %max3A_53 = vector.broadcast %max3A_52 : i32 to vector<16xi32>
    %max3A_54 = arith.maxsi %get3A_51, %max3A_53 : vector<16xi32>
    %min3A_55 = arith.constant 4095 : i32
    %min3A_56 = vector.broadcast %min3A_55 : i32 to vector<16xi32>
    %min3A_57 = arith.minsi %max3A_54, %min3A_56 : vector<16xi32>
    %swap3A_58 = arith.constant 1 : i32
    %swap3A_59 = arith.index_cast %swap3A_58 : i32 to index
    %swap3A_60 = arith.constant 0 : index
    %swap3A_61 = tpu.vector_load %arg5[%swap3A_59, %swap3A_60] {strides = array<i32>} : memref<5x32xi32, #tpu.memory_space<vmem>>, vector<1x16xi32>,
    %swap3A_62 = vector.shape_cast %swap3A_61 : vector<1x16xi32> to vector<16xi32>
    %swap3A_63 = vector.shape_cast %min3A_57 : vector<16xi32> to vector<1x16xi32>
    tpu.vector_store %arg5[%swap3A_59, %swap3A_60], %swap3A_63 {strides = array<i32>} : memref<5x32xi32, #tpu.memory_space<vmem>>, vector<1x16xi32>,
    %get3A_64 = arith.constant 1 : i32
    %get3A_65 = arith.index_cast %get3A_64 : i32 to index
    %get3A_66 = arith.constant 16 : index
    %get3A_67 = tpu.vector_load %arg5[%get3A_65, %get3A_66] {strides = array<i32>} : memref<5x32xi32, #tpu.memory_space<vmem>>, vector<1x16xi32>,
    %get3A_68 = vector.shape_cast %get3A_67 : vector<1x16xi32> to vector<16xi32>
    %max3A_69 = arith.constant 0 : i32
    %max3A_70 = vector.broadcast %max3A_69 : i32 to vector<16xi32>
    %max3A_71 = arith.maxsi %get3A_68, %max3A_70 : vector<16xi32>
    %min3A_72 = arith.constant 4095 : i32
    %min3A_73 = vector.broadcast %min3A_72 : i32 to vector<16xi32>
    %min3A_74 = arith.minsi %max3A_71, %min3A_73 : vector<16xi32>
    %swap3A_75 = arith.constant 1 : i32
    %swap3A_76 = arith.index_cast %swap3A_75 : i32 to index
    %swap3A_77 = arith.constant 16 : index
    %swap3A_78 = tpu.vector_load %arg5[%swap3A_76, %swap3A_77] {strides = array<i32>} : memref<5x32xi32, #tpu.memory_space<vmem>>, vector<1x16xi32>,
    %swap3A_79 = vector.shape_cast %swap3A_78 : vector<1x16xi32> to vector<16xi32>
    %swap3A_80 = vector.shape_cast %min3A_74 : vector<16xi32> to vector<1x16xi32>
    tpu.vector_store %arg5[%swap3A_76, %swap3A_77], %swap3A_80 {strides = array<i32>} : memref<5x32xi32, #tpu.memory_space<vmem>>, vector<1x16xi32>,
    %get3A_81 = arith.constant 2 : i32
    %get3A_82 = arith.index_cast %get3A_81 : i32 to index
    %get3A_83 = arith.constant 0 : index
    %get3A_84 = tpu.vector_load %arg5[%get3A_82, %get3A_83] {strides = array<i32>} : memref<5x32xi32, #tpu.memory_space<vmem>>, vector<1x16xi32>,
    %get3A_85 = vector.shape_cast %get3A_84 : vector<1x16xi32> to vector<16xi32>
    %max3A_86 = arith.constant 0 : i32
    %max3A_87 = vector.broadcast %max3A_86 : i32 to vector<16xi32>
    %max3A_88 = arith.maxsi %get3A_85, %max3A_87 : vector<16xi32>
    %min3A_89 = arith.constant 4095 : i32
    %min3A_90 = vector.broadcast %min3A_89 : i32 to vector<16xi32>
    %min3A_91 = arith.minsi %max3A_88, %min3A_90 : vector<16xi32>
    %swap3A_92 = arith.constant 2 : i32
    %swap3A_93 = arith.index_cast %swap3A_92 : i32 to index
    %swap3A_94 = arith.constant 0 : index
    %swap3A_95 = tpu.vector_load %arg5[%swap3A_93, %swap3A_94] {strides = array<i32>} : memref<5x32xi32, #tpu.memory_space<vmem>>, vector<1x16xi32>,
    %swap3A_96 = vector.shape_cast %swap3A_95 : vector<1x16xi32> to vector<16xi32>
    %swap3A_97 = vector.shape_cast %min3A_91 : vector<16xi32> to vector<1x16xi32>
    tpu.vector_store %arg5[%swap3A_93, %swap3A_94], %swap3A_97 {strides = array<i32>} : memref<5x32xi32, #tpu.memory_space<vmem>>, vector<1x16xi32>,
    %get3A_98 = arith.constant 2 : i32
    %get3A_99 = arith.index_cast %get3A_98 : i32 to index
    %get3A_100 = arith.constant 16 : index
    %get3A_101 = tpu.vector_load %arg5[%get3A_99, %get3A_100] {strides = array<i32>} : memref<5x32xi32, #tpu.memory_space<vmem>>, vector<1x16xi32>,
    %get3A_102 = vector.shape_cast %get3A_101 : vector<1x16xi32> to vector<16xi32>
    %max3A_103 = arith.constant 0 : i32
    %max3A_104 = vector.broadcast %max3A_103 : i32 to vector<16xi32>
    %max3A_105 = arith.maxsi %get3A_102, %max3A_104 : vector<16xi32>
    %min3A_106 = arith.constant 4095 : i32
    %min3A_107 = vector.broadcast %min3A_106 : i32 to vector<16xi32>
    %min3A_108 = arith.minsi %max3A_105, %min3A_107 : vector<16xi32>
    %swap3A_109 = arith.constant 2 : i32
    %swap3A_110 = arith.index_cast %swap3A_109 : i32 to index
    %swap3A_111 = arith.constant 16 : index
    %swap3A_112 = tpu.vector_load %arg5[%swap3A_110, %swap3A_111] {strides = array<i32>} : memref<5x32xi32, #tpu.memory_space<vmem>>, vector<1x16xi32>,
    %swap3A_113 = vector.shape_cast %swap3A_112 : vector<1x16xi32> to vector<16xi32>
    %swap3A_114 = vector.shape_cast %min3A_108 : vector<16xi32> to vector<1x16xi32>
    tpu.vector_store %arg5[%swap3A_110, %swap3A_111], %swap3A_114 {strides = array<i32>} : memref<5x32xi32, #tpu.memory_space<vmem>>, vector<1x16xi32>,
    %get3A_115 = arith.constant 3 : i32
    %get3A_116 = arith.index_cast %get3A_115 : i32 to index
    %get3A_117 = arith.constant 0 : index
    %get3A_118 = tpu.vector_load %arg5[%get3A_116, %get3A_117] {strides = array<i32>} : memref<5x32xi32, #tpu.memory_space<vmem>>, vector<1x16xi32>,
    %get3A_119 = vector.shape_cast %get3A_118 : vector<1x16xi32> to vector<16xi32>
    %max3A_120 = arith.constant 0 : i32
    %max3A_121 = vector.broadcast %max3A_120 : i32 to vector<16xi32>
    %max3A_122 = arith.maxsi %get3A_119, %max3A_121 : vector<16xi32>
    %min3A_123 = arith.constant 4095 : i32
    %min3A_124 = vector.broadcast %min3A_123 : i32 to vector<16xi32>
    %min3A_125 = arith.minsi %max3A_122, %min3A_124 : vector<16xi32>
    %swap3A_126 = arith.constant 3 : i32
    %swap3A_127 = arith.index_cast %swap3A_126 : i32 to index
    %swap3A_128 = arith.constant 0 : index
    %swap3A_129 = tpu.vector_load %arg5[%swap3A_127, %swap3A_128] {strides = array<i32>} : memref<5x32xi32, #tpu.memory_space<vmem>>, vector<1x16xi32>,
    %swap3A_130 = vector.shape_cast %swap3A_129 : vector<1x16xi32> to vector<16xi32>
    %swap3A_131 = vector.shape_cast %min3A_125 : vector<16xi32> to vector<1x16xi32>
    tpu.vector_store %arg5[%swap3A_127, %swap3A_128], %swap3A_131 {strides = array<i32>} : memref<5x32xi32, #tpu.memory_space<vmem>>, vector<1x16xi32>,
    %get3A_132 = arith.constant 3 : i32
    %get3A_133 = arith.index_cast %get3A_132 : i32 to index
    %get3A_134 = arith.constant 16 : index
    %get3A_135 = tpu.vector_load %arg5[%get3A_133, %get3A_134] {strides = array<i32>} : memref<5x32xi32, #tpu.memory_space<vmem>>, vector<1x16xi32>,
    %get3A_136 = vector.shape_cast %get3A_135 : vector<1x16xi32> to vector<16xi32>
    %max3A_137 = arith.constant 0 : i32
    %max3A_138 = vector.broadcast %max3A_137 : i32 to vector<16xi32>
    %max3A_139 = arith.maxsi %get3A_136, %max3A_138 : vector<16xi32>
    %min3A_140 = arith.constant 4095 : i32
    %min3A_141 = vector.broadcast %min3A_140 : i32 to vector<16xi32>
    %min3A_142 = arith.minsi %max3A_139, %min3A_141 : vector<16xi32>
    %swap3A_143 = arith.constant 3 : i32
    %swap3A_144 = arith.index_cast %swap3A_143 : i32 to index
    %swap3A_145 = arith.constant 16 : index
    %swap3A_146 = tpu.vector_load %arg5[%swap3A_144, %swap3A_145] {strides = array<i32>} : memref<5x32xi32, #tpu.memory_space<vmem>>, vector<1x16xi32>,
    %swap3A_147 = vector.shape_cast %swap3A_146 : vector<1x16xi32> to vector<16xi32>
    %swap3A_148 = vector.shape_cast %min3A_142 : vector<16xi32> to vector<1x16xi32>
    tpu.vector_store %arg5[%swap3A_144, %swap3A_145], %swap3A_148 {strides = array<i32>} : memref<5x32xi32, #tpu.memory_space<vmem>>, vector<1x16xi32>,
    %get3A_149 = arith.constant 4 : i32
    %get3A_150 = arith.index_cast %get3A_149 : i32 to index
    %get3A_151 = arith.constant 0 : index
    %get3A_152 = tpu.vector_load %arg5[%get3A_150, %get3A_151] {strides = array<i32>} : memref<5x32xi32, #tpu.memory_space<vmem>>, vector<1x16xi32>,
    %get3A_153 = vector.shape_cast %get3A_152 : vector<1x16xi32> to vector<16xi32>
    %max3A_154 = arith.constant 0 : i32
    %max3A_155 = vector.broadcast %max3A_154 : i32 to vector<16xi32>
    %max3A_156 = arith.maxsi %get3A_153, %max3A_155 : vector<16xi32>
    %min3A_157 = arith.constant 4095 : i32
    %min3A_158 = vector.broadcast %min3A_157 : i32 to vector<16xi32>
    %min3A_159 = arith.minsi %max3A_156, %min3A_158 : vector<16xi32>
    %swap3A_160 = arith.constant 4 : i32
    %swap3A_161 = arith.index_cast %swap3A_160 : i32 to index
    %swap3A_162 = arith.constant 0 : index
    %swap3A_163 = tpu.vector_load %arg5[%swap3A_161, %swap3A_162] {strides = array<i32>} : memref<5x32xi32, #tpu.memory_space<vmem>>, vector<1x16xi32>,
    %swap3A_164 = vector.shape_cast %swap3A_163 : vector<1x16xi32> to vector<16xi32>
    %swap3A_165 = vector.shape_cast %min3A_159 : vector<16xi32> to vector<1x16xi32>
    tpu.vector_store %arg5[%swap3A_161, %swap3A_162], %swap3A_165 {strides = array<i32>} : memref<5x32xi32, #tpu.memory_space<vmem>>, vector<1x16xi32>,
    %get3A_166 = arith.constant 4 : i32
    %get3A_167 = arith.index_cast %get3A_166 : i32 to index
    %get3A_168 = arith.constant 16 : index
    %get3A_169 = tpu.vector_load %arg5[%get3A_167, %get3A_168] {strides = array<i32>} : memref<5x32xi32, #tpu.memory_space<vmem>>, vector<1x16xi32>,
    %get3A_170 = vector.shape_cast %get3A_169 : vector<1x16xi32> to vector<16xi32>
    %max3A_171 = arith.constant 0 : i32
    %max3A_172 = vector.broadcast %max3A_171 : i32 to vector<16xi32>
    %max3A_173 = arith.maxsi %get3A_170, %max3A_172 : vector<16xi32>
    %min3A_174 = arith.constant 4095 : i32
    %min3A_175 = vector.broadcast %min3A_174 : i32 to vector<16xi32>
    %min3A_176 = arith.minsi %max3A_173, %min3A_175 : vector<16xi32>
    %swap3A_177 = arith.constant 4 : i32
    %swap3A_178 = arith.index_cast %swap3A_177 : i32 to index
    %swap3A_179 = arith.constant 16 : index
    %swap3A_180 = tpu.vector_load %arg5[%swap3A_178, %swap3A_179] {strides = array<i32>} : memref<5x32xi32, #tpu.memory_space<vmem>>, vector<1x16xi32>,
    %swap3A_181 = vector.shape_cast %swap3A_180 : vector<1x16xi32> to vector<16xi32>
    %swap3A_182 = vector.shape_cast %min3A_176 : vector<16xi32> to vector<1x16xi32>
    tpu.vector_store %arg5[%swap3A_178, %swap3A_179], %swap3A_182 {strides = array<i32>} : memref<5x32xi32, #tpu.memory_space<vmem>>, vector<1x16xi32>,
    %dma_start3A = arith.constant 0 : i32
    %dma_start3A_183 = arith.constant 0 : i32
    %dma_start3A_184 = tpu.memref_slice %arg5[%dma_start3A, %dma_start3A_183] : memref<5x32xi32, #tpu.memory_space<vmem>> -> memref<1x32xi32, #tpu.memory_space<vmem>>
    %dma_start3A_185 = tpu.memref_squeeze %dma_start3A_184 : memref<1x32xi32, #tpu.memory_space<vmem>> -> memref<32xi32, #tpu.memory_space<vmem>>
    %dma_start3A_186 = arith.constant 0 : i32
    %dma_start3A_187 = arith.constant 0 : i32
    %dma_start3A_188 = tpu.memref_slice %arg2[%dma_start3A_186, %dma_start3A_187] : memref<4096x512xi32, #tpu.memory_space<hbm>> -> memref<4096x512xi32, #tpu.memory_space<hbm>>
    tpu.enqueue_indirect_dma source(%dma_start3A_188 : memref<4096x512xi32, #tpu.memory_space<hbm>>) target(%arg6 : memref<32x512xi32, #tpu.memory_space<vmem>>) offsets(%dma_start3A_185 : memref<32xi32, #tpu.memory_space<vmem>>) semaphore(%arg9 : memref<!tpu.dma_semaphore, #tpu.memory_space<semaphore_mem>>)
    %dma_start3A_189 = arith.constant 1 : i32
    %dma_start3A_190 = arith.constant 0 : i32
    %dma_start3A_191 = tpu.memref_slice %arg5[%dma_start3A_189, %dma_start3A_190] : memref<5x32xi32, #tpu.memory_space<vmem>> -> memref<1x32xi32, #tpu.memory_space<vmem>>
    %dma_start3A_192 = tpu.memref_squeeze %dma_start3A_191 : memref<1x32xi32, #tpu.memory_space<vmem>> -> memref<32xi32, #tpu.memory_space<vmem>>
    %dma_start3A_193 = arith.constant 0 : i32
    %dma_start3A_194 = arith.constant 0 : i32
    %dma_start3A_195 = tpu.memref_slice %arg2[%dma_start3A_193, %dma_start3A_194] : memref<4096x512xi32, #tpu.memory_space<hbm>> -> memref<4096x512xi32, #tpu.memory_space<hbm>>
    tpu.enqueue_indirect_dma source(%dma_start3A_195 : memref<4096x512xi32, #tpu.memory_space<hbm>>) target(%arg7 : memref<32x512xi32, #tpu.memory_space<vmem>>) offsets(%dma_start3A_192 : memref<32xi32, #tpu.memory_space<vmem>>) semaphore(%arg9 : memref<!tpu.dma_semaphore, #tpu.memory_space<semaphore_mem>>)
    %dma_start3A_196 = arith.constant 2 : i32
    %dma_start3A_197 = arith.constant 0 : i32
    %dma_start3A_198 = tpu.memref_slice %arg5[%dma_start3A_196, %dma_start3A_197] : memref<5x32xi32, #tpu.memory_space<vmem>> -> memref<1x32xi32, #tpu.memory_space<vmem>>
    %dma_start3A_199 = tpu.memref_squeeze %dma_start3A_198 : memref<1x32xi32, #tpu.memory_space<vmem>> -> memref<32xi32, #tpu.memory_space<vmem>>
    %dma_start3A_200 = arith.constant 0 : i32
    %dma_start3A_201 = arith.constant 0 : i32
    %dma_start3A_202 = tpu.memref_slice %arg2[%dma_start3A_200, %dma_start3A_201] : memref<4096x512xi32, #tpu.memory_space<hbm>> -> memref<4096x512xi32, #tpu.memory_space<hbm>>
    tpu.enqueue_indirect_dma source(%dma_start3A_202 : memref<4096x512xi32, #tpu.memory_space<hbm>>) target(%arg8 : memref<32x512xi32, #tpu.memory_space<vmem>>) offsets(%dma_start3A_199 : memref<32xi32, #tpu.memory_space<vmem>>) semaphore(%arg9 : memref<!tpu.dma_semaphore, #tpu.memory_space<semaphore_mem>>)
    %dma_wait3A = arith.constant 0 : i32
    %dma_wait3A_203 = arith.constant 0 : i32
    %dma_wait3A_204 = tpu.memref_slice %arg5[%dma_wait3A, %dma_wait3A_203] : memref<5x32xi32, #tpu.memory_space<vmem>> -> memref<1x32xi32, #tpu.memory_space<vmem>>
    %dma_wait3A_205 = tpu.memref_squeeze %dma_wait3A_204 : memref<1x32xi32, #tpu.memory_space<vmem>> -> memref<32xi32, #tpu.memory_space<vmem>>
    %dma_wait3A_206 = arith.constant 0 : i32
    %dma_wait3A_207 = arith.constant 0 : i32
    %dma_wait3A_208 = tpu.memref_slice %arg2[%dma_wait3A_206, %dma_wait3A_207] : memref<4096x512xi32, #tpu.memory_space<hbm>> -> memref<4096x512xi32, #tpu.memory_space<hbm>>
    tpu.wait_indirect_dma semaphore(%arg9 : memref<!tpu.dma_semaphore, #tpu.memory_space<semaphore_mem>>) src(%dma_wait3A_208 : memref<4096x512xi32, #tpu.memory_space<hbm>>) dst(%arg6 : memref<32x512xi32, #tpu.memory_space<vmem>>)
    %dma_wait3A_209 = arith.constant 1 : i32
    %dma_wait3A_210 = arith.constant 0 : i32
    %dma_wait3A_211 = tpu.memref_slice %arg5[%dma_wait3A_209, %dma_wait3A_210] : memref<5x32xi32, #tpu.memory_space<vmem>> -> memref<1x32xi32, #tpu.memory_space<vmem>>
    %dma_wait3A_212 = tpu.memref_squeeze %dma_wait3A_211 : memref<1x32xi32, #tpu.memory_space<vmem>> -> memref<32xi32, #tpu.memory_space<vmem>>
    %dma_wait3A_213 = arith.constant 0 : i32
    %dma_wait3A_214 = arith.constant 0 : i32
    %dma_wait3A_215 = tpu.memref_slice %arg2[%dma_wait3A_213, %dma_wait3A_214] : memref<4096x512xi32, #tpu.memory_space<hbm>> -> memref<4096x512xi32, #tpu.memory_space<hbm>>
    tpu.wait_indirect_dma semaphore(%arg9 : memref<!tpu.dma_semaphore, #tpu.memory_space<semaphore_mem>>) src(%dma_wait3A_215 : memref<4096x512xi32, #tpu.memory_space<hbm>>) dst(%arg7 : memref<32x512xi32, #tpu.memory_space<vmem>>)
    %dma_wait3A_216 = arith.constant 2 : i32
    %dma_wait3A_217 = arith.constant 0 : i32
    %dma_wait3A_218 = tpu.memref_slice %arg5[%dma_wait3A_216, %dma_wait3A_217] : memref<5x32xi32, #tpu.memory_space<vmem>> -> memref<1x32xi32, #tpu.memory_space<vmem>>
    %dma_wait3A_219 = tpu.memref_squeeze %dma_wait3A_218 : memref<1x32xi32, #tpu.memory_space<vmem>> -> memref<32xi32, #tpu.memory_space<vmem>>
    %dma_wait3A_220 = arith.constant 0 : i32
    %dma_wait3A_221 = arith.constant 0 : i32
    %dma_wait3A_222 = tpu.memref_slice %arg2[%dma_wait3A_220, %dma_wait3A_221] : memref<4096x512xi32, #tpu.memory_space<hbm>> -> memref<4096x512xi32, #tpu.memory_space<hbm>>
    tpu.wait_indirect_dma semaphore(%arg9 : memref<!tpu.dma_semaphore, #tpu.memory_space<semaphore_mem>>) src(%dma_wait3A_222 : memref<4096x512xi32, #tpu.memory_space<hbm>>) dst(%arg8 : memref<32x512xi32, #tpu.memory_space<vmem>>)
    %add3A_223 = arith.constant 0 : i32
    %add3A_224 = arith.addi %mul3A_2, %add3A_223 : i32
    "tpu.region"() ({
      %run_scoped3A_261 = tpu.sem_alloc : memref<!tpu.dma_semaphore, #tpu.memory_space<semaphore_mem>>
      %dma_start3A_262 = arith.constant 0 : i32
      %dma_start3A_263 = tpu.memref_slice %arg4[%add3A_224, %dma_start3A_262] : memref<5120x512xi32, #tpu.memory_space<hbm>> -> memref<32x512xi32, #tpu.memory_space<hbm>>
      %dma_start3A_264 = arith.constant 0 : i32
      %dma_start3A_265 = tpu.memref_slice %arg4[%add3A_224, %dma_start3A_264] : memref<5120x512xi32, #tpu.memory_space<hbm>> -> memref<32x512xi32, #tpu.memory_space<hbm>>
      tpu.enqueue_dma source(%arg6 : memref<32x512xi32, #tpu.memory_space<vmem>>) target(%dma_start3A_265 : memref<32x512xi32, #tpu.memory_space<hbm>>) target_semaphore(%run_scoped3A_261 : memref<!tpu.dma_semaphore, #tpu.memory_space<semaphore_mem>>)
      %dma_wait3A_266 = arith.constant 0 : i32
      %dma_wait3A_267 = tpu.memref_slice %arg4[%add3A_224, %dma_wait3A_266] : memref<5120x512xi32, #tpu.memory_space<hbm>> -> memref<32x512xi32, #tpu.memory_space<hbm>>
      %dma_wait3A_268 = arith.constant 0 : i32
      %dma_wait3A_269 = tpu.memref_slice %arg4[%add3A_224, %dma_wait3A_268] : memref<5120x512xi32, #tpu.memory_space<hbm>> -> memref<32x512xi32, #tpu.memory_space<hbm>>
      tpu.wait_dma2 semaphore(%run_scoped3A_261 : memref<!tpu.dma_semaphore, #tpu.memory_space<semaphore_mem>>) src(%arg6 : memref<32x512xi32, #tpu.memory_space<vmem>>) dst(%dma_wait3A_269 : memref<32x512xi32, #tpu.memory_space<hbm>>)
      tpu.yield
    }) : () -> ()
    %add3A_225 = arith.constant 32 : i32
    %add3A_226 = arith.addi %mul3A_2, %add3A_225 : i32
    "tpu.region"() ({
      %run_scoped3A_261 = tpu.sem_alloc : memref<!tpu.dma_semaphore, #tpu.memory_space<semaphore_mem>>
      %dma_start3A_262 = arith.constant 0 : i32
      %dma_start3A_263 = tpu.memref_slice %arg4[%add3A_226, %dma_start3A_262] : memref<5120x512xi32, #tpu.memory_space<hbm>> -> memref<32x512xi32, #tpu.memory_space<hbm>>
      %dma_start3A_264 = arith.constant 0 : i32
      %dma_start3A_265 = tpu.memref_slice %arg4[%add3A_226, %dma_start3A_264] : memref<5120x512xi32, #tpu.memory_space<hbm>> -> memref<32x512xi32, #tpu.memory_space<hbm>>
      tpu.enqueue_dma source(%arg7 : memref<32x512xi32, #tpu.memory_space<vmem>>) target(%dma_start3A_265 : memref<32x512xi32, #tpu.memory_space<hbm>>) target_semaphore(%run_scoped3A_261 : memref<!tpu.dma_semaphore, #tpu.memory_space<semaphore_mem>>)
      %dma_wait3A_266 = arith.constant 0 : i32
      %dma_wait3A_267 = tpu.memref_slice %arg4[%add3A_226, %dma_wait3A_266] : memref<5120x512xi32, #tpu.memory_space<hbm>> -> memref<32x512xi32, #tpu.memory_space<hbm>>
      %dma_wait3A_268 = arith.constant 0 : i32
      %dma_wait3A_269 = tpu.memref_slice %arg4[%add3A_226, %dma_wait3A_268] : memref<5120x512xi32, #tpu.memory_space<hbm>> -> memref<32x512xi32, #tpu.memory_space<hbm>>
      tpu.wait_dma2 semaphore(%run_scoped3A_261 : memref<!tpu.dma_semaphore, #tpu.memory_space<semaphore_mem>>) src(%arg7 : memref<32x512xi32, #tpu.memory_space<vmem>>) dst(%dma_wait3A_269 : memref<32x512xi32, #tpu.memory_space<hbm>>)
      tpu.yield
    }) : () -> ()
    %add3A_227 = arith.constant 64 : i32
    %add3A_228 = arith.addi %mul3A_2, %add3A_227 : i32
    "tpu.region"() ({
      %run_scoped3A_261 = tpu.sem_alloc : memref<!tpu.dma_semaphore, #tpu.memory_space<semaphore_mem>>
      %dma_start3A_262 = arith.constant 0 : i32
      %dma_start3A_263 = tpu.memref_slice %arg4[%add3A_228, %dma_start3A_262] : memref<5120x512xi32, #tpu.memory_space<hbm>> -> memref<32x512xi32, #tpu.memory_space<hbm>>
      %dma_start3A_264 = arith.constant 0 : i32
      %dma_start3A_265 = tpu.memref_slice %arg4[%add3A_228, %dma_start3A_264] : memref<5120x512xi32, #tpu.memory_space<hbm>> -> memref<32x512xi32, #tpu.memory_space<hbm>>
      tpu.enqueue_dma source(%arg8 : memref<32x512xi32, #tpu.memory_space<vmem>>) target(%dma_start3A_265 : memref<32x512xi32, #tpu.memory_space<hbm>>) target_semaphore(%run_scoped3A_261 : memref<!tpu.dma_semaphore, #tpu.memory_space<semaphore_mem>>)
      %dma_wait3A_266 = arith.constant 0 : i32
      %dma_wait3A_267 = tpu.memref_slice %arg4[%add3A_228, %dma_wait3A_266] : memref<5120x512xi32, #tpu.memory_space<hbm>> -> memref<32x512xi32, #tpu.memory_space<hbm>>
      %dma_wait3A_268 = arith.constant 0 : i32
      %dma_wait3A_269 = tpu.memref_slice %arg4[%add3A_228, %dma_wait3A_268] : memref<5120x512xi32, #tpu.memory_space<hbm>> -> memref<32x512xi32, #tpu.memory_space<hbm>>
      tpu.wait_dma2 semaphore(%run_scoped3A_261 : memref<!tpu.dma_semaphore, #tpu.memory_space<semaphore_mem>>) src(%arg8 : memref<32x512xi32, #tpu.memory_space<vmem>>) dst(%dma_wait3A_269 : memref<32x512xi32, #tpu.memory_space<hbm>>)
      tpu.yield
    }) : () -> ()
    %dma_start3A_229 = arith.constant 3 : i32
    %dma_start3A_230 = arith.constant 0 : i32
    %dma_start3A_231 = tpu.memref_slice %arg5[%dma_start3A_229, %dma_start3A_230] : memref<5x32xi32, #tpu.memory_space<vmem>> -> memref<1x32xi32, #tpu.memory_space<vmem>>
    %dma_start3A_232 = tpu.memref_squeeze %dma_start3A_231 : memref<1x32xi32, #tpu.memory_space<vmem>> -> memref<32xi32, #tpu.memory_space<vmem>>
    %dma_start3A_233 = arith.constant 0 : i32
    %dma_start3A_234 = arith.constant 0 : i32
    %dma_start3A_235 = tpu.memref_slice %arg2[%dma_start3A_233, %dma_start3A_234] : memref<4096x512xi32, #tpu.memory_space<hbm>> -> memref<4096x512xi32, #tpu.memory_space<hbm>>
    tpu.enqueue_indirect_dma source(%dma_start3A_235 : memref<4096x512xi32, #tpu.memory_space<hbm>>) target(%arg6 : memref<32x512xi32, #tpu.memory_space<vmem>>) offsets(%dma_start3A_232 : memref<32xi32, #tpu.memory_space<vmem>>) semaphore(%arg9 : memref<!tpu.dma_semaphore, #tpu.memory_space<semaphore_mem>>)
    %dma_start3A_236 = arith.constant 4 : i32
    %dma_start3A_237 = arith.constant 0 : i32
    %dma_start3A_238 = tpu.memref_slice %arg5[%dma_start3A_236, %dma_start3A_237] : memref<5x32xi32, #tpu.memory_space<vmem>> -> memref<1x32xi32, #tpu.memory_space<vmem>>
    %dma_start3A_239 = tpu.memref_squeeze %dma_start3A_238 : memref<1x32xi32, #tpu.memory_space<vmem>> -> memref<32xi32, #tpu.memory_space<vmem>>
    %dma_start3A_240 = arith.constant 0 : i32
    %dma_start3A_241 = arith.constant 0 : i32
    %dma_start3A_242 = tpu.memref_slice %arg2[%dma_start3A_240, %dma_start3A_241] : memref<4096x512xi32, #tpu.memory_space<hbm>> -> memref<4096x512xi32, #tpu.memory_space<hbm>>
    tpu.enqueue_indirect_dma source(%dma_start3A_242 : memref<4096x512xi32, #tpu.memory_space<hbm>>) target(%arg7 : memref<32x512xi32, #tpu.memory_space<vmem>>) offsets(%dma_start3A_239 : memref<32xi32, #tpu.memory_space<vmem>>) semaphore(%arg9 : memref<!tpu.dma_semaphore, #tpu.memory_space<semaphore_mem>>)
    %dma_wait3A_243 = arith.constant 3 : i32
    %dma_wait3A_244 = arith.constant 0 : i32
    %dma_wait3A_245 = tpu.memref_slice %arg5[%dma_wait3A_243, %dma_wait3A_244] : memref<5x32xi32, #tpu.memory_space<vmem>> -> memref<1x32xi32, #tpu.memory_space<vmem>>
    %dma_wait3A_246 = tpu.memref_squeeze %dma_wait3A_245 : memref<1x32xi32, #tpu.memory_space<vmem>> -> memref<32xi32, #tpu.memory_space<vmem>>
    %dma_wait3A_247 = arith.constant 0 : i32
    %dma_wait3A_248 = arith.constant 0 : i32
    %dma_wait3A_249 = tpu.memref_slice %arg2[%dma_wait3A_247, %dma_wait3A_248] : memref<4096x512xi32, #tpu.memory_space<hbm>> -> memref<4096x512xi32, #tpu.memory_space<hbm>>
    tpu.wait_indirect_dma semaphore(%arg9 : memref<!tpu.dma_semaphore, #tpu.memory_space<semaphore_mem>>) src(%dma_wait3A_249 : memref<4096x512xi32, #tpu.memory_space<hbm>>) dst(%arg6 : memref<32x512xi32, #tpu.memory_space<vmem>>)
    %dma_wait3A_250 = arith.constant 4 : i32
    %dma_wait3A_251 = arith.constant 0 : i32
    %dma_wait3A_252 = tpu.memref_slice %arg5[%dma_wait3A_250, %dma_wait3A_251] : memref<5x32xi32, #tpu.memory_space<vmem>> -> memref<1x32xi32, #tpu.memory_space<vmem>>
    %dma_wait3A_253 = tpu.memref_squeeze %dma_wait3A_252 : memref<1x32xi32, #tpu.memory_space<vmem>> -> memref<32xi32, #tpu.memory_space<vmem>>
    %dma_wait3A_254 = arith.constant 0 : i32
    %dma_wait3A_255 = arith.constant 0 : i32
    %dma_wait3A_256 = tpu.memref_slice %arg2[%dma_wait3A_254, %dma_wait3A_255] : memref<4096x512xi32, #tpu.memory_space<hbm>> -> memref<4096x512xi32, #tpu.memory_space<hbm>>
    tpu.wait_indirect_dma semaphore(%arg9 : memref<!tpu.dma_semaphore, #tpu.memory_space<semaphore_mem>>) src(%dma_wait3A_256 : memref<4096x512xi32, #tpu.memory_space<hbm>>) dst(%arg7 : memref<32x512xi32, #tpu.memory_space<vmem>>)
    %add3A_257 = arith.constant 96 : i32
    %add3A_258 = arith.addi %mul3A_2, %add3A_257 : i32
    "tpu.region"() ({
      %run_scoped3A_261 = tpu.sem_alloc : memref<!tpu.dma_semaphore, #tpu.memory_space<semaphore_mem>>
      %dma_start3A_262 = arith.constant 0 : i32
      %dma_start3A_263 = tpu.memref_slice %arg4[%add3A_258, %dma_start3A_262] : memref<5120x512xi32, #tpu.memory_space<hbm>> -> memref<32x512xi32, #tpu.memory_space<hbm>>
      %dma_start3A_264 = arith.constant 0 : i32
      %dma_start3A_265 = tpu.memref_slice %arg4[%add3A_258, %dma_start3A_264] : memref<5120x512xi32, #tpu.memory_space<hbm>> -> memref<32x512xi32, #tpu.memory_space<hbm>>
      tpu.enqueue_dma source(%arg6 : memref<32x512xi32, #tpu.memory_space<vmem>>) target(%dma_start3A_265 : memref<32x512xi32, #tpu.memory_space<hbm>>) target_semaphore(%run_scoped3A_261 : memref<!tpu.dma_semaphore, #tpu.memory_space<semaphore_mem>>)
      %dma_wait3A_266 = arith.constant 0 : i32
      %dma_wait3A_267 = tpu.memref_slice %arg4[%add3A_258, %dma_wait3A_266] : memref<5120x512xi32, #tpu.memory_space<hbm>> -> memref<32x512xi32, #tpu.memory_space<hbm>>
      %dma_wait3A_268 = arith.constant 0 : i32
      %dma_wait3A_269 = tpu.memref_slice %arg4[%add3A_258, %dma_wait3A_268] : memref<5120x512xi32, #tpu.memory_space<hbm>> -> memref<32x512xi32, #tpu.memory_space<hbm>>
      tpu.wait_dma2 semaphore(%run_scoped3A_261 : memref<!tpu.dma_semaphore, #tpu.memory_space<semaphore_mem>>) src(%arg6 : memref<32x512xi32, #tpu.memory_space<vmem>>) dst(%dma_wait3A_269 : memref<32x512xi32, #tpu.memory_space<hbm>>)
      tpu.yield
    }) : () -> ()
    %add3A_259 = arith.constant 128 : i32
    %add3A_260 = arith.addi %mul3A_2, %add3A_259 : i32
    "tpu.region"() ({
      %run_scoped3A_261 = tpu.sem_alloc : memref<!tpu.dma_semaphore, #tpu.memory_space<semaphore_mem>>
      %dma_start3A_262 = arith.constant 0 : i32
      %dma_start3A_263 = tpu.memref_slice %arg4[%add3A_260, %dma_start3A_262] : memref<5120x512xi32, #tpu.memory_space<hbm>> -> memref<32x512xi32, #tpu.memory_space<hbm>>
      %dma_start3A_264 = arith.constant 0 : i32
      %dma_start3A_265 = tpu.memref_slice %arg4[%add3A_260, %dma_start3A_264] : memref<5120x512xi32, #tpu.memory_space<hbm>> -> memref<32x512xi32, #tpu.memory_space<hbm>>
      tpu.enqueue_dma source(%arg7 : memref<32x512xi32, #tpu.memory_space<vmem>>) target(%dma_start3A_265 : memref<32x512xi32, #tpu.memory_space<hbm>>) target_semaphore(%run_scoped3A_261 : memref<!tpu.dma_semaphore, #tpu.memory_space<semaphore_mem>>)
      %dma_wait3A_266 = arith.constant 0 : i32
      %dma_wait3A_267 = tpu.memref_slice %arg4[%add3A_260, %dma_wait3A_266] : memref<5120x512xi32, #tpu.memory_space<hbm>> -> memref<32x512xi32, #tpu.memory_space<hbm>>
      %dma_wait3A_268 = arith.constant 0 : i32
      %dma_wait3A_269 = tpu.memref_slice %arg4[%add3A_260, %dma_wait3A_268] : memref<5120x512xi32, #tpu.memory_space<hbm>> -> memref<32x512xi32, #tpu.memory_space<hbm>>
      tpu.wait_dma2 semaphore(%run_scoped3A_261 : memref<!tpu.dma_semaphore, #tpu.memory_space<semaphore_mem>>) src(%arg7 : memref<32x512xi32, #tpu.memory_space<vmem>>) dst(%dma_wait3A_269 : memref<32x512xi32, #tpu.memory_space<hbm>>)
      tpu.yield
    }) : () -> ()
    return
  }
}

#map = affine_map<(d0, d1) -> (0)>
module attributes {stable_mosaic.version = 14 : i64} {
  func.func @_final_body(%arg0: i32, %arg1: i32, %arg2: memref<4096xi32, #tpu.memory_space<hbm>>, %arg3: memref<5120xf32, #tpu.memory_space<hbm>>, %arg4: memref<4096xf32, #tpu.memory_space<hbm>>, %arg5: memref<128xi32, #tpu.memory_space<vmem>>, %arg6: memref<128xf32, #tpu.memory_space<vmem>>, %arg7: memref<!tpu.dma_semaphore, #tpu.memory_space<semaphore_mem>>) attributes {dimension_semantics = [#tpu.dimension_semantics<core_parallel>, #tpu.dimension_semantics<subcore_parallel>], iteration_bounds = array<i64: 2, 16>, scalar_prefetch = 0 : i64, scratch_operands = 3 : i64, tpu.core_type = #tpu.core_type<sc_vector_subcore>, window_params = [{transform_indices = #map}, {transform_indices = #map}, {transform_indices = #map}]} {
    %mul3A = arith.constant 2 : i32
    %mul3A_0 = arith.muli %arg1, %mul3A : i32
    %add3A = arith.addi %mul3A_0, %arg0 : i32
    %mul3A_1 = arith.constant 128 : i32
    %mul3A_2 = arith.muli %add3A, %mul3A_1 : i32
    "tpu.region"() ({
      %run_scoped3A = tpu.sem_alloc : memref<!tpu.dma_semaphore, #tpu.memory_space<semaphore_mem>>
      %dma_start3A_105 = tpu.memref_slice %arg2[%mul3A_2] : memref<4096xi32, #tpu.memory_space<hbm>> -> memref<128xi32, #tpu.memory_space<hbm>>
      %dma_start3A_106 = tpu.memref_slice %arg2[%mul3A_2] : memref<4096xi32, #tpu.memory_space<hbm>> -> memref<128xi32, #tpu.memory_space<hbm>>
      tpu.enqueue_dma source(%dma_start3A_106 : memref<128xi32, #tpu.memory_space<hbm>>) target(%arg5 : memref<128xi32, #tpu.memory_space<vmem>>) target_semaphore(%run_scoped3A : memref<!tpu.dma_semaphore, #tpu.memory_space<semaphore_mem>>)
      %dma_wait3A_107 = tpu.memref_slice %arg2[%mul3A_2] : memref<4096xi32, #tpu.memory_space<hbm>> -> memref<128xi32, #tpu.memory_space<hbm>>
      %dma_wait3A_108 = tpu.memref_slice %arg2[%mul3A_2] : memref<4096xi32, #tpu.memory_space<hbm>> -> memref<128xi32, #tpu.memory_space<hbm>>
      tpu.wait_dma2 semaphore(%run_scoped3A : memref<!tpu.dma_semaphore, #tpu.memory_space<semaphore_mem>>) src(%dma_wait3A_108 : memref<128xi32, #tpu.memory_space<hbm>>) dst(%arg5 : memref<128xi32, #tpu.memory_space<vmem>>)
      tpu.yield
    }) : () -> ()
    %get3A = arith.constant 0 : index
    %get3A_3 = tpu.vector_load %arg5[%get3A] {strides = array<i32>} : memref<128xi32, #tpu.memory_space<vmem>>, vector<16xi32>,
    %get3A_4 = vector.shape_cast %get3A_3 : vector<16xi32> to vector<16xi32>
    %max3A = arith.constant 0 : i32
    %max3A_5 = vector.broadcast %max3A : i32 to vector<16xi32>
    %max3A_6 = arith.maxsi %get3A_4, %max3A_5 : vector<16xi32>
    %min3A = arith.constant 5119 : i32
    %min3A_7 = vector.broadcast %min3A : i32 to vector<16xi32>
    %min3A_8 = arith.minsi %max3A_6, %min3A_7 : vector<16xi32>
    %swap3A = arith.constant 0 : index
    %swap3A_9 = tpu.vector_load %arg5[%swap3A] {strides = array<i32>} : memref<128xi32, #tpu.memory_space<vmem>>, vector<16xi32>,
    %swap3A_10 = vector.shape_cast %swap3A_9 : vector<16xi32> to vector<16xi32>
    %swap3A_11 = vector.shape_cast %min3A_8 : vector<16xi32> to vector<16xi32>
    tpu.vector_store %arg5[%swap3A], %swap3A_11 {strides = array<i32>} : memref<128xi32, #tpu.memory_space<vmem>>, vector<16xi32>,
    %get3A_12 = arith.constant 16 : index
    %get3A_13 = tpu.vector_load %arg5[%get3A_12] {strides = array<i32>} : memref<128xi32, #tpu.memory_space<vmem>>, vector<16xi32>,
    %get3A_14 = vector.shape_cast %get3A_13 : vector<16xi32> to vector<16xi32>
    %max3A_15 = arith.constant 0 : i32
    %max3A_16 = vector.broadcast %max3A_15 : i32 to vector<16xi32>
    %max3A_17 = arith.maxsi %get3A_14, %max3A_16 : vector<16xi32>
    %min3A_18 = arith.constant 5119 : i32
    %min3A_19 = vector.broadcast %min3A_18 : i32 to vector<16xi32>
    %min3A_20 = arith.minsi %max3A_17, %min3A_19 : vector<16xi32>
    %swap3A_21 = arith.constant 16 : index
    %swap3A_22 = tpu.vector_load %arg5[%swap3A_21] {strides = array<i32>} : memref<128xi32, #tpu.memory_space<vmem>>, vector<16xi32>,
    %swap3A_23 = vector.shape_cast %swap3A_22 : vector<16xi32> to vector<16xi32>
    %swap3A_24 = vector.shape_cast %min3A_20 : vector<16xi32> to vector<16xi32>
    tpu.vector_store %arg5[%swap3A_21], %swap3A_24 {strides = array<i32>} : memref<128xi32, #tpu.memory_space<vmem>>, vector<16xi32>,
    %get3A_25 = arith.constant 32 : index
    %get3A_26 = tpu.vector_load %arg5[%get3A_25] {strides = array<i32>} : memref<128xi32, #tpu.memory_space<vmem>>, vector<16xi32>,
    %get3A_27 = vector.shape_cast %get3A_26 : vector<16xi32> to vector<16xi32>
    %max3A_28 = arith.constant 0 : i32
    %max3A_29 = vector.broadcast %max3A_28 : i32 to vector<16xi32>
    %max3A_30 = arith.maxsi %get3A_27, %max3A_29 : vector<16xi32>
    %min3A_31 = arith.constant 5119 : i32
    %min3A_32 = vector.broadcast %min3A_31 : i32 to vector<16xi32>
    %min3A_33 = arith.minsi %max3A_30, %min3A_32 : vector<16xi32>
    %swap3A_34 = arith.constant 32 : index
    %swap3A_35 = tpu.vector_load %arg5[%swap3A_34] {strides = array<i32>} : memref<128xi32, #tpu.memory_space<vmem>>, vector<16xi32>,
    %swap3A_36 = vector.shape_cast %swap3A_35 : vector<16xi32> to vector<16xi32>
    %swap3A_37 = vector.shape_cast %min3A_33 : vector<16xi32> to vector<16xi32>
    tpu.vector_store %arg5[%swap3A_34], %swap3A_37 {strides = array<i32>} : memref<128xi32, #tpu.memory_space<vmem>>, vector<16xi32>,
    %get3A_38 = arith.constant 48 : index
    %get3A_39 = tpu.vector_load %arg5[%get3A_38] {strides = array<i32>} : memref<128xi32, #tpu.memory_space<vmem>>, vector<16xi32>,
    %get3A_40 = vector.shape_cast %get3A_39 : vector<16xi32> to vector<16xi32>
    %max3A_41 = arith.constant 0 : i32
    %max3A_42 = vector.broadcast %max3A_41 : i32 to vector<16xi32>
    %max3A_43 = arith.maxsi %get3A_40, %max3A_42 : vector<16xi32>
    %min3A_44 = arith.constant 5119 : i32
    %min3A_45 = vector.broadcast %min3A_44 : i32 to vector<16xi32>
    %min3A_46 = arith.minsi %max3A_43, %min3A_45 : vector<16xi32>
    %swap3A_47 = arith.constant 48 : index
    %swap3A_48 = tpu.vector_load %arg5[%swap3A_47] {strides = array<i32>} : memref<128xi32, #tpu.memory_space<vmem>>, vector<16xi32>,
    %swap3A_49 = vector.shape_cast %swap3A_48 : vector<16xi32> to vector<16xi32>
    %swap3A_50 = vector.shape_cast %min3A_46 : vector<16xi32> to vector<16xi32>
    tpu.vector_store %arg5[%swap3A_47], %swap3A_50 {strides = array<i32>} : memref<128xi32, #tpu.memory_space<vmem>>, vector<16xi32>,
    %get3A_51 = arith.constant 64 : index
    %get3A_52 = tpu.vector_load %arg5[%get3A_51] {strides = array<i32>} : memref<128xi32, #tpu.memory_space<vmem>>, vector<16xi32>,
    %get3A_53 = vector.shape_cast %get3A_52 : vector<16xi32> to vector<16xi32>
    %max3A_54 = arith.constant 0 : i32
    %max3A_55 = vector.broadcast %max3A_54 : i32 to vector<16xi32>
    %max3A_56 = arith.maxsi %get3A_53, %max3A_55 : vector<16xi32>
    %min3A_57 = arith.constant 5119 : i32
    %min3A_58 = vector.broadcast %min3A_57 : i32 to vector<16xi32>
    %min3A_59 = arith.minsi %max3A_56, %min3A_58 : vector<16xi32>
    %swap3A_60 = arith.constant 64 : index
    %swap3A_61 = tpu.vector_load %arg5[%swap3A_60] {strides = array<i32>} : memref<128xi32, #tpu.memory_space<vmem>>, vector<16xi32>,
    %swap3A_62 = vector.shape_cast %swap3A_61 : vector<16xi32> to vector<16xi32>
    %swap3A_63 = vector.shape_cast %min3A_59 : vector<16xi32> to vector<16xi32>
    tpu.vector_store %arg5[%swap3A_60], %swap3A_63 {strides = array<i32>} : memref<128xi32, #tpu.memory_space<vmem>>, vector<16xi32>,
    %get3A_64 = arith.constant 80 : index
    %get3A_65 = tpu.vector_load %arg5[%get3A_64] {strides = array<i32>} : memref<128xi32, #tpu.memory_space<vmem>>, vector<16xi32>,
    %get3A_66 = vector.shape_cast %get3A_65 : vector<16xi32> to vector<16xi32>
    %max3A_67 = arith.constant 0 : i32
    %max3A_68 = vector.broadcast %max3A_67 : i32 to vector<16xi32>
    %max3A_69 = arith.maxsi %get3A_66, %max3A_68 : vector<16xi32>
    %min3A_70 = arith.constant 5119 : i32
    %min3A_71 = vector.broadcast %min3A_70 : i32 to vector<16xi32>
    %min3A_72 = arith.minsi %max3A_69, %min3A_71 : vector<16xi32>
    %swap3A_73 = arith.constant 80 : index
    %swap3A_74 = tpu.vector_load %arg5[%swap3A_73] {strides = array<i32>} : memref<128xi32, #tpu.memory_space<vmem>>, vector<16xi32>,
    %swap3A_75 = vector.shape_cast %swap3A_74 : vector<16xi32> to vector<16xi32>
    %swap3A_76 = vector.shape_cast %min3A_72 : vector<16xi32> to vector<16xi32>
    tpu.vector_store %arg5[%swap3A_73], %swap3A_76 {strides = array<i32>} : memref<128xi32, #tpu.memory_space<vmem>>, vector<16xi32>,
    %get3A_77 = arith.constant 96 : index
    %get3A_78 = tpu.vector_load %arg5[%get3A_77] {strides = array<i32>} : memref<128xi32, #tpu.memory_space<vmem>>, vector<16xi32>,
    %get3A_79 = vector.shape_cast %get3A_78 : vector<16xi32> to vector<16xi32>
    %max3A_80 = arith.constant 0 : i32
    %max3A_81 = vector.broadcast %max3A_80 : i32 to vector<16xi32>
    %max3A_82 = arith.maxsi %get3A_79, %max3A_81 : vector<16xi32>
    %min3A_83 = arith.constant 5119 : i32
    %min3A_84 = vector.broadcast %min3A_83 : i32 to vector<16xi32>
    %min3A_85 = arith.minsi %max3A_82, %min3A_84 : vector<16xi32>
    %swap3A_86 = arith.constant 96 : index
    %swap3A_87 = tpu.vector_load %arg5[%swap3A_86] {strides = array<i32>} : memref<128xi32, #tpu.memory_space<vmem>>, vector<16xi32>,
    %swap3A_88 = vector.shape_cast %swap3A_87 : vector<16xi32> to vector<16xi32>
    %swap3A_89 = vector.shape_cast %min3A_85 : vector<16xi32> to vector<16xi32>
    tpu.vector_store %arg5[%swap3A_86], %swap3A_89 {strides = array<i32>} : memref<128xi32, #tpu.memory_space<vmem>>, vector<16xi32>,
    %get3A_90 = arith.constant 112 : index
    %get3A_91 = tpu.vector_load %arg5[%get3A_90] {strides = array<i32>} : memref<128xi32, #tpu.memory_space<vmem>>, vector<16xi32>,
    %get3A_92 = vector.shape_cast %get3A_91 : vector<16xi32> to vector<16xi32>
    %max3A_93 = arith.constant 0 : i32
    %max3A_94 = vector.broadcast %max3A_93 : i32 to vector<16xi32>
    %max3A_95 = arith.maxsi %get3A_92, %max3A_94 : vector<16xi32>
    %min3A_96 = arith.constant 5119 : i32
    %min3A_97 = vector.broadcast %min3A_96 : i32 to vector<16xi32>
    %min3A_98 = arith.minsi %max3A_95, %min3A_97 : vector<16xi32>
    %swap3A_99 = arith.constant 112 : index
    %swap3A_100 = tpu.vector_load %arg5[%swap3A_99] {strides = array<i32>} : memref<128xi32, #tpu.memory_space<vmem>>, vector<16xi32>,
    %swap3A_101 = vector.shape_cast %swap3A_100 : vector<16xi32> to vector<16xi32>
    %swap3A_102 = vector.shape_cast %min3A_98 : vector<16xi32> to vector<16xi32>
    tpu.vector_store %arg5[%swap3A_99], %swap3A_102 {strides = array<i32>} : memref<128xi32, #tpu.memory_space<vmem>>, vector<16xi32>,
    %dma_start3A = arith.constant 0 : i32
    %dma_start3A_103 = tpu.memref_slice %arg3[%dma_start3A] : memref<5120xf32, #tpu.memory_space<hbm>> -> memref<5120xf32, #tpu.memory_space<hbm>>
    tpu.enqueue_indirect_dma source(%dma_start3A_103 : memref<5120xf32, #tpu.memory_space<hbm>>) target(%arg6 : memref<128xf32, #tpu.memory_space<vmem>>) offsets(%arg5 : memref<128xi32, #tpu.memory_space<vmem>>) semaphore(%arg7 : memref<!tpu.dma_semaphore, #tpu.memory_space<semaphore_mem>>)
    %dma_wait3A = arith.constant 0 : i32
    %dma_wait3A_104 = tpu.memref_slice %arg3[%dma_wait3A] : memref<5120xf32, #tpu.memory_space<hbm>> -> memref<5120xf32, #tpu.memory_space<hbm>>
    tpu.wait_indirect_dma semaphore(%arg7 : memref<!tpu.dma_semaphore, #tpu.memory_space<semaphore_mem>>) src(%dma_wait3A_104 : memref<5120xf32, #tpu.memory_space<hbm>>) dst(%arg6 : memref<128xf32, #tpu.memory_space<vmem>>)
    "tpu.region"() ({
      %run_scoped3A = tpu.sem_alloc : memref<!tpu.dma_semaphore, #tpu.memory_space<semaphore_mem>>
      %dma_start3A_105 = tpu.memref_slice %arg4[%mul3A_2] : memref<4096xf32, #tpu.memory_space<hbm>> -> memref<128xf32, #tpu.memory_space<hbm>>
      %dma_start3A_106 = tpu.memref_slice %arg4[%mul3A_2] : memref<4096xf32, #tpu.memory_space<hbm>> -> memref<128xf32, #tpu.memory_space<hbm>>
      tpu.enqueue_dma source(%arg6 : memref<128xf32, #tpu.memory_space<vmem>>) target(%dma_start3A_106 : memref<128xf32, #tpu.memory_space<hbm>>) target_semaphore(%run_scoped3A : memref<!tpu.dma_semaphore, #tpu.memory_space<semaphore_mem>>)
      %dma_wait3A_107 = tpu.memref_slice %arg4[%mul3A_2] : memref<4096xf32, #tpu.memory_space<hbm>> -> memref<128xf32, #tpu.memory_space<hbm>>
      %dma_wait3A_108 = tpu.memref_slice %arg4[%mul3A_2] : memref<4096xf32, #tpu.memory_space<hbm>> -> memref<128xf32, #tpu.memory_space<hbm>>
      tpu.wait_dma2 semaphore(%run_scoped3A : memref<!tpu.dma_semaphore, #tpu.memory_space<semaphore_mem>>) src(%arg6 : memref<128xf32, #tpu.memory_space<vmem>>) dst(%dma_wait3A_108 : memref<128xf32, #tpu.memory_space<hbm>>)
      tpu.yield
    }) : () -> ()
    return
  }
}

#map = affine_map<(d0, d1) -> (0)>
module attributes {stable_mosaic.version = 14 : i64} {
  func.func @_route_body(%arg0: i32, %arg1: i32, %arg2: memref<4096xi32, #tpu.memory_space<hbm>>, %arg3: memref<4096xi32, #tpu.memory_space<hbm>>, %arg4: memref<4096xi32, #tpu.memory_space<hbm>>, %arg5: memref<5120xi32, #tpu.memory_space<hbm>>, %arg6: memref<5120xi32, #tpu.memory_space<hbm>>, %arg7: memref<80xi32, #tpu.memory_space<hbm>>, %arg8: memref<256xi32, #tpu.memory_space<vmem>>, %arg9: memref<256xi32, #tpu.memory_space<vmem>>, %arg10: memref<16xi32, #tpu.memory_space<vmem>>, %arg11: memref<16xi32, #tpu.memory_space<vmem>>, %arg12: memref<16x16xi32, #tpu.memory_space<vmem>>, %arg13: memref<256xi32, #tpu.memory_space<vmem>>, %arg14: memref<256xi32, #tpu.memory_space<vmem>>, %arg15: memref<256xi32, #tpu.memory_space<vmem>>, %arg16: memref<256xi32, #tpu.memory_space<vmem>>, %arg17: memref<128xi32, #tpu.memory_space<vmem>>, %arg18: memref<128xi32, #tpu.memory_space<vmem>>, %arg19: memref<128xi32, #tpu.memory_space<vmem>>, %arg20: memref<128xi32, #tpu.memory_space<vmem>>, %arg21: memref<128xi32, #tpu.memory_space<vmem>>, %arg22: memref<128xi32, #tpu.memory_space<vmem>>, %arg23: memref<80xi32, #tpu.memory_space<vmem>>, %arg24: memref<24x16xi32, #tpu.memory_space<vmem_shared>>, %arg25: memref<!tpu.dma_semaphore, #tpu.memory_space<semaphore_mem>>) attributes {dimension_semantics = [#tpu.dimension_semantics<core_parallel>, #tpu.dimension_semantics<subcore_parallel>], iteration_bounds = array<i64: 1, 16>, scalar_prefetch = 0 : i64, scratch_operands = 18 : i64, tpu.core_type = #tpu.core_type<sc_vector_subcore>, window_params = [{transform_indices = #map}, {transform_indices = #map}, {transform_indices = #map}, {transform_indices = #map}, {transform_indices = #map}, {transform_indices = #map}]} {
    %mul3A = arith.constant 256 : i32
    %mul3A_0 = arith.muli %arg1, %mul3A : i32
    %iota3A = tpu.iota {dimensions = array<i32: 0>} : vector<16xi32>
    %broadcast_in_dim3A = arith.constant 1 : i32
    %broadcast_in_dim3A_1 = vector.broadcast %broadcast_in_dim3A : i32 to vector<16xi32>
    "tpu.region"() ({
      %run_scoped3A = tpu.sem_alloc : memref<!tpu.dma_semaphore, #tpu.memory_space<semaphore_mem>>
      %dma_start3A_448 = tpu.memref_slice %arg2[%mul3A_0] : memref<4096xi32, #tpu.memory_space<hbm>> -> memref<256xi32, #tpu.memory_space<hbm>>
      %dma_start3A_449 = tpu.memref_slice %arg2[%mul3A_0] : memref<4096xi32, #tpu.memory_space<hbm>> -> memref<256xi32, #tpu.memory_space<hbm>>
      tpu.enqueue_dma source(%dma_start3A_449 : memref<256xi32, #tpu.memory_space<hbm>>) target(%arg8 : memref<256xi32, #tpu.memory_space<vmem>>) target_semaphore(%run_scoped3A : memref<!tpu.dma_semaphore, #tpu.memory_space<semaphore_mem>>)
      %dma_wait3A_450 = tpu.memref_slice %arg2[%mul3A_0] : memref<4096xi32, #tpu.memory_space<hbm>> -> memref<256xi32, #tpu.memory_space<hbm>>
      %dma_wait3A_451 = tpu.memref_slice %arg2[%mul3A_0] : memref<4096xi32, #tpu.memory_space<hbm>> -> memref<256xi32, #tpu.memory_space<hbm>>
      tpu.wait_dma2 semaphore(%run_scoped3A : memref<!tpu.dma_semaphore, #tpu.memory_space<semaphore_mem>>) src(%dma_wait3A_451 : memref<256xi32, #tpu.memory_space<hbm>>) dst(%arg8 : memref<256xi32, #tpu.memory_space<vmem>>)
      tpu.yield
    }) : () -> ()
    "tpu.region"() ({
      %run_scoped3A = tpu.sem_alloc : memref<!tpu.dma_semaphore, #tpu.memory_space<semaphore_mem>>
      %dma_start3A_448 = tpu.memref_slice %arg3[%mul3A_0] : memref<4096xi32, #tpu.memory_space<hbm>> -> memref<256xi32, #tpu.memory_space<hbm>>
      %dma_start3A_449 = tpu.memref_slice %arg3[%mul3A_0] : memref<4096xi32, #tpu.memory_space<hbm>> -> memref<256xi32, #tpu.memory_space<hbm>>
      tpu.enqueue_dma source(%dma_start3A_449 : memref<256xi32, #tpu.memory_space<hbm>>) target(%arg9 : memref<256xi32, #tpu.memory_space<vmem>>) target_semaphore(%run_scoped3A : memref<!tpu.dma_semaphore, #tpu.memory_space<semaphore_mem>>)
      %dma_wait3A_450 = tpu.memref_slice %arg3[%mul3A_0] : memref<4096xi32, #tpu.memory_space<hbm>> -> memref<256xi32, #tpu.memory_space<hbm>>
      %dma_wait3A_451 = tpu.memref_slice %arg3[%mul3A_0] : memref<4096xi32, #tpu.memory_space<hbm>> -> memref<256xi32, #tpu.memory_space<hbm>>
      tpu.wait_dma2 semaphore(%run_scoped3A : memref<!tpu.dma_semaphore, #tpu.memory_space<semaphore_mem>>) src(%dma_wait3A_451 : memref<256xi32, #tpu.memory_space<hbm>>) dst(%arg9 : memref<256xi32, #tpu.memory_space<vmem>>)
      tpu.yield
    }) : () -> ()
    %broadcast_in_dim3A_2 = arith.constant 0 : i32
    %broadcast_in_dim3A_3 = vector.broadcast %broadcast_in_dim3A_2 : i32 to vector<16xi32>
    %swap3A = arith.constant 0 : index
    %swap3A_4 = tpu.vector_load %arg10[%swap3A] {strides = array<i32>} : memref<16xi32, #tpu.memory_space<vmem>>, vector<16xi32>,
    tpu.vector_store %arg10[%swap3A], %broadcast_in_dim3A_3 {strides = array<i32>} : memref<16xi32, #tpu.memory_space<vmem>>, vector<16xi32>,
    %scan3A = arith.constant 0 : i32
    %scan3A_5 = arith.constant 0 : i32
    %scan3A_6 = arith.constant 16 : i32
    %scan3A_7 = arith.addi %scan3A_5, %scan3A_6 : i32
    %scan3A_8 = arith.constant 1 : i32
    %scan3A_9 = scf.for %scan3A_448 = %scan3A_5 to %scan3A_7 step %scan3A_8 iter_args(%scan3A_449 = %scan3A) -> (i32)  : i32 {
      %mul3A_450 = arith.constant 16 : i32
      %mul3A_451 = arith.muli %scan3A_448, %mul3A_450 : i32
      %get3A_452 = arith.index_cast %mul3A_451 : i32 to index
      %get3A_453 = tpu.vector_load %arg8[%get3A_452] {strides = array<i32>} : memref<256xi32, #tpu.memory_space<vmem>>, vector<16xi32>,
      tpu.vector_store_idx %arg10[%get3A_453], %broadcast_in_dim3A_1 {add = true} : memref<16xi32, #tpu.memory_space<vmem>>[vector<16xi32>], vector<16xi32>,
      %scan3A_454 = arith.constant 0 : i32
      scf.yield %scan3A_454 : i32
    }
    %scan3A_10 = arith.constant 16 : i32
    %add3A = arith.constant 8 : i32
    %add3A_11 = arith.addi %arg1, %add3A : i32
    "tpu.region"() ({
      %run_scoped3A = tpu.sem_alloc : memref<!tpu.dma_semaphore, #tpu.memory_space<semaphore_mem>>
      %dma_start3A_448 = arith.constant 0 : i32
      %dma_start3A_449 = tpu.memref_slice %arg24[%add3A_11, %dma_start3A_448] : memref<24x16xi32, #tpu.memory_space<vmem_shared>> -> memref<1x16xi32, #tpu.memory_space<vmem_shared>>
      %dma_start3A_450 = tpu.memref_squeeze %dma_start3A_449 : memref<1x16xi32, #tpu.memory_space<vmem_shared>> -> memref<16xi32, #tpu.memory_space<vmem_shared>>
      %dma_start3A_451 = arith.constant 0 : i32
      %dma_start3A_452 = tpu.memref_slice %arg24[%add3A_11, %dma_start3A_451] : memref<24x16xi32, #tpu.memory_space<vmem_shared>> -> memref<1x16xi32, #tpu.memory_space<vmem_shared>>
      %dma_start3A_453 = tpu.memref_squeeze %dma_start3A_452 : memref<1x16xi32, #tpu.memory_space<vmem_shared>> -> memref<16xi32, #tpu.memory_space<vmem_shared>>
      tpu.enqueue_dma source(%arg10 : memref<16xi32, #tpu.memory_space<vmem>>) target(%dma_start3A_453 : memref<16xi32, #tpu.memory_space<vmem_shared>>) target_semaphore(%run_scoped3A : memref<!tpu.dma_semaphore, #tpu.memory_space<semaphore_mem>>)
      %dma_wait3A_454 = arith.constant 0 : i32
      %dma_wait3A_455 = tpu.memref_slice %arg24[%add3A_11, %dma_wait3A_454] : memref<24x16xi32, #tpu.memory_space<vmem_shared>> -> memref<1x16xi32, #tpu.memory_space<vmem_shared>>
      %dma_wait3A_456 = tpu.memref_squeeze %dma_wait3A_455 : memref<1x16xi32, #tpu.memory_space<vmem_shared>> -> memref<16xi32, #tpu.memory_space<vmem_shared>>
      %dma_wait3A_457 = arith.constant 0 : i32
      %dma_wait3A_458 = tpu.memref_slice %arg24[%add3A_11, %dma_wait3A_457] : memref<24x16xi32, #tpu.memory_space<vmem_shared>> -> memref<1x16xi32, #tpu.memory_space<vmem_shared>>
      %dma_wait3A_459 = tpu.memref_squeeze %dma_wait3A_458 : memref<1x16xi32, #tpu.memory_space<vmem_shared>> -> memref<16xi32, #tpu.memory_space<vmem_shared>>
      tpu.wait_dma2 semaphore(%run_scoped3A : memref<!tpu.dma_semaphore, #tpu.memory_space<semaphore_mem>>) src(%arg10 : memref<16xi32, #tpu.memory_space<vmem>>) dst(%dma_wait3A_459 : memref<16xi32, #tpu.memory_space<vmem_shared>>)
      tpu.yield
    }) : () -> ()
    %barrier3A = arith.constant 0 : index
    tpu.barrier barrier_id(%barrier3A)
    %barrier3A_12 = arith.constant 0 : index
    tpu.barrier barrier_id(%barrier3A_12)
    "tpu.region"() ({
      %run_scoped3A = tpu.sem_alloc : memref<!tpu.dma_semaphore, #tpu.memory_space<semaphore_mem>>
      %dma_start3A_448 = arith.constant 8 : i32
      %dma_start3A_449 = arith.constant 0 : i32
      %dma_start3A_450 = tpu.memref_slice %arg24[%dma_start3A_448, %dma_start3A_449] : memref<24x16xi32, #tpu.memory_space<vmem_shared>> -> memref<16x16xi32, #tpu.memory_space<vmem_shared>>
      %dma_start3A_451 = arith.constant 8 : i32
      %dma_start3A_452 = arith.constant 0 : i32
      %dma_start3A_453 = tpu.memref_slice %arg24[%dma_start3A_451, %dma_start3A_452] : memref<24x16xi32, #tpu.memory_space<vmem_shared>> -> memref<16x16xi32, #tpu.memory_space<vmem_shared>>
      tpu.enqueue_dma source(%dma_start3A_453 : memref<16x16xi32, #tpu.memory_space<vmem_shared>>) target(%arg12 : memref<16x16xi32, #tpu.memory_space<vmem>>) target_semaphore(%run_scoped3A : memref<!tpu.dma_semaphore, #tpu.memory_space<semaphore_mem>>)
      %dma_wait3A_454 = arith.constant 8 : i32
      %dma_wait3A_455 = arith.constant 0 : i32
      %dma_wait3A_456 = tpu.memref_slice %arg24[%dma_wait3A_454, %dma_wait3A_455] : memref<24x16xi32, #tpu.memory_space<vmem_shared>> -> memref<16x16xi32, #tpu.memory_space<vmem_shared>>
      %dma_wait3A_457 = arith.constant 8 : i32
      %dma_wait3A_458 = arith.constant 0 : i32
      %dma_wait3A_459 = tpu.memref_slice %arg24[%dma_wait3A_457, %dma_wait3A_458] : memref<24x16xi32, #tpu.memory_space<vmem_shared>> -> memref<16x16xi32, #tpu.memory_space<vmem_shared>>
      tpu.wait_dma2 semaphore(%run_scoped3A : memref<!tpu.dma_semaphore, #tpu.memory_space<semaphore_mem>>) src(%dma_wait3A_459 : memref<16x16xi32, #tpu.memory_space<vmem_shared>>) dst(%arg12 : memref<16x16xi32, #tpu.memory_space<vmem>>)
      tpu.yield
    }) : () -> ()
    %broadcast_in_dim3A_13 = arith.constant 0 : i32
    %broadcast_in_dim3A_14 = vector.broadcast %broadcast_in_dim3A_13 : i32 to vector<16xi32>
    %broadcast_in_dim3A_15 = arith.constant 0 : i32
    %broadcast_in_dim3A_16 = vector.broadcast %broadcast_in_dim3A_15 : i32 to vector<16xi32>
    %get3A = arith.constant 0 : i32
    %get3A_17 = arith.index_cast %get3A : i32 to index
    %get3A_18 = arith.constant 0 : index
    %get3A_19 = tpu.vector_load %arg12[%get3A_17, %get3A_18] {strides = array<i32>} : memref<16x16xi32, #tpu.memory_space<vmem>>, vector<16xi32>,
    %gt3A = arith.constant 0 : i32
    %gt3A_20 = arith.cmpi sgt, %arg1, %gt3A : i32
    %jit3A = arith.constant 1 : i32
    %jit3A_21 = arith.constant 0 : i32
    %select_n3A = arith.select %gt3A_20, %jit3A, %jit3A_21 : i32
    %mul3A_22 = vector.broadcast %select_n3A : i32 to vector<16xi32>
    %mul3A_23 = arith.muli %get3A_19, %mul3A_22 : vector<16xi32>
    %add3A_24 = arith.addi %broadcast_in_dim3A_14, %mul3A_23 : vector<16xi32>
    %add3A_25 = arith.addi %broadcast_in_dim3A_16, %get3A_19 : vector<16xi32>
    %get3A_26 = arith.constant 1 : i32
    %get3A_27 = arith.index_cast %get3A_26 : i32 to index
    %get3A_28 = arith.constant 0 : index
    %get3A_29 = tpu.vector_load %arg12[%get3A_27, %get3A_28] {strides = array<i32>} : memref<16x16xi32, #tpu.memory_space<vmem>>, vector<16xi32>,
    %gt3A_30 = arith.constant 1 : i32
    %gt3A_31 = arith.cmpi sgt, %arg1, %gt3A_30 : i32
    %jit3A_32 = arith.constant 1 : i32
    %jit3A_33 = arith.constant 0 : i32
    %select_n3A_34 = arith.select %gt3A_31, %jit3A_32, %jit3A_33 : i32
    %mul3A_35 = vector.broadcast %select_n3A_34 : i32 to vector<16xi32>
    %mul3A_36 = arith.muli %get3A_29, %mul3A_35 : vector<16xi32>
    %add3A_37 = arith.addi %add3A_24, %mul3A_36 : vector<16xi32>
    %add3A_38 = arith.addi %add3A_25, %get3A_29 : vector<16xi32>
    %get3A_39 = arith.constant 2 : i32
    %get3A_40 = arith.index_cast %get3A_39 : i32 to index
    %get3A_41 = arith.constant 0 : index
    %get3A_42 = tpu.vector_load %arg12[%get3A_40, %get3A_41] {strides = array<i32>} : memref<16x16xi32, #tpu.memory_space<vmem>>, vector<16xi32>,
    %gt3A_43 = arith.constant 2 : i32
    %gt3A_44 = arith.cmpi sgt, %arg1, %gt3A_43 : i32
    %jit3A_45 = arith.constant 1 : i32
    %jit3A_46 = arith.constant 0 : i32
    %select_n3A_47 = arith.select %gt3A_44, %jit3A_45, %jit3A_46 : i32
    %mul3A_48 = vector.broadcast %select_n3A_47 : i32 to vector<16xi32>
    %mul3A_49 = arith.muli %get3A_42, %mul3A_48 : vector<16xi32>
    %add3A_50 = arith.addi %add3A_37, %mul3A_49 : vector<16xi32>
    %add3A_51 = arith.addi %add3A_38, %get3A_42 : vector<16xi32>
    %get3A_52 = arith.constant 3 : i32
    %get3A_53 = arith.index_cast %get3A_52 : i32 to index
    %get3A_54 = arith.constant 0 : index
    %get3A_55 = tpu.vector_load %arg12[%get3A_53, %get3A_54] {strides = array<i32>} : memref<16x16xi32, #tpu.memory_space<vmem>>, vector<16xi32>,
    %gt3A_56 = arith.constant 3 : i32
    %gt3A_57 = arith.cmpi sgt, %arg1, %gt3A_56 : i32
    %jit3A_58 = arith.constant 1 : i32
    %jit3A_59 = arith.constant 0 : i32
    %select_n3A_60 = arith.select %gt3A_57, %jit3A_58, %jit3A_59 : i32
    %mul3A_61 = vector.broadcast %select_n3A_60 : i32 to vector<16xi32>
    %mul3A_62 = arith.muli %get3A_55, %mul3A_61 : vector<16xi32>
    %add3A_63 = arith.addi %add3A_50, %mul3A_62 : vector<16xi32>
    %add3A_64 = arith.addi %add3A_51, %get3A_55 : vector<16xi32>
    %get3A_65 = arith.constant 4 : i32
    %get3A_66 = arith.index_cast %get3A_65 : i32 to index
    %get3A_67 = arith.constant 0 : index
    %get3A_68 = tpu.vector_load %arg12[%get3A_66, %get3A_67] {strides = array<i32>} : memref<16x16xi32, #tpu.memory_space<vmem>>, vector<16xi32>,
    %gt3A_69 = arith.constant 4 : i32
    %gt3A_70 = arith.cmpi sgt, %arg1, %gt3A_69 : i32
    %jit3A_71 = arith.constant 1 : i32
    %jit3A_72 = arith.constant 0 : i32
    %select_n3A_73 = arith.select %gt3A_70, %jit3A_71, %jit3A_72 : i32
    %mul3A_74 = vector.broadcast %select_n3A_73 : i32 to vector<16xi32>
    %mul3A_75 = arith.muli %get3A_68, %mul3A_74 : vector<16xi32>
    %add3A_76 = arith.addi %add3A_63, %mul3A_75 : vector<16xi32>
    %add3A_77 = arith.addi %add3A_64, %get3A_68 : vector<16xi32>
    %get3A_78 = arith.constant 5 : i32
    %get3A_79 = arith.index_cast %get3A_78 : i32 to index
    %get3A_80 = arith.constant 0 : index
    %get3A_81 = tpu.vector_load %arg12[%get3A_79, %get3A_80] {strides = array<i32>} : memref<16x16xi32, #tpu.memory_space<vmem>>, vector<16xi32>,
    %gt3A_82 = arith.constant 5 : i32
    %gt3A_83 = arith.cmpi sgt, %arg1, %gt3A_82 : i32
    %jit3A_84 = arith.constant 1 : i32
    %jit3A_85 = arith.constant 0 : i32
    %select_n3A_86 = arith.select %gt3A_83, %jit3A_84, %jit3A_85 : i32
    %mul3A_87 = vector.broadcast %select_n3A_86 : i32 to vector<16xi32>
    %mul3A_88 = arith.muli %get3A_81, %mul3A_87 : vector<16xi32>
    %add3A_89 = arith.addi %add3A_76, %mul3A_88 : vector<16xi32>
    %add3A_90 = arith.addi %add3A_77, %get3A_81 : vector<16xi32>
    %get3A_91 = arith.constant 6 : i32
    %get3A_92 = arith.index_cast %get3A_91 : i32 to index
    %get3A_93 = arith.constant 0 : index
    %get3A_94 = tpu.vector_load %arg12[%get3A_92, %get3A_93] {strides = array<i32>} : memref<16x16xi32, #tpu.memory_space<vmem>>, vector<16xi32>,
    %gt3A_95 = arith.constant 6 : i32
    %gt3A_96 = arith.cmpi sgt, %arg1, %gt3A_95 : i32
    %jit3A_97 = arith.constant 1 : i32
    %jit3A_98 = arith.constant 0 : i32
    %select_n3A_99 = arith.select %gt3A_96, %jit3A_97, %jit3A_98 : i32
    %mul3A_100 = vector.broadcast %select_n3A_99 : i32 to vector<16xi32>
    %mul3A_101 = arith.muli %get3A_94, %mul3A_100 : vector<16xi32>
    %add3A_102 = arith.addi %add3A_89, %mul3A_101 : vector<16xi32>
    %add3A_103 = arith.addi %add3A_90, %get3A_94 : vector<16xi32>
    %get3A_104 = arith.constant 7 : i32
    %get3A_105 = arith.index_cast %get3A_104 : i32 to index
    %get3A_106 = arith.constant 0 : index
    %get3A_107 = tpu.vector_load %arg12[%get3A_105, %get3A_106] {strides = array<i32>} : memref<16x16xi32, #tpu.memory_space<vmem>>, vector<16xi32>,
    %gt3A_108 = arith.constant 7 : i32
    %gt3A_109 = arith.cmpi sgt, %arg1, %gt3A_108 : i32
    %jit3A_110 = arith.constant 1 : i32
    %jit3A_111 = arith.constant 0 : i32
    %select_n3A_112 = arith.select %gt3A_109, %jit3A_110, %jit3A_111 : i32
    %mul3A_113 = vector.broadcast %select_n3A_112 : i32 to vector<16xi32>
    %mul3A_114 = arith.muli %get3A_107, %mul3A_113 : vector<16xi32>
    %add3A_115 = arith.addi %add3A_102, %mul3A_114 : vector<16xi32>
    %add3A_116 = arith.addi %add3A_103, %get3A_107 : vector<16xi32>
    %get3A_117 = arith.constant 8 : i32
    %get3A_118 = arith.index_cast %get3A_117 : i32 to index
    %get3A_119 = arith.constant 0 : index
    %get3A_120 = tpu.vector_load %arg12[%get3A_118, %get3A_119] {strides = array<i32>} : memref<16x16xi32, #tpu.memory_space<vmem>>, vector<16xi32>,
    %gt3A_121 = arith.constant 8 : i32
    %gt3A_122 = arith.cmpi sgt, %arg1, %gt3A_121 : i32
    %jit3A_123 = arith.constant 1 : i32
    %jit3A_124 = arith.constant 0 : i32
    %select_n3A_125 = arith.select %gt3A_122, %jit3A_123, %jit3A_124 : i32
    %mul3A_126 = vector.broadcast %select_n3A_125 : i32 to vector<16xi32>
    %mul3A_127 = arith.muli %get3A_120, %mul3A_126 : vector<16xi32>
    %add3A_128 = arith.addi %add3A_115, %mul3A_127 : vector<16xi32>
    %add3A_129 = arith.addi %add3A_116, %get3A_120 : vector<16xi32>
    %get3A_130 = arith.constant 9 : i32
    %get3A_131 = arith.index_cast %get3A_130 : i32 to index
    %get3A_132 = arith.constant 0 : index
    %get3A_133 = tpu.vector_load %arg12[%get3A_131, %get3A_132] {strides = array<i32>} : memref<16x16xi32, #tpu.memory_space<vmem>>, vector<16xi32>,
    %gt3A_134 = arith.constant 9 : i32
    %gt3A_135 = arith.cmpi sgt, %arg1, %gt3A_134 : i32
    %jit3A_136 = arith.constant 1 : i32
    %jit3A_137 = arith.constant 0 : i32
    %select_n3A_138 = arith.select %gt3A_135, %jit3A_136, %jit3A_137 : i32
    %mul3A_139 = vector.broadcast %select_n3A_138 : i32 to vector<16xi32>
    %mul3A_140 = arith.muli %get3A_133, %mul3A_139 : vector<16xi32>
    %add3A_141 = arith.addi %add3A_128, %mul3A_140 : vector<16xi32>
    %add3A_142 = arith.addi %add3A_129, %get3A_133 : vector<16xi32>
    %get3A_143 = arith.constant 10 : i32
    %get3A_144 = arith.index_cast %get3A_143 : i32 to index
    %get3A_145 = arith.constant 0 : index
    %get3A_146 = tpu.vector_load %arg12[%get3A_144, %get3A_145] {strides = array<i32>} : memref<16x16xi32, #tpu.memory_space<vmem>>, vector<16xi32>,
    %gt3A_147 = arith.constant 10 : i32
    %gt3A_148 = arith.cmpi sgt, %arg1, %gt3A_147 : i32
    %jit3A_149 = arith.constant 1 : i32
    %jit3A_150 = arith.constant 0 : i32
    %select_n3A_151 = arith.select %gt3A_148, %jit3A_149, %jit3A_150 : i32
    %mul3A_152 = vector.broadcast %select_n3A_151 : i32 to vector<16xi32>
    %mul3A_153 = arith.muli %get3A_146, %mul3A_152 : vector<16xi32>
    %add3A_154 = arith.addi %add3A_141, %mul3A_153 : vector<16xi32>
    %add3A_155 = arith.addi %add3A_142, %get3A_146 : vector<16xi32>
    %get3A_156 = arith.constant 11 : i32
    %get3A_157 = arith.index_cast %get3A_156 : i32 to index
    %get3A_158 = arith.constant 0 : index
    %get3A_159 = tpu.vector_load %arg12[%get3A_157, %get3A_158] {strides = array<i32>} : memref<16x16xi32, #tpu.memory_space<vmem>>, vector<16xi32>,
    %gt3A_160 = arith.constant 11 : i32
    %gt3A_161 = arith.cmpi sgt, %arg1, %gt3A_160 : i32
    %jit3A_162 = arith.constant 1 : i32
    %jit3A_163 = arith.constant 0 : i32
    %select_n3A_164 = arith.select %gt3A_161, %jit3A_162, %jit3A_163 : i32
    %mul3A_165 = vector.broadcast %select_n3A_164 : i32 to vector<16xi32>
    %mul3A_166 = arith.muli %get3A_159, %mul3A_165 : vector<16xi32>
    %add3A_167 = arith.addi %add3A_154, %mul3A_166 : vector<16xi32>
    %add3A_168 = arith.addi %add3A_155, %get3A_159 : vector<16xi32>
    %get3A_169 = arith.constant 12 : i32
    %get3A_170 = arith.index_cast %get3A_169 : i32 to index
    %get3A_171 = arith.constant 0 : index
    %get3A_172 = tpu.vector_load %arg12[%get3A_170, %get3A_171] {strides = array<i32>} : memref<16x16xi32, #tpu.memory_space<vmem>>, vector<16xi32>,
    %gt3A_173 = arith.constant 12 : i32
    %gt3A_174 = arith.cmpi sgt, %arg1, %gt3A_173 : i32
    %jit3A_175 = arith.constant 1 : i32
    %jit3A_176 = arith.constant 0 : i32
    %select_n3A_177 = arith.select %gt3A_174, %jit3A_175, %jit3A_176 : i32
    %mul3A_178 = vector.broadcast %select_n3A_177 : i32 to vector<16xi32>
    %mul3A_179 = arith.muli %get3A_172, %mul3A_178 : vector<16xi32>
    %add3A_180 = arith.addi %add3A_167, %mul3A_179 : vector<16xi32>
    %add3A_181 = arith.addi %add3A_168, %get3A_172 : vector<16xi32>
    %get3A_182 = arith.constant 13 : i32
    %get3A_183 = arith.index_cast %get3A_182 : i32 to index
    %get3A_184 = arith.constant 0 : index
    %get3A_185 = tpu.vector_load %arg12[%get3A_183, %get3A_184] {strides = array<i32>} : memref<16x16xi32, #tpu.memory_space<vmem>>, vector<16xi32>,
    %gt3A_186 = arith.constant 13 : i32
    %gt3A_187 = arith.cmpi sgt, %arg1, %gt3A_186 : i32
    %jit3A_188 = arith.constant 1 : i32
    %jit3A_189 = arith.constant 0 : i32
    %select_n3A_190 = arith.select %gt3A_187, %jit3A_188, %jit3A_189 : i32
    %mul3A_191 = vector.broadcast %select_n3A_190 : i32 to vector<16xi32>
    %mul3A_192 = arith.muli %get3A_185, %mul3A_191 : vector<16xi32>
    %add3A_193 = arith.addi %add3A_180, %mul3A_192 : vector<16xi32>
    %add3A_194 = arith.addi %add3A_181, %get3A_185 : vector<16xi32>
    %get3A_195 = arith.constant 14 : i32
    %get3A_196 = arith.index_cast %get3A_195 : i32 to index
    %get3A_197 = arith.constant 0 : index
    %get3A_198 = tpu.vector_load %arg12[%get3A_196, %get3A_197] {strides = array<i32>} : memref<16x16xi32, #tpu.memory_space<vmem>>, vector<16xi32>,
    %gt3A_199 = arith.constant 14 : i32
    %gt3A_200 = arith.cmpi sgt, %arg1, %gt3A_199 : i32
    %jit3A_201 = arith.constant 1 : i32
    %jit3A_202 = arith.constant 0 : i32
    %select_n3A_203 = arith.select %gt3A_200, %jit3A_201, %jit3A_202 : i32
    %mul3A_204 = vector.broadcast %select_n3A_203 : i32 to vector<16xi32>
    %mul3A_205 = arith.muli %get3A_198, %mul3A_204 : vector<16xi32>
    %add3A_206 = arith.addi %add3A_193, %mul3A_205 : vector<16xi32>
    %add3A_207 = arith.addi %add3A_194, %get3A_198 : vector<16xi32>
    %get3A_208 = arith.constant 15 : i32
    %get3A_209 = arith.index_cast %get3A_208 : i32 to index
    %get3A_210 = arith.constant 0 : index
    %get3A_211 = tpu.vector_load %arg12[%get3A_209, %get3A_210] {strides = array<i32>} : memref<16x16xi32, #tpu.memory_space<vmem>>, vector<16xi32>,
    %gt3A_212 = arith.constant 15 : i32
    %gt3A_213 = arith.cmpi sgt, %arg1, %gt3A_212 : i32
    %jit3A_214 = arith.constant 1 : i32
    %jit3A_215 = arith.constant 0 : i32
    %select_n3A_216 = arith.select %gt3A_213, %jit3A_214, %jit3A_215 : i32
    %mul3A_217 = vector.broadcast %select_n3A_216 : i32 to vector<16xi32>
    %mul3A_218 = arith.muli %get3A_211, %mul3A_217 : vector<16xi32>
    %add3A_219 = arith.addi %add3A_206, %mul3A_218 : vector<16xi32>
    %add3A_220 = arith.addi %add3A_207, %get3A_211 : vector<16xi32>
    %add3A_221 = arith.constant 63 : i32
    %add3A_222 = vector.broadcast %add3A_221 : i32 to vector<16xi32>
    %add3A_223 = arith.addi %add3A_220, %add3A_222 : vector<16xi32>
    %shift_right_arithmetic3A = arith.constant 6 : i32
    %shift_right_arithmetic3A_224 = vector.broadcast %shift_right_arithmetic3A : i32 to vector<16xi32>
    %shift_right_arithmetic3A_225 = arith.shrsi %add3A_223, %shift_right_arithmetic3A_224 : vector<16xi32>
    %broadcast_in_dim3A_226 = arith.constant true
    %broadcast_in_dim3A_227 = vector.broadcast %broadcast_in_dim3A_226 : i1 to vector<16xi1>
    %masked_cumsum3A = tpu.scan <sum>, %shift_right_arithmetic3A_225 masked %broadcast_in_dim3A_227 : vector<16xi32>, vector<16xi1> -> vector<16xi32>
    %sub3A = arith.subi %masked_cumsum3A, %shift_right_arithmetic3A_225 : vector<16xi32>
    %shift_left3A = arith.constant 6 : i32
    %shift_left3A_228 = vector.broadcast %shift_left3A : i32 to vector<16xi32>
    %shift_left3A_229 = arith.shli %sub3A, %shift_left3A_228 : vector<16xi32>
    %add3A_230 = arith.addi %shift_left3A_229, %add3A_219 : vector<16xi32>
    %swap3A_231 = arith.constant 0 : index
    %swap3A_232 = tpu.vector_load %arg11[%swap3A_231] {strides = array<i32>} : memref<16xi32, #tpu.memory_space<vmem>>, vector<16xi32>,
    tpu.vector_store %arg11[%swap3A_231], %add3A_230 {strides = array<i32>} : memref<16xi32, #tpu.memory_space<vmem>>, vector<16xi32>,
    %scan3A_233 = arith.constant 0 : i32
    %scan3A_234 = arith.constant 0 : i32
    %scan3A_235 = arith.constant 16 : i32
    %scan3A_236 = arith.addi %scan3A_234, %scan3A_235 : i32
    %scan3A_237 = arith.constant 1 : i32
    %scan3A_238 = scf.for %scan3A_448 = %scan3A_234 to %scan3A_236 step %scan3A_237 iter_args(%scan3A_449 = %scan3A_233) -> (i32)  : i32 {
      %mul3A_450 = arith.constant 16 : i32
      %mul3A_451 = arith.muli %scan3A_448, %mul3A_450 : i32
      %get3A_452 = arith.index_cast %mul3A_451 : i32 to index
      %get3A_453 = tpu.vector_load %arg8[%get3A_452] {strides = array<i32>} : memref<256xi32, #tpu.memory_space<vmem>>, vector<16xi32>,
      %mul3A_454 = arith.constant 16 : i32
      %mul3A_455 = arith.muli %scan3A_448, %mul3A_454 : i32
      %get3A_456 = arith.index_cast %mul3A_455 : i32 to index
      %get3A_457 = tpu.vector_load %arg9[%get3A_456] {strides = array<i32>} : memref<256xi32, #tpu.memory_space<vmem>>, vector<16xi32>,
      %broadcast_in_dim3A_458 = arith.constant 0 : i32
      %broadcast_in_dim3A_459 = vector.broadcast %broadcast_in_dim3A_458 : i32 to vector<16xi32>
      %sub3A_460 = arith.constant 1 : i32
      %sub3A_461 = vector.broadcast %sub3A_460 : i32 to vector<16xi32>
      %sub3A_462 = arith.subi %iota3A, %sub3A_461 : vector<16xi32>
      %max3A = arith.constant 0 : i32
      %max3A_463 = vector.broadcast %max3A : i32 to vector<16xi32>
      %max3A_464 = arith.maxsi %sub3A_462, %max3A_463 : vector<16xi32>
      %broadcast_in_dim3A_465 = vector.shape_cast %max3A_464 : vector<16xi32> to vector<16x1xi32>
      %gather3A = vector.shape_cast %broadcast_in_dim3A_465 : vector<16x1xi32> to vector<16xi32>
      %gather3A_466 = tpu.dynamic_gather %get3A_453[%gather3A] in [0] : vector<16xi32>, vector<16xi32> -> vector<16xi32>
      %ge3A = arith.constant 1 : i32
      %ge3A_467 = vector.broadcast %ge3A : i32 to vector<16xi32>
      %ge3A_468 = arith.cmpi sge, %iota3A, %ge3A_467 : vector<16xi32>
      %eq3A_469 = arith.cmpi eq, %gather3A_466, %get3A_453 : vector<16xi32>
      %and3A = arith.andi %ge3A_468, %eq3A_469 : vector<16xi1>
      %jit3A_470 = arith.constant 1 : i32
      %jit3A_471 = arith.constant 0 : i32
      %broadcast_in_dim3A_472 = vector.broadcast %jit3A_470 : i32 to vector<16xi32>
      %broadcast_in_dim3A_473 = vector.broadcast %jit3A_471 : i32 to vector<16xi32>
      %select_n3A_474 = arith.select %and3A, %broadcast_in_dim3A_472, %broadcast_in_dim3A_473 : vector<16xi1>, vector<16xi32>
      %add3A_475 = arith.addi %broadcast_in_dim3A_459, %select_n3A_474 : vector<16xi32>
      %sub3A_476 = arith.constant 2 : i32
      %sub3A_477 = vector.broadcast %sub3A_476 : i32 to vector<16xi32>
      %sub3A_478 = arith.subi %iota3A, %sub3A_477 : vector<16xi32>
      %max3A_479 = arith.constant 0 : i32
      %max3A_480 = vector.broadcast %max3A_479 : i32 to vector<16xi32>
      %max3A_481 = arith.maxsi %sub3A_478, %max3A_480 : vector<16xi32>
      %broadcast_in_dim3A_482 = vector.shape_cast %max3A_481 : vector<16xi32> to vector<16x1xi32>
      %gather3A_483 = vector.shape_cast %broadcast_in_dim3A_482 : vector<16x1xi32> to vector<16xi32>
      %gather3A_484 = tpu.dynamic_gather %get3A_453[%gather3A_483] in [0] : vector<16xi32>, vector<16xi32> -> vector<16xi32>
      %ge3A_485 = arith.constant 2 : i32
      %ge3A_486 = vector.broadcast %ge3A_485 : i32 to vector<16xi32>
      %ge3A_487 = arith.cmpi sge, %iota3A, %ge3A_486 : vector<16xi32>
      %eq3A_488 = arith.cmpi eq, %gather3A_484, %get3A_453 : vector<16xi32>
      %and3A_489 = arith.andi %ge3A_487, %eq3A_488 : vector<16xi1>
      %jit3A_490 = arith.constant 1 : i32
      %jit3A_491 = arith.constant 0 : i32
      %broadcast_in_dim3A_492 = vector.broadcast %jit3A_490 : i32 to vector<16xi32>
      %broadcast_in_dim3A_493 = vector.broadcast %jit3A_491 : i32 to vector<16xi32>
      %select_n3A_494 = arith.select %and3A_489, %broadcast_in_dim3A_492, %broadcast_in_dim3A_493 : vector<16xi1>, vector<16xi32>
      %add3A_495 = arith.addi %add3A_475, %select_n3A_494 : vector<16xi32>
      %sub3A_496 = arith.constant 3 : i32
      %sub3A_497 = vector.broadcast %sub3A_496 : i32 to vector<16xi32>
      %sub3A_498 = arith.subi %iota3A, %sub3A_497 : vector<16xi32>
      %max3A_499 = arith.constant 0 : i32
      %max3A_500 = vector.broadcast %max3A_499 : i32 to vector<16xi32>
      %max3A_501 = arith.maxsi %sub3A_498, %max3A_500 : vector<16xi32>
      %broadcast_in_dim3A_502 = vector.shape_cast %max3A_501 : vector<16xi32> to vector<16x1xi32>
      %gather3A_503 = vector.shape_cast %broadcast_in_dim3A_502 : vector<16x1xi32> to vector<16xi32>
      %gather3A_504 = tpu.dynamic_gather %get3A_453[%gather3A_503] in [0] : vector<16xi32>, vector<16xi32> -> vector<16xi32>
      %ge3A_505 = arith.constant 3 : i32
      %ge3A_506 = vector.broadcast %ge3A_505 : i32 to vector<16xi32>
      %ge3A_507 = arith.cmpi sge, %iota3A, %ge3A_506 : vector<16xi32>
      %eq3A_508 = arith.cmpi eq, %gather3A_504, %get3A_453 : vector<16xi32>
      %and3A_509 = arith.andi %ge3A_507, %eq3A_508 : vector<16xi1>
      %jit3A_510 = arith.constant 1 : i32
      %jit3A_511 = arith.constant 0 : i32
      %broadcast_in_dim3A_512 = vector.broadcast %jit3A_510 : i32 to vector<16xi32>
      %broadcast_in_dim3A_513 = vector.broadcast %jit3A_511 : i32 to vector<16xi32>
      %select_n3A_514 = arith.select %and3A_509, %broadcast_in_dim3A_512, %broadcast_in_dim3A_513 : vector<16xi1>, vector<16xi32>
      %add3A_515 = arith.addi %add3A_495, %select_n3A_514 : vector<16xi32>
      %sub3A_516 = arith.constant 4 : i32
      %sub3A_517 = vector.broadcast %sub3A_516 : i32 to vector<16xi32>
      %sub3A_518 = arith.subi %iota3A, %sub3A_517 : vector<16xi32>
      %max3A_519 = arith.constant 0 : i32
      %max3A_520 = vector.broadcast %max3A_519 : i32 to vector<16xi32>
      %max3A_521 = arith.maxsi %sub3A_518, %max3A_520 : vector<16xi32>
      %broadcast_in_dim3A_522 = vector.shape_cast %max3A_521 : vector<16xi32> to vector<16x1xi32>
      %gather3A_523 = vector.shape_cast %broadcast_in_dim3A_522 : vector<16x1xi32> to vector<16xi32>
      %gather3A_524 = tpu.dynamic_gather %get3A_453[%gather3A_523] in [0] : vector<16xi32>, vector<16xi32> -> vector<16xi32>
      %ge3A_525 = arith.constant 4 : i32
      %ge3A_526 = vector.broadcast %ge3A_525 : i32 to vector<16xi32>
      %ge3A_527 = arith.cmpi sge, %iota3A, %ge3A_526 : vector<16xi32>
      %eq3A_528 = arith.cmpi eq, %gather3A_524, %get3A_453 : vector<16xi32>
      %and3A_529 = arith.andi %ge3A_527, %eq3A_528 : vector<16xi1>
      %jit3A_530 = arith.constant 1 : i32
      %jit3A_531 = arith.constant 0 : i32
      %broadcast_in_dim3A_532 = vector.broadcast %jit3A_530 : i32 to vector<16xi32>
      %broadcast_in_dim3A_533 = vector.broadcast %jit3A_531 : i32 to vector<16xi32>
      %select_n3A_534 = arith.select %and3A_529, %broadcast_in_dim3A_532, %broadcast_in_dim3A_533 : vector<16xi1>, vector<16xi32>
      %add3A_535 = arith.addi %add3A_515, %select_n3A_534 : vector<16xi32>
      %sub3A_536 = arith.constant 5 : i32
      %sub3A_537 = vector.broadcast %sub3A_536 : i32 to vector<16xi32>
      %sub3A_538 = arith.subi %iota3A, %sub3A_537 : vector<16xi32>
      %max3A_539 = arith.constant 0 : i32
      %max3A_540 = vector.broadcast %max3A_539 : i32 to vector<16xi32>
      %max3A_541 = arith.maxsi %sub3A_538, %max3A_540 : vector<16xi32>
      %broadcast_in_dim3A_542 = vector.shape_cast %max3A_541 : vector<16xi32> to vector<16x1xi32>
      %gather3A_543 = vector.shape_cast %broadcast_in_dim3A_542 : vector<16x1xi32> to vector<16xi32>
      %gather3A_544 = tpu.dynamic_gather %get3A_453[%gather3A_543] in [0] : vector<16xi32>, vector<16xi32> -> vector<16xi32>
      %ge3A_545 = arith.constant 5 : i32
      %ge3A_546 = vector.broadcast %ge3A_545 : i32 to vector<16xi32>
      %ge3A_547 = arith.cmpi sge, %iota3A, %ge3A_546 : vector<16xi32>
      %eq3A_548 = arith.cmpi eq, %gather3A_544, %get3A_453 : vector<16xi32>
      %and3A_549 = arith.andi %ge3A_547, %eq3A_548 : vector<16xi1>
      %jit3A_550 = arith.constant 1 : i32
      %jit3A_551 = arith.constant 0 : i32
      %broadcast_in_dim3A_552 = vector.broadcast %jit3A_550 : i32 to vector<16xi32>
      %broadcast_in_dim3A_553 = vector.broadcast %jit3A_551 : i32 to vector<16xi32>
      %select_n3A_554 = arith.select %and3A_549, %broadcast_in_dim3A_552, %broadcast_in_dim3A_553 : vector<16xi1>, vector<16xi32>
      %add3A_555 = arith.addi %add3A_535, %select_n3A_554 : vector<16xi32>
      %sub3A_556 = arith.constant 6 : i32
      %sub3A_557 = vector.broadcast %sub3A_556 : i32 to vector<16xi32>
      %sub3A_558 = arith.subi %iota3A, %sub3A_557 : vector<16xi32>
      %max3A_559 = arith.constant 0 : i32
      %max3A_560 = vector.broadcast %max3A_559 : i32 to vector<16xi32>
      %max3A_561 = arith.maxsi %sub3A_558, %max3A_560 : vector<16xi32>
      %broadcast_in_dim3A_562 = vector.shape_cast %max3A_561 : vector<16xi32> to vector<16x1xi32>
      %gather3A_563 = vector.shape_cast %broadcast_in_dim3A_562 : vector<16x1xi32> to vector<16xi32>
      %gather3A_564 = tpu.dynamic_gather %get3A_453[%gather3A_563] in [0] : vector<16xi32>, vector<16xi32> -> vector<16xi32>
      %ge3A_565 = arith.constant 6 : i32
      %ge3A_566 = vector.broadcast %ge3A_565 : i32 to vector<16xi32>
      %ge3A_567 = arith.cmpi sge, %iota3A, %ge3A_566 : vector<16xi32>
      %eq3A_568 = arith.cmpi eq, %gather3A_564, %get3A_453 : vector<16xi32>
      %and3A_569 = arith.andi %ge3A_567, %eq3A_568 : vector<16xi1>
      %jit3A_570 = arith.constant 1 : i32
      %jit3A_571 = arith.constant 0 : i32
      %broadcast_in_dim3A_572 = vector.broadcast %jit3A_570 : i32 to vector<16xi32>
      %broadcast_in_dim3A_573 = vector.broadcast %jit3A_571 : i32 to vector<16xi32>
      %select_n3A_574 = arith.select %and3A_569, %broadcast_in_dim3A_572, %broadcast_in_dim3A_573 : vector<16xi1>, vector<16xi32>
      %add3A_575 = arith.addi %add3A_555, %select_n3A_574 : vector<16xi32>
      %sub3A_576 = arith.constant 7 : i32
      %sub3A_577 = vector.broadcast %sub3A_576 : i32 to vector<16xi32>
      %sub3A_578 = arith.subi %iota3A, %sub3A_577 : vector<16xi32>
      %max3A_579 = arith.constant 0 : i32
      %max3A_580 = vector.broadcast %max3A_579 : i32 to vector<16xi32>
      %max3A_581 = arith.maxsi %sub3A_578, %max3A_580 : vector<16xi32>
      %broadcast_in_dim3A_582 = vector.shape_cast %max3A_581 : vector<16xi32> to vector<16x1xi32>
      %gather3A_583 = vector.shape_cast %broadcast_in_dim3A_582 : vector<16x1xi32> to vector<16xi32>
      %gather3A_584 = tpu.dynamic_gather %get3A_453[%gather3A_583] in [0] : vector<16xi32>, vector<16xi32> -> vector<16xi32>
      %ge3A_585 = arith.constant 7 : i32
      %ge3A_586 = vector.broadcast %ge3A_585 : i32 to vector<16xi32>
      %ge3A_587 = arith.cmpi sge, %iota3A, %ge3A_586 : vector<16xi32>
      %eq3A_588 = arith.cmpi eq, %gather3A_584, %get3A_453 : vector<16xi32>
      %and3A_589 = arith.andi %ge3A_587, %eq3A_588 : vector<16xi1>
      %jit3A_590 = arith.constant 1 : i32
      %jit3A_591 = arith.constant 0 : i32
      %broadcast_in_dim3A_592 = vector.broadcast %jit3A_590 : i32 to vector<16xi32>
      %broadcast_in_dim3A_593 = vector.broadcast %jit3A_591 : i32 to vector<16xi32>
      %select_n3A_594 = arith.select %and3A_589, %broadcast_in_dim3A_592, %broadcast_in_dim3A_593 : vector<16xi1>, vector<16xi32>
      %add3A_595 = arith.addi %add3A_575, %select_n3A_594 : vector<16xi32>
      %sub3A_596 = arith.constant 8 : i32
      %sub3A_597 = vector.broadcast %sub3A_596 : i32 to vector<16xi32>
      %sub3A_598 = arith.subi %iota3A, %sub3A_597 : vector<16xi32>
      %max3A_599 = arith.constant 0 : i32
      %max3A_600 = vector.broadcast %max3A_599 : i32 to vector<16xi32>
      %max3A_601 = arith.maxsi %sub3A_598, %max3A_600 : vector<16xi32>
      %broadcast_in_dim3A_602 = vector.shape_cast %max3A_601 : vector<16xi32> to vector<16x1xi32>
      %gather3A_603 = vector.shape_cast %broadcast_in_dim3A_602 : vector<16x1xi32> to vector<16xi32>
      %gather3A_604 = tpu.dynamic_gather %get3A_453[%gather3A_603] in [0] : vector<16xi32>, vector<16xi32> -> vector<16xi32>
      %ge3A_605 = arith.constant 8 : i32
      %ge3A_606 = vector.broadcast %ge3A_605 : i32 to vector<16xi32>
      %ge3A_607 = arith.cmpi sge, %iota3A, %ge3A_606 : vector<16xi32>
      %eq3A_608 = arith.cmpi eq, %gather3A_604, %get3A_453 : vector<16xi32>
      %and3A_609 = arith.andi %ge3A_607, %eq3A_608 : vector<16xi1>
      %jit3A_610 = arith.constant 1 : i32
      %jit3A_611 = arith.constant 0 : i32
      %broadcast_in_dim3A_612 = vector.broadcast %jit3A_610 : i32 to vector<16xi32>
      %broadcast_in_dim3A_613 = vector.broadcast %jit3A_611 : i32 to vector<16xi32>
      %select_n3A_614 = arith.select %and3A_609, %broadcast_in_dim3A_612, %broadcast_in_dim3A_613 : vector<16xi1>, vector<16xi32>
      %add3A_615 = arith.addi %add3A_595, %select_n3A_614 : vector<16xi32>
      %sub3A_616 = arith.constant 9 : i32
      %sub3A_617 = vector.broadcast %sub3A_616 : i32 to vector<16xi32>
      %sub3A_618 = arith.subi %iota3A, %sub3A_617 : vector<16xi32>
      %max3A_619 = arith.constant 0 : i32
      %max3A_620 = vector.broadcast %max3A_619 : i32 to vector<16xi32>
      %max3A_621 = arith.maxsi %sub3A_618, %max3A_620 : vector<16xi32>
      %broadcast_in_dim3A_622 = vector.shape_cast %max3A_621 : vector<16xi32> to vector<16x1xi32>
      %gather3A_623 = vector.shape_cast %broadcast_in_dim3A_622 : vector<16x1xi32> to vector<16xi32>
      %gather3A_624 = tpu.dynamic_gather %get3A_453[%gather3A_623] in [0] : vector<16xi32>, vector<16xi32> -> vector<16xi32>
      %ge3A_625 = arith.constant 9 : i32
      %ge3A_626 = vector.broadcast %ge3A_625 : i32 to vector<16xi32>
      %ge3A_627 = arith.cmpi sge, %iota3A, %ge3A_626 : vector<16xi32>
      %eq3A_628 = arith.cmpi eq, %gather3A_624, %get3A_453 : vector<16xi32>
      %and3A_629 = arith.andi %ge3A_627, %eq3A_628 : vector<16xi1>
      %jit3A_630 = arith.constant 1 : i32
      %jit3A_631 = arith.constant 0 : i32
      %broadcast_in_dim3A_632 = vector.broadcast %jit3A_630 : i32 to vector<16xi32>
      %broadcast_in_dim3A_633 = vector.broadcast %jit3A_631 : i32 to vector<16xi32>
      %select_n3A_634 = arith.select %and3A_629, %broadcast_in_dim3A_632, %broadcast_in_dim3A_633 : vector<16xi1>, vector<16xi32>
      %add3A_635 = arith.addi %add3A_615, %select_n3A_634 : vector<16xi32>
      %sub3A_636 = arith.constant 10 : i32
      %sub3A_637 = vector.broadcast %sub3A_636 : i32 to vector<16xi32>
      %sub3A_638 = arith.subi %iota3A, %sub3A_637 : vector<16xi32>
      %max3A_639 = arith.constant 0 : i32
      %max3A_640 = vector.broadcast %max3A_639 : i32 to vector<16xi32>
      %max3A_641 = arith.maxsi %sub3A_638, %max3A_640 : vector<16xi32>
      %broadcast_in_dim3A_642 = vector.shape_cast %max3A_641 : vector<16xi32> to vector<16x1xi32>
      %gather3A_643 = vector.shape_cast %broadcast_in_dim3A_642 : vector<16x1xi32> to vector<16xi32>
      %gather3A_644 = tpu.dynamic_gather %get3A_453[%gather3A_643] in [0] : vector<16xi32>, vector<16xi32> -> vector<16xi32>
      %ge3A_645 = arith.constant 10 : i32
      %ge3A_646 = vector.broadcast %ge3A_645 : i32 to vector<16xi32>
      %ge3A_647 = arith.cmpi sge, %iota3A, %ge3A_646 : vector<16xi32>
      %eq3A_648 = arith.cmpi eq, %gather3A_644, %get3A_453 : vector<16xi32>
      %and3A_649 = arith.andi %ge3A_647, %eq3A_648 : vector<16xi1>
      %jit3A_650 = arith.constant 1 : i32
      %jit3A_651 = arith.constant 0 : i32
      %broadcast_in_dim3A_652 = vector.broadcast %jit3A_650 : i32 to vector<16xi32>
      %broadcast_in_dim3A_653 = vector.broadcast %jit3A_651 : i32 to vector<16xi32>
      %select_n3A_654 = arith.select %and3A_649, %broadcast_in_dim3A_652, %broadcast_in_dim3A_653 : vector<16xi1>, vector<16xi32>
      %add3A_655 = arith.addi %add3A_635, %select_n3A_654 : vector<16xi32>
      %sub3A_656 = arith.constant 11 : i32
      %sub3A_657 = vector.broadcast %sub3A_656 : i32 to vector<16xi32>
      %sub3A_658 = arith.subi %iota3A, %sub3A_657 : vector<16xi32>
      %max3A_659 = arith.constant 0 : i32
      %max3A_660 = vector.broadcast %max3A_659 : i32 to vector<16xi32>
      %max3A_661 = arith.maxsi %sub3A_658, %max3A_660 : vector<16xi32>
      %broadcast_in_dim3A_662 = vector.shape_cast %max3A_661 : vector<16xi32> to vector<16x1xi32>
      %gather3A_663 = vector.shape_cast %broadcast_in_dim3A_662 : vector<16x1xi32> to vector<16xi32>
      %gather3A_664 = tpu.dynamic_gather %get3A_453[%gather3A_663] in [0] : vector<16xi32>, vector<16xi32> -> vector<16xi32>
      %ge3A_665 = arith.constant 11 : i32
      %ge3A_666 = vector.broadcast %ge3A_665 : i32 to vector<16xi32>
      %ge3A_667 = arith.cmpi sge, %iota3A, %ge3A_666 : vector<16xi32>
      %eq3A_668 = arith.cmpi eq, %gather3A_664, %get3A_453 : vector<16xi32>
      %and3A_669 = arith.andi %ge3A_667, %eq3A_668 : vector<16xi1>
      %jit3A_670 = arith.constant 1 : i32
      %jit3A_671 = arith.constant 0 : i32
      %broadcast_in_dim3A_672 = vector.broadcast %jit3A_670 : i32 to vector<16xi32>
      %broadcast_in_dim3A_673 = vector.broadcast %jit3A_671 : i32 to vector<16xi32>
      %select_n3A_674 = arith.select %and3A_669, %broadcast_in_dim3A_672, %broadcast_in_dim3A_673 : vector<16xi1>, vector<16xi32>
      %add3A_675 = arith.addi %add3A_655, %select_n3A_674 : vector<16xi32>
      %sub3A_676 = arith.constant 12 : i32
      %sub3A_677 = vector.broadcast %sub3A_676 : i32 to vector<16xi32>
      %sub3A_678 = arith.subi %iota3A, %sub3A_677 : vector<16xi32>
      %max3A_679 = arith.constant 0 : i32
      %max3A_680 = vector.broadcast %max3A_679 : i32 to vector<16xi32>
      %max3A_681 = arith.maxsi %sub3A_678, %max3A_680 : vector<16xi32>
      %broadcast_in_dim3A_682 = vector.shape_cast %max3A_681 : vector<16xi32> to vector<16x1xi32>
      %gather3A_683 = vector.shape_cast %broadcast_in_dim3A_682 : vector<16x1xi32> to vector<16xi32>
      %gather3A_684 = tpu.dynamic_gather %get3A_453[%gather3A_683] in [0] : vector<16xi32>, vector<16xi32> -> vector<16xi32>
      %ge3A_685 = arith.constant 12 : i32
      %ge3A_686 = vector.broadcast %ge3A_685 : i32 to vector<16xi32>
      %ge3A_687 = arith.cmpi sge, %iota3A, %ge3A_686 : vector<16xi32>
      %eq3A_688 = arith.cmpi eq, %gather3A_684, %get3A_453 : vector<16xi32>
      %and3A_689 = arith.andi %ge3A_687, %eq3A_688 : vector<16xi1>
      %jit3A_690 = arith.constant 1 : i32
      %jit3A_691 = arith.constant 0 : i32
      %broadcast_in_dim3A_692 = vector.broadcast %jit3A_690 : i32 to vector<16xi32>
      %broadcast_in_dim3A_693 = vector.broadcast %jit3A_691 : i32 to vector<16xi32>
      %select_n3A_694 = arith.select %and3A_689, %broadcast_in_dim3A_692, %broadcast_in_dim3A_693 : vector<16xi1>, vector<16xi32>
      %add3A_695 = arith.addi %add3A_675, %select_n3A_694 : vector<16xi32>
      %sub3A_696 = arith.constant 13 : i32
      %sub3A_697 = vector.broadcast %sub3A_696 : i32 to vector<16xi32>
      %sub3A_698 = arith.subi %iota3A, %sub3A_697 : vector<16xi32>
      %max3A_699 = arith.constant 0 : i32
      %max3A_700 = vector.broadcast %max3A_699 : i32 to vector<16xi32>
      %max3A_701 = arith.maxsi %sub3A_698, %max3A_700 : vector<16xi32>
      %broadcast_in_dim3A_702 = vector.shape_cast %max3A_701 : vector<16xi32> to vector<16x1xi32>
      %gather3A_703 = vector.shape_cast %broadcast_in_dim3A_702 : vector<16x1xi32> to vector<16xi32>
      %gather3A_704 = tpu.dynamic_gather %get3A_453[%gather3A_703] in [0] : vector<16xi32>, vector<16xi32> -> vector<16xi32>
      %ge3A_705 = arith.constant 13 : i32
      %ge3A_706 = vector.broadcast %ge3A_705 : i32 to vector<16xi32>
      %ge3A_707 = arith.cmpi sge, %iota3A, %ge3A_706 : vector<16xi32>
      %eq3A_708 = arith.cmpi eq, %gather3A_704, %get3A_453 : vector<16xi32>
      %and3A_709 = arith.andi %ge3A_707, %eq3A_708 : vector<16xi1>
      %jit3A_710 = arith.constant 1 : i32
      %jit3A_711 = arith.constant 0 : i32
      %broadcast_in_dim3A_712 = vector.broadcast %jit3A_710 : i32 to vector<16xi32>
      %broadcast_in_dim3A_713 = vector.broadcast %jit3A_711 : i32 to vector<16xi32>
      %select_n3A_714 = arith.select %and3A_709, %broadcast_in_dim3A_712, %broadcast_in_dim3A_713 : vector<16xi1>, vector<16xi32>
      %add3A_715 = arith.addi %add3A_695, %select_n3A_714 : vector<16xi32>
      %sub3A_716 = arith.constant 14 : i32
      %sub3A_717 = vector.broadcast %sub3A_716 : i32 to vector<16xi32>
      %sub3A_718 = arith.subi %iota3A, %sub3A_717 : vector<16xi32>
      %max3A_719 = arith.constant 0 : i32
      %max3A_720 = vector.broadcast %max3A_719 : i32 to vector<16xi32>
      %max3A_721 = arith.maxsi %sub3A_718, %max3A_720 : vector<16xi32>
      %broadcast_in_dim3A_722 = vector.shape_cast %max3A_721 : vector<16xi32> to vector<16x1xi32>
      %gather3A_723 = vector.shape_cast %broadcast_in_dim3A_722 : vector<16x1xi32> to vector<16xi32>
      %gather3A_724 = tpu.dynamic_gather %get3A_453[%gather3A_723] in [0] : vector<16xi32>, vector<16xi32> -> vector<16xi32>
      %ge3A_725 = arith.constant 14 : i32
      %ge3A_726 = vector.broadcast %ge3A_725 : i32 to vector<16xi32>
      %ge3A_727 = arith.cmpi sge, %iota3A, %ge3A_726 : vector<16xi32>
      %eq3A_728 = arith.cmpi eq, %gather3A_724, %get3A_453 : vector<16xi32>
      %and3A_729 = arith.andi %ge3A_727, %eq3A_728 : vector<16xi1>
      %jit3A_730 = arith.constant 1 : i32
      %jit3A_731 = arith.constant 0 : i32
      %broadcast_in_dim3A_732 = vector.broadcast %jit3A_730 : i32 to vector<16xi32>
      %broadcast_in_dim3A_733 = vector.broadcast %jit3A_731 : i32 to vector<16xi32>
      %select_n3A_734 = arith.select %and3A_729, %broadcast_in_dim3A_732, %broadcast_in_dim3A_733 : vector<16xi1>, vector<16xi32>
      %add3A_735 = arith.addi %add3A_715, %select_n3A_734 : vector<16xi32>
      %sub3A_736 = arith.constant 15 : i32
      %sub3A_737 = vector.broadcast %sub3A_736 : i32 to vector<16xi32>
      %sub3A_738 = arith.subi %iota3A, %sub3A_737 : vector<16xi32>
      %max3A_739 = arith.constant 0 : i32
      %max3A_740 = vector.broadcast %max3A_739 : i32 to vector<16xi32>
      %max3A_741 = arith.maxsi %sub3A_738, %max3A_740 : vector<16xi32>
      %broadcast_in_dim3A_742 = vector.shape_cast %max3A_741 : vector<16xi32> to vector<16x1xi32>
      %gather3A_743 = vector.shape_cast %broadcast_in_dim3A_742 : vector<16x1xi32> to vector<16xi32>
      %gather3A_744 = tpu.dynamic_gather %get3A_453[%gather3A_743] in [0] : vector<16xi32>, vector<16xi32> -> vector<16xi32>
      %ge3A_745 = arith.constant 15 : i32
      %ge3A_746 = vector.broadcast %ge3A_745 : i32 to vector<16xi32>
      %ge3A_747 = arith.cmpi sge, %iota3A, %ge3A_746 : vector<16xi32>
      %eq3A_748 = arith.cmpi eq, %gather3A_744, %get3A_453 : vector<16xi32>
      %and3A_749 = arith.andi %ge3A_747, %eq3A_748 : vector<16xi1>
      %jit3A_750 = arith.constant 1 : i32
      %jit3A_751 = arith.constant 0 : i32
      %broadcast_in_dim3A_752 = vector.broadcast %jit3A_750 : i32 to vector<16xi32>
      %broadcast_in_dim3A_753 = vector.broadcast %jit3A_751 : i32 to vector<16xi32>
      %select_n3A_754 = arith.select %and3A_749, %broadcast_in_dim3A_752, %broadcast_in_dim3A_753 : vector<16xi1>, vector<16xi32>
      %add3A_755 = arith.addi %add3A_735, %select_n3A_754 : vector<16xi32>
      %get3A_756 = arith.constant 0 : index
      %get3A_757 = tpu.vector_load %arg11[%get3A_756] {strides = array<i32>} : memref<16xi32, #tpu.memory_space<vmem>>, vector<16xi32>,
      %broadcast_in_dim3A_758 = vector.shape_cast %get3A_453 : vector<16xi32> to vector<16x1xi32>
      %gather3A_759 = vector.shape_cast %broadcast_in_dim3A_758 : vector<16x1xi32> to vector<16xi32>
      %gather3A_760 = tpu.dynamic_gather %get3A_757[%gather3A_759] in [0] : vector<16xi32>, vector<16xi32> -> vector<16xi32>
      %add3A_761 = arith.addi %gather3A_760, %add3A_755 : vector<16xi32>
      tpu.vector_store_idx %arg11[%get3A_453], %broadcast_in_dim3A_1 {add = true} : memref<16xi32, #tpu.memory_space<vmem>>[vector<16xi32>], vector<16xi32>,
      %mul3A_762 = arith.constant 16 : i32
      %mul3A_763 = arith.muli %scan3A_448, %mul3A_762 : i32
      %swap3A_764 = arith.index_cast %mul3A_763 : i32 to index
      %swap3A_765 = tpu.vector_load %arg13[%swap3A_764] {strides = array<i32>} : memref<256xi32, #tpu.memory_space<vmem>>, vector<16xi32>,
      tpu.vector_store %arg13[%swap3A_764], %add3A_761 {strides = array<i32>} : memref<256xi32, #tpu.memory_space<vmem>>, vector<16xi32>,
      %mul3A_766 = arith.constant 16 : i32
      %mul3A_767 = arith.muli %scan3A_448, %mul3A_766 : i32
      %swap3A_768 = arith.index_cast %mul3A_767 : i32 to index
      %swap3A_769 = tpu.vector_load %arg14[%swap3A_768] {strides = array<i32>} : memref<256xi32, #tpu.memory_space<vmem>>, vector<16xi32>,
      tpu.vector_store %arg14[%swap3A_768], %add3A_761 {strides = array<i32>} : memref<256xi32, #tpu.memory_space<vmem>>, vector<16xi32>,
      %mul3A_770 = arith.constant 16 : i32
      %mul3A_771 = arith.muli %scan3A_448, %mul3A_770 : i32
      %add3A_772 = arith.addi %mul3A_0, %mul3A_771 : i32
      %add3A_773 = vector.broadcast %add3A_772 : i32 to vector<16xi32>
      %add3A_774 = arith.addi %add3A_773, %iota3A : vector<16xi32>
      %mul3A_775 = arith.constant 16 : i32
      %mul3A_776 = arith.muli %scan3A_448, %mul3A_775 : i32
      %swap3A_777 = arith.index_cast %mul3A_776 : i32 to index
      %swap3A_778 = tpu.vector_load %arg15[%swap3A_777] {strides = array<i32>} : memref<256xi32, #tpu.memory_space<vmem>>, vector<16xi32>,
      tpu.vector_store %arg15[%swap3A_777], %add3A_774 {strides = array<i32>} : memref<256xi32, #tpu.memory_space<vmem>>, vector<16xi32>,
      %and3A_779 = arith.constant 1023 : i32
      %and3A_780 = vector.broadcast %and3A_779 : i32 to vector<16xi32>
      %and3A_781 = arith.andi %get3A_457, %and3A_780 : vector<16xi32>
      %mul3A_782 = arith.constant 16 : i32
      %mul3A_783 = arith.muli %scan3A_448, %mul3A_782 : i32
      %swap3A_784 = arith.index_cast %mul3A_783 : i32 to index
      %swap3A_785 = tpu.vector_load %arg16[%swap3A_784] {strides = array<i32>} : memref<256xi32, #tpu.memory_space<vmem>>, vector<16xi32>,
      tpu.vector_store %arg16[%swap3A_784], %and3A_781 {strides = array<i32>} : memref<256xi32, #tpu.memory_space<vmem>>, vector<16xi32>,
      %scan3A_786 = arith.constant 0 : i32
      scf.yield %scan3A_786 : i32
    }
    %scan3A_239 = arith.constant 16 : i32
    %get3A_240 = arith.constant 0 : index
    %get3A_241 = tpu.vector_load %arg14[%get3A_240] {strides = array<i32>} : memref<256xi32, #tpu.memory_space<vmem>>, vector<16xi32>,
    %swap3A_242 = arith.constant 0 : index
    %swap3A_243 = tpu.vector_load %arg17[%swap3A_242] {strides = array<i32>} : memref<128xi32, #tpu.memory_space<vmem>>, vector<16xi32>,
    tpu.vector_store %arg17[%swap3A_242], %get3A_241 {strides = array<i32>} : memref<128xi32, #tpu.memory_space<vmem>>, vector<16xi32>,
    %get3A_244 = arith.constant 0 : index
    %get3A_245 = tpu.vector_load %arg15[%get3A_244] {strides = array<i32>} : memref<256xi32, #tpu.memory_space<vmem>>, vector<16xi32>,
    %swap3A_246 = arith.constant 0 : index
    %swap3A_247 = tpu.vector_load %arg19[%swap3A_246] {strides = array<i32>} : memref<128xi32, #tpu.memory_space<vmem>>, vector<16xi32>,
    tpu.vector_store %arg19[%swap3A_246], %get3A_245 {strides = array<i32>} : memref<128xi32, #tpu.memory_space<vmem>>, vector<16xi32>,
    %get3A_248 = arith.constant 0 : index
    %get3A_249 = tpu.vector_load %arg16[%get3A_248] {strides = array<i32>} : memref<256xi32, #tpu.memory_space<vmem>>, vector<16xi32>,
    %swap3A_250 = arith.constant 0 : index
    %swap3A_251 = tpu.vector_load %arg21[%swap3A_250] {strides = array<i32>} : memref<128xi32, #tpu.memory_space<vmem>>, vector<16xi32>,
    tpu.vector_store %arg21[%swap3A_250], %get3A_249 {strides = array<i32>} : memref<128xi32, #tpu.memory_space<vmem>>, vector<16xi32>,
    %get3A_252 = arith.constant 128 : index
    %get3A_253 = tpu.vector_load %arg14[%get3A_252] {strides = array<i32>} : memref<256xi32, #tpu.memory_space<vmem>>, vector<16xi32>,
    %swap3A_254 = arith.constant 0 : index
    %swap3A_255 = tpu.vector_load %arg18[%swap3A_254] {strides = array<i32>} : memref<128xi32, #tpu.memory_space<vmem>>, vector<16xi32>,
    tpu.vector_store %arg18[%swap3A_254], %get3A_253 {strides = array<i32>} : memref<128xi32, #tpu.memory_space<vmem>>, vector<16xi32>,
    %get3A_256 = arith.constant 128 : index
    %get3A_257 = tpu.vector_load %arg15[%get3A_256] {strides = array<i32>} : memref<256xi32, #tpu.memory_space<vmem>>, vector<16xi32>,
    %swap3A_258 = arith.constant 0 : index
    %swap3A_259 = tpu.vector_load %arg20[%swap3A_258] {strides = array<i32>} : memref<128xi32, #tpu.memory_space<vmem>>, vector<16xi32>,
    tpu.vector_store %arg20[%swap3A_258], %get3A_257 {strides = array<i32>} : memref<128xi32, #tpu.memory_space<vmem>>, vector<16xi32>,
    %get3A_260 = arith.constant 128 : index
    %get3A_261 = tpu.vector_load %arg16[%get3A_260] {strides = array<i32>} : memref<256xi32, #tpu.memory_space<vmem>>, vector<16xi32>,
    %swap3A_262 = arith.constant 0 : index
    %swap3A_263 = tpu.vector_load %arg22[%swap3A_262] {strides = array<i32>} : memref<128xi32, #tpu.memory_space<vmem>>, vector<16xi32>,
    tpu.vector_store %arg22[%swap3A_262], %get3A_261 {strides = array<i32>} : memref<128xi32, #tpu.memory_space<vmem>>, vector<16xi32>,
    %get3A_264 = arith.constant 16 : index
    %get3A_265 = tpu.vector_load %arg14[%get3A_264] {strides = array<i32>} : memref<256xi32, #tpu.memory_space<vmem>>, vector<16xi32>,
    %swap3A_266 = arith.constant 16 : index
    %swap3A_267 = tpu.vector_load %arg17[%swap3A_266] {strides = array<i32>} : memref<128xi32, #tpu.memory_space<vmem>>, vector<16xi32>,
    tpu.vector_store %arg17[%swap3A_266], %get3A_265 {strides = array<i32>} : memref<128xi32, #tpu.memory_space<vmem>>, vector<16xi32>,
    %get3A_268 = arith.constant 16 : index
    %get3A_269 = tpu.vector_load %arg15[%get3A_268] {strides = array<i32>} : memref<256xi32, #tpu.memory_space<vmem>>, vector<16xi32>,
    %swap3A_270 = arith.constant 16 : index
    %swap3A_271 = tpu.vector_load %arg19[%swap3A_270] {strides = array<i32>} : memref<128xi32, #tpu.memory_space<vmem>>, vector<16xi32>,
    tpu.vector_store %arg19[%swap3A_270], %get3A_269 {strides = array<i32>} : memref<128xi32, #tpu.memory_space<vmem>>, vector<16xi32>,
    %get3A_272 = arith.constant 16 : index
    %get3A_273 = tpu.vector_load %arg16[%get3A_272] {strides = array<i32>} : memref<256xi32, #tpu.memory_space<vmem>>, vector<16xi32>,
    %swap3A_274 = arith.constant 16 : index
    %swap3A_275 = tpu.vector_load %arg21[%swap3A_274] {strides = array<i32>} : memref<128xi32, #tpu.memory_space<vmem>>, vector<16xi32>,
    tpu.vector_store %arg21[%swap3A_274], %get3A_273 {strides = array<i32>} : memref<128xi32, #tpu.memory_space<vmem>>, vector<16xi32>,
    %get3A_276 = arith.constant 144 : index
    %get3A_277 = tpu.vector_load %arg14[%get3A_276] {strides = array<i32>} : memref<256xi32, #tpu.memory_space<vmem>>, vector<16xi32>,
    %swap3A_278 = arith.constant 16 : index
    %swap3A_279 = tpu.vector_load %arg18[%swap3A_278] {strides = array<i32>} : memref<128xi32, #tpu.memory_space<vmem>>, vector<16xi32>,
    tpu.vector_store %arg18[%swap3A_278], %get3A_277 {strides = array<i32>} : memref<128xi32, #tpu.memory_space<vmem>>, vector<16xi32>,
    %get3A_280 = arith.constant 144 : index
    %get3A_281 = tpu.vector_load %arg15[%get3A_280] {strides = array<i32>} : memref<256xi32, #tpu.memory_space<vmem>>, vector<16xi32>,
    %swap3A_282 = arith.constant 16 : index
    %swap3A_283 = tpu.vector_load %arg20[%swap3A_282] {strides = array<i32>} : memref<128xi32, #tpu.memory_space<vmem>>, vector<16xi32>,
    tpu.vector_store %arg20[%swap3A_282], %get3A_281 {strides = array<i32>} : memref<128xi32, #tpu.memory_space<vmem>>, vector<16xi32>,
    %get3A_284 = arith.constant 144 : index
    %get3A_285 = tpu.vector_load %arg16[%get3A_284] {strides = array<i32>} : memref<256xi32, #tpu.memory_space<vmem>>, vector<16xi32>,
    %swap3A_286 = arith.constant 16 : index
    %swap3A_287 = tpu.vector_load %arg22[%swap3A_286] {strides = array<i32>} : memref<128xi32, #tpu.memory_space<vmem>>, vector<16xi32>,
    tpu.vector_store %arg22[%swap3A_286], %get3A_285 {strides = array<i32>} : memref<128xi32, #tpu.memory_space<vmem>>, vector<16xi32>,
    %get3A_288 = arith.constant 32 : index
    %get3A_289 = tpu.vector_load %arg14[%get3A_288] {strides = array<i32>} : memref<256xi32, #tpu.memory_space<vmem>>, vector<16xi32>,
    %swap3A_290 = arith.constant 32 : index
    %swap3A_291 = tpu.vector_load %arg17[%swap3A_290] {strides = array<i32>} : memref<128xi32, #tpu.memory_space<vmem>>, vector<16xi32>,
    tpu.vector_store %arg17[%swap3A_290], %get3A_289 {strides = array<i32>} : memref<128xi32, #tpu.memory_space<vmem>>, vector<16xi32>,
    %get3A_292 = arith.constant 32 : index
    %get3A_293 = tpu.vector_load %arg15[%get3A_292] {strides = array<i32>} : memref<256xi32, #tpu.memory_space<vmem>>, vector<16xi32>,
    %swap3A_294 = arith.constant 32 : index
    %swap3A_295 = tpu.vector_load %arg19[%swap3A_294] {strides = array<i32>} : memref<128xi32, #tpu.memory_space<vmem>>, vector<16xi32>,
    tpu.vector_store %arg19[%swap3A_294], %get3A_293 {strides = array<i32>} : memref<128xi32, #tpu.memory_space<vmem>>, vector<16xi32>,
    %get3A_296 = arith.constant 32 : index
    %get3A_297 = tpu.vector_load %arg16[%get3A_296] {strides = array<i32>} : memref<256xi32, #tpu.memory_space<vmem>>, vector<16xi32>,
    %swap3A_298 = arith.constant 32 : index
    %swap3A_299 = tpu.vector_load %arg21[%swap3A_298] {strides = array<i32>} : memref<128xi32, #tpu.memory_space<vmem>>, vector<16xi32>,
    tpu.vector_store %arg21[%swap3A_298], %get3A_297 {strides = array<i32>} : memref<128xi32, #tpu.memory_space<vmem>>, vector<16xi32>,
    %get3A_300 = arith.constant 160 : index
    %get3A_301 = tpu.vector_load %arg14[%get3A_300] {strides = array<i32>} : memref<256xi32, #tpu.memory_space<vmem>>, vector<16xi32>,
    %swap3A_302 = arith.constant 32 : index
    %swap3A_303 = tpu.vector_load %arg18[%swap3A_302] {strides = array<i32>} : memref<128xi32, #tpu.memory_space<vmem>>, vector<16xi32>,
    tpu.vector_store %arg18[%swap3A_302], %get3A_301 {strides = array<i32>} : memref<128xi32, #tpu.memory_space<vmem>>, vector<16xi32>,
    %get3A_304 = arith.constant 160 : index
    %get3A_305 = tpu.vector_load %arg15[%get3A_304] {strides = array<i32>} : memref<256xi32, #tpu.memory_space<vmem>>, vector<16xi32>,
    %swap3A_306 = arith.constant 32 : index
    %swap3A_307 = tpu.vector_load %arg20[%swap3A_306] {strides = array<i32>} : memref<128xi32, #tpu.memory_space<vmem>>, vector<16xi32>,
    tpu.vector_store %arg20[%swap3A_306], %get3A_305 {strides = array<i32>} : memref<128xi32, #tpu.memory_space<vmem>>, vector<16xi32>,
    %get3A_308 = arith.constant 160 : index
    %get3A_309 = tpu.vector_load %arg16[%get3A_308] {strides = array<i32>} : memref<256xi32, #tpu.memory_space<vmem>>, vector<16xi32>,
    %swap3A_310 = arith.constant 32 : index
    %swap3A_311 = tpu.vector_load %arg22[%swap3A_310] {strides = array<i32>} : memref<128xi32, #tpu.memory_space<vmem>>, vector<16xi32>,
    tpu.vector_store %arg22[%swap3A_310], %get3A_309 {strides = array<i32>} : memref<128xi32, #tpu.memory_space<vmem>>, vector<16xi32>,
    %get3A_312 = arith.constant 48 : index
    %get3A_313 = tpu.vector_load %arg14[%get3A_312] {strides = array<i32>} : memref<256xi32, #tpu.memory_space<vmem>>, vector<16xi32>,
    %swap3A_314 = arith.constant 48 : index
    %swap3A_315 = tpu.vector_load %arg17[%swap3A_314] {strides = array<i32>} : memref<128xi32, #tpu.memory_space<vmem>>, vector<16xi32>,
    tpu.vector_store %arg17[%swap3A_314], %get3A_313 {strides = array<i32>} : memref<128xi32, #tpu.memory_space<vmem>>, vector<16xi32>,
    %get3A_316 = arith.constant 48 : index
    %get3A_317 = tpu.vector_load %arg15[%get3A_316] {strides = array<i32>} : memref<256xi32, #tpu.memory_space<vmem>>, vector<16xi32>,
    %swap3A_318 = arith.constant 48 : index
    %swap3A_319 = tpu.vector_load %arg19[%swap3A_318] {strides = array<i32>} : memref<128xi32, #tpu.memory_space<vmem>>, vector<16xi32>,
    tpu.vector_store %arg19[%swap3A_318], %get3A_317 {strides = array<i32>} : memref<128xi32, #tpu.memory_space<vmem>>, vector<16xi32>,
    %get3A_320 = arith.constant 48 : index
    %get3A_321 = tpu.vector_load %arg16[%get3A_320] {strides = array<i32>} : memref<256xi32, #tpu.memory_space<vmem>>, vector<16xi32>,
    %swap3A_322 = arith.constant 48 : index
    %swap3A_323 = tpu.vector_load %arg21[%swap3A_322] {strides = array<i32>} : memref<128xi32, #tpu.memory_space<vmem>>, vector<16xi32>,
    tpu.vector_store %arg21[%swap3A_322], %get3A_321 {strides = array<i32>} : memref<128xi32, #tpu.memory_space<vmem>>, vector<16xi32>,
    %get3A_324 = arith.constant 176 : index
    %get3A_325 = tpu.vector_load %arg14[%get3A_324] {strides = array<i32>} : memref<256xi32, #tpu.memory_space<vmem>>, vector<16xi32>,
    %swap3A_326 = arith.constant 48 : index
    %swap3A_327 = tpu.vector_load %arg18[%swap3A_326] {strides = array<i32>} : memref<128xi32, #tpu.memory_space<vmem>>, vector<16xi32>,
    tpu.vector_store %arg18[%swap3A_326], %get3A_325 {strides = array<i32>} : memref<128xi32, #tpu.memory_space<vmem>>, vector<16xi32>,
    %get3A_328 = arith.constant 176 : index
    %get3A_329 = tpu.vector_load %arg15[%get3A_328] {strides = array<i32>} : memref<256xi32, #tpu.memory_space<vmem>>, vector<16xi32>,
    %swap3A_330 = arith.constant 48 : index
    %swap3A_331 = tpu.vector_load %arg20[%swap3A_330] {strides = array<i32>} : memref<128xi32, #tpu.memory_space<vmem>>, vector<16xi32>,
    tpu.vector_store %arg20[%swap3A_330], %get3A_329 {strides = array<i32>} : memref<128xi32, #tpu.memory_space<vmem>>, vector<16xi32>,
    %get3A_332 = arith.constant 176 : index
    %get3A_333 = tpu.vector_load %arg16[%get3A_332] {strides = array<i32>} : memref<256xi32, #tpu.memory_space<vmem>>, vector<16xi32>,
    %swap3A_334 = arith.constant 48 : index
    %swap3A_335 = tpu.vector_load %arg22[%swap3A_334] {strides = array<i32>} : memref<128xi32, #tpu.memory_space<vmem>>, vector<16xi32>,
    tpu.vector_store %arg22[%swap3A_334], %get3A_333 {strides = array<i32>} : memref<128xi32, #tpu.memory_space<vmem>>, vector<16xi32>,
    %get3A_336 = arith.constant 64 : index
    %get3A_337 = tpu.vector_load %arg14[%get3A_336] {strides = array<i32>} : memref<256xi32, #tpu.memory_space<vmem>>, vector<16xi32>,
    %swap3A_338 = arith.constant 64 : index
    %swap3A_339 = tpu.vector_load %arg17[%swap3A_338] {strides = array<i32>} : memref<128xi32, #tpu.memory_space<vmem>>, vector<16xi32>,
    tpu.vector_store %arg17[%swap3A_338], %get3A_337 {strides = array<i32>} : memref<128xi32, #tpu.memory_space<vmem>>, vector<16xi32>,
    %get3A_340 = arith.constant 64 : index
    %get3A_341 = tpu.vector_load %arg15[%get3A_340] {strides = array<i32>} : memref<256xi32, #tpu.memory_space<vmem>>, vector<16xi32>,
    %swap3A_342 = arith.constant 64 : index
    %swap3A_343 = tpu.vector_load %arg19[%swap3A_342] {strides = array<i32>} : memref<128xi32, #tpu.memory_space<vmem>>, vector<16xi32>,
    tpu.vector_store %arg19[%swap3A_342], %get3A_341 {strides = array<i32>} : memref<128xi32, #tpu.memory_space<vmem>>, vector<16xi32>,
    %get3A_344 = arith.constant 64 : index
    %get3A_345 = tpu.vector_load %arg16[%get3A_344] {strides = array<i32>} : memref<256xi32, #tpu.memory_space<vmem>>, vector<16xi32>,
    %swap3A_346 = arith.constant 64 : index
    %swap3A_347 = tpu.vector_load %arg21[%swap3A_346] {strides = array<i32>} : memref<128xi32, #tpu.memory_space<vmem>>, vector<16xi32>,
    tpu.vector_store %arg21[%swap3A_346], %get3A_345 {strides = array<i32>} : memref<128xi32, #tpu.memory_space<vmem>>, vector<16xi32>,
    %get3A_348 = arith.constant 192 : index
    %get3A_349 = tpu.vector_load %arg14[%get3A_348] {strides = array<i32>} : memref<256xi32, #tpu.memory_space<vmem>>, vector<16xi32>,
    %swap3A_350 = arith.constant 64 : index
    %swap3A_351 = tpu.vector_load %arg18[%swap3A_350] {strides = array<i32>} : memref<128xi32, #tpu.memory_space<vmem>>, vector<16xi32>,
    tpu.vector_store %arg18[%swap3A_350], %get3A_349 {strides = array<i32>} : memref<128xi32, #tpu.memory_space<vmem>>, vector<16xi32>,
    %get3A_352 = arith.constant 192 : index
    %get3A_353 = tpu.vector_load %arg15[%get3A_352] {strides = array<i32>} : memref<256xi32, #tpu.memory_space<vmem>>, vector<16xi32>,
    %swap3A_354 = arith.constant 64 : index
    %swap3A_355 = tpu.vector_load %arg20[%swap3A_354] {strides = array<i32>} : memref<128xi32, #tpu.memory_space<vmem>>, vector<16xi32>,
    tpu.vector_store %arg20[%swap3A_354], %get3A_353 {strides = array<i32>} : memref<128xi32, #tpu.memory_space<vmem>>, vector<16xi32>,
    %get3A_356 = arith.constant 192 : index
    %get3A_357 = tpu.vector_load %arg16[%get3A_356] {strides = array<i32>} : memref<256xi32, #tpu.memory_space<vmem>>, vector<16xi32>,
    %swap3A_358 = arith.constant 64 : index
    %swap3A_359 = tpu.vector_load %arg22[%swap3A_358] {strides = array<i32>} : memref<128xi32, #tpu.memory_space<vmem>>, vector<16xi32>,
    tpu.vector_store %arg22[%swap3A_358], %get3A_357 {strides = array<i32>} : memref<128xi32, #tpu.memory_space<vmem>>, vector<16xi32>,
    %get3A_360 = arith.constant 80 : index
    %get3A_361 = tpu.vector_load %arg14[%get3A_360] {strides = array<i32>} : memref<256xi32, #tpu.memory_space<vmem>>, vector<16xi32>,
    %swap3A_362 = arith.constant 80 : index
    %swap3A_363 = tpu.vector_load %arg17[%swap3A_362] {strides = array<i32>} : memref<128xi32, #tpu.memory_space<vmem>>, vector<16xi32>,
    tpu.vector_store %arg17[%swap3A_362], %get3A_361 {strides = array<i32>} : memref<128xi32, #tpu.memory_space<vmem>>, vector<16xi32>,
    %get3A_364 = arith.constant 80 : index
    %get3A_365 = tpu.vector_load %arg15[%get3A_364] {strides = array<i32>} : memref<256xi32, #tpu.memory_space<vmem>>, vector<16xi32>,
    %swap3A_366 = arith.constant 80 : index
    %swap3A_367 = tpu.vector_load %arg19[%swap3A_366] {strides = array<i32>} : memref<128xi32, #tpu.memory_space<vmem>>, vector<16xi32>,
    tpu.vector_store %arg19[%swap3A_366], %get3A_365 {strides = array<i32>} : memref<128xi32, #tpu.memory_space<vmem>>, vector<16xi32>,
    %get3A_368 = arith.constant 80 : index
    %get3A_369 = tpu.vector_load %arg16[%get3A_368] {strides = array<i32>} : memref<256xi32, #tpu.memory_space<vmem>>, vector<16xi32>,
    %swap3A_370 = arith.constant 80 : index
    %swap3A_371 = tpu.vector_load %arg21[%swap3A_370] {strides = array<i32>} : memref<128xi32, #tpu.memory_space<vmem>>, vector<16xi32>,
    tpu.vector_store %arg21[%swap3A_370], %get3A_369 {strides = array<i32>} : memref<128xi32, #tpu.memory_space<vmem>>, vector<16xi32>,
    %get3A_372 = arith.constant 208 : index
    %get3A_373 = tpu.vector_load %arg14[%get3A_372] {strides = array<i32>} : memref<256xi32, #tpu.memory_space<vmem>>, vector<16xi32>,
    %swap3A_374 = arith.constant 80 : index
    %swap3A_375 = tpu.vector_load %arg18[%swap3A_374] {strides = array<i32>} : memref<128xi32, #tpu.memory_space<vmem>>, vector<16xi32>,
    tpu.vector_store %arg18[%swap3A_374], %get3A_373 {strides = array<i32>} : memref<128xi32, #tpu.memory_space<vmem>>, vector<16xi32>,
    %get3A_376 = arith.constant 208 : index
    %get3A_377 = tpu.vector_load %arg15[%get3A_376] {strides = array<i32>} : memref<256xi32, #tpu.memory_space<vmem>>, vector<16xi32>,
    %swap3A_378 = arith.constant 80 : index
    %swap3A_379 = tpu.vector_load %arg20[%swap3A_378] {strides = array<i32>} : memref<128xi32, #tpu.memory_space<vmem>>, vector<16xi32>,
    tpu.vector_store %arg20[%swap3A_378], %get3A_377 {strides = array<i32>} : memref<128xi32, #tpu.memory_space<vmem>>, vector<16xi32>,
    %get3A_380 = arith.constant 208 : index
    %get3A_381 = tpu.vector_load %arg16[%get3A_380] {strides = array<i32>} : memref<256xi32, #tpu.memory_space<vmem>>, vector<16xi32>,
    %swap3A_382 = arith.constant 80 : index
    %swap3A_383 = tpu.vector_load %arg22[%swap3A_382] {strides = array<i32>} : memref<128xi32, #tpu.memory_space<vmem>>, vector<16xi32>,
    tpu.vector_store %arg22[%swap3A_382], %get3A_381 {strides = array<i32>} : memref<128xi32, #tpu.memory_space<vmem>>, vector<16xi32>,
    %get3A_384 = arith.constant 96 : index
    %get3A_385 = tpu.vector_load %arg14[%get3A_384] {strides = array<i32>} : memref<256xi32, #tpu.memory_space<vmem>>, vector<16xi32>,
    %swap3A_386 = arith.constant 96 : index
    %swap3A_387 = tpu.vector_load %arg17[%swap3A_386] {strides = array<i32>} : memref<128xi32, #tpu.memory_space<vmem>>, vector<16xi32>,
    tpu.vector_store %arg17[%swap3A_386], %get3A_385 {strides = array<i32>} : memref<128xi32, #tpu.memory_space<vmem>>, vector<16xi32>,
    %get3A_388 = arith.constant 96 : index
    %get3A_389 = tpu.vector_load %arg15[%get3A_388] {strides = array<i32>} : memref<256xi32, #tpu.memory_space<vmem>>, vector<16xi32>,
    %swap3A_390 = arith.constant 96 : index
    %swap3A_391 = tpu.vector_load %arg19[%swap3A_390] {strides = array<i32>} : memref<128xi32, #tpu.memory_space<vmem>>, vector<16xi32>,
    tpu.vector_store %arg19[%swap3A_390], %get3A_389 {strides = array<i32>} : memref<128xi32, #tpu.memory_space<vmem>>, vector<16xi32>,
    %get3A_392 = arith.constant 96 : index
    %get3A_393 = tpu.vector_load %arg16[%get3A_392] {strides = array<i32>} : memref<256xi32, #tpu.memory_space<vmem>>, vector<16xi32>,
    %swap3A_394 = arith.constant 96 : index
    %swap3A_395 = tpu.vector_load %arg21[%swap3A_394] {strides = array<i32>} : memref<128xi32, #tpu.memory_space<vmem>>, vector<16xi32>,
    tpu.vector_store %arg21[%swap3A_394], %get3A_393 {strides = array<i32>} : memref<128xi32, #tpu.memory_space<vmem>>, vector<16xi32>,
    %get3A_396 = arith.constant 224 : index
    %get3A_397 = tpu.vector_load %arg14[%get3A_396] {strides = array<i32>} : memref<256xi32, #tpu.memory_space<vmem>>, vector<16xi32>,
    %swap3A_398 = arith.constant 96 : index
    %swap3A_399 = tpu.vector_load %arg18[%swap3A_398] {strides = array<i32>} : memref<128xi32, #tpu.memory_space<vmem>>, vector<16xi32>,
    tpu.vector_store %arg18[%swap3A_398], %get3A_397 {strides = array<i32>} : memref<128xi32, #tpu.memory_space<vmem>>, vector<16xi32>,
    %get3A_400 = arith.constant 224 : index
    %get3A_401 = tpu.vector_load %arg15[%get3A_400] {strides = array<i32>} : memref<256xi32, #tpu.memory_space<vmem>>, vector<16xi32>,
    %swap3A_402 = arith.constant 96 : index
    %swap3A_403 = tpu.vector_load %arg20[%swap3A_402] {strides = array<i32>} : memref<128xi32, #tpu.memory_space<vmem>>, vector<16xi32>,
    tpu.vector_store %arg20[%swap3A_402], %get3A_401 {strides = array<i32>} : memref<128xi32, #tpu.memory_space<vmem>>, vector<16xi32>,
    %get3A_404 = arith.constant 224 : index
    %get3A_405 = tpu.vector_load %arg16[%get3A_404] {strides = array<i32>} : memref<256xi32, #tpu.memory_space<vmem>>, vector<16xi32>,
    %swap3A_406 = arith.constant 96 : index
    %swap3A_407 = tpu.vector_load %arg22[%swap3A_406] {strides = array<i32>} : memref<128xi32, #tpu.memory_space<vmem>>, vector<16xi32>,
    tpu.vector_store %arg22[%swap3A_406], %get3A_405 {strides = array<i32>} : memref<128xi32, #tpu.memory_space<vmem>>, vector<16xi32>,
    %get3A_408 = arith.constant 112 : index
    %get3A_409 = tpu.vector_load %arg14[%get3A_408] {strides = array<i32>} : memref<256xi32, #tpu.memory_space<vmem>>, vector<16xi32>,
    %swap3A_410 = arith.constant 112 : index
    %swap3A_411 = tpu.vector_load %arg17[%swap3A_410] {strides = array<i32>} : memref<128xi32, #tpu.memory_space<vmem>>, vector<16xi32>,
    tpu.vector_store %arg17[%swap3A_410], %get3A_409 {strides = array<i32>} : memref<128xi32, #tpu.memory_space<vmem>>, vector<16xi32>,
    %get3A_412 = arith.constant 112 : index
    %get3A_413 = tpu.vector_load %arg15[%get3A_412] {strides = array<i32>} : memref<256xi32, #tpu.memory_space<vmem>>, vector<16xi32>,
    %swap3A_414 = arith.constant 112 : index
    %swap3A_415 = tpu.vector_load %arg19[%swap3A_414] {strides = array<i32>} : memref<128xi32, #tpu.memory_space<vmem>>, vector<16xi32>,
    tpu.vector_store %arg19[%swap3A_414], %get3A_413 {strides = array<i32>} : memref<128xi32, #tpu.memory_space<vmem>>, vector<16xi32>,
    %get3A_416 = arith.constant 112 : index
    %get3A_417 = tpu.vector_load %arg16[%get3A_416] {strides = array<i32>} : memref<256xi32, #tpu.memory_space<vmem>>, vector<16xi32>,
    %swap3A_418 = arith.constant 112 : index
    %swap3A_419 = tpu.vector_load %arg21[%swap3A_418] {strides = array<i32>} : memref<128xi32, #tpu.memory_space<vmem>>, vector<16xi32>,
    tpu.vector_store %arg21[%swap3A_418], %get3A_417 {strides = array<i32>} : memref<128xi32, #tpu.memory_space<vmem>>, vector<16xi32>,
    %get3A_420 = arith.constant 240 : index
    %get3A_421 = tpu.vector_load %arg14[%get3A_420] {strides = array<i32>} : memref<256xi32, #tpu.memory_space<vmem>>, vector<16xi32>,
    %swap3A_422 = arith.constant 112 : index
    %swap3A_423 = tpu.vector_load %arg18[%swap3A_422] {strides = array<i32>} : memref<128xi32, #tpu.memory_space<vmem>>, vector<16xi32>,
    tpu.vector_store %arg18[%swap3A_422], %get3A_421 {strides = array<i32>} : memref<128xi32, #tpu.memory_space<vmem>>, vector<16xi32>,
    %get3A_424 = arith.constant 240 : index
    %get3A_425 = tpu.vector_load %arg15[%get3A_424] {strides = array<i32>} : memref<256xi32, #tpu.memory_space<vmem>>, vector<16xi32>,
    %swap3A_426 = arith.constant 112 : index
    %swap3A_427 = tpu.vector_load %arg20[%swap3A_426] {strides = array<i32>} : memref<128xi32, #tpu.memory_space<vmem>>, vector<16xi32>,
    tpu.vector_store %arg20[%swap3A_426], %get3A_425 {strides = array<i32>} : memref<128xi32, #tpu.memory_space<vmem>>, vector<16xi32>,
    %get3A_428 = arith.constant 240 : index
    %get3A_429 = tpu.vector_load %arg16[%get3A_428] {strides = array<i32>} : memref<256xi32, #tpu.memory_space<vmem>>, vector<16xi32>,
    %swap3A_430 = arith.constant 112 : index
    %swap3A_431 = tpu.vector_load %arg22[%swap3A_430] {strides = array<i32>} : memref<128xi32, #tpu.memory_space<vmem>>, vector<16xi32>,
    tpu.vector_store %arg22[%swap3A_430], %get3A_429 {strides = array<i32>} : memref<128xi32, #tpu.memory_space<vmem>>, vector<16xi32>,
    "tpu.region"() ({
      %run_scoped3A = tpu.sem_alloc : memref<!tpu.dma_semaphore, #tpu.memory_space<semaphore_mem>>
      %dma_start3A_448 = tpu.memref_slice %arg4[%mul3A_0] : memref<4096xi32, #tpu.memory_space<hbm>> -> memref<256xi32, #tpu.memory_space<hbm>>
      %dma_start3A_449 = tpu.memref_slice %arg4[%mul3A_0] : memref<4096xi32, #tpu.memory_space<hbm>> -> memref<256xi32, #tpu.memory_space<hbm>>
      tpu.enqueue_dma source(%arg13 : memref<256xi32, #tpu.memory_space<vmem>>) target(%dma_start3A_449 : memref<256xi32, #tpu.memory_space<hbm>>) target_semaphore(%run_scoped3A : memref<!tpu.dma_semaphore, #tpu.memory_space<semaphore_mem>>)
      %dma_wait3A_450 = tpu.memref_slice %arg4[%mul3A_0] : memref<4096xi32, #tpu.memory_space<hbm>> -> memref<256xi32, #tpu.memory_space<hbm>>
      %dma_wait3A_451 = tpu.memref_slice %arg4[%mul3A_0] : memref<4096xi32, #tpu.memory_space<hbm>> -> memref<256xi32, #tpu.memory_space<hbm>>
      tpu.wait_dma2 semaphore(%run_scoped3A : memref<!tpu.dma_semaphore, #tpu.memory_space<semaphore_mem>>) src(%arg13 : memref<256xi32, #tpu.memory_space<vmem>>) dst(%dma_wait3A_451 : memref<256xi32, #tpu.memory_space<hbm>>)
      tpu.yield
    }) : () -> ()
    %dma_start3A = arith.constant 0 : i32
    %dma_start3A_432 = tpu.memref_slice %arg5[%dma_start3A] : memref<5120xi32, #tpu.memory_space<hbm>> -> memref<5120xi32, #tpu.memory_space<hbm>>
    tpu.enqueue_indirect_dma source(%arg19 : memref<128xi32, #tpu.memory_space<vmem>>) target(%dma_start3A_432 : memref<5120xi32, #tpu.memory_space<hbm>>) offsets(%arg17 : memref<128xi32, #tpu.memory_space<vmem>>) semaphore(%arg25 : memref<!tpu.dma_semaphore, #tpu.memory_space<semaphore_mem>>)
    %dma_start3A_433 = arith.constant 0 : i32
    %dma_start3A_434 = tpu.memref_slice %arg5[%dma_start3A_433] : memref<5120xi32, #tpu.memory_space<hbm>> -> memref<5120xi32, #tpu.memory_space<hbm>>
    tpu.enqueue_indirect_dma source(%arg20 : memref<128xi32, #tpu.memory_space<vmem>>) target(%dma_start3A_434 : memref<5120xi32, #tpu.memory_space<hbm>>) offsets(%arg18 : memref<128xi32, #tpu.memory_space<vmem>>) semaphore(%arg25 : memref<!tpu.dma_semaphore, #tpu.memory_space<semaphore_mem>>)
    %dma_start3A_435 = arith.constant 0 : i32
    %dma_start3A_436 = tpu.memref_slice %arg6[%dma_start3A_435] : memref<5120xi32, #tpu.memory_space<hbm>> -> memref<5120xi32, #tpu.memory_space<hbm>>
    tpu.enqueue_indirect_dma source(%arg21 : memref<128xi32, #tpu.memory_space<vmem>>) target(%dma_start3A_436 : memref<5120xi32, #tpu.memory_space<hbm>>) offsets(%arg17 : memref<128xi32, #tpu.memory_space<vmem>>) semaphore(%arg25 : memref<!tpu.dma_semaphore, #tpu.memory_space<semaphore_mem>>)
    %dma_start3A_437 = arith.constant 0 : i32
    %dma_start3A_438 = tpu.memref_slice %arg6[%dma_start3A_437] : memref<5120xi32, #tpu.memory_space<hbm>> -> memref<5120xi32, #tpu.memory_space<hbm>>
    tpu.enqueue_indirect_dma source(%arg22 : memref<128xi32, #tpu.memory_space<vmem>>) target(%dma_start3A_438 : memref<5120xi32, #tpu.memory_space<hbm>>) offsets(%arg18 : memref<128xi32, #tpu.memory_space<vmem>>) semaphore(%arg25 : memref<!tpu.dma_semaphore, #tpu.memory_space<semaphore_mem>>)
    %dma_wait3A = arith.constant 0 : i32
    %dma_wait3A_439 = tpu.memref_slice %arg5[%dma_wait3A] : memref<5120xi32, #tpu.memory_space<hbm>> -> memref<5120xi32, #tpu.memory_space<hbm>>
    tpu.wait_indirect_dma semaphore(%arg25 : memref<!tpu.dma_semaphore, #tpu.memory_space<semaphore_mem>>) src(%arg19 : memref<128xi32, #tpu.memory_space<vmem>>) dst(%dma_wait3A_439 : memref<5120xi32, #tpu.memory_space<hbm>>)
    %dma_wait3A_440 = arith.constant 0 : i32
    %dma_wait3A_441 = tpu.memref_slice %arg5[%dma_wait3A_440] : memref<5120xi32, #tpu.memory_space<hbm>> -> memref<5120xi32, #tpu.memory_space<hbm>>
    tpu.wait_indirect_dma semaphore(%arg25 : memref<!tpu.dma_semaphore, #tpu.memory_space<semaphore_mem>>) src(%arg20 : memref<128xi32, #tpu.memory_space<vmem>>) dst(%dma_wait3A_441 : memref<5120xi32, #tpu.memory_space<hbm>>)
    %dma_wait3A_442 = arith.constant 0 : i32
    %dma_wait3A_443 = tpu.memref_slice %arg6[%dma_wait3A_442] : memref<5120xi32, #tpu.memory_space<hbm>> -> memref<5120xi32, #tpu.memory_space<hbm>>
    tpu.wait_indirect_dma semaphore(%arg25 : memref<!tpu.dma_semaphore, #tpu.memory_space<semaphore_mem>>) src(%arg21 : memref<128xi32, #tpu.memory_space<vmem>>) dst(%dma_wait3A_443 : memref<5120xi32, #tpu.memory_space<hbm>>)
    %dma_wait3A_444 = arith.constant 0 : i32
    %dma_wait3A_445 = tpu.memref_slice %arg6[%dma_wait3A_444] : memref<5120xi32, #tpu.memory_space<hbm>> -> memref<5120xi32, #tpu.memory_space<hbm>>
    tpu.wait_indirect_dma semaphore(%arg25 : memref<!tpu.dma_semaphore, #tpu.memory_space<semaphore_mem>>) src(%arg22 : memref<128xi32, #tpu.memory_space<vmem>>) dst(%dma_wait3A_445 : memref<5120xi32, #tpu.memory_space<hbm>>)
    %eq3A = arith.constant 0 : i32
    %eq3A_446 = arith.cmpi eq, %arg1, %eq3A : i32
    %convert_element_type3A = arith.extui %eq3A_446 : i1 to i32
    %cond3A = arith.constant 0 : i32
    %cond3A_447 = arith.cmpi ne, %convert_element_type3A, %cond3A : i32
    scf.if %cond3A_447 {
      %add3A_448 = arith.constant 0 : i32
      %add3A_449 = vector.broadcast %add3A_448 : i32 to vector<16xi32>
      %add3A_450 = arith.addi %iota3A, %add3A_449 : vector<16xi32>
      %broadcast_in_dim3A_451 = arith.constant 0 : i32
      %broadcast_in_dim3A_452 = vector.broadcast %broadcast_in_dim3A_451 : i32 to vector<16xi32>
      %broadcast_in_dim3A_453 = arith.constant 0 : i32
      %broadcast_in_dim3A_454 = vector.broadcast %broadcast_in_dim3A_453 : i32 to vector<16xi32>
      %add3A_455 = arith.constant 0 : i32
      %add3A_456 = vector.broadcast %add3A_455 : i32 to vector<16xi32>
      %add3A_457 = arith.addi %broadcast_in_dim3A_454, %add3A_456 : vector<16xi32>
      %broadcast_in_dim3A_458 = vector.shape_cast %add3A_457 : vector<16xi32> to vector<16x1xi32>
      %gather3A = vector.shape_cast %broadcast_in_dim3A_458 : vector<16x1xi32> to vector<16xi32>
      %gather3A_459 = tpu.dynamic_gather %sub3A[%gather3A] in [0] : vector<16xi32>, vector<16xi32> -> vector<16xi32>
      %le3A = arith.cmpi sle, %gather3A_459, %add3A_450 : vector<16xi32>
      %jit3A_460 = arith.constant 1 : i32
      %jit3A_461 = arith.constant 0 : i32
      %broadcast_in_dim3A_462 = vector.broadcast %jit3A_460 : i32 to vector<16xi32>
      %broadcast_in_dim3A_463 = vector.broadcast %jit3A_461 : i32 to vector<16xi32>
      %select_n3A_464 = arith.select %le3A, %broadcast_in_dim3A_462, %broadcast_in_dim3A_463 : vector<16xi1>, vector<16xi32>
      %add3A_465 = arith.addi %broadcast_in_dim3A_452, %select_n3A_464 : vector<16xi32>
      %broadcast_in_dim3A_466 = arith.constant 0 : i32
      %broadcast_in_dim3A_467 = vector.broadcast %broadcast_in_dim3A_466 : i32 to vector<16xi32>
      %add3A_468 = arith.constant 1 : i32
      %add3A_469 = vector.broadcast %add3A_468 : i32 to vector<16xi32>
      %add3A_470 = arith.addi %broadcast_in_dim3A_467, %add3A_469 : vector<16xi32>
      %broadcast_in_dim3A_471 = vector.shape_cast %add3A_470 : vector<16xi32> to vector<16x1xi32>
      %gather3A_472 = vector.shape_cast %broadcast_in_dim3A_471 : vector<16x1xi32> to vector<16xi32>
      %gather3A_473 = tpu.dynamic_gather %sub3A[%gather3A_472] in [0] : vector<16xi32>, vector<16xi32> -> vector<16xi32>
      %le3A_474 = arith.cmpi sle, %gather3A_473, %add3A_450 : vector<16xi32>
      %jit3A_475 = arith.constant 1 : i32
      %jit3A_476 = arith.constant 0 : i32
      %broadcast_in_dim3A_477 = vector.broadcast %jit3A_475 : i32 to vector<16xi32>
      %broadcast_in_dim3A_478 = vector.broadcast %jit3A_476 : i32 to vector<16xi32>
      %select_n3A_479 = arith.select %le3A_474, %broadcast_in_dim3A_477, %broadcast_in_dim3A_478 : vector<16xi1>, vector<16xi32>
      %add3A_480 = arith.addi %add3A_465, %select_n3A_479 : vector<16xi32>
      %broadcast_in_dim3A_481 = arith.constant 0 : i32
      %broadcast_in_dim3A_482 = vector.broadcast %broadcast_in_dim3A_481 : i32 to vector<16xi32>
      %add3A_483 = arith.constant 2 : i32
      %add3A_484 = vector.broadcast %add3A_483 : i32 to vector<16xi32>
      %add3A_485 = arith.addi %broadcast_in_dim3A_482, %add3A_484 : vector<16xi32>
      %broadcast_in_dim3A_486 = vector.shape_cast %add3A_485 : vector<16xi32> to vector<16x1xi32>
      %gather3A_487 = vector.shape_cast %broadcast_in_dim3A_486 : vector<16x1xi32> to vector<16xi32>
      %gather3A_488 = tpu.dynamic_gather %sub3A[%gather3A_487] in [0] : vector<16xi32>, vector<16xi32> -> vector<16xi32>
      %le3A_489 = arith.cmpi sle, %gather3A_488, %add3A_450 : vector<16xi32>
      %jit3A_490 = arith.constant 1 : i32
      %jit3A_491 = arith.constant 0 : i32
      %broadcast_in_dim3A_492 = vector.broadcast %jit3A_490 : i32 to vector<16xi32>
      %broadcast_in_dim3A_493 = vector.broadcast %jit3A_491 : i32 to vector<16xi32>
      %select_n3A_494 = arith.select %le3A_489, %broadcast_in_dim3A_492, %broadcast_in_dim3A_493 : vector<16xi1>, vector<16xi32>
      %add3A_495 = arith.addi %add3A_480, %select_n3A_494 : vector<16xi32>
      %broadcast_in_dim3A_496 = arith.constant 0 : i32
      %broadcast_in_dim3A_497 = vector.broadcast %broadcast_in_dim3A_496 : i32 to vector<16xi32>
      %add3A_498 = arith.constant 3 : i32
      %add3A_499 = vector.broadcast %add3A_498 : i32 to vector<16xi32>
      %add3A_500 = arith.addi %broadcast_in_dim3A_497, %add3A_499 : vector<16xi32>
      %broadcast_in_dim3A_501 = vector.shape_cast %add3A_500 : vector<16xi32> to vector<16x1xi32>
      %gather3A_502 = vector.shape_cast %broadcast_in_dim3A_501 : vector<16x1xi32> to vector<16xi32>
      %gather3A_503 = tpu.dynamic_gather %sub3A[%gather3A_502] in [0] : vector<16xi32>, vector<16xi32> -> vector<16xi32>
      %le3A_504 = arith.cmpi sle, %gather3A_503, %add3A_450 : vector<16xi32>
      %jit3A_505 = arith.constant 1 : i32
      %jit3A_506 = arith.constant 0 : i32
      %broadcast_in_dim3A_507 = vector.broadcast %jit3A_505 : i32 to vector<16xi32>
      %broadcast_in_dim3A_508 = vector.broadcast %jit3A_506 : i32 to vector<16xi32>
      %select_n3A_509 = arith.select %le3A_504, %broadcast_in_dim3A_507, %broadcast_in_dim3A_508 : vector<16xi1>, vector<16xi32>
      %add3A_510 = arith.addi %add3A_495, %select_n3A_509 : vector<16xi32>
      %broadcast_in_dim3A_511 = arith.constant 0 : i32
      %broadcast_in_dim3A_512 = vector.broadcast %broadcast_in_dim3A_511 : i32 to vector<16xi32>
      %add3A_513 = arith.constant 4 : i32
      %add3A_514 = vector.broadcast %add3A_513 : i32 to vector<16xi32>
      %add3A_515 = arith.addi %broadcast_in_dim3A_512, %add3A_514 : vector<16xi32>
      %broadcast_in_dim3A_516 = vector.shape_cast %add3A_515 : vector<16xi32> to vector<16x1xi32>
      %gather3A_517 = vector.shape_cast %broadcast_in_dim3A_516 : vector<16x1xi32> to vector<16xi32>
      %gather3A_518 = tpu.dynamic_gather %sub3A[%gather3A_517] in [0] : vector<16xi32>, vector<16xi32> -> vector<16xi32>
      %le3A_519 = arith.cmpi sle, %gather3A_518, %add3A_450 : vector<16xi32>
      %jit3A_520 = arith.constant 1 : i32
      %jit3A_521 = arith.constant 0 : i32
      %broadcast_in_dim3A_522 = vector.broadcast %jit3A_520 : i32 to vector<16xi32>
      %broadcast_in_dim3A_523 = vector.broadcast %jit3A_521 : i32 to vector<16xi32>
      %select_n3A_524 = arith.select %le3A_519, %broadcast_in_dim3A_522, %broadcast_in_dim3A_523 : vector<16xi1>, vector<16xi32>
      %add3A_525 = arith.addi %add3A_510, %select_n3A_524 : vector<16xi32>
      %broadcast_in_dim3A_526 = arith.constant 0 : i32
      %broadcast_in_dim3A_527 = vector.broadcast %broadcast_in_dim3A_526 : i32 to vector<16xi32>
      %add3A_528 = arith.constant 5 : i32
      %add3A_529 = vector.broadcast %add3A_528 : i32 to vector<16xi32>
      %add3A_530 = arith.addi %broadcast_in_dim3A_527, %add3A_529 : vector<16xi32>
      %broadcast_in_dim3A_531 = vector.shape_cast %add3A_530 : vector<16xi32> to vector<16x1xi32>
      %gather3A_532 = vector.shape_cast %broadcast_in_dim3A_531 : vector<16x1xi32> to vector<16xi32>
      %gather3A_533 = tpu.dynamic_gather %sub3A[%gather3A_532] in [0] : vector<16xi32>, vector<16xi32> -> vector<16xi32>
      %le3A_534 = arith.cmpi sle, %gather3A_533, %add3A_450 : vector<16xi32>
      %jit3A_535 = arith.constant 1 : i32
      %jit3A_536 = arith.constant 0 : i32
      %broadcast_in_dim3A_537 = vector.broadcast %jit3A_535 : i32 to vector<16xi32>
      %broadcast_in_dim3A_538 = vector.broadcast %jit3A_536 : i32 to vector<16xi32>
      %select_n3A_539 = arith.select %le3A_534, %broadcast_in_dim3A_537, %broadcast_in_dim3A_538 : vector<16xi1>, vector<16xi32>
      %add3A_540 = arith.addi %add3A_525, %select_n3A_539 : vector<16xi32>
      %broadcast_in_dim3A_541 = arith.constant 0 : i32
      %broadcast_in_dim3A_542 = vector.broadcast %broadcast_in_dim3A_541 : i32 to vector<16xi32>
      %add3A_543 = arith.constant 6 : i32
      %add3A_544 = vector.broadcast %add3A_543 : i32 to vector<16xi32>
      %add3A_545 = arith.addi %broadcast_in_dim3A_542, %add3A_544 : vector<16xi32>
      %broadcast_in_dim3A_546 = vector.shape_cast %add3A_545 : vector<16xi32> to vector<16x1xi32>
      %gather3A_547 = vector.shape_cast %broadcast_in_dim3A_546 : vector<16x1xi32> to vector<16xi32>
      %gather3A_548 = tpu.dynamic_gather %sub3A[%gather3A_547] in [0] : vector<16xi32>, vector<16xi32> -> vector<16xi32>
      %le3A_549 = arith.cmpi sle, %gather3A_548, %add3A_450 : vector<16xi32>
      %jit3A_550 = arith.constant 1 : i32
      %jit3A_551 = arith.constant 0 : i32
      %broadcast_in_dim3A_552 = vector.broadcast %jit3A_550 : i32 to vector<16xi32>
      %broadcast_in_dim3A_553 = vector.broadcast %jit3A_551 : i32 to vector<16xi32>
      %select_n3A_554 = arith.select %le3A_549, %broadcast_in_dim3A_552, %broadcast_in_dim3A_553 : vector<16xi1>, vector<16xi32>
      %add3A_555 = arith.addi %add3A_540, %select_n3A_554 : vector<16xi32>
      %broadcast_in_dim3A_556 = arith.constant 0 : i32
      %broadcast_in_dim3A_557 = vector.broadcast %broadcast_in_dim3A_556 : i32 to vector<16xi32>
      %add3A_558 = arith.constant 7 : i32
      %add3A_559 = vector.broadcast %add3A_558 : i32 to vector<16xi32>
      %add3A_560 = arith.addi %broadcast_in_dim3A_557, %add3A_559 : vector<16xi32>
      %broadcast_in_dim3A_561 = vector.shape_cast %add3A_560 : vector<16xi32> to vector<16x1xi32>
      %gather3A_562 = vector.shape_cast %broadcast_in_dim3A_561 : vector<16x1xi32> to vector<16xi32>
      %gather3A_563 = tpu.dynamic_gather %sub3A[%gather3A_562] in [0] : vector<16xi32>, vector<16xi32> -> vector<16xi32>
      %le3A_564 = arith.cmpi sle, %gather3A_563, %add3A_450 : vector<16xi32>
      %jit3A_565 = arith.constant 1 : i32
      %jit3A_566 = arith.constant 0 : i32
      %broadcast_in_dim3A_567 = vector.broadcast %jit3A_565 : i32 to vector<16xi32>
      %broadcast_in_dim3A_568 = vector.broadcast %jit3A_566 : i32 to vector<16xi32>
      %select_n3A_569 = arith.select %le3A_564, %broadcast_in_dim3A_567, %broadcast_in_dim3A_568 : vector<16xi1>, vector<16xi32>
      %add3A_570 = arith.addi %add3A_555, %select_n3A_569 : vector<16xi32>
      %broadcast_in_dim3A_571 = arith.constant 0 : i32
      %broadcast_in_dim3A_572 = vector.broadcast %broadcast_in_dim3A_571 : i32 to vector<16xi32>
      %add3A_573 = arith.constant 8 : i32
      %add3A_574 = vector.broadcast %add3A_573 : i32 to vector<16xi32>
      %add3A_575 = arith.addi %broadcast_in_dim3A_572, %add3A_574 : vector<16xi32>
      %broadcast_in_dim3A_576 = vector.shape_cast %add3A_575 : vector<16xi32> to vector<16x1xi32>
      %gather3A_577 = vector.shape_cast %broadcast_in_dim3A_576 : vector<16x1xi32> to vector<16xi32>
      %gather3A_578 = tpu.dynamic_gather %sub3A[%gather3A_577] in [0] : vector<16xi32>, vector<16xi32> -> vector<16xi32>
      %le3A_579 = arith.cmpi sle, %gather3A_578, %add3A_450 : vector<16xi32>
      %jit3A_580 = arith.constant 1 : i32
      %jit3A_581 = arith.constant 0 : i32
      %broadcast_in_dim3A_582 = vector.broadcast %jit3A_580 : i32 to vector<16xi32>
      %broadcast_in_dim3A_583 = vector.broadcast %jit3A_581 : i32 to vector<16xi32>
      %select_n3A_584 = arith.select %le3A_579, %broadcast_in_dim3A_582, %broadcast_in_dim3A_583 : vector<16xi1>, vector<16xi32>
      %add3A_585 = arith.addi %add3A_570, %select_n3A_584 : vector<16xi32>
      %broadcast_in_dim3A_586 = arith.constant 0 : i32
      %broadcast_in_dim3A_587 = vector.broadcast %broadcast_in_dim3A_586 : i32 to vector<16xi32>
      %add3A_588 = arith.constant 9 : i32
      %add3A_589 = vector.broadcast %add3A_588 : i32 to vector<16xi32>
      %add3A_590 = arith.addi %broadcast_in_dim3A_587, %add3A_589 : vector<16xi32>
      %broadcast_in_dim3A_591 = vector.shape_cast %add3A_590 : vector<16xi32> to vector<16x1xi32>
      %gather3A_592 = vector.shape_cast %broadcast_in_dim3A_591 : vector<16x1xi32> to vector<16xi32>
      %gather3A_593 = tpu.dynamic_gather %sub3A[%gather3A_592] in [0] : vector<16xi32>, vector<16xi32> -> vector<16xi32>
      %le3A_594 = arith.cmpi sle, %gather3A_593, %add3A_450 : vector<16xi32>
      %jit3A_595 = arith.constant 1 : i32
      %jit3A_596 = arith.constant 0 : i32
      %broadcast_in_dim3A_597 = vector.broadcast %jit3A_595 : i32 to vector<16xi32>
      %broadcast_in_dim3A_598 = vector.broadcast %jit3A_596 : i32 to vector<16xi32>
      %select_n3A_599 = arith.select %le3A_594, %broadcast_in_dim3A_597, %broadcast_in_dim3A_598 : vector<16xi1>, vector<16xi32>
      %add3A_600 = arith.addi %add3A_585, %select_n3A_599 : vector<16xi32>
      %broadcast_in_dim3A_601 = arith.constant 0 : i32
      %broadcast_in_dim3A_602 = vector.broadcast %broadcast_in_dim3A_601 : i32 to vector<16xi32>
      %add3A_603 = arith.constant 10 : i32
      %add3A_604 = vector.broadcast %add3A_603 : i32 to vector<16xi32>
      %add3A_605 = arith.addi %broadcast_in_dim3A_602, %add3A_604 : vector<16xi32>
      %broadcast_in_dim3A_606 = vector.shape_cast %add3A_605 : vector<16xi32> to vector<16x1xi32>
      %gather3A_607 = vector.shape_cast %broadcast_in_dim3A_606 : vector<16x1xi32> to vector<16xi32>
      %gather3A_608 = tpu.dynamic_gather %sub3A[%gather3A_607] in [0] : vector<16xi32>, vector<16xi32> -> vector<16xi32>
      %le3A_609 = arith.cmpi sle, %gather3A_608, %add3A_450 : vector<16xi32>
      %jit3A_610 = arith.constant 1 : i32
      %jit3A_611 = arith.constant 0 : i32
      %broadcast_in_dim3A_612 = vector.broadcast %jit3A_610 : i32 to vector<16xi32>
      %broadcast_in_dim3A_613 = vector.broadcast %jit3A_611 : i32 to vector<16xi32>
      %select_n3A_614 = arith.select %le3A_609, %broadcast_in_dim3A_612, %broadcast_in_dim3A_613 : vector<16xi1>, vector<16xi32>
      %add3A_615 = arith.addi %add3A_600, %select_n3A_614 : vector<16xi32>
      %broadcast_in_dim3A_616 = arith.constant 0 : i32
      %broadcast_in_dim3A_617 = vector.broadcast %broadcast_in_dim3A_616 : i32 to vector<16xi32>
      %add3A_618 = arith.constant 11 : i32
      %add3A_619 = vector.broadcast %add3A_618 : i32 to vector<16xi32>
      %add3A_620 = arith.addi %broadcast_in_dim3A_617, %add3A_619 : vector<16xi32>
      %broadcast_in_dim3A_621 = vector.shape_cast %add3A_620 : vector<16xi32> to vector<16x1xi32>
      %gather3A_622 = vector.shape_cast %broadcast_in_dim3A_621 : vector<16x1xi32> to vector<16xi32>
      %gather3A_623 = tpu.dynamic_gather %sub3A[%gather3A_622] in [0] : vector<16xi32>, vector<16xi32> -> vector<16xi32>
      %le3A_624 = arith.cmpi sle, %gather3A_623, %add3A_450 : vector<16xi32>
      %jit3A_625 = arith.constant 1 : i32
      %jit3A_626 = arith.constant 0 : i32
      %broadcast_in_dim3A_627 = vector.broadcast %jit3A_625 : i32 to vector<16xi32>
      %broadcast_in_dim3A_628 = vector.broadcast %jit3A_626 : i32 to vector<16xi32>
      %select_n3A_629 = arith.select %le3A_624, %broadcast_in_dim3A_627, %broadcast_in_dim3A_628 : vector<16xi1>, vector<16xi32>
      %add3A_630 = arith.addi %add3A_615, %select_n3A_629 : vector<16xi32>
      %broadcast_in_dim3A_631 = arith.constant 0 : i32
      %broadcast_in_dim3A_632 = vector.broadcast %broadcast_in_dim3A_631 : i32 to vector<16xi32>
      %add3A_633 = arith.constant 12 : i32
      %add3A_634 = vector.broadcast %add3A_633 : i32 to vector<16xi32>
      %add3A_635 = arith.addi %broadcast_in_dim3A_632, %add3A_634 : vector<16xi32>
      %broadcast_in_dim3A_636 = vector.shape_cast %add3A_635 : vector<16xi32> to vector<16x1xi32>
      %gather3A_637 = vector.shape_cast %broadcast_in_dim3A_636 : vector<16x1xi32> to vector<16xi32>
      %gather3A_638 = tpu.dynamic_gather %sub3A[%gather3A_637] in [0] : vector<16xi32>, vector<16xi32> -> vector<16xi32>
      %le3A_639 = arith.cmpi sle, %gather3A_638, %add3A_450 : vector<16xi32>
      %jit3A_640 = arith.constant 1 : i32
      %jit3A_641 = arith.constant 0 : i32
      %broadcast_in_dim3A_642 = vector.broadcast %jit3A_640 : i32 to vector<16xi32>
      %broadcast_in_dim3A_643 = vector.broadcast %jit3A_641 : i32 to vector<16xi32>
      %select_n3A_644 = arith.select %le3A_639, %broadcast_in_dim3A_642, %broadcast_in_dim3A_643 : vector<16xi1>, vector<16xi32>
      %add3A_645 = arith.addi %add3A_630, %select_n3A_644 : vector<16xi32>
      %broadcast_in_dim3A_646 = arith.constant 0 : i32
      %broadcast_in_dim3A_647 = vector.broadcast %broadcast_in_dim3A_646 : i32 to vector<16xi32>
      %add3A_648 = arith.constant 13 : i32
      %add3A_649 = vector.broadcast %add3A_648 : i32 to vector<16xi32>
      %add3A_650 = arith.addi %broadcast_in_dim3A_647, %add3A_649 : vector<16xi32>
      %broadcast_in_dim3A_651 = vector.shape_cast %add3A_650 : vector<16xi32> to vector<16x1xi32>
      %gather3A_652 = vector.shape_cast %broadcast_in_dim3A_651 : vector<16x1xi32> to vector<16xi32>
      %gather3A_653 = tpu.dynamic_gather %sub3A[%gather3A_652] in [0] : vector<16xi32>, vector<16xi32> -> vector<16xi32>
      %le3A_654 = arith.cmpi sle, %gather3A_653, %add3A_450 : vector<16xi32>
      %jit3A_655 = arith.constant 1 : i32
      %jit3A_656 = arith.constant 0 : i32
      %broadcast_in_dim3A_657 = vector.broadcast %jit3A_655 : i32 to vector<16xi32>
      %broadcast_in_dim3A_658 = vector.broadcast %jit3A_656 : i32 to vector<16xi32>
      %select_n3A_659 = arith.select %le3A_654, %broadcast_in_dim3A_657, %broadcast_in_dim3A_658 : vector<16xi1>, vector<16xi32>
      %add3A_660 = arith.addi %add3A_645, %select_n3A_659 : vector<16xi32>
      %broadcast_in_dim3A_661 = arith.constant 0 : i32
      %broadcast_in_dim3A_662 = vector.broadcast %broadcast_in_dim3A_661 : i32 to vector<16xi32>
      %add3A_663 = arith.constant 14 : i32
      %add3A_664 = vector.broadcast %add3A_663 : i32 to vector<16xi32>
      %add3A_665 = arith.addi %broadcast_in_dim3A_662, %add3A_664 : vector<16xi32>
      %broadcast_in_dim3A_666 = vector.shape_cast %add3A_665 : vector<16xi32> to vector<16x1xi32>
      %gather3A_667 = vector.shape_cast %broadcast_in_dim3A_666 : vector<16x1xi32> to vector<16xi32>
      %gather3A_668 = tpu.dynamic_gather %sub3A[%gather3A_667] in [0] : vector<16xi32>, vector<16xi32> -> vector<16xi32>
      %le3A_669 = arith.cmpi sle, %gather3A_668, %add3A_450 : vector<16xi32>
      %jit3A_670 = arith.constant 1 : i32
      %jit3A_671 = arith.constant 0 : i32
      %broadcast_in_dim3A_672 = vector.broadcast %jit3A_670 : i32 to vector<16xi32>
      %broadcast_in_dim3A_673 = vector.broadcast %jit3A_671 : i32 to vector<16xi32>
      %select_n3A_674 = arith.select %le3A_669, %broadcast_in_dim3A_672, %broadcast_in_dim3A_673 : vector<16xi1>, vector<16xi32>
      %add3A_675 = arith.addi %add3A_660, %select_n3A_674 : vector<16xi32>
      %broadcast_in_dim3A_676 = arith.constant 0 : i32
      %broadcast_in_dim3A_677 = vector.broadcast %broadcast_in_dim3A_676 : i32 to vector<16xi32>
      %add3A_678 = arith.constant 15 : i32
      %add3A_679 = vector.broadcast %add3A_678 : i32 to vector<16xi32>
      %add3A_680 = arith.addi %broadcast_in_dim3A_677, %add3A_679 : vector<16xi32>
      %broadcast_in_dim3A_681 = vector.shape_cast %add3A_680 : vector<16xi32> to vector<16x1xi32>
      %gather3A_682 = vector.shape_cast %broadcast_in_dim3A_681 : vector<16x1xi32> to vector<16xi32>
      %gather3A_683 = tpu.dynamic_gather %sub3A[%gather3A_682] in [0] : vector<16xi32>, vector<16xi32> -> vector<16xi32>
      %le3A_684 = arith.cmpi sle, %gather3A_683, %add3A_450 : vector<16xi32>
      %jit3A_685 = arith.constant 1 : i32
      %jit3A_686 = arith.constant 0 : i32
      %broadcast_in_dim3A_687 = vector.broadcast %jit3A_685 : i32 to vector<16xi32>
      %broadcast_in_dim3A_688 = vector.broadcast %jit3A_686 : i32 to vector<16xi32>
      %select_n3A_689 = arith.select %le3A_684, %broadcast_in_dim3A_687, %broadcast_in_dim3A_688 : vector<16xi1>, vector<16xi32>
      %add3A_690 = arith.addi %add3A_675, %select_n3A_689 : vector<16xi32>
      %sub3A_691 = arith.constant 1 : i32
      %sub3A_692 = vector.broadcast %sub3A_691 : i32 to vector<16xi32>
      %sub3A_693 = arith.subi %add3A_690, %sub3A_692 : vector<16xi32>
      %min3A = arith.constant 15 : i32
      %min3A_694 = vector.broadcast %min3A : i32 to vector<16xi32>
      %min3A_695 = arith.minsi %sub3A_693, %min3A_694 : vector<16xi32>
      %swap3A_696 = arith.constant 0 : index
      %swap3A_697 = tpu.vector_load %arg23[%swap3A_696] {strides = array<i32>} : memref<80xi32, #tpu.memory_space<vmem>>, vector<16xi32>,
      tpu.vector_store %arg23[%swap3A_696], %min3A_695 {strides = array<i32>} : memref<80xi32, #tpu.memory_space<vmem>>, vector<16xi32>,
      %add3A_698 = arith.constant 16 : i32
      %add3A_699 = vector.broadcast %add3A_698 : i32 to vector<16xi32>
      %add3A_700 = arith.addi %iota3A, %add3A_699 : vector<16xi32>
      %broadcast_in_dim3A_701 = arith.constant 0 : i32
      %broadcast_in_dim3A_702 = vector.broadcast %broadcast_in_dim3A_701 : i32 to vector<16xi32>
      %broadcast_in_dim3A_703 = arith.constant 0 : i32
      %broadcast_in_dim3A_704 = vector.broadcast %broadcast_in_dim3A_703 : i32 to vector<16xi32>
      %add3A_705 = arith.constant 0 : i32
      %add3A_706 = vector.broadcast %add3A_705 : i32 to vector<16xi32>
      %add3A_707 = arith.addi %broadcast_in_dim3A_704, %add3A_706 : vector<16xi32>
      %broadcast_in_dim3A_708 = vector.shape_cast %add3A_707 : vector<16xi32> to vector<16x1xi32>
      %gather3A_709 = vector.shape_cast %broadcast_in_dim3A_708 : vector<16x1xi32> to vector<16xi32>
      %gather3A_710 = tpu.dynamic_gather %sub3A[%gather3A_709] in [0] : vector<16xi32>, vector<16xi32> -> vector<16xi32>
      %le3A_711 = arith.cmpi sle, %gather3A_710, %add3A_700 : vector<16xi32>
      %jit3A_712 = arith.constant 1 : i32
      %jit3A_713 = arith.constant 0 : i32
      %broadcast_in_dim3A_714 = vector.broadcast %jit3A_712 : i32 to vector<16xi32>
      %broadcast_in_dim3A_715 = vector.broadcast %jit3A_713 : i32 to vector<16xi32>
      %select_n3A_716 = arith.select %le3A_711, %broadcast_in_dim3A_714, %broadcast_in_dim3A_715 : vector<16xi1>, vector<16xi32>
      %add3A_717 = arith.addi %broadcast_in_dim3A_702, %select_n3A_716 : vector<16xi32>
      %broadcast_in_dim3A_718 = arith.constant 0 : i32
      %broadcast_in_dim3A_719 = vector.broadcast %broadcast_in_dim3A_718 : i32 to vector<16xi32>
      %add3A_720 = arith.constant 1 : i32
      %add3A_721 = vector.broadcast %add3A_720 : i32 to vector<16xi32>
      %add3A_722 = arith.addi %broadcast_in_dim3A_719, %add3A_721 : vector<16xi32>
      %broadcast_in_dim3A_723 = vector.shape_cast %add3A_722 : vector<16xi32> to vector<16x1xi32>
      %gather3A_724 = vector.shape_cast %broadcast_in_dim3A_723 : vector<16x1xi32> to vector<16xi32>
      %gather3A_725 = tpu.dynamic_gather %sub3A[%gather3A_724] in [0] : vector<16xi32>, vector<16xi32> -> vector<16xi32>
      %le3A_726 = arith.cmpi sle, %gather3A_725, %add3A_700 : vector<16xi32>
      %jit3A_727 = arith.constant 1 : i32
      %jit3A_728 = arith.constant 0 : i32
      %broadcast_in_dim3A_729 = vector.broadcast %jit3A_727 : i32 to vector<16xi32>
      %broadcast_in_dim3A_730 = vector.broadcast %jit3A_728 : i32 to vector<16xi32>
      %select_n3A_731 = arith.select %le3A_726, %broadcast_in_dim3A_729, %broadcast_in_dim3A_730 : vector<16xi1>, vector<16xi32>
      %add3A_732 = arith.addi %add3A_717, %select_n3A_731 : vector<16xi32>
      %broadcast_in_dim3A_733 = arith.constant 0 : i32
      %broadcast_in_dim3A_734 = vector.broadcast %broadcast_in_dim3A_733 : i32 to vector<16xi32>
      %add3A_735 = arith.constant 2 : i32
      %add3A_736 = vector.broadcast %add3A_735 : i32 to vector<16xi32>
      %add3A_737 = arith.addi %broadcast_in_dim3A_734, %add3A_736 : vector<16xi32>
      %broadcast_in_dim3A_738 = vector.shape_cast %add3A_737 : vector<16xi32> to vector<16x1xi32>
      %gather3A_739 = vector.shape_cast %broadcast_in_dim3A_738 : vector<16x1xi32> to vector<16xi32>
      %gather3A_740 = tpu.dynamic_gather %sub3A[%gather3A_739] in [0] : vector<16xi32>, vector<16xi32> -> vector<16xi32>
      %le3A_741 = arith.cmpi sle, %gather3A_740, %add3A_700 : vector<16xi32>
      %jit3A_742 = arith.constant 1 : i32
      %jit3A_743 = arith.constant 0 : i32
      %broadcast_in_dim3A_744 = vector.broadcast %jit3A_742 : i32 to vector<16xi32>
      %broadcast_in_dim3A_745 = vector.broadcast %jit3A_743 : i32 to vector<16xi32>
      %select_n3A_746 = arith.select %le3A_741, %broadcast_in_dim3A_744, %broadcast_in_dim3A_745 : vector<16xi1>, vector<16xi32>
      %add3A_747 = arith.addi %add3A_732, %select_n3A_746 : vector<16xi32>
      %broadcast_in_dim3A_748 = arith.constant 0 : i32
      %broadcast_in_dim3A_749 = vector.broadcast %broadcast_in_dim3A_748 : i32 to vector<16xi32>
      %add3A_750 = arith.constant 3 : i32
      %add3A_751 = vector.broadcast %add3A_750 : i32 to vector<16xi32>
      %add3A_752 = arith.addi %broadcast_in_dim3A_749, %add3A_751 : vector<16xi32>
      %broadcast_in_dim3A_753 = vector.shape_cast %add3A_752 : vector<16xi32> to vector<16x1xi32>
      %gather3A_754 = vector.shape_cast %broadcast_in_dim3A_753 : vector<16x1xi32> to vector<16xi32>
      %gather3A_755 = tpu.dynamic_gather %sub3A[%gather3A_754] in [0] : vector<16xi32>, vector<16xi32> -> vector<16xi32>
      %le3A_756 = arith.cmpi sle, %gather3A_755, %add3A_700 : vector<16xi32>
      %jit3A_757 = arith.constant 1 : i32
      %jit3A_758 = arith.constant 0 : i32
      %broadcast_in_dim3A_759 = vector.broadcast %jit3A_757 : i32 to vector<16xi32>
      %broadcast_in_dim3A_760 = vector.broadcast %jit3A_758 : i32 to vector<16xi32>
      %select_n3A_761 = arith.select %le3A_756, %broadcast_in_dim3A_759, %broadcast_in_dim3A_760 : vector<16xi1>, vector<16xi32>
      %add3A_762 = arith.addi %add3A_747, %select_n3A_761 : vector<16xi32>
      %broadcast_in_dim3A_763 = arith.constant 0 : i32
      %broadcast_in_dim3A_764 = vector.broadcast %broadcast_in_dim3A_763 : i32 to vector<16xi32>
      %add3A_765 = arith.constant 4 : i32
      %add3A_766 = vector.broadcast %add3A_765 : i32 to vector<16xi32>
      %add3A_767 = arith.addi %broadcast_in_dim3A_764, %add3A_766 : vector<16xi32>
      %broadcast_in_dim3A_768 = vector.shape_cast %add3A_767 : vector<16xi32> to vector<16x1xi32>
      %gather3A_769 = vector.shape_cast %broadcast_in_dim3A_768 : vector<16x1xi32> to vector<16xi32>
      %gather3A_770 = tpu.dynamic_gather %sub3A[%gather3A_769] in [0] : vector<16xi32>, vector<16xi32> -> vector<16xi32>
      %le3A_771 = arith.cmpi sle, %gather3A_770, %add3A_700 : vector<16xi32>
      %jit3A_772 = arith.constant 1 : i32
      %jit3A_773 = arith.constant 0 : i32
      %broadcast_in_dim3A_774 = vector.broadcast %jit3A_772 : i32 to vector<16xi32>
      %broadcast_in_dim3A_775 = vector.broadcast %jit3A_773 : i32 to vector<16xi32>
      %select_n3A_776 = arith.select %le3A_771, %broadcast_in_dim3A_774, %broadcast_in_dim3A_775 : vector<16xi1>, vector<16xi32>
      %add3A_777 = arith.addi %add3A_762, %select_n3A_776 : vector<16xi32>
      %broadcast_in_dim3A_778 = arith.constant 0 : i32
      %broadcast_in_dim3A_779 = vector.broadcast %broadcast_in_dim3A_778 : i32 to vector<16xi32>
      %add3A_780 = arith.constant 5 : i32
      %add3A_781 = vector.broadcast %add3A_780 : i32 to vector<16xi32>
      %add3A_782 = arith.addi %broadcast_in_dim3A_779, %add3A_781 : vector<16xi32>
      %broadcast_in_dim3A_783 = vector.shape_cast %add3A_782 : vector<16xi32> to vector<16x1xi32>
      %gather3A_784 = vector.shape_cast %broadcast_in_dim3A_783 : vector<16x1xi32> to vector<16xi32>
      %gather3A_785 = tpu.dynamic_gather %sub3A[%gather3A_784] in [0] : vector<16xi32>, vector<16xi32> -> vector<16xi32>
      %le3A_786 = arith.cmpi sle, %gather3A_785, %add3A_700 : vector<16xi32>
      %jit3A_787 = arith.constant 1 : i32
      %jit3A_788 = arith.constant 0 : i32
      %broadcast_in_dim3A_789 = vector.broadcast %jit3A_787 : i32 to vector<16xi32>
      %broadcast_in_dim3A_790 = vector.broadcast %jit3A_788 : i32 to vector<16xi32>
      %select_n3A_791 = arith.select %le3A_786, %broadcast_in_dim3A_789, %broadcast_in_dim3A_790 : vector<16xi1>, vector<16xi32>
      %add3A_792 = arith.addi %add3A_777, %select_n3A_791 : vector<16xi32>
      %broadcast_in_dim3A_793 = arith.constant 0 : i32
      %broadcast_in_dim3A_794 = vector.broadcast %broadcast_in_dim3A_793 : i32 to vector<16xi32>
      %add3A_795 = arith.constant 6 : i32
      %add3A_796 = vector.broadcast %add3A_795 : i32 to vector<16xi32>
      %add3A_797 = arith.addi %broadcast_in_dim3A_794, %add3A_796 : vector<16xi32>
      %broadcast_in_dim3A_798 = vector.shape_cast %add3A_797 : vector<16xi32> to vector<16x1xi32>
      %gather3A_799 = vector.shape_cast %broadcast_in_dim3A_798 : vector<16x1xi32> to vector<16xi32>
      %gather3A_800 = tpu.dynamic_gather %sub3A[%gather3A_799] in [0] : vector<16xi32>, vector<16xi32> -> vector<16xi32>
      %le3A_801 = arith.cmpi sle, %gather3A_800, %add3A_700 : vector<16xi32>
      %jit3A_802 = arith.constant 1 : i32
      %jit3A_803 = arith.constant 0 : i32
      %broadcast_in_dim3A_804 = vector.broadcast %jit3A_802 : i32 to vector<16xi32>
      %broadcast_in_dim3A_805 = vector.broadcast %jit3A_803 : i32 to vector<16xi32>
      %select_n3A_806 = arith.select %le3A_801, %broadcast_in_dim3A_804, %broadcast_in_dim3A_805 : vector<16xi1>, vector<16xi32>
      %add3A_807 = arith.addi %add3A_792, %select_n3A_806 : vector<16xi32>
      %broadcast_in_dim3A_808 = arith.constant 0 : i32
      %broadcast_in_dim3A_809 = vector.broadcast %broadcast_in_dim3A_808 : i32 to vector<16xi32>
      %add3A_810 = arith.constant 7 : i32
      %add3A_811 = vector.broadcast %add3A_810 : i32 to vector<16xi32>
      %add3A_812 = arith.addi %broadcast_in_dim3A_809, %add3A_811 : vector<16xi32>
      %broadcast_in_dim3A_813 = vector.shape_cast %add3A_812 : vector<16xi32> to vector<16x1xi32>
      %gather3A_814 = vector.shape_cast %broadcast_in_dim3A_813 : vector<16x1xi32> to vector<16xi32>
      %gather3A_815 = tpu.dynamic_gather %sub3A[%gather3A_814] in [0] : vector<16xi32>, vector<16xi32> -> vector<16xi32>
      %le3A_816 = arith.cmpi sle, %gather3A_815, %add3A_700 : vector<16xi32>
      %jit3A_817 = arith.constant 1 : i32
      %jit3A_818 = arith.constant 0 : i32
      %broadcast_in_dim3A_819 = vector.broadcast %jit3A_817 : i32 to vector<16xi32>
      %broadcast_in_dim3A_820 = vector.broadcast %jit3A_818 : i32 to vector<16xi32>
      %select_n3A_821 = arith.select %le3A_816, %broadcast_in_dim3A_819, %broadcast_in_dim3A_820 : vector<16xi1>, vector<16xi32>
      %add3A_822 = arith.addi %add3A_807, %select_n3A_821 : vector<16xi32>
      %broadcast_in_dim3A_823 = arith.constant 0 : i32
      %broadcast_in_dim3A_824 = vector.broadcast %broadcast_in_dim3A_823 : i32 to vector<16xi32>
      %add3A_825 = arith.constant 8 : i32
      %add3A_826 = vector.broadcast %add3A_825 : i32 to vector<16xi32>
      %add3A_827 = arith.addi %broadcast_in_dim3A_824, %add3A_826 : vector<16xi32>
      %broadcast_in_dim3A_828 = vector.shape_cast %add3A_827 : vector<16xi32> to vector<16x1xi32>
      %gather3A_829 = vector.shape_cast %broadcast_in_dim3A_828 : vector<16x1xi32> to vector<16xi32>
      %gather3A_830 = tpu.dynamic_gather %sub3A[%gather3A_829] in [0] : vector<16xi32>, vector<16xi32> -> vector<16xi32>
      %le3A_831 = arith.cmpi sle, %gather3A_830, %add3A_700 : vector<16xi32>
      %jit3A_832 = arith.constant 1 : i32
      %jit3A_833 = arith.constant 0 : i32
      %broadcast_in_dim3A_834 = vector.broadcast %jit3A_832 : i32 to vector<16xi32>
      %broadcast_in_dim3A_835 = vector.broadcast %jit3A_833 : i32 to vector<16xi32>
      %select_n3A_836 = arith.select %le3A_831, %broadcast_in_dim3A_834, %broadcast_in_dim3A_835 : vector<16xi1>, vector<16xi32>
      %add3A_837 = arith.addi %add3A_822, %select_n3A_836 : vector<16xi32>
      %broadcast_in_dim3A_838 = arith.constant 0 : i32
      %broadcast_in_dim3A_839 = vector.broadcast %broadcast_in_dim3A_838 : i32 to vector<16xi32>
      %add3A_840 = arith.constant 9 : i32
      %add3A_841 = vector.broadcast %add3A_840 : i32 to vector<16xi32>
      %add3A_842 = arith.addi %broadcast_in_dim3A_839, %add3A_841 : vector<16xi32>
      %broadcast_in_dim3A_843 = vector.shape_cast %add3A_842 : vector<16xi32> to vector<16x1xi32>
      %gather3A_844 = vector.shape_cast %broadcast_in_dim3A_843 : vector<16x1xi32> to vector<16xi32>
      %gather3A_845 = tpu.dynamic_gather %sub3A[%gather3A_844] in [0] : vector<16xi32>, vector<16xi32> -> vector<16xi32>
      %le3A_846 = arith.cmpi sle, %gather3A_845, %add3A_700 : vector<16xi32>
      %jit3A_847 = arith.constant 1 : i32
      %jit3A_848 = arith.constant 0 : i32
      %broadcast_in_dim3A_849 = vector.broadcast %jit3A_847 : i32 to vector<16xi32>
      %broadcast_in_dim3A_850 = vector.broadcast %jit3A_848 : i32 to vector<16xi32>
      %select_n3A_851 = arith.select %le3A_846, %broadcast_in_dim3A_849, %broadcast_in_dim3A_850 : vector<16xi1>, vector<16xi32>
      %add3A_852 = arith.addi %add3A_837, %select_n3A_851 : vector<16xi32>
      %broadcast_in_dim3A_853 = arith.constant 0 : i32
      %broadcast_in_dim3A_854 = vector.broadcast %broadcast_in_dim3A_853 : i32 to vector<16xi32>
      %add3A_855 = arith.constant 10 : i32
      %add3A_856 = vector.broadcast %add3A_855 : i32 to vector<16xi32>
      %add3A_857 = arith.addi %broadcast_in_dim3A_854, %add3A_856 : vector<16xi32>
      %broadcast_in_dim3A_858 = vector.shape_cast %add3A_857 : vector<16xi32> to vector<16x1xi32>
      %gather3A_859 = vector.shape_cast %broadcast_in_dim3A_858 : vector<16x1xi32> to vector<16xi32>
      %gather3A_860 = tpu.dynamic_gather %sub3A[%gather3A_859] in [0] : vector<16xi32>, vector<16xi32> -> vector<16xi32>
      %le3A_861 = arith.cmpi sle, %gather3A_860, %add3A_700 : vector<16xi32>
      %jit3A_862 = arith.constant 1 : i32
      %jit3A_863 = arith.constant 0 : i32
      %broadcast_in_dim3A_864 = vector.broadcast %jit3A_862 : i32 to vector<16xi32>
      %broadcast_in_dim3A_865 = vector.broadcast %jit3A_863 : i32 to vector<16xi32>
      %select_n3A_866 = arith.select %le3A_861, %broadcast_in_dim3A_864, %broadcast_in_dim3A_865 : vector<16xi1>, vector<16xi32>
      %add3A_867 = arith.addi %add3A_852, %select_n3A_866 : vector<16xi32>
      %broadcast_in_dim3A_868 = arith.constant 0 : i32
      %broadcast_in_dim3A_869 = vector.broadcast %broadcast_in_dim3A_868 : i32 to vector<16xi32>
      %add3A_870 = arith.constant 11 : i32
      %add3A_871 = vector.broadcast %add3A_870 : i32 to vector<16xi32>
      %add3A_872 = arith.addi %broadcast_in_dim3A_869, %add3A_871 : vector<16xi32>
      %broadcast_in_dim3A_873 = vector.shape_cast %add3A_872 : vector<16xi32> to vector<16x1xi32>
      %gather3A_874 = vector.shape_cast %broadcast_in_dim3A_873 : vector<16x1xi32> to vector<16xi32>
      %gather3A_875 = tpu.dynamic_gather %sub3A[%gather3A_874] in [0] : vector<16xi32>, vector<16xi32> -> vector<16xi32>
      %le3A_876 = arith.cmpi sle, %gather3A_875, %add3A_700 : vector<16xi32>
      %jit3A_877 = arith.constant 1 : i32
      %jit3A_878 = arith.constant 0 : i32
      %broadcast_in_dim3A_879 = vector.broadcast %jit3A_877 : i32 to vector<16xi32>
      %broadcast_in_dim3A_880 = vector.broadcast %jit3A_878 : i32 to vector<16xi32>
      %select_n3A_881 = arith.select %le3A_876, %broadcast_in_dim3A_879, %broadcast_in_dim3A_880 : vector<16xi1>, vector<16xi32>
      %add3A_882 = arith.addi %add3A_867, %select_n3A_881 : vector<16xi32>
      %broadcast_in_dim3A_883 = arith.constant 0 : i32
      %broadcast_in_dim3A_884 = vector.broadcast %broadcast_in_dim3A_883 : i32 to vector<16xi32>
      %add3A_885 = arith.constant 12 : i32
      %add3A_886 = vector.broadcast %add3A_885 : i32 to vector<16xi32>
      %add3A_887 = arith.addi %broadcast_in_dim3A_884, %add3A_886 : vector<16xi32>
      %broadcast_in_dim3A_888 = vector.shape_cast %add3A_887 : vector<16xi32> to vector<16x1xi32>
      %gather3A_889 = vector.shape_cast %broadcast_in_dim3A_888 : vector<16x1xi32> to vector<16xi32>
      %gather3A_890 = tpu.dynamic_gather %sub3A[%gather3A_889] in [0] : vector<16xi32>, vector<16xi32> -> vector<16xi32>
      %le3A_891 = arith.cmpi sle, %gather3A_890, %add3A_700 : vector<16xi32>
      %jit3A_892 = arith.constant 1 : i32
      %jit3A_893 = arith.constant 0 : i32
      %broadcast_in_dim3A_894 = vector.broadcast %jit3A_892 : i32 to vector<16xi32>
      %broadcast_in_dim3A_895 = vector.broadcast %jit3A_893 : i32 to vector<16xi32>
      %select_n3A_896 = arith.select %le3A_891, %broadcast_in_dim3A_894, %broadcast_in_dim3A_895 : vector<16xi1>, vector<16xi32>
      %add3A_897 = arith.addi %add3A_882, %select_n3A_896 : vector<16xi32>
      %broadcast_in_dim3A_898 = arith.constant 0 : i32
      %broadcast_in_dim3A_899 = vector.broadcast %broadcast_in_dim3A_898 : i32 to vector<16xi32>
      %add3A_900 = arith.constant 13 : i32
      %add3A_901 = vector.broadcast %add3A_900 : i32 to vector<16xi32>
      %add3A_902 = arith.addi %broadcast_in_dim3A_899, %add3A_901 : vector<16xi32>
      %broadcast_in_dim3A_903 = vector.shape_cast %add3A_902 : vector<16xi32> to vector<16x1xi32>
      %gather3A_904 = vector.shape_cast %broadcast_in_dim3A_903 : vector<16x1xi32> to vector<16xi32>
      %gather3A_905 = tpu.dynamic_gather %sub3A[%gather3A_904] in [0] : vector<16xi32>, vector<16xi32> -> vector<16xi32>
      %le3A_906 = arith.cmpi sle, %gather3A_905, %add3A_700 : vector<16xi32>
      %jit3A_907 = arith.constant 1 : i32
      %jit3A_908 = arith.constant 0 : i32
      %broadcast_in_dim3A_909 = vector.broadcast %jit3A_907 : i32 to vector<16xi32>
      %broadcast_in_dim3A_910 = vector.broadcast %jit3A_908 : i32 to vector<16xi32>
      %select_n3A_911 = arith.select %le3A_906, %broadcast_in_dim3A_909, %broadcast_in_dim3A_910 : vector<16xi1>, vector<16xi32>
      %add3A_912 = arith.addi %add3A_897, %select_n3A_911 : vector<16xi32>
      %broadcast_in_dim3A_913 = arith.constant 0 : i32
      %broadcast_in_dim3A_914 = vector.broadcast %broadcast_in_dim3A_913 : i32 to vector<16xi32>
      %add3A_915 = arith.constant 14 : i32
      %add3A_916 = vector.broadcast %add3A_915 : i32 to vector<16xi32>
      %add3A_917 = arith.addi %broadcast_in_dim3A_914, %add3A_916 : vector<16xi32>
      %broadcast_in_dim3A_918 = vector.shape_cast %add3A_917 : vector<16xi32> to vector<16x1xi32>
      %gather3A_919 = vector.shape_cast %broadcast_in_dim3A_918 : vector<16x1xi32> to vector<16xi32>
      %gather3A_920 = tpu.dynamic_gather %sub3A[%gather3A_919] in [0] : vector<16xi32>, vector<16xi32> -> vector<16xi32>
      %le3A_921 = arith.cmpi sle, %gather3A_920, %add3A_700 : vector<16xi32>
      %jit3A_922 = arith.constant 1 : i32
      %jit3A_923 = arith.constant 0 : i32
      %broadcast_in_dim3A_924 = vector.broadcast %jit3A_922 : i32 to vector<16xi32>
      %broadcast_in_dim3A_925 = vector.broadcast %jit3A_923 : i32 to vector<16xi32>
      %select_n3A_926 = arith.select %le3A_921, %broadcast_in_dim3A_924, %broadcast_in_dim3A_925 : vector<16xi1>, vector<16xi32>
      %add3A_927 = arith.addi %add3A_912, %select_n3A_926 : vector<16xi32>
      %broadcast_in_dim3A_928 = arith.constant 0 : i32
      %broadcast_in_dim3A_929 = vector.broadcast %broadcast_in_dim3A_928 : i32 to vector<16xi32>
      %add3A_930 = arith.constant 15 : i32
      %add3A_931 = vector.broadcast %add3A_930 : i32 to vector<16xi32>
      %add3A_932 = arith.addi %broadcast_in_dim3A_929, %add3A_931 : vector<16xi32>
      %broadcast_in_dim3A_933 = vector.shape_cast %add3A_932 : vector<16xi32> to vector<16x1xi32>
      %gather3A_934 = vector.shape_cast %broadcast_in_dim3A_933 : vector<16x1xi32> to vector<16xi32>
      %gather3A_935 = tpu.dynamic_gather %sub3A[%gather3A_934] in [0] : vector<16xi32>, vector<16xi32> -> vector<16xi32>
      %le3A_936 = arith.cmpi sle, %gather3A_935, %add3A_700 : vector<16xi32>
      %jit3A_937 = arith.constant 1 : i32
      %jit3A_938 = arith.constant 0 : i32
      %broadcast_in_dim3A_939 = vector.broadcast %jit3A_937 : i32 to vector<16xi32>
      %broadcast_in_dim3A_940 = vector.broadcast %jit3A_938 : i32 to vector<16xi32>
      %select_n3A_941 = arith.select %le3A_936, %broadcast_in_dim3A_939, %broadcast_in_dim3A_940 : vector<16xi1>, vector<16xi32>
      %add3A_942 = arith.addi %add3A_927, %select_n3A_941 : vector<16xi32>
      %sub3A_943 = arith.constant 1 : i32
      %sub3A_944 = vector.broadcast %sub3A_943 : i32 to vector<16xi32>
      %sub3A_945 = arith.subi %add3A_942, %sub3A_944 : vector<16xi32>
      %min3A_946 = arith.constant 15 : i32
      %min3A_947 = vector.broadcast %min3A_946 : i32 to vector<16xi32>
      %min3A_948 = arith.minsi %sub3A_945, %min3A_947 : vector<16xi32>
      %swap3A_949 = arith.constant 16 : index
      %swap3A_950 = tpu.vector_load %arg23[%swap3A_949] {strides = array<i32>} : memref<80xi32, #tpu.memory_space<vmem>>, vector<16xi32>,
      tpu.vector_store %arg23[%swap3A_949], %min3A_948 {strides = array<i32>} : memref<80xi32, #tpu.memory_space<vmem>>, vector<16xi32>,
      %add3A_951 = arith.constant 32 : i32
      %add3A_952 = vector.broadcast %add3A_951 : i32 to vector<16xi32>
      %add3A_953 = arith.addi %iota3A, %add3A_952 : vector<16xi32>
      %broadcast_in_dim3A_954 = arith.constant 0 : i32
      %broadcast_in_dim3A_955 = vector.broadcast %broadcast_in_dim3A_954 : i32 to vector<16xi32>
      %broadcast_in_dim3A_956 = arith.constant 0 : i32
      %broadcast_in_dim3A_957 = vector.broadcast %broadcast_in_dim3A_956 : i32 to vector<16xi32>
      %add3A_958 = arith.constant 0 : i32
      %add3A_959 = vector.broadcast %add3A_958 : i32 to vector<16xi32>
      %add3A_960 = arith.addi %broadcast_in_dim3A_957, %add3A_959 : vector<16xi32>
      %broadcast_in_dim3A_961 = vector.shape_cast %add3A_960 : vector<16xi32> to vector<16x1xi32>
      %gather3A_962 = vector.shape_cast %broadcast_in_dim3A_961 : vector<16x1xi32> to vector<16xi32>
      %gather3A_963 = tpu.dynamic_gather %sub3A[%gather3A_962] in [0] : vector<16xi32>, vector<16xi32> -> vector<16xi32>
      %le3A_964 = arith.cmpi sle, %gather3A_963, %add3A_953 : vector<16xi32>
      %jit3A_965 = arith.constant 1 : i32
      %jit3A_966 = arith.constant 0 : i32
      %broadcast_in_dim3A_967 = vector.broadcast %jit3A_965 : i32 to vector<16xi32>
      %broadcast_in_dim3A_968 = vector.broadcast %jit3A_966 : i32 to vector<16xi32>
      %select_n3A_969 = arith.select %le3A_964, %broadcast_in_dim3A_967, %broadcast_in_dim3A_968 : vector<16xi1>, vector<16xi32>
      %add3A_970 = arith.addi %broadcast_in_dim3A_955, %select_n3A_969 : vector<16xi32>
      %broadcast_in_dim3A_971 = arith.constant 0 : i32
      %broadcast_in_dim3A_972 = vector.broadcast %broadcast_in_dim3A_971 : i32 to vector<16xi32>
      %add3A_973 = arith.constant 1 : i32
      %add3A_974 = vector.broadcast %add3A_973 : i32 to vector<16xi32>
      %add3A_975 = arith.addi %broadcast_in_dim3A_972, %add3A_974 : vector<16xi32>
      %broadcast_in_dim3A_976 = vector.shape_cast %add3A_975 : vector<16xi32> to vector<16x1xi32>
      %gather3A_977 = vector.shape_cast %broadcast_in_dim3A_976 : vector<16x1xi32> to vector<16xi32>
      %gather3A_978 = tpu.dynamic_gather %sub3A[%gather3A_977] in [0] : vector<16xi32>, vector<16xi32> -> vector<16xi32>
      %le3A_979 = arith.cmpi sle, %gather3A_978, %add3A_953 : vector<16xi32>
      %jit3A_980 = arith.constant 1 : i32
      %jit3A_981 = arith.constant 0 : i32
      %broadcast_in_dim3A_982 = vector.broadcast %jit3A_980 : i32 to vector<16xi32>
      %broadcast_in_dim3A_983 = vector.broadcast %jit3A_981 : i32 to vector<16xi32>
      %select_n3A_984 = arith.select %le3A_979, %broadcast_in_dim3A_982, %broadcast_in_dim3A_983 : vector<16xi1>, vector<16xi32>
      %add3A_985 = arith.addi %add3A_970, %select_n3A_984 : vector<16xi32>
      %broadcast_in_dim3A_986 = arith.constant 0 : i32
      %broadcast_in_dim3A_987 = vector.broadcast %broadcast_in_dim3A_986 : i32 to vector<16xi32>
      %add3A_988 = arith.constant 2 : i32
      %add3A_989 = vector.broadcast %add3A_988 : i32 to vector<16xi32>
      %add3A_990 = arith.addi %broadcast_in_dim3A_987, %add3A_989 : vector<16xi32>
      %broadcast_in_dim3A_991 = vector.shape_cast %add3A_990 : vector<16xi32> to vector<16x1xi32>
      %gather3A_992 = vector.shape_cast %broadcast_in_dim3A_991 : vector<16x1xi32> to vector<16xi32>
      %gather3A_993 = tpu.dynamic_gather %sub3A[%gather3A_992] in [0] : vector<16xi32>, vector<16xi32> -> vector<16xi32>
      %le3A_994 = arith.cmpi sle, %gather3A_993, %add3A_953 : vector<16xi32>
      %jit3A_995 = arith.constant 1 : i32
      %jit3A_996 = arith.constant 0 : i32
      %broadcast_in_dim3A_997 = vector.broadcast %jit3A_995 : i32 to vector<16xi32>
      %broadcast_in_dim3A_998 = vector.broadcast %jit3A_996 : i32 to vector<16xi32>
      %select_n3A_999 = arith.select %le3A_994, %broadcast_in_dim3A_997, %broadcast_in_dim3A_998 : vector<16xi1>, vector<16xi32>
      %add3A_1000 = arith.addi %add3A_985, %select_n3A_999 : vector<16xi32>
      %broadcast_in_dim3A_1001 = arith.constant 0 : i32
      %broadcast_in_dim3A_1002 = vector.broadcast %broadcast_in_dim3A_1001 : i32 to vector<16xi32>
      %add3A_1003 = arith.constant 3 : i32
      %add3A_1004 = vector.broadcast %add3A_1003 : i32 to vector<16xi32>
      %add3A_1005 = arith.addi %broadcast_in_dim3A_1002, %add3A_1004 : vector<16xi32>
      %broadcast_in_dim3A_1006 = vector.shape_cast %add3A_1005 : vector<16xi32> to vector<16x1xi32>
      %gather3A_1007 = vector.shape_cast %broadcast_in_dim3A_1006 : vector<16x1xi32> to vector<16xi32>
      %gather3A_1008 = tpu.dynamic_gather %sub3A[%gather3A_1007] in [0] : vector<16xi32>, vector<16xi32> -> vector<16xi32>
      %le3A_1009 = arith.cmpi sle, %gather3A_1008, %add3A_953 : vector<16xi32>
      %jit3A_1010 = arith.constant 1 : i32
      %jit3A_1011 = arith.constant 0 : i32
      %broadcast_in_dim3A_1012 = vector.broadcast %jit3A_1010 : i32 to vector<16xi32>
      %broadcast_in_dim3A_1013 = vector.broadcast %jit3A_1011 : i32 to vector<16xi32>
      %select_n3A_1014 = arith.select %le3A_1009, %broadcast_in_dim3A_1012, %broadcast_in_dim3A_1013 : vector<16xi1>, vector<16xi32>
      %add3A_1015 = arith.addi %add3A_1000, %select_n3A_1014 : vector<16xi32>
      %broadcast_in_dim3A_1016 = arith.constant 0 : i32
      %broadcast_in_dim3A_1017 = vector.broadcast %broadcast_in_dim3A_1016 : i32 to vector<16xi32>
      %add3A_1018 = arith.constant 4 : i32
      %add3A_1019 = vector.broadcast %add3A_1018 : i32 to vector<16xi32>
      %add3A_1020 = arith.addi %broadcast_in_dim3A_1017, %add3A_1019 : vector<16xi32>
      %broadcast_in_dim3A_1021 = vector.shape_cast %add3A_1020 : vector<16xi32> to vector<16x1xi32>
      %gather3A_1022 = vector.shape_cast %broadcast_in_dim3A_1021 : vector<16x1xi32> to vector<16xi32>
      %gather3A_1023 = tpu.dynamic_gather %sub3A[%gather3A_1022] in [0] : vector<16xi32>, vector<16xi32> -> vector<16xi32>
      %le3A_1024 = arith.cmpi sle, %gather3A_1023, %add3A_953 : vector<16xi32>
      %jit3A_1025 = arith.constant 1 : i32
      %jit3A_1026 = arith.constant 0 : i32
      %broadcast_in_dim3A_1027 = vector.broadcast %jit3A_1025 : i32 to vector<16xi32>
      %broadcast_in_dim3A_1028 = vector.broadcast %jit3A_1026 : i32 to vector<16xi32>
      %select_n3A_1029 = arith.select %le3A_1024, %broadcast_in_dim3A_1027, %broadcast_in_dim3A_1028 : vector<16xi1>, vector<16xi32>
      %add3A_1030 = arith.addi %add3A_1015, %select_n3A_1029 : vector<16xi32>
      %broadcast_in_dim3A_1031 = arith.constant 0 : i32
      %broadcast_in_dim3A_1032 = vector.broadcast %broadcast_in_dim3A_1031 : i32 to vector<16xi32>
      %add3A_1033 = arith.constant 5 : i32
      %add3A_1034 = vector.broadcast %add3A_1033 : i32 to vector<16xi32>
      %add3A_1035 = arith.addi %broadcast_in_dim3A_1032, %add3A_1034 : vector<16xi32>
      %broadcast_in_dim3A_1036 = vector.shape_cast %add3A_1035 : vector<16xi32> to vector<16x1xi32>
      %gather3A_1037 = vector.shape_cast %broadcast_in_dim3A_1036 : vector<16x1xi32> to vector<16xi32>
      %gather3A_1038 = tpu.dynamic_gather %sub3A[%gather3A_1037] in [0] : vector<16xi32>, vector<16xi32> -> vector<16xi32>
      %le3A_1039 = arith.cmpi sle, %gather3A_1038, %add3A_953 : vector<16xi32>
      %jit3A_1040 = arith.constant 1 : i32
      %jit3A_1041 = arith.constant 0 : i32
      %broadcast_in_dim3A_1042 = vector.broadcast %jit3A_1040 : i32 to vector<16xi32>
      %broadcast_in_dim3A_1043 = vector.broadcast %jit3A_1041 : i32 to vector<16xi32>
      %select_n3A_1044 = arith.select %le3A_1039, %broadcast_in_dim3A_1042, %broadcast_in_dim3A_1043 : vector<16xi1>, vector<16xi32>
      %add3A_1045 = arith.addi %add3A_1030, %select_n3A_1044 : vector<16xi32>
      %broadcast_in_dim3A_1046 = arith.constant 0 : i32
      %broadcast_in_dim3A_1047 = vector.broadcast %broadcast_in_dim3A_1046 : i32 to vector<16xi32>
      %add3A_1048 = arith.constant 6 : i32
      %add3A_1049 = vector.broadcast %add3A_1048 : i32 to vector<16xi32>
      %add3A_1050 = arith.addi %broadcast_in_dim3A_1047, %add3A_1049 : vector<16xi32>
      %broadcast_in_dim3A_1051 = vector.shape_cast %add3A_1050 : vector<16xi32> to vector<16x1xi32>
      %gather3A_1052 = vector.shape_cast %broadcast_in_dim3A_1051 : vector<16x1xi32> to vector<16xi32>
      %gather3A_1053 = tpu.dynamic_gather %sub3A[%gather3A_1052] in [0] : vector<16xi32>, vector<16xi32> -> vector<16xi32>
      %le3A_1054 = arith.cmpi sle, %gather3A_1053, %add3A_953 : vector<16xi32>
      %jit3A_1055 = arith.constant 1 : i32
      %jit3A_1056 = arith.constant 0 : i32
      %broadcast_in_dim3A_1057 = vector.broadcast %jit3A_1055 : i32 to vector<16xi32>
      %broadcast_in_dim3A_1058 = vector.broadcast %jit3A_1056 : i32 to vector<16xi32>
      %select_n3A_1059 = arith.select %le3A_1054, %broadcast_in_dim3A_1057, %broadcast_in_dim3A_1058 : vector<16xi1>, vector<16xi32>
      %add3A_1060 = arith.addi %add3A_1045, %select_n3A_1059 : vector<16xi32>
      %broadcast_in_dim3A_1061 = arith.constant 0 : i32
      %broadcast_in_dim3A_1062 = vector.broadcast %broadcast_in_dim3A_1061 : i32 to vector<16xi32>
      %add3A_1063 = arith.constant 7 : i32
      %add3A_1064 = vector.broadcast %add3A_1063 : i32 to vector<16xi32>
      %add3A_1065 = arith.addi %broadcast_in_dim3A_1062, %add3A_1064 : vector<16xi32>
      %broadcast_in_dim3A_1066 = vector.shape_cast %add3A_1065 : vector<16xi32> to vector<16x1xi32>
      %gather3A_1067 = vector.shape_cast %broadcast_in_dim3A_1066 : vector<16x1xi32> to vector<16xi32>
      %gather3A_1068 = tpu.dynamic_gather %sub3A[%gather3A_1067] in [0] : vector<16xi32>, vector<16xi32> -> vector<16xi32>
      %le3A_1069 = arith.cmpi sle, %gather3A_1068, %add3A_953 : vector<16xi32>
      %jit3A_1070 = arith.constant 1 : i32
      %jit3A_1071 = arith.constant 0 : i32
      %broadcast_in_dim3A_1072 = vector.broadcast %jit3A_1070 : i32 to vector<16xi32>
      %broadcast_in_dim3A_1073 = vector.broadcast %jit3A_1071 : i32 to vector<16xi32>
      %select_n3A_1074 = arith.select %le3A_1069, %broadcast_in_dim3A_1072, %broadcast_in_dim3A_1073 : vector<16xi1>, vector<16xi32>
      %add3A_1075 = arith.addi %add3A_1060, %select_n3A_1074 : vector<16xi32>
      %broadcast_in_dim3A_1076 = arith.constant 0 : i32
      %broadcast_in_dim3A_1077 = vector.broadcast %broadcast_in_dim3A_1076 : i32 to vector<16xi32>
      %add3A_1078 = arith.constant 8 : i32
      %add3A_1079 = vector.broadcast %add3A_1078 : i32 to vector<16xi32>
      %add3A_1080 = arith.addi %broadcast_in_dim3A_1077, %add3A_1079 : vector<16xi32>
      %broadcast_in_dim3A_1081 = vector.shape_cast %add3A_1080 : vector<16xi32> to vector<16x1xi32>
      %gather3A_1082 = vector.shape_cast %broadcast_in_dim3A_1081 : vector<16x1xi32> to vector<16xi32>
      %gather3A_1083 = tpu.dynamic_gather %sub3A[%gather3A_1082] in [0] : vector<16xi32>, vector<16xi32> -> vector<16xi32>
      %le3A_1084 = arith.cmpi sle, %gather3A_1083, %add3A_953 : vector<16xi32>
      %jit3A_1085 = arith.constant 1 : i32
      %jit3A_1086 = arith.constant 0 : i32
      %broadcast_in_dim3A_1087 = vector.broadcast %jit3A_1085 : i32 to vector<16xi32>
      %broadcast_in_dim3A_1088 = vector.broadcast %jit3A_1086 : i32 to vector<16xi32>
      %select_n3A_1089 = arith.select %le3A_1084, %broadcast_in_dim3A_1087, %broadcast_in_dim3A_1088 : vector<16xi1>, vector<16xi32>
      %add3A_1090 = arith.addi %add3A_1075, %select_n3A_1089 : vector<16xi32>
      %broadcast_in_dim3A_1091 = arith.constant 0 : i32
      %broadcast_in_dim3A_1092 = vector.broadcast %broadcast_in_dim3A_1091 : i32 to vector<16xi32>
      %add3A_1093 = arith.constant 9 : i32
      %add3A_1094 = vector.broadcast %add3A_1093 : i32 to vector<16xi32>
      %add3A_1095 = arith.addi %broadcast_in_dim3A_1092, %add3A_1094 : vector<16xi32>
      %broadcast_in_dim3A_1096 = vector.shape_cast %add3A_1095 : vector<16xi32> to vector<16x1xi32>
      %gather3A_1097 = vector.shape_cast %broadcast_in_dim3A_1096 : vector<16x1xi32> to vector<16xi32>
      %gather3A_1098 = tpu.dynamic_gather %sub3A[%gather3A_1097] in [0] : vector<16xi32>, vector<16xi32> -> vector<16xi32>
      %le3A_1099 = arith.cmpi sle, %gather3A_1098, %add3A_953 : vector<16xi32>
      %jit3A_1100 = arith.constant 1 : i32
      %jit3A_1101 = arith.constant 0 : i32
      %broadcast_in_dim3A_1102 = vector.broadcast %jit3A_1100 : i32 to vector<16xi32>
      %broadcast_in_dim3A_1103 = vector.broadcast %jit3A_1101 : i32 to vector<16xi32>
      %select_n3A_1104 = arith.select %le3A_1099, %broadcast_in_dim3A_1102, %broadcast_in_dim3A_1103 : vector<16xi1>, vector<16xi32>
      %add3A_1105 = arith.addi %add3A_1090, %select_n3A_1104 : vector<16xi32>
      %broadcast_in_dim3A_1106 = arith.constant 0 : i32
      %broadcast_in_dim3A_1107 = vector.broadcast %broadcast_in_dim3A_1106 : i32 to vector<16xi32>
      %add3A_1108 = arith.constant 10 : i32
      %add3A_1109 = vector.broadcast %add3A_1108 : i32 to vector<16xi32>
      %add3A_1110 = arith.addi %broadcast_in_dim3A_1107, %add3A_1109 : vector<16xi32>
      %broadcast_in_dim3A_1111 = vector.shape_cast %add3A_1110 : vector<16xi32> to vector<16x1xi32>
      %gather3A_1112 = vector.shape_cast %broadcast_in_dim3A_1111 : vector<16x1xi32> to vector<16xi32>
      %gather3A_1113 = tpu.dynamic_gather %sub3A[%gather3A_1112] in [0] : vector<16xi32>, vector<16xi32> -> vector<16xi32>
      %le3A_1114 = arith.cmpi sle, %gather3A_1113, %add3A_953 : vector<16xi32>
      %jit3A_1115 = arith.constant 1 : i32
      %jit3A_1116 = arith.constant 0 : i32
      %broadcast_in_dim3A_1117 = vector.broadcast %jit3A_1115 : i32 to vector<16xi32>
      %broadcast_in_dim3A_1118 = vector.broadcast %jit3A_1116 : i32 to vector<16xi32>
      %select_n3A_1119 = arith.select %le3A_1114, %broadcast_in_dim3A_1117, %broadcast_in_dim3A_1118 : vector<16xi1>, vector<16xi32>
      %add3A_1120 = arith.addi %add3A_1105, %select_n3A_1119 : vector<16xi32>
      %broadcast_in_dim3A_1121 = arith.constant 0 : i32
      %broadcast_in_dim3A_1122 = vector.broadcast %broadcast_in_dim3A_1121 : i32 to vector<16xi32>
      %add3A_1123 = arith.constant 11 : i32
      %add3A_1124 = vector.broadcast %add3A_1123 : i32 to vector<16xi32>
      %add3A_1125 = arith.addi %broadcast_in_dim3A_1122, %add3A_1124 : vector<16xi32>
      %broadcast_in_dim3A_1126 = vector.shape_cast %add3A_1125 : vector<16xi32> to vector<16x1xi32>
      %gather3A_1127 = vector.shape_cast %broadcast_in_dim3A_1126 : vector<16x1xi32> to vector<16xi32>
      %gather3A_1128 = tpu.dynamic_gather %sub3A[%gather3A_1127] in [0] : vector<16xi32>, vector<16xi32> -> vector<16xi32>
      %le3A_1129 = arith.cmpi sle, %gather3A_1128, %add3A_953 : vector<16xi32>
      %jit3A_1130 = arith.constant 1 : i32
      %jit3A_1131 = arith.constant 0 : i32
      %broadcast_in_dim3A_1132 = vector.broadcast %jit3A_1130 : i32 to vector<16xi32>
      %broadcast_in_dim3A_1133 = vector.broadcast %jit3A_1131 : i32 to vector<16xi32>
      %select_n3A_1134 = arith.select %le3A_1129, %broadcast_in_dim3A_1132, %broadcast_in_dim3A_1133 : vector<16xi1>, vector<16xi32>
      %add3A_1135 = arith.addi %add3A_1120, %select_n3A_1134 : vector<16xi32>
      %broadcast_in_dim3A_1136 = arith.constant 0 : i32
      %broadcast_in_dim3A_1137 = vector.broadcast %broadcast_in_dim3A_1136 : i32 to vector<16xi32>
      %add3A_1138 = arith.constant 12 : i32
      %add3A_1139 = vector.broadcast %add3A_1138 : i32 to vector<16xi32>
      %add3A_1140 = arith.addi %broadcast_in_dim3A_1137, %add3A_1139 : vector<16xi32>
      %broadcast_in_dim3A_1141 = vector.shape_cast %add3A_1140 : vector<16xi32> to vector<16x1xi32>
      %gather3A_1142 = vector.shape_cast %broadcast_in_dim3A_1141 : vector<16x1xi32> to vector<16xi32>
      %gather3A_1143 = tpu.dynamic_gather %sub3A[%gather3A_1142] in [0] : vector<16xi32>, vector<16xi32> -> vector<16xi32>
      %le3A_1144 = arith.cmpi sle, %gather3A_1143, %add3A_953 : vector<16xi32>
      %jit3A_1145 = arith.constant 1 : i32
      %jit3A_1146 = arith.constant 0 : i32
      %broadcast_in_dim3A_1147 = vector.broadcast %jit3A_1145 : i32 to vector<16xi32>
      %broadcast_in_dim3A_1148 = vector.broadcast %jit3A_1146 : i32 to vector<16xi32>
      %select_n3A_1149 = arith.select %le3A_1144, %broadcast_in_dim3A_1147, %broadcast_in_dim3A_1148 : vector<16xi1>, vector<16xi32>
      %add3A_1150 = arith.addi %add3A_1135, %select_n3A_1149 : vector<16xi32>
      %broadcast_in_dim3A_1151 = arith.constant 0 : i32
      %broadcast_in_dim3A_1152 = vector.broadcast %broadcast_in_dim3A_1151 : i32 to vector<16xi32>
      %add3A_1153 = arith.constant 13 : i32
      %add3A_1154 = vector.broadcast %add3A_1153 : i32 to vector<16xi32>
      %add3A_1155 = arith.addi %broadcast_in_dim3A_1152, %add3A_1154 : vector<16xi32>
      %broadcast_in_dim3A_1156 = vector.shape_cast %add3A_1155 : vector<16xi32> to vector<16x1xi32>
      %gather3A_1157 = vector.shape_cast %broadcast_in_dim3A_1156 : vector<16x1xi32> to vector<16xi32>
      %gather3A_1158 = tpu.dynamic_gather %sub3A[%gather3A_1157] in [0] : vector<16xi32>, vector<16xi32> -> vector<16xi32>
      %le3A_1159 = arith.cmpi sle, %gather3A_1158, %add3A_953 : vector<16xi32>
      %jit3A_1160 = arith.constant 1 : i32
      %jit3A_1161 = arith.constant 0 : i32
      %broadcast_in_dim3A_1162 = vector.broadcast %jit3A_1160 : i32 to vector<16xi32>
      %broadcast_in_dim3A_1163 = vector.broadcast %jit3A_1161 : i32 to vector<16xi32>
      %select_n3A_1164 = arith.select %le3A_1159, %broadcast_in_dim3A_1162, %broadcast_in_dim3A_1163 : vector<16xi1>, vector<16xi32>
      %add3A_1165 = arith.addi %add3A_1150, %select_n3A_1164 : vector<16xi32>
      %broadcast_in_dim3A_1166 = arith.constant 0 : i32
      %broadcast_in_dim3A_1167 = vector.broadcast %broadcast_in_dim3A_1166 : i32 to vector<16xi32>
      %add3A_1168 = arith.constant 14 : i32
      %add3A_1169 = vector.broadcast %add3A_1168 : i32 to vector<16xi32>
      %add3A_1170 = arith.addi %broadcast_in_dim3A_1167, %add3A_1169 : vector<16xi32>
      %broadcast_in_dim3A_1171 = vector.shape_cast %add3A_1170 : vector<16xi32> to vector<16x1xi32>
      %gather3A_1172 = vector.shape_cast %broadcast_in_dim3A_1171 : vector<16x1xi32> to vector<16xi32>
      %gather3A_1173 = tpu.dynamic_gather %sub3A[%gather3A_1172] in [0] : vector<16xi32>, vector<16xi32> -> vector<16xi32>
      %le3A_1174 = arith.cmpi sle, %gather3A_1173, %add3A_953 : vector<16xi32>
      %jit3A_1175 = arith.constant 1 : i32
      %jit3A_1176 = arith.constant 0 : i32
      %broadcast_in_dim3A_1177 = vector.broadcast %jit3A_1175 : i32 to vector<16xi32>
      %broadcast_in_dim3A_1178 = vector.broadcast %jit3A_1176 : i32 to vector<16xi32>
      %select_n3A_1179 = arith.select %le3A_1174, %broadcast_in_dim3A_1177, %broadcast_in_dim3A_1178 : vector<16xi1>, vector<16xi32>
      %add3A_1180 = arith.addi %add3A_1165, %select_n3A_1179 : vector<16xi32>
      %broadcast_in_dim3A_1181 = arith.constant 0 : i32
      %broadcast_in_dim3A_1182 = vector.broadcast %broadcast_in_dim3A_1181 : i32 to vector<16xi32>
      %add3A_1183 = arith.constant 15 : i32
      %add3A_1184 = vector.broadcast %add3A_1183 : i32 to vector<16xi32>
      %add3A_1185 = arith.addi %broadcast_in_dim3A_1182, %add3A_1184 : vector<16xi32>
      %broadcast_in_dim3A_1186 = vector.shape_cast %add3A_1185 : vector<16xi32> to vector<16x1xi32>
      %gather3A_1187 = vector.shape_cast %broadcast_in_dim3A_1186 : vector<16x1xi32> to vector<16xi32>
      %gather3A_1188 = tpu.dynamic_gather %sub3A[%gather3A_1187] in [0] : vector<16xi32>, vector<16xi32> -> vector<16xi32>
      %le3A_1189 = arith.cmpi sle, %gather3A_1188, %add3A_953 : vector<16xi32>
      %jit3A_1190 = arith.constant 1 : i32
      %jit3A_1191 = arith.constant 0 : i32
      %broadcast_in_dim3A_1192 = vector.broadcast %jit3A_1190 : i32 to vector<16xi32>
      %broadcast_in_dim3A_1193 = vector.broadcast %jit3A_1191 : i32 to vector<16xi32>
      %select_n3A_1194 = arith.select %le3A_1189, %broadcast_in_dim3A_1192, %broadcast_in_dim3A_1193 : vector<16xi1>, vector<16xi32>
      %add3A_1195 = arith.addi %add3A_1180, %select_n3A_1194 : vector<16xi32>
      %sub3A_1196 = arith.constant 1 : i32
      %sub3A_1197 = vector.broadcast %sub3A_1196 : i32 to vector<16xi32>
      %sub3A_1198 = arith.subi %add3A_1195, %sub3A_1197 : vector<16xi32>
      %min3A_1199 = arith.constant 15 : i32
      %min3A_1200 = vector.broadcast %min3A_1199 : i32 to vector<16xi32>
      %min3A_1201 = arith.minsi %sub3A_1198, %min3A_1200 : vector<16xi32>
      %swap3A_1202 = arith.constant 32 : index
      %swap3A_1203 = tpu.vector_load %arg23[%swap3A_1202] {strides = array<i32>} : memref<80xi32, #tpu.memory_space<vmem>>, vector<16xi32>,
      tpu.vector_store %arg23[%swap3A_1202], %min3A_1201 {strides = array<i32>} : memref<80xi32, #tpu.memory_space<vmem>>, vector<16xi32>,
      %add3A_1204 = arith.constant 48 : i32
      %add3A_1205 = vector.broadcast %add3A_1204 : i32 to vector<16xi32>
      %add3A_1206 = arith.addi %iota3A, %add3A_1205 : vector<16xi32>
      %broadcast_in_dim3A_1207 = arith.constant 0 : i32
      %broadcast_in_dim3A_1208 = vector.broadcast %broadcast_in_dim3A_1207 : i32 to vector<16xi32>
      %broadcast_in_dim3A_1209 = arith.constant 0 : i32
      %broadcast_in_dim3A_1210 = vector.broadcast %broadcast_in_dim3A_1209 : i32 to vector<16xi32>
      %add3A_1211 = arith.constant 0 : i32
      %add3A_1212 = vector.broadcast %add3A_1211 : i32 to vector<16xi32>
      %add3A_1213 = arith.addi %broadcast_in_dim3A_1210, %add3A_1212 : vector<16xi32>
      %broadcast_in_dim3A_1214 = vector.shape_cast %add3A_1213 : vector<16xi32> to vector<16x1xi32>
      %gather3A_1215 = vector.shape_cast %broadcast_in_dim3A_1214 : vector<16x1xi32> to vector<16xi32>
      %gather3A_1216 = tpu.dynamic_gather %sub3A[%gather3A_1215] in [0] : vector<16xi32>, vector<16xi32> -> vector<16xi32>
      %le3A_1217 = arith.cmpi sle, %gather3A_1216, %add3A_1206 : vector<16xi32>
      %jit3A_1218 = arith.constant 1 : i32
      %jit3A_1219 = arith.constant 0 : i32
      %broadcast_in_dim3A_1220 = vector.broadcast %jit3A_1218 : i32 to vector<16xi32>
      %broadcast_in_dim3A_1221 = vector.broadcast %jit3A_1219 : i32 to vector<16xi32>
      %select_n3A_1222 = arith.select %le3A_1217, %broadcast_in_dim3A_1220, %broadcast_in_dim3A_1221 : vector<16xi1>, vector<16xi32>
      %add3A_1223 = arith.addi %broadcast_in_dim3A_1208, %select_n3A_1222 : vector<16xi32>
      %broadcast_in_dim3A_1224 = arith.constant 0 : i32
      %broadcast_in_dim3A_1225 = vector.broadcast %broadcast_in_dim3A_1224 : i32 to vector<16xi32>
      %add3A_1226 = arith.constant 1 : i32
      %add3A_1227 = vector.broadcast %add3A_1226 : i32 to vector<16xi32>
      %add3A_1228 = arith.addi %broadcast_in_dim3A_1225, %add3A_1227 : vector<16xi32>
      %broadcast_in_dim3A_1229 = vector.shape_cast %add3A_1228 : vector<16xi32> to vector<16x1xi32>
      %gather3A_1230 = vector.shape_cast %broadcast_in_dim3A_1229 : vector<16x1xi32> to vector<16xi32>
      %gather3A_1231 = tpu.dynamic_gather %sub3A[%gather3A_1230] in [0] : vector<16xi32>, vector<16xi32> -> vector<16xi32>
      %le3A_1232 = arith.cmpi sle, %gather3A_1231, %add3A_1206 : vector<16xi32>
      %jit3A_1233 = arith.constant 1 : i32
      %jit3A_1234 = arith.constant 0 : i32
      %broadcast_in_dim3A_1235 = vector.broadcast %jit3A_1233 : i32 to vector<16xi32>
      %broadcast_in_dim3A_1236 = vector.broadcast %jit3A_1234 : i32 to vector<16xi32>
      %select_n3A_1237 = arith.select %le3A_1232, %broadcast_in_dim3A_1235, %broadcast_in_dim3A_1236 : vector<16xi1>, vector<16xi32>
      %add3A_1238 = arith.addi %add3A_1223, %select_n3A_1237 : vector<16xi32>
      %broadcast_in_dim3A_1239 = arith.constant 0 : i32
      %broadcast_in_dim3A_1240 = vector.broadcast %broadcast_in_dim3A_1239 : i32 to vector<16xi32>
      %add3A_1241 = arith.constant 2 : i32
      %add3A_1242 = vector.broadcast %add3A_1241 : i32 to vector<16xi32>
      %add3A_1243 = arith.addi %broadcast_in_dim3A_1240, %add3A_1242 : vector<16xi32>
      %broadcast_in_dim3A_1244 = vector.shape_cast %add3A_1243 : vector<16xi32> to vector<16x1xi32>
      %gather3A_1245 = vector.shape_cast %broadcast_in_dim3A_1244 : vector<16x1xi32> to vector<16xi32>
      %gather3A_1246 = tpu.dynamic_gather %sub3A[%gather3A_1245] in [0] : vector<16xi32>, vector<16xi32> -> vector<16xi32>
      %le3A_1247 = arith.cmpi sle, %gather3A_1246, %add3A_1206 : vector<16xi32>
      %jit3A_1248 = arith.constant 1 : i32
      %jit3A_1249 = arith.constant 0 : i32
      %broadcast_in_dim3A_1250 = vector.broadcast %jit3A_1248 : i32 to vector<16xi32>
      %broadcast_in_dim3A_1251 = vector.broadcast %jit3A_1249 : i32 to vector<16xi32>
      %select_n3A_1252 = arith.select %le3A_1247, %broadcast_in_dim3A_1250, %broadcast_in_dim3A_1251 : vector<16xi1>, vector<16xi32>
      %add3A_1253 = arith.addi %add3A_1238, %select_n3A_1252 : vector<16xi32>
      %broadcast_in_dim3A_1254 = arith.constant 0 : i32
      %broadcast_in_dim3A_1255 = vector.broadcast %broadcast_in_dim3A_1254 : i32 to vector<16xi32>
      %add3A_1256 = arith.constant 3 : i32
      %add3A_1257 = vector.broadcast %add3A_1256 : i32 to vector<16xi32>
      %add3A_1258 = arith.addi %broadcast_in_dim3A_1255, %add3A_1257 : vector<16xi32>
      %broadcast_in_dim3A_1259 = vector.shape_cast %add3A_1258 : vector<16xi32> to vector<16x1xi32>
      %gather3A_1260 = vector.shape_cast %broadcast_in_dim3A_1259 : vector<16x1xi32> to vector<16xi32>
      %gather3A_1261 = tpu.dynamic_gather %sub3A[%gather3A_1260] in [0] : vector<16xi32>, vector<16xi32> -> vector<16xi32>
      %le3A_1262 = arith.cmpi sle, %gather3A_1261, %add3A_1206 : vector<16xi32>
      %jit3A_1263 = arith.constant 1 : i32
      %jit3A_1264 = arith.constant 0 : i32
      %broadcast_in_dim3A_1265 = vector.broadcast %jit3A_1263 : i32 to vector<16xi32>
      %broadcast_in_dim3A_1266 = vector.broadcast %jit3A_1264 : i32 to vector<16xi32>
      %select_n3A_1267 = arith.select %le3A_1262, %broadcast_in_dim3A_1265, %broadcast_in_dim3A_1266 : vector<16xi1>, vector<16xi32>
      %add3A_1268 = arith.addi %add3A_1253, %select_n3A_1267 : vector<16xi32>
      %broadcast_in_dim3A_1269 = arith.constant 0 : i32
      %broadcast_in_dim3A_1270 = vector.broadcast %broadcast_in_dim3A_1269 : i32 to vector<16xi32>
      %add3A_1271 = arith.constant 4 : i32
      %add3A_1272 = vector.broadcast %add3A_1271 : i32 to vector<16xi32>
      %add3A_1273 = arith.addi %broadcast_in_dim3A_1270, %add3A_1272 : vector<16xi32>
      %broadcast_in_dim3A_1274 = vector.shape_cast %add3A_1273 : vector<16xi32> to vector<16x1xi32>
      %gather3A_1275 = vector.shape_cast %broadcast_in_dim3A_1274 : vector<16x1xi32> to vector<16xi32>
      %gather3A_1276 = tpu.dynamic_gather %sub3A[%gather3A_1275] in [0] : vector<16xi32>, vector<16xi32> -> vector<16xi32>
      %le3A_1277 = arith.cmpi sle, %gather3A_1276, %add3A_1206 : vector<16xi32>
      %jit3A_1278 = arith.constant 1 : i32
      %jit3A_1279 = arith.constant 0 : i32
      %broadcast_in_dim3A_1280 = vector.broadcast %jit3A_1278 : i32 to vector<16xi32>
      %broadcast_in_dim3A_1281 = vector.broadcast %jit3A_1279 : i32 to vector<16xi32>
      %select_n3A_1282 = arith.select %le3A_1277, %broadcast_in_dim3A_1280, %broadcast_in_dim3A_1281 : vector<16xi1>, vector<16xi32>
      %add3A_1283 = arith.addi %add3A_1268, %select_n3A_1282 : vector<16xi32>
      %broadcast_in_dim3A_1284 = arith.constant 0 : i32
      %broadcast_in_dim3A_1285 = vector.broadcast %broadcast_in_dim3A_1284 : i32 to vector<16xi32>
      %add3A_1286 = arith.constant 5 : i32
      %add3A_1287 = vector.broadcast %add3A_1286 : i32 to vector<16xi32>
      %add3A_1288 = arith.addi %broadcast_in_dim3A_1285, %add3A_1287 : vector<16xi32>
      %broadcast_in_dim3A_1289 = vector.shape_cast %add3A_1288 : vector<16xi32> to vector<16x1xi32>
      %gather3A_1290 = vector.shape_cast %broadcast_in_dim3A_1289 : vector<16x1xi32> to vector<16xi32>
      %gather3A_1291 = tpu.dynamic_gather %sub3A[%gather3A_1290] in [0] : vector<16xi32>, vector<16xi32> -> vector<16xi32>
      %le3A_1292 = arith.cmpi sle, %gather3A_1291, %add3A_1206 : vector<16xi32>
      %jit3A_1293 = arith.constant 1 : i32
      %jit3A_1294 = arith.constant 0 : i32
      %broadcast_in_dim3A_1295 = vector.broadcast %jit3A_1293 : i32 to vector<16xi32>
      %broadcast_in_dim3A_1296 = vector.broadcast %jit3A_1294 : i32 to vector<16xi32>
      %select_n3A_1297 = arith.select %le3A_1292, %broadcast_in_dim3A_1295, %broadcast_in_dim3A_1296 : vector<16xi1>, vector<16xi32>
      %add3A_1298 = arith.addi %add3A_1283, %select_n3A_1297 : vector<16xi32>
      %broadcast_in_dim3A_1299 = arith.constant 0 : i32
      %broadcast_in_dim3A_1300 = vector.broadcast %broadcast_in_dim3A_1299 : i32 to vector<16xi32>
      %add3A_1301 = arith.constant 6 : i32
      %add3A_1302 = vector.broadcast %add3A_1301 : i32 to vector<16xi32>
      %add3A_1303 = arith.addi %broadcast_in_dim3A_1300, %add3A_1302 : vector<16xi32>
      %broadcast_in_dim3A_1304 = vector.shape_cast %add3A_1303 : vector<16xi32> to vector<16x1xi32>
      %gather3A_1305 = vector.shape_cast %broadcast_in_dim3A_1304 : vector<16x1xi32> to vector<16xi32>
      %gather3A_1306 = tpu.dynamic_gather %sub3A[%gather3A_1305] in [0] : vector<16xi32>, vector<16xi32> -> vector<16xi32>
      %le3A_1307 = arith.cmpi sle, %gather3A_1306, %add3A_1206 : vector<16xi32>
      %jit3A_1308 = arith.constant 1 : i32
      %jit3A_1309 = arith.constant 0 : i32
      %broadcast_in_dim3A_1310 = vector.broadcast %jit3A_1308 : i32 to vector<16xi32>
      %broadcast_in_dim3A_1311 = vector.broadcast %jit3A_1309 : i32 to vector<16xi32>
      %select_n3A_1312 = arith.select %le3A_1307, %broadcast_in_dim3A_1310, %broadcast_in_dim3A_1311 : vector<16xi1>, vector<16xi32>
      %add3A_1313 = arith.addi %add3A_1298, %select_n3A_1312 : vector<16xi32>
      %broadcast_in_dim3A_1314 = arith.constant 0 : i32
      %broadcast_in_dim3A_1315 = vector.broadcast %broadcast_in_dim3A_1314 : i32 to vector<16xi32>
      %add3A_1316 = arith.constant 7 : i32
      %add3A_1317 = vector.broadcast %add3A_1316 : i32 to vector<16xi32>
      %add3A_1318 = arith.addi %broadcast_in_dim3A_1315, %add3A_1317 : vector<16xi32>
      %broadcast_in_dim3A_1319 = vector.shape_cast %add3A_1318 : vector<16xi32> to vector<16x1xi32>
      %gather3A_1320 = vector.shape_cast %broadcast_in_dim3A_1319 : vector<16x1xi32> to vector<16xi32>
      %gather3A_1321 = tpu.dynamic_gather %sub3A[%gather3A_1320] in [0] : vector<16xi32>, vector<16xi32> -> vector<16xi32>
      %le3A_1322 = arith.cmpi sle, %gather3A_1321, %add3A_1206 : vector<16xi32>
      %jit3A_1323 = arith.constant 1 : i32
      %jit3A_1324 = arith.constant 0 : i32
      %broadcast_in_dim3A_1325 = vector.broadcast %jit3A_1323 : i32 to vector<16xi32>
      %broadcast_in_dim3A_1326 = vector.broadcast %jit3A_1324 : i32 to vector<16xi32>
      %select_n3A_1327 = arith.select %le3A_1322, %broadcast_in_dim3A_1325, %broadcast_in_dim3A_1326 : vector<16xi1>, vector<16xi32>
      %add3A_1328 = arith.addi %add3A_1313, %select_n3A_1327 : vector<16xi32>
      %broadcast_in_dim3A_1329 = arith.constant 0 : i32
      %broadcast_in_dim3A_1330 = vector.broadcast %broadcast_in_dim3A_1329 : i32 to vector<16xi32>
      %add3A_1331 = arith.constant 8 : i32
      %add3A_1332 = vector.broadcast %add3A_1331 : i32 to vector<16xi32>
      %add3A_1333 = arith.addi %broadcast_in_dim3A_1330, %add3A_1332 : vector<16xi32>
      %broadcast_in_dim3A_1334 = vector.shape_cast %add3A_1333 : vector<16xi32> to vector<16x1xi32>
      %gather3A_1335 = vector.shape_cast %broadcast_in_dim3A_1334 : vector<16x1xi32> to vector<16xi32>
      %gather3A_1336 = tpu.dynamic_gather %sub3A[%gather3A_1335] in [0] : vector<16xi32>, vector<16xi32> -> vector<16xi32>
      %le3A_1337 = arith.cmpi sle, %gather3A_1336, %add3A_1206 : vector<16xi32>
      %jit3A_1338 = arith.constant 1 : i32
      %jit3A_1339 = arith.constant 0 : i32
      %broadcast_in_dim3A_1340 = vector.broadcast %jit3A_1338 : i32 to vector<16xi32>
      %broadcast_in_dim3A_1341 = vector.broadcast %jit3A_1339 : i32 to vector<16xi32>
      %select_n3A_1342 = arith.select %le3A_1337, %broadcast_in_dim3A_1340, %broadcast_in_dim3A_1341 : vector<16xi1>, vector<16xi32>
      %add3A_1343 = arith.addi %add3A_1328, %select_n3A_1342 : vector<16xi32>
      %broadcast_in_dim3A_1344 = arith.constant 0 : i32
      %broadcast_in_dim3A_1345 = vector.broadcast %broadcast_in_dim3A_1344 : i32 to vector<16xi32>
      %add3A_1346 = arith.constant 9 : i32
      %add3A_1347 = vector.broadcast %add3A_1346 : i32 to vector<16xi32>
      %add3A_1348 = arith.addi %broadcast_in_dim3A_1345, %add3A_1347 : vector<16xi32>
      %broadcast_in_dim3A_1349 = vector.shape_cast %add3A_1348 : vector<16xi32> to vector<16x1xi32>
      %gather3A_1350 = vector.shape_cast %broadcast_in_dim3A_1349 : vector<16x1xi32> to vector<16xi32>
      %gather3A_1351 = tpu.dynamic_gather %sub3A[%gather3A_1350] in [0] : vector<16xi32>, vector<16xi32> -> vector<16xi32>
      %le3A_1352 = arith.cmpi sle, %gather3A_1351, %add3A_1206 : vector<16xi32>
      %jit3A_1353 = arith.constant 1 : i32
      %jit3A_1354 = arith.constant 0 : i32
      %broadcast_in_dim3A_1355 = vector.broadcast %jit3A_1353 : i32 to vector<16xi32>
      %broadcast_in_dim3A_1356 = vector.broadcast %jit3A_1354 : i32 to vector<16xi32>
      %select_n3A_1357 = arith.select %le3A_1352, %broadcast_in_dim3A_1355, %broadcast_in_dim3A_1356 : vector<16xi1>, vector<16xi32>
      %add3A_1358 = arith.addi %add3A_1343, %select_n3A_1357 : vector<16xi32>
      %broadcast_in_dim3A_1359 = arith.constant 0 : i32
      %broadcast_in_dim3A_1360 = vector.broadcast %broadcast_in_dim3A_1359 : i32 to vector<16xi32>
      %add3A_1361 = arith.constant 10 : i32
      %add3A_1362 = vector.broadcast %add3A_1361 : i32 to vector<16xi32>
      %add3A_1363 = arith.addi %broadcast_in_dim3A_1360, %add3A_1362 : vector<16xi32>
      %broadcast_in_dim3A_1364 = vector.shape_cast %add3A_1363 : vector<16xi32> to vector<16x1xi32>
      %gather3A_1365 = vector.shape_cast %broadcast_in_dim3A_1364 : vector<16x1xi32> to vector<16xi32>
      %gather3A_1366 = tpu.dynamic_gather %sub3A[%gather3A_1365] in [0] : vector<16xi32>, vector<16xi32> -> vector<16xi32>
      %le3A_1367 = arith.cmpi sle, %gather3A_1366, %add3A_1206 : vector<16xi32>
      %jit3A_1368 = arith.constant 1 : i32
      %jit3A_1369 = arith.constant 0 : i32
      %broadcast_in_dim3A_1370 = vector.broadcast %jit3A_1368 : i32 to vector<16xi32>
      %broadcast_in_dim3A_1371 = vector.broadcast %jit3A_1369 : i32 to vector<16xi32>
      %select_n3A_1372 = arith.select %le3A_1367, %broadcast_in_dim3A_1370, %broadcast_in_dim3A_1371 : vector<16xi1>, vector<16xi32>
      %add3A_1373 = arith.addi %add3A_1358, %select_n3A_1372 : vector<16xi32>
      %broadcast_in_dim3A_1374 = arith.constant 0 : i32
      %broadcast_in_dim3A_1375 = vector.broadcast %broadcast_in_dim3A_1374 : i32 to vector<16xi32>
      %add3A_1376 = arith.constant 11 : i32
      %add3A_1377 = vector.broadcast %add3A_1376 : i32 to vector<16xi32>
      %add3A_1378 = arith.addi %broadcast_in_dim3A_1375, %add3A_1377 : vector<16xi32>
      %broadcast_in_dim3A_1379 = vector.shape_cast %add3A_1378 : vector<16xi32> to vector<16x1xi32>
      %gather3A_1380 = vector.shape_cast %broadcast_in_dim3A_1379 : vector<16x1xi32> to vector<16xi32>
      %gather3A_1381 = tpu.dynamic_gather %sub3A[%gather3A_1380] in [0] : vector<16xi32>, vector<16xi32> -> vector<16xi32>
      %le3A_1382 = arith.cmpi sle, %gather3A_1381, %add3A_1206 : vector<16xi32>
      %jit3A_1383 = arith.constant 1 : i32
      %jit3A_1384 = arith.constant 0 : i32
      %broadcast_in_dim3A_1385 = vector.broadcast %jit3A_1383 : i32 to vector<16xi32>
      %broadcast_in_dim3A_1386 = vector.broadcast %jit3A_1384 : i32 to vector<16xi32>
      %select_n3A_1387 = arith.select %le3A_1382, %broadcast_in_dim3A_1385, %broadcast_in_dim3A_1386 : vector<16xi1>, vector<16xi32>
      %add3A_1388 = arith.addi %add3A_1373, %select_n3A_1387 : vector<16xi32>
      %broadcast_in_dim3A_1389 = arith.constant 0 : i32
      %broadcast_in_dim3A_1390 = vector.broadcast %broadcast_in_dim3A_1389 : i32 to vector<16xi32>
      %add3A_1391 = arith.constant 12 : i32
      %add3A_1392 = vector.broadcast %add3A_1391 : i32 to vector<16xi32>
      %add3A_1393 = arith.addi %broadcast_in_dim3A_1390, %add3A_1392 : vector<16xi32>
      %broadcast_in_dim3A_1394 = vector.shape_cast %add3A_1393 : vector<16xi32> to vector<16x1xi32>
      %gather3A_1395 = vector.shape_cast %broadcast_in_dim3A_1394 : vector<16x1xi32> to vector<16xi32>
      %gather3A_1396 = tpu.dynamic_gather %sub3A[%gather3A_1395] in [0] : vector<16xi32>, vector<16xi32> -> vector<16xi32>
      %le3A_1397 = arith.cmpi sle, %gather3A_1396, %add3A_1206 : vector<16xi32>
      %jit3A_1398 = arith.constant 1 : i32
      %jit3A_1399 = arith.constant 0 : i32
      %broadcast_in_dim3A_1400 = vector.broadcast %jit3A_1398 : i32 to vector<16xi32>
      %broadcast_in_dim3A_1401 = vector.broadcast %jit3A_1399 : i32 to vector<16xi32>
      %select_n3A_1402 = arith.select %le3A_1397, %broadcast_in_dim3A_1400, %broadcast_in_dim3A_1401 : vector<16xi1>, vector<16xi32>
      %add3A_1403 = arith.addi %add3A_1388, %select_n3A_1402 : vector<16xi32>
      %broadcast_in_dim3A_1404 = arith.constant 0 : i32
      %broadcast_in_dim3A_1405 = vector.broadcast %broadcast_in_dim3A_1404 : i32 to vector<16xi32>
      %add3A_1406 = arith.constant 13 : i32
      %add3A_1407 = vector.broadcast %add3A_1406 : i32 to vector<16xi32>
      %add3A_1408 = arith.addi %broadcast_in_dim3A_1405, %add3A_1407 : vector<16xi32>
      %broadcast_in_dim3A_1409 = vector.shape_cast %add3A_1408 : vector<16xi32> to vector<16x1xi32>
      %gather3A_1410 = vector.shape_cast %broadcast_in_dim3A_1409 : vector<16x1xi32> to vector<16xi32>
      %gather3A_1411 = tpu.dynamic_gather %sub3A[%gather3A_1410] in [0] : vector<16xi32>, vector<16xi32> -> vector<16xi32>
      %le3A_1412 = arith.cmpi sle, %gather3A_1411, %add3A_1206 : vector<16xi32>
      %jit3A_1413 = arith.constant 1 : i32
      %jit3A_1414 = arith.constant 0 : i32
      %broadcast_in_dim3A_1415 = vector.broadcast %jit3A_1413 : i32 to vector<16xi32>
      %broadcast_in_dim3A_1416 = vector.broadcast %jit3A_1414 : i32 to vector<16xi32>
      %select_n3A_1417 = arith.select %le3A_1412, %broadcast_in_dim3A_1415, %broadcast_in_dim3A_1416 : vector<16xi1>, vector<16xi32>
      %add3A_1418 = arith.addi %add3A_1403, %select_n3A_1417 : vector<16xi32>
      %broadcast_in_dim3A_1419 = arith.constant 0 : i32
      %broadcast_in_dim3A_1420 = vector.broadcast %broadcast_in_dim3A_1419 : i32 to vector<16xi32>
      %add3A_1421 = arith.constant 14 : i32
      %add3A_1422 = vector.broadcast %add3A_1421 : i32 to vector<16xi32>
      %add3A_1423 = arith.addi %broadcast_in_dim3A_1420, %add3A_1422 : vector<16xi32>
      %broadcast_in_dim3A_1424 = vector.shape_cast %add3A_1423 : vector<16xi32> to vector<16x1xi32>
      %gather3A_1425 = vector.shape_cast %broadcast_in_dim3A_1424 : vector<16x1xi32> to vector<16xi32>
      %gather3A_1426 = tpu.dynamic_gather %sub3A[%gather3A_1425] in [0] : vector<16xi32>, vector<16xi32> -> vector<16xi32>
      %le3A_1427 = arith.cmpi sle, %gather3A_1426, %add3A_1206 : vector<16xi32>
      %jit3A_1428 = arith.constant 1 : i32
      %jit3A_1429 = arith.constant 0 : i32
      %broadcast_in_dim3A_1430 = vector.broadcast %jit3A_1428 : i32 to vector<16xi32>
      %broadcast_in_dim3A_1431 = vector.broadcast %jit3A_1429 : i32 to vector<16xi32>
      %select_n3A_1432 = arith.select %le3A_1427, %broadcast_in_dim3A_1430, %broadcast_in_dim3A_1431 : vector<16xi1>, vector<16xi32>
      %add3A_1433 = arith.addi %add3A_1418, %select_n3A_1432 : vector<16xi32>
      %broadcast_in_dim3A_1434 = arith.constant 0 : i32
      %broadcast_in_dim3A_1435 = vector.broadcast %broadcast_in_dim3A_1434 : i32 to vector<16xi32>
      %add3A_1436 = arith.constant 15 : i32
      %add3A_1437 = vector.broadcast %add3A_1436 : i32 to vector<16xi32>
      %add3A_1438 = arith.addi %broadcast_in_dim3A_1435, %add3A_1437 : vector<16xi32>
      %broadcast_in_dim3A_1439 = vector.shape_cast %add3A_1438 : vector<16xi32> to vector<16x1xi32>
      %gather3A_1440 = vector.shape_cast %broadcast_in_dim3A_1439 : vector<16x1xi32> to vector<16xi32>
      %gather3A_1441 = tpu.dynamic_gather %sub3A[%gather3A_1440] in [0] : vector<16xi32>, vector<16xi32> -> vector<16xi32>
      %le3A_1442 = arith.cmpi sle, %gather3A_1441, %add3A_1206 : vector<16xi32>
      %jit3A_1443 = arith.constant 1 : i32
      %jit3A_1444 = arith.constant 0 : i32
      %broadcast_in_dim3A_1445 = vector.broadcast %jit3A_1443 : i32 to vector<16xi32>
      %broadcast_in_dim3A_1446 = vector.broadcast %jit3A_1444 : i32 to vector<16xi32>
      %select_n3A_1447 = arith.select %le3A_1442, %broadcast_in_dim3A_1445, %broadcast_in_dim3A_1446 : vector<16xi1>, vector<16xi32>
      %add3A_1448 = arith.addi %add3A_1433, %select_n3A_1447 : vector<16xi32>
      %sub3A_1449 = arith.constant 1 : i32
      %sub3A_1450 = vector.broadcast %sub3A_1449 : i32 to vector<16xi32>
      %sub3A_1451 = arith.subi %add3A_1448, %sub3A_1450 : vector<16xi32>
      %min3A_1452 = arith.constant 15 : i32
      %min3A_1453 = vector.broadcast %min3A_1452 : i32 to vector<16xi32>
      %min3A_1454 = arith.minsi %sub3A_1451, %min3A_1453 : vector<16xi32>
      %swap3A_1455 = arith.constant 48 : index
      %swap3A_1456 = tpu.vector_load %arg23[%swap3A_1455] {strides = array<i32>} : memref<80xi32, #tpu.memory_space<vmem>>, vector<16xi32>,
      tpu.vector_store %arg23[%swap3A_1455], %min3A_1454 {strides = array<i32>} : memref<80xi32, #tpu.memory_space<vmem>>, vector<16xi32>,
      %add3A_1457 = arith.constant 64 : i32
      %add3A_1458 = vector.broadcast %add3A_1457 : i32 to vector<16xi32>
      %add3A_1459 = arith.addi %iota3A, %add3A_1458 : vector<16xi32>
      %broadcast_in_dim3A_1460 = arith.constant 0 : i32
      %broadcast_in_dim3A_1461 = vector.broadcast %broadcast_in_dim3A_1460 : i32 to vector<16xi32>
      %broadcast_in_dim3A_1462 = arith.constant 0 : i32
      %broadcast_in_dim3A_1463 = vector.broadcast %broadcast_in_dim3A_1462 : i32 to vector<16xi32>
      %add3A_1464 = arith.constant 0 : i32
      %add3A_1465 = vector.broadcast %add3A_1464 : i32 to vector<16xi32>
      %add3A_1466 = arith.addi %broadcast_in_dim3A_1463, %add3A_1465 : vector<16xi32>
      %broadcast_in_dim3A_1467 = vector.shape_cast %add3A_1466 : vector<16xi32> to vector<16x1xi32>
      %gather3A_1468 = vector.shape_cast %broadcast_in_dim3A_1467 : vector<16x1xi32> to vector<16xi32>
      %gather3A_1469 = tpu.dynamic_gather %sub3A[%gather3A_1468] in [0] : vector<16xi32>, vector<16xi32> -> vector<16xi32>
      %le3A_1470 = arith.cmpi sle, %gather3A_1469, %add3A_1459 : vector<16xi32>
      %jit3A_1471 = arith.constant 1 : i32
      %jit3A_1472 = arith.constant 0 : i32
      %broadcast_in_dim3A_1473 = vector.broadcast %jit3A_1471 : i32 to vector<16xi32>
      %broadcast_in_dim3A_1474 = vector.broadcast %jit3A_1472 : i32 to vector<16xi32>
      %select_n3A_1475 = arith.select %le3A_1470, %broadcast_in_dim3A_1473, %broadcast_in_dim3A_1474 : vector<16xi1>, vector<16xi32>
      %add3A_1476 = arith.addi %broadcast_in_dim3A_1461, %select_n3A_1475 : vector<16xi32>
      %broadcast_in_dim3A_1477 = arith.constant 0 : i32
      %broadcast_in_dim3A_1478 = vector.broadcast %broadcast_in_dim3A_1477 : i32 to vector<16xi32>
      %add3A_1479 = arith.constant 1 : i32
      %add3A_1480 = vector.broadcast %add3A_1479 : i32 to vector<16xi32>
      %add3A_1481 = arith.addi %broadcast_in_dim3A_1478, %add3A_1480 : vector<16xi32>
      %broadcast_in_dim3A_1482 = vector.shape_cast %add3A_1481 : vector<16xi32> to vector<16x1xi32>
      %gather3A_1483 = vector.shape_cast %broadcast_in_dim3A_1482 : vector<16x1xi32> to vector<16xi32>
      %gather3A_1484 = tpu.dynamic_gather %sub3A[%gather3A_1483] in [0] : vector<16xi32>, vector<16xi32> -> vector<16xi32>
      %le3A_1485 = arith.cmpi sle, %gather3A_1484, %add3A_1459 : vector<16xi32>
      %jit3A_1486 = arith.constant 1 : i32
      %jit3A_1487 = arith.constant 0 : i32
      %broadcast_in_dim3A_1488 = vector.broadcast %jit3A_1486 : i32 to vector<16xi32>
      %broadcast_in_dim3A_1489 = vector.broadcast %jit3A_1487 : i32 to vector<16xi32>
      %select_n3A_1490 = arith.select %le3A_1485, %broadcast_in_dim3A_1488, %broadcast_in_dim3A_1489 : vector<16xi1>, vector<16xi32>
      %add3A_1491 = arith.addi %add3A_1476, %select_n3A_1490 : vector<16xi32>
      %broadcast_in_dim3A_1492 = arith.constant 0 : i32
      %broadcast_in_dim3A_1493 = vector.broadcast %broadcast_in_dim3A_1492 : i32 to vector<16xi32>
      %add3A_1494 = arith.constant 2 : i32
      %add3A_1495 = vector.broadcast %add3A_1494 : i32 to vector<16xi32>
      %add3A_1496 = arith.addi %broadcast_in_dim3A_1493, %add3A_1495 : vector<16xi32>
      %broadcast_in_dim3A_1497 = vector.shape_cast %add3A_1496 : vector<16xi32> to vector<16x1xi32>
      %gather3A_1498 = vector.shape_cast %broadcast_in_dim3A_1497 : vector<16x1xi32> to vector<16xi32>
      %gather3A_1499 = tpu.dynamic_gather %sub3A[%gather3A_1498] in [0] : vector<16xi32>, vector<16xi32> -> vector<16xi32>
      %le3A_1500 = arith.cmpi sle, %gather3A_1499, %add3A_1459 : vector<16xi32>
      %jit3A_1501 = arith.constant 1 : i32
      %jit3A_1502 = arith.constant 0 : i32
      %broadcast_in_dim3A_1503 = vector.broadcast %jit3A_1501 : i32 to vector<16xi32>
      %broadcast_in_dim3A_1504 = vector.broadcast %jit3A_1502 : i32 to vector<16xi32>
      %select_n3A_1505 = arith.select %le3A_1500, %broadcast_in_dim3A_1503, %broadcast_in_dim3A_1504 : vector<16xi1>, vector<16xi32>
      %add3A_1506 = arith.addi %add3A_1491, %select_n3A_1505 : vector<16xi32>
      %broadcast_in_dim3A_1507 = arith.constant 0 : i32
      %broadcast_in_dim3A_1508 = vector.broadcast %broadcast_in_dim3A_1507 : i32 to vector<16xi32>
      %add3A_1509 = arith.constant 3 : i32
      %add3A_1510 = vector.broadcast %add3A_1509 : i32 to vector<16xi32>
      %add3A_1511 = arith.addi %broadcast_in_dim3A_1508, %add3A_1510 : vector<16xi32>
      %broadcast_in_dim3A_1512 = vector.shape_cast %add3A_1511 : vector<16xi32> to vector<16x1xi32>
      %gather3A_1513 = vector.shape_cast %broadcast_in_dim3A_1512 : vector<16x1xi32> to vector<16xi32>
      %gather3A_1514 = tpu.dynamic_gather %sub3A[%gather3A_1513] in [0] : vector<16xi32>, vector<16xi32> -> vector<16xi32>
      %le3A_1515 = arith.cmpi sle, %gather3A_1514, %add3A_1459 : vector<16xi32>
      %jit3A_1516 = arith.constant 1 : i32
      %jit3A_1517 = arith.constant 0 : i32
      %broadcast_in_dim3A_1518 = vector.broadcast %jit3A_1516 : i32 to vector<16xi32>
      %broadcast_in_dim3A_1519 = vector.broadcast %jit3A_1517 : i32 to vector<16xi32>
      %select_n3A_1520 = arith.select %le3A_1515, %broadcast_in_dim3A_1518, %broadcast_in_dim3A_1519 : vector<16xi1>, vector<16xi32>
      %add3A_1521 = arith.addi %add3A_1506, %select_n3A_1520 : vector<16xi32>
      %broadcast_in_dim3A_1522 = arith.constant 0 : i32
      %broadcast_in_dim3A_1523 = vector.broadcast %broadcast_in_dim3A_1522 : i32 to vector<16xi32>
      %add3A_1524 = arith.constant 4 : i32
      %add3A_1525 = vector.broadcast %add3A_1524 : i32 to vector<16xi32>
      %add3A_1526 = arith.addi %broadcast_in_dim3A_1523, %add3A_1525 : vector<16xi32>
      %broadcast_in_dim3A_1527 = vector.shape_cast %add3A_1526 : vector<16xi32> to vector<16x1xi32>
      %gather3A_1528 = vector.shape_cast %broadcast_in_dim3A_1527 : vector<16x1xi32> to vector<16xi32>
      %gather3A_1529 = tpu.dynamic_gather %sub3A[%gather3A_1528] in [0] : vector<16xi32>, vector<16xi32> -> vector<16xi32>
      %le3A_1530 = arith.cmpi sle, %gather3A_1529, %add3A_1459 : vector<16xi32>
      %jit3A_1531 = arith.constant 1 : i32
      %jit3A_1532 = arith.constant 0 : i32
      %broadcast_in_dim3A_1533 = vector.broadcast %jit3A_1531 : i32 to vector<16xi32>
      %broadcast_in_dim3A_1534 = vector.broadcast %jit3A_1532 : i32 to vector<16xi32>
      %select_n3A_1535 = arith.select %le3A_1530, %broadcast_in_dim3A_1533, %broadcast_in_dim3A_1534 : vector<16xi1>, vector<16xi32>
      %add3A_1536 = arith.addi %add3A_1521, %select_n3A_1535 : vector<16xi32>
      %broadcast_in_dim3A_1537 = arith.constant 0 : i32
      %broadcast_in_dim3A_1538 = vector.broadcast %broadcast_in_dim3A_1537 : i32 to vector<16xi32>
      %add3A_1539 = arith.constant 5 : i32
      %add3A_1540 = vector.broadcast %add3A_1539 : i32 to vector<16xi32>
      %add3A_1541 = arith.addi %broadcast_in_dim3A_1538, %add3A_1540 : vector<16xi32>
      %broadcast_in_dim3A_1542 = vector.shape_cast %add3A_1541 : vector<16xi32> to vector<16x1xi32>
      %gather3A_1543 = vector.shape_cast %broadcast_in_dim3A_1542 : vector<16x1xi32> to vector<16xi32>
      %gather3A_1544 = tpu.dynamic_gather %sub3A[%gather3A_1543] in [0] : vector<16xi32>, vector<16xi32> -> vector<16xi32>
      %le3A_1545 = arith.cmpi sle, %gather3A_1544, %add3A_1459 : vector<16xi32>
      %jit3A_1546 = arith.constant 1 : i32
      %jit3A_1547 = arith.constant 0 : i32
      %broadcast_in_dim3A_1548 = vector.broadcast %jit3A_1546 : i32 to vector<16xi32>
      %broadcast_in_dim3A_1549 = vector.broadcast %jit3A_1547 : i32 to vector<16xi32>
      %select_n3A_1550 = arith.select %le3A_1545, %broadcast_in_dim3A_1548, %broadcast_in_dim3A_1549 : vector<16xi1>, vector<16xi32>
      %add3A_1551 = arith.addi %add3A_1536, %select_n3A_1550 : vector<16xi32>
      %broadcast_in_dim3A_1552 = arith.constant 0 : i32
      %broadcast_in_dim3A_1553 = vector.broadcast %broadcast_in_dim3A_1552 : i32 to vector<16xi32>
      %add3A_1554 = arith.constant 6 : i32
      %add3A_1555 = vector.broadcast %add3A_1554 : i32 to vector<16xi32>
      %add3A_1556 = arith.addi %broadcast_in_dim3A_1553, %add3A_1555 : vector<16xi32>
      %broadcast_in_dim3A_1557 = vector.shape_cast %add3A_1556 : vector<16xi32> to vector<16x1xi32>
      %gather3A_1558 = vector.shape_cast %broadcast_in_dim3A_1557 : vector<16x1xi32> to vector<16xi32>
      %gather3A_1559 = tpu.dynamic_gather %sub3A[%gather3A_1558] in [0] : vector<16xi32>, vector<16xi32> -> vector<16xi32>
      %le3A_1560 = arith.cmpi sle, %gather3A_1559, %add3A_1459 : vector<16xi32>
      %jit3A_1561 = arith.constant 1 : i32
      %jit3A_1562 = arith.constant 0 : i32
      %broadcast_in_dim3A_1563 = vector.broadcast %jit3A_1561 : i32 to vector<16xi32>
      %broadcast_in_dim3A_1564 = vector.broadcast %jit3A_1562 : i32 to vector<16xi32>
      %select_n3A_1565 = arith.select %le3A_1560, %broadcast_in_dim3A_1563, %broadcast_in_dim3A_1564 : vector<16xi1>, vector<16xi32>
      %add3A_1566 = arith.addi %add3A_1551, %select_n3A_1565 : vector<16xi32>
      %broadcast_in_dim3A_1567 = arith.constant 0 : i32
      %broadcast_in_dim3A_1568 = vector.broadcast %broadcast_in_dim3A_1567 : i32 to vector<16xi32>
      %add3A_1569 = arith.constant 7 : i32
      %add3A_1570 = vector.broadcast %add3A_1569 : i32 to vector<16xi32>
      %add3A_1571 = arith.addi %broadcast_in_dim3A_1568, %add3A_1570 : vector<16xi32>
      %broadcast_in_dim3A_1572 = vector.shape_cast %add3A_1571 : vector<16xi32> to vector<16x1xi32>
      %gather3A_1573 = vector.shape_cast %broadcast_in_dim3A_1572 : vector<16x1xi32> to vector<16xi32>
      %gather3A_1574 = tpu.dynamic_gather %sub3A[%gather3A_1573] in [0] : vector<16xi32>, vector<16xi32> -> vector<16xi32>
      %le3A_1575 = arith.cmpi sle, %gather3A_1574, %add3A_1459 : vector<16xi32>
      %jit3A_1576 = arith.constant 1 : i32
      %jit3A_1577 = arith.constant 0 : i32
      %broadcast_in_dim3A_1578 = vector.broadcast %jit3A_1576 : i32 to vector<16xi32>
      %broadcast_in_dim3A_1579 = vector.broadcast %jit3A_1577 : i32 to vector<16xi32>
      %select_n3A_1580 = arith.select %le3A_1575, %broadcast_in_dim3A_1578, %broadcast_in_dim3A_1579 : vector<16xi1>, vector<16xi32>
      %add3A_1581 = arith.addi %add3A_1566, %select_n3A_1580 : vector<16xi32>
      %broadcast_in_dim3A_1582 = arith.constant 0 : i32
      %broadcast_in_dim3A_1583 = vector.broadcast %broadcast_in_dim3A_1582 : i32 to vector<16xi32>
      %add3A_1584 = arith.constant 8 : i32
      %add3A_1585 = vector.broadcast %add3A_1584 : i32 to vector<16xi32>
      %add3A_1586 = arith.addi %broadcast_in_dim3A_1583, %add3A_1585 : vector<16xi32>
      %broadcast_in_dim3A_1587 = vector.shape_cast %add3A_1586 : vector<16xi32> to vector<16x1xi32>
      %gather3A_1588 = vector.shape_cast %broadcast_in_dim3A_1587 : vector<16x1xi32> to vector<16xi32>
      %gather3A_1589 = tpu.dynamic_gather %sub3A[%gather3A_1588] in [0] : vector<16xi32>, vector<16xi32> -> vector<16xi32>
      %le3A_1590 = arith.cmpi sle, %gather3A_1589, %add3A_1459 : vector<16xi32>
      %jit3A_1591 = arith.constant 1 : i32
      %jit3A_1592 = arith.constant 0 : i32
      %broadcast_in_dim3A_1593 = vector.broadcast %jit3A_1591 : i32 to vector<16xi32>
      %broadcast_in_dim3A_1594 = vector.broadcast %jit3A_1592 : i32 to vector<16xi32>
      %select_n3A_1595 = arith.select %le3A_1590, %broadcast_in_dim3A_1593, %broadcast_in_dim3A_1594 : vector<16xi1>, vector<16xi32>
      %add3A_1596 = arith.addi %add3A_1581, %select_n3A_1595 : vector<16xi32>
      %broadcast_in_dim3A_1597 = arith.constant 0 : i32
      %broadcast_in_dim3A_1598 = vector.broadcast %broadcast_in_dim3A_1597 : i32 to vector<16xi32>
      %add3A_1599 = arith.constant 9 : i32
      %add3A_1600 = vector.broadcast %add3A_1599 : i32 to vector<16xi32>
      %add3A_1601 = arith.addi %broadcast_in_dim3A_1598, %add3A_1600 : vector<16xi32>
      %broadcast_in_dim3A_1602 = vector.shape_cast %add3A_1601 : vector<16xi32> to vector<16x1xi32>
      %gather3A_1603 = vector.shape_cast %broadcast_in_dim3A_1602 : vector<16x1xi32> to vector<16xi32>
      %gather3A_1604 = tpu.dynamic_gather %sub3A[%gather3A_1603] in [0] : vector<16xi32>, vector<16xi32> -> vector<16xi32>
      %le3A_1605 = arith.cmpi sle, %gather3A_1604, %add3A_1459 : vector<16xi32>
      %jit3A_1606 = arith.constant 1 : i32
      %jit3A_1607 = arith.constant 0 : i32
      %broadcast_in_dim3A_1608 = vector.broadcast %jit3A_1606 : i32 to vector<16xi32>
      %broadcast_in_dim3A_1609 = vector.broadcast %jit3A_1607 : i32 to vector<16xi32>
      %select_n3A_1610 = arith.select %le3A_1605, %broadcast_in_dim3A_1608, %broadcast_in_dim3A_1609 : vector<16xi1>, vector<16xi32>
      %add3A_1611 = arith.addi %add3A_1596, %select_n3A_1610 : vector<16xi32>
      %broadcast_in_dim3A_1612 = arith.constant 0 : i32
      %broadcast_in_dim3A_1613 = vector.broadcast %broadcast_in_dim3A_1612 : i32 to vector<16xi32>
      %add3A_1614 = arith.constant 10 : i32
      %add3A_1615 = vector.broadcast %add3A_1614 : i32 to vector<16xi32>
      %add3A_1616 = arith.addi %broadcast_in_dim3A_1613, %add3A_1615 : vector<16xi32>
      %broadcast_in_dim3A_1617 = vector.shape_cast %add3A_1616 : vector<16xi32> to vector<16x1xi32>
      %gather3A_1618 = vector.shape_cast %broadcast_in_dim3A_1617 : vector<16x1xi32> to vector<16xi32>
      %gather3A_1619 = tpu.dynamic_gather %sub3A[%gather3A_1618] in [0] : vector<16xi32>, vector<16xi32> -> vector<16xi32>
      %le3A_1620 = arith.cmpi sle, %gather3A_1619, %add3A_1459 : vector<16xi32>
      %jit3A_1621 = arith.constant 1 : i32
      %jit3A_1622 = arith.constant 0 : i32
      %broadcast_in_dim3A_1623 = vector.broadcast %jit3A_1621 : i32 to vector<16xi32>
      %broadcast_in_dim3A_1624 = vector.broadcast %jit3A_1622 : i32 to vector<16xi32>
      %select_n3A_1625 = arith.select %le3A_1620, %broadcast_in_dim3A_1623, %broadcast_in_dim3A_1624 : vector<16xi1>, vector<16xi32>
      %add3A_1626 = arith.addi %add3A_1611, %select_n3A_1625 : vector<16xi32>
      %broadcast_in_dim3A_1627 = arith.constant 0 : i32
      %broadcast_in_dim3A_1628 = vector.broadcast %broadcast_in_dim3A_1627 : i32 to vector<16xi32>
      %add3A_1629 = arith.constant 11 : i32
      %add3A_1630 = vector.broadcast %add3A_1629 : i32 to vector<16xi32>
      %add3A_1631 = arith.addi %broadcast_in_dim3A_1628, %add3A_1630 : vector<16xi32>
      %broadcast_in_dim3A_1632 = vector.shape_cast %add3A_1631 : vector<16xi32> to vector<16x1xi32>
      %gather3A_1633 = vector.shape_cast %broadcast_in_dim3A_1632 : vector<16x1xi32> to vector<16xi32>
      %gather3A_1634 = tpu.dynamic_gather %sub3A[%gather3A_1633] in [0] : vector<16xi32>, vector<16xi32> -> vector<16xi32>
      %le3A_1635 = arith.cmpi sle, %gather3A_1634, %add3A_1459 : vector<16xi32>
      %jit3A_1636 = arith.constant 1 : i32
      %jit3A_1637 = arith.constant 0 : i32
      %broadcast_in_dim3A_1638 = vector.broadcast %jit3A_1636 : i32 to vector<16xi32>
      %broadcast_in_dim3A_1639 = vector.broadcast %jit3A_1637 : i32 to vector<16xi32>
      %select_n3A_1640 = arith.select %le3A_1635, %broadcast_in_dim3A_1638, %broadcast_in_dim3A_1639 : vector<16xi1>, vector<16xi32>
      %add3A_1641 = arith.addi %add3A_1626, %select_n3A_1640 : vector<16xi32>
      %broadcast_in_dim3A_1642 = arith.constant 0 : i32
      %broadcast_in_dim3A_1643 = vector.broadcast %broadcast_in_dim3A_1642 : i32 to vector<16xi32>
      %add3A_1644 = arith.constant 12 : i32
      %add3A_1645 = vector.broadcast %add3A_1644 : i32 to vector<16xi32>
      %add3A_1646 = arith.addi %broadcast_in_dim3A_1643, %add3A_1645 : vector<16xi32>
      %broadcast_in_dim3A_1647 = vector.shape_cast %add3A_1646 : vector<16xi32> to vector<16x1xi32>
      %gather3A_1648 = vector.shape_cast %broadcast_in_dim3A_1647 : vector<16x1xi32> to vector<16xi32>
      %gather3A_1649 = tpu.dynamic_gather %sub3A[%gather3A_1648] in [0] : vector<16xi32>, vector<16xi32> -> vector<16xi32>
      %le3A_1650 = arith.cmpi sle, %gather3A_1649, %add3A_1459 : vector<16xi32>
      %jit3A_1651 = arith.constant 1 : i32
      %jit3A_1652 = arith.constant 0 : i32
      %broadcast_in_dim3A_1653 = vector.broadcast %jit3A_1651 : i32 to vector<16xi32>
      %broadcast_in_dim3A_1654 = vector.broadcast %jit3A_1652 : i32 to vector<16xi32>
      %select_n3A_1655 = arith.select %le3A_1650, %broadcast_in_dim3A_1653, %broadcast_in_dim3A_1654 : vector<16xi1>, vector<16xi32>
      %add3A_1656 = arith.addi %add3A_1641, %select_n3A_1655 : vector<16xi32>
      %broadcast_in_dim3A_1657 = arith.constant 0 : i32
      %broadcast_in_dim3A_1658 = vector.broadcast %broadcast_in_dim3A_1657 : i32 to vector<16xi32>
      %add3A_1659 = arith.constant 13 : i32
      %add3A_1660 = vector.broadcast %add3A_1659 : i32 to vector<16xi32>
      %add3A_1661 = arith.addi %broadcast_in_dim3A_1658, %add3A_1660 : vector<16xi32>
      %broadcast_in_dim3A_1662 = vector.shape_cast %add3A_1661 : vector<16xi32> to vector<16x1xi32>
      %gather3A_1663 = vector.shape_cast %broadcast_in_dim3A_1662 : vector<16x1xi32> to vector<16xi32>
      %gather3A_1664 = tpu.dynamic_gather %sub3A[%gather3A_1663] in [0] : vector<16xi32>, vector<16xi32> -> vector<16xi32>
      %le3A_1665 = arith.cmpi sle, %gather3A_1664, %add3A_1459 : vector<16xi32>
      %jit3A_1666 = arith.constant 1 : i32
      %jit3A_1667 = arith.constant 0 : i32
      %broadcast_in_dim3A_1668 = vector.broadcast %jit3A_1666 : i32 to vector<16xi32>
      %broadcast_in_dim3A_1669 = vector.broadcast %jit3A_1667 : i32 to vector<16xi32>
      %select_n3A_1670 = arith.select %le3A_1665, %broadcast_in_dim3A_1668, %broadcast_in_dim3A_1669 : vector<16xi1>, vector<16xi32>
      %add3A_1671 = arith.addi %add3A_1656, %select_n3A_1670 : vector<16xi32>
      %broadcast_in_dim3A_1672 = arith.constant 0 : i32
      %broadcast_in_dim3A_1673 = vector.broadcast %broadcast_in_dim3A_1672 : i32 to vector<16xi32>
      %add3A_1674 = arith.constant 14 : i32
      %add3A_1675 = vector.broadcast %add3A_1674 : i32 to vector<16xi32>
      %add3A_1676 = arith.addi %broadcast_in_dim3A_1673, %add3A_1675 : vector<16xi32>
      %broadcast_in_dim3A_1677 = vector.shape_cast %add3A_1676 : vector<16xi32> to vector<16x1xi32>
      %gather3A_1678 = vector.shape_cast %broadcast_in_dim3A_1677 : vector<16x1xi32> to vector<16xi32>
      %gather3A_1679 = tpu.dynamic_gather %sub3A[%gather3A_1678] in [0] : vector<16xi32>, vector<16xi32> -> vector<16xi32>
      %le3A_1680 = arith.cmpi sle, %gather3A_1679, %add3A_1459 : vector<16xi32>
      %jit3A_1681 = arith.constant 1 : i32
      %jit3A_1682 = arith.constant 0 : i32
      %broadcast_in_dim3A_1683 = vector.broadcast %jit3A_1681 : i32 to vector<16xi32>
      %broadcast_in_dim3A_1684 = vector.broadcast %jit3A_1682 : i32 to vector<16xi32>
      %select_n3A_1685 = arith.select %le3A_1680, %broadcast_in_dim3A_1683, %broadcast_in_dim3A_1684 : vector<16xi1>, vector<16xi32>
      %add3A_1686 = arith.addi %add3A_1671, %select_n3A_1685 : vector<16xi32>
      %broadcast_in_dim3A_1687 = arith.constant 0 : i32
      %broadcast_in_dim3A_1688 = vector.broadcast %broadcast_in_dim3A_1687 : i32 to vector<16xi32>
      %add3A_1689 = arith.constant 15 : i32
      %add3A_1690 = vector.broadcast %add3A_1689 : i32 to vector<16xi32>
      %add3A_1691 = arith.addi %broadcast_in_dim3A_1688, %add3A_1690 : vector<16xi32>
      %broadcast_in_dim3A_1692 = vector.shape_cast %add3A_1691 : vector<16xi32> to vector<16x1xi32>
      %gather3A_1693 = vector.shape_cast %broadcast_in_dim3A_1692 : vector<16x1xi32> to vector<16xi32>
      %gather3A_1694 = tpu.dynamic_gather %sub3A[%gather3A_1693] in [0] : vector<16xi32>, vector<16xi32> -> vector<16xi32>
      %le3A_1695 = arith.cmpi sle, %gather3A_1694, %add3A_1459 : vector<16xi32>
      %jit3A_1696 = arith.constant 1 : i32
      %jit3A_1697 = arith.constant 0 : i32
      %broadcast_in_dim3A_1698 = vector.broadcast %jit3A_1696 : i32 to vector<16xi32>
      %broadcast_in_dim3A_1699 = vector.broadcast %jit3A_1697 : i32 to vector<16xi32>
      %select_n3A_1700 = arith.select %le3A_1695, %broadcast_in_dim3A_1698, %broadcast_in_dim3A_1699 : vector<16xi1>, vector<16xi32>
      %add3A_1701 = arith.addi %add3A_1686, %select_n3A_1700 : vector<16xi32>
      %sub3A_1702 = arith.constant 1 : i32
      %sub3A_1703 = vector.broadcast %sub3A_1702 : i32 to vector<16xi32>
      %sub3A_1704 = arith.subi %add3A_1701, %sub3A_1703 : vector<16xi32>
      %min3A_1705 = arith.constant 15 : i32
      %min3A_1706 = vector.broadcast %min3A_1705 : i32 to vector<16xi32>
      %min3A_1707 = arith.minsi %sub3A_1704, %min3A_1706 : vector<16xi32>
      %swap3A_1708 = arith.constant 64 : index
      %swap3A_1709 = tpu.vector_load %arg23[%swap3A_1708] {strides = array<i32>} : memref<80xi32, #tpu.memory_space<vmem>>, vector<16xi32>,
      tpu.vector_store %arg23[%swap3A_1708], %min3A_1707 {strides = array<i32>} : memref<80xi32, #tpu.memory_space<vmem>>, vector<16xi32>,
      "tpu.region"() ({
        %run_scoped3A = tpu.sem_alloc : memref<!tpu.dma_semaphore, #tpu.memory_space<semaphore_mem>>
        tpu.enqueue_dma source(%arg23 : memref<80xi32, #tpu.memory_space<vmem>>) target(%arg7 : memref<80xi32, #tpu.memory_space<hbm>>) target_semaphore(%run_scoped3A : memref<!tpu.dma_semaphore, #tpu.memory_space<semaphore_mem>>)
        tpu.wait_dma2 semaphore(%run_scoped3A : memref<!tpu.dma_semaphore, #tpu.memory_space<semaphore_mem>>) src(%arg23 : memref<80xi32, #tpu.memory_space<vmem>>) dst(%arg7 : memref<80xi32, #tpu.memory_space<hbm>>)
        tpu.yield
      }) : () -> ()
    } else {
    }
    return
  }
}

module attributes {stable_mosaic.version = 14 : i64} {
  func.func @_pack_body(%arg0: i32, %arg1: memref<512x1024xf32, #tpu.memory_space<vmem>>, %arg2: memref<512x512xi32, #tpu.memory_space<vmem>>) attributes {dimension_semantics = [#tpu.dimension_semantics<arbitrary>], iteration_bounds = array<i64: 8>, scalar_prefetch = 0 : i64, scratch_operands = 0 : i64, tpu.core_type = #tpu.core_type<tc>, window_params = [{transform_indices = @transform_0, window_bounds = array<i64: 512, 1024>}, {transform_indices = @transform_1, window_bounds = array<i64: 512, 512>}]} {
    %get3A = arith.constant 0 : index
    %get3A_0 = arith.constant 0 : index
    %get3A_1 = vector.load %arg1[%get3A, %get3A_0] : memref<512x1024xf32, #tpu.memory_space<vmem>>, vector<512x1024xf32>
    %bitcast3A = tpu.bitcast %get3A_1 : vector<512x1024xf32> -> vector<512x1024xi32>
    %add3A = arith.constant 32767 : i32
    %add3A_2 = vector.broadcast %add3A : i32 to vector<512x1024xi32>
    %add3A_3 = arith.addi %bitcast3A, %add3A_2 : vector<512x1024xi32>
    %shift_right_logical3A = arith.constant 16 : i32
    %shift_right_logical3A_4 = vector.broadcast %shift_right_logical3A : i32 to vector<512x1024xi32>
    %shift_right_logical3A_5 = arith.shrui %bitcast3A, %shift_right_logical3A_4 : vector<512x1024xi32>
    %and3A = arith.constant 1 : i32
    %and3A_6 = vector.broadcast %and3A : i32 to vector<512x1024xi32>
    %and3A_7 = arith.andi %shift_right_logical3A_5, %and3A_6 : vector<512x1024xi32>
    %add3A_8 = arith.addi %add3A_3, %and3A_7 : vector<512x1024xi32>
    %shift_right_logical3A_9 = arith.constant 16 : i32
    %shift_right_logical3A_10 = vector.broadcast %shift_right_logical3A_9 : i32 to vector<512x1024xi32>
    %shift_right_logical3A_11 = arith.shrui %add3A_8, %shift_right_logical3A_10 : vector<512x1024xi32>
    %slice3A = vector.extract_strided_slice %shift_right_logical3A_11 {offsets = [0, 512], sizes = [512, 512], strides = [1, 1]} : vector<512x1024xi32> to vector<512x512xi32>
    %shift_left3A = arith.constant 16 : i32
    %shift_left3A_12 = vector.broadcast %shift_left3A : i32 to vector<512x512xi32>
    %shift_left3A_13 = arith.shli %slice3A, %shift_left3A_12 : vector<512x512xi32>
    %slice3A_14 = vector.extract_strided_slice %shift_right_logical3A_11 {offsets = [0, 0], sizes = [512, 512], strides = [1, 1]} : vector<512x1024xi32> to vector<512x512xi32>
    %or3A = arith.ori %shift_left3A_13, %slice3A_14 : vector<512x512xi32>
    %bitcast3A_15 = tpu.bitcast %or3A : vector<512x512xi32> -> vector<512x512xi32>
    %swap3A = arith.constant 0 : index
    %swap3A_16 = arith.constant 0 : index
    %swap3A_17 = vector.load %arg2[%swap3A, %swap3A_16] : memref<512x512xi32, #tpu.memory_space<vmem>>, vector<512x512xi32>
    tpu.vector_store %arg2[%swap3A, %swap3A_16], %bitcast3A_15 {strides = array<i32>} : memref<512x512xi32, #tpu.memory_space<vmem>>, vector<512x512xi32>,
    return
  }
  func.func @transform_0(%arg0: i32) -> (i32, i32) {
    %c0_i32 = arith.constant 0 : i32
    %c0_i32_0 = arith.constant 0 : i32
    return %arg0, %c0_i32 : i32, i32
  }
  func.func @transform_1(%arg0: i32) -> (i32, i32) {
    %c0_i32 = arith.constant 0 : i32
    %c0_i32_0 = arith.constant 0 : i32
    return %arg0, %c0_i32 : i32, i32
  }
}

module attributes {stable_mosaic.version = 14 : i64} {
  func.func @_mm_body(%arg0: i32, %arg1: memref<80xi32, #tpu.memory_space<smem>>, %arg2: memref<64x512xi32, #tpu.memory_space<vmem>>, %arg3: memref<1024x1024xf32, #tpu.memory_space<vmem>>, %arg4: memref<16x1024xf32, #tpu.memory_space<vmem>>, %arg5: memref<1x64x1xi32, #tpu.memory_space<vmem>>, %arg6: memref<1x64x1xf32, #tpu.memory_space<vmem>>, %arg7: memref<1024x1024xbf16, #tpu.memory_space<vmem>>, %arg8: memref<16x1024xbf16, #tpu.memory_space<vmem>>) attributes {dimension_semantics = [#tpu.dimension_semantics<arbitrary>], iteration_bounds = array<i64: 80>, scalar_prefetch = 1 : i64, scratch_operands = 2 : i64, tpu.core_type = #tpu.core_type<tc>, window_params = [{transform_indices = @transform_0, window_bounds = array<i64: 64, 512>}, {transform_indices = @transform_1, window_bounds = array<i64: 1024, 1024>}, {pipeline_mode = #tpu.pipeline_mode<synchronous>, transform_indices = @transform_2, window_bounds = array<i64: 16, 1024>}, {transform_indices = @transform_3, window_bounds = array<i64: 1, 64, 1>}, {transform_indices = @transform_4, window_bounds = array<i64: 1, 64, 1>}]} {
    %get3A = arith.index_cast %arg0 : i32 to index
    %get3A_0 = memref.load %arg1[%get3A] : memref<80xi32, #tpu.memory_space<smem>>
    %sub3A = arith.constant 1 : i32
    %sub3A_1 = arith.subi %arg0, %sub3A : i32
    %max3A = arith.constant 0 : i32
    %max3A_2 = arith.maxsi %sub3A_1, %max3A : i32
    %get3A_3 = arith.index_cast %max3A_2 : i32 to index
    %get3A_4 = memref.load %arg1[%get3A_3] : memref<80xi32, #tpu.memory_space<smem>>
    %eq3A = arith.constant 0 : i32
    %eq3A_5 = arith.cmpi eq, %arg0, %eq3A : i32
    %convert_element_type3A = arith.extui %eq3A_5 : i1 to i32
    %cond3A = arith.constant 0 : i32
    %cond3A_6 = arith.cmpi ne, %convert_element_type3A, %cond3A : i32
    scf.if %cond3A_6 {
      %get3A_64 = arith.constant 0 : index
      %get3A_65 = arith.constant 0 : index
      %get3A_66 = vector.load %arg4[%get3A_64, %get3A_65] : memref<16x1024xf32, #tpu.memory_space<vmem>>, vector<16x1024xf32>
      %convert_element_type3A_67 = arith.truncf %get3A_66 : vector<16x1024xf32> to vector<16x1024xbf16>
      %swap3A_68 = arith.constant 0 : index
      %swap3A_69 = arith.constant 0 : index
      %swap3A_70 = vector.load %arg8[%swap3A_68, %swap3A_69] : memref<16x1024xbf16, #tpu.memory_space<vmem>>, vector<16x1024xbf16>
      tpu.vector_store %arg8[%swap3A_68, %swap3A_69], %convert_element_type3A_67 {strides = array<i32>} : memref<16x1024xbf16, #tpu.memory_space<vmem>>, vector<16x1024xbf16>,
    } else {
    }
    %eq3A_7 = arith.constant 0 : i32
    %eq3A_8 = arith.cmpi eq, %arg0, %eq3A_7 : i32
    %ne3A = arith.cmpi ne, %get3A_0, %get3A_4 : i32
    %or3A = arith.ori %eq3A_8, %ne3A : i1
    %convert_element_type3A_9 = arith.extui %or3A : i1 to i32
    %cond3A_10 = arith.constant 0 : i32
    %cond3A_11 = arith.cmpi ne, %convert_element_type3A_9, %cond3A_10 : i32
    scf.if %cond3A_11 {
      %get3A_64 = arith.constant 0 : index
      %get3A_65 = arith.constant 0 : index
      %get3A_66 = vector.load %arg3[%get3A_64, %get3A_65] : memref<1024x1024xf32, #tpu.memory_space<vmem>>, vector<1024x1024xf32>
      %convert_element_type3A_67 = arith.truncf %get3A_66 : vector<1024x1024xf32> to vector<1024x1024xbf16>
      %swap3A_68 = arith.constant 0 : index
      %swap3A_69 = arith.constant 0 : index
      %swap3A_70 = vector.load %arg7[%swap3A_68, %swap3A_69] : memref<1024x1024xbf16, #tpu.memory_space<vmem>>, vector<1024x1024xbf16>
      tpu.vector_store %arg7[%swap3A_68, %swap3A_69], %convert_element_type3A_67 {strides = array<i32>} : memref<1024x1024xbf16, #tpu.memory_space<vmem>>, vector<1024x1024xbf16>,
    } else {
    }
    %get3A_12 = arith.constant 0 : index
    %get3A_13 = arith.constant 0 : index
    %get3A_14 = vector.load %arg2[%get3A_12, %get3A_13] : memref<64x512xi32, #tpu.memory_space<vmem>>, vector<64x512xi32>
    %bitcast3A = tpu.bitcast %get3A_14 : vector<64x512xi32> -> vector<64x512xi32>
    %shift_left3A = arith.constant 16 : i32
    %shift_left3A_15 = vector.broadcast %shift_left3A : i32 to vector<64x512xi32>
    %shift_left3A_16 = arith.shli %bitcast3A, %shift_left3A_15 : vector<64x512xi32>
    %bitcast3A_17 = tpu.bitcast %shift_left3A_16 : vector<64x512xi32> -> vector<64x512xf32>
    %and3A = arith.constant -65536 : i32
    %and3A_18 = vector.broadcast %and3A : i32 to vector<64x512xi32>
    %and3A_19 = arith.andi %bitcast3A, %and3A_18 : vector<64x512xi32>
    %bitcast3A_20 = tpu.bitcast %and3A_19 : vector<64x512xi32> -> vector<64x512xf32>
    %concatenate3A = tpu.concatenate %bitcast3A_17, %bitcast3A_20 in 1 : vector<64x512xf32>, vector<64x512xf32> -> vector<64x1024xf32>
    %convert_element_type3A_21 = arith.truncf %concatenate3A : vector<64x1024xf32> to vector<64x1024xbf16>
    %get3A_22 = arith.constant 0 : index
    %get3A_23 = arith.constant 0 : index
    %get3A_24 = vector.load %arg7[%get3A_22, %get3A_23] : memref<1024x1024xbf16, #tpu.memory_space<vmem>>, vector<1024x1024xbf16>
    %dot_general3A = arith.constant dense<0.000000e+00> : vector<64x1024xf32>
    %dot_general3A_25 = tpu.matmul %convert_element_type3A_21, %get3A_24, %dot_general3A {dimension_numbers = #tpu.dot_dimension_numbers<[1], [0], [0], [1], [0, 0, 1, 1], [], []>, transpose_lhs_hint = false} : vector<64x1024xbf16>, vector<1024x1024xbf16>, vector<64x1024xf32> -> vector<64x1024xf32>
    %exp3A = math.exp %dot_general3A_25 : vector<64x1024xf32>
    %reduce_sum3A = arith.constant dense<0.000000e+00> : vector<64xf32>
    %reduce_sum3A_26 = vector.multi_reduction <add>, %exp3A, %reduce_sum3A [1] : vector<64x1024xf32> to vector<64xf32>
    %broadcast_in_dim3A = vector.shape_cast %reduce_sum3A_26 : vector<64xf32> to vector<64x1xf32>
    %log3A = math.log %broadcast_in_dim3A : vector<64x1xf32>
    %get3A_27 = arith.constant 0 : index
    %get3A_28 = arith.constant 0 : index
    %get3A_29 = arith.constant 0 : index
    %get3A_30 = vector.load %arg5[%get3A_27, %get3A_28, %get3A_29] : memref<1x64x1xi32, #tpu.memory_space<vmem>>, vector<1x64x1xi32>
    %get3A_31 = vector.shape_cast %get3A_30 : vector<1x64x1xi32> to vector<64x1xi32>
    %iota3A = tpu.iota {dimensions = array<i32: 1>} : vector<64x1024xi32>
    %eq3A_32 = vector.broadcast %get3A_31 : vector<64x1xi32> to vector<64x1024xi32>
    %eq3A_33 = arith.cmpi eq, %iota3A, %eq3A_32 : vector<64x1024xi32>
    %jit3A = arith.constant 0.000000e+00 : f32
    %broadcast_in_dim3A_34 = vector.broadcast %jit3A : f32 to vector<64x1024xf32>
    %select_n3A = arith.select %eq3A_33, %dot_general3A_25, %broadcast_in_dim3A_34 : vector<64x1024xi1>, vector<64x1024xf32>
    %reduce_sum3A_35 = arith.constant dense<0.000000e+00> : vector<64xf32>
    %reduce_sum3A_36 = vector.multi_reduction <add>, %select_n3A, %reduce_sum3A_35 [1] : vector<64x1024xf32> to vector<64xf32>
    %broadcast_in_dim3A_37 = vector.shape_cast %reduce_sum3A_36 : vector<64xf32> to vector<64x1xf32>
    %get3A_38 = arith.constant 0 : index
    %get3A_39 = arith.constant 0 : index
    %get3A_40 = vector.load %arg8[%get3A_38, %get3A_39] : memref<16x1024xbf16, #tpu.memory_space<vmem>>, vector<16x1024xbf16>
    %dot_general3A_41 = arith.constant dense<0.000000e+00> : vector<64x16xf32>
    %dot_general3A_42 = tpu.matmul %convert_element_type3A_21, %get3A_40, %dot_general3A_41 {dimension_numbers = #tpu.dot_dimension_numbers<[1], [1], [0], [0], [0, 0, 1, 0], [], []>, transpose_lhs_hint = false} : vector<64x1024xbf16>, vector<16x1024xbf16>, vector<64x16xf32> -> vector<64x16xf32>
    %exp3A_43 = math.exp %dot_general3A_42 : vector<64x16xf32>
    %reduce_sum3A_44 = arith.constant dense<0.000000e+00> : vector<64xf32>
    %reduce_sum3A_45 = vector.multi_reduction <add>, %exp3A_43, %reduce_sum3A_44 [1] : vector<64x16xf32> to vector<64xf32>
    %broadcast_in_dim3A_46 = vector.shape_cast %reduce_sum3A_45 : vector<64xf32> to vector<64x1xf32>
    %log3A_47 = math.log %broadcast_in_dim3A_46 : vector<64x1xf32>
    %iota3A_48 = tpu.iota {dimensions = array<i32: 1>} : vector<64x16xi32>
    %eq3A_49 = vector.broadcast %get3A_0 : i32 to vector<64x16xi32>
    %eq3A_50 = arith.cmpi eq, %iota3A_48, %eq3A_49 : vector<64x16xi32>
    %jit3A_51 = arith.constant 0.000000e+00 : f32
    %broadcast_in_dim3A_52 = vector.broadcast %jit3A_51 : f32 to vector<64x16xf32>
    %select_n3A_53 = arith.select %eq3A_50, %dot_general3A_42, %broadcast_in_dim3A_52 : vector<64x16xi1>, vector<64x16xf32>
    %reduce_sum3A_54 = arith.constant dense<0.000000e+00> : vector<64xf32>
    %reduce_sum3A_55 = vector.multi_reduction <add>, %select_n3A_53, %reduce_sum3A_54 [1] : vector<64x16xf32> to vector<64xf32>
    %broadcast_in_dim3A_56 = vector.shape_cast %reduce_sum3A_55 : vector<64xf32> to vector<64x1xf32>
    %sub3A_57 = arith.subf %log3A_47, %broadcast_in_dim3A_56 : vector<64x1xf32>
    %sub3A_58 = arith.subf %log3A, %broadcast_in_dim3A_37 : vector<64x1xf32>
    %add3A = arith.addf %sub3A_57, %sub3A_58 : vector<64x1xf32>
    %swap3A = arith.constant 0 : index
    %swap3A_59 = arith.constant 0 : index
    %swap3A_60 = arith.constant 0 : index
    %swap3A_61 = vector.load %arg6[%swap3A, %swap3A_59, %swap3A_60] : memref<1x64x1xf32, #tpu.memory_space<vmem>>, vector<1x64x1xf32>
    %swap3A_62 = vector.shape_cast %swap3A_61 : vector<1x64x1xf32> to vector<64x1xf32>
    %swap3A_63 = vector.shape_cast %add3A : vector<64x1xf32> to vector<1x64x1xf32>
    tpu.vector_store %arg6[%swap3A, %swap3A_59, %swap3A_60], %swap3A_63 {strides = array<i32>} : memref<1x64x1xf32, #tpu.memory_space<vmem>>, vector<1x64x1xf32>,
    return
  }
  func.func @transform_0(%arg0: i32, %arg1: memref<80xi32, #tpu.memory_space<smem>>) -> (i32, i32) {
    %c0_i32 = arith.constant 0 : i32
    %c0_i32_0 = arith.constant 0 : i32
    return %arg0, %c0_i32 : i32, i32
  }
  func.func @transform_1(%arg0: i32, %arg1: memref<80xi32, #tpu.memory_space<smem>>) -> (i32, i32) {
    %get3A = arith.index_cast %arg0 : i32 to index
    %get3A_0 = memref.load %arg1[%get3A] : memref<80xi32, #tpu.memory_space<smem>>
    %c0_i32 = arith.constant 0 : i32
    %c0_i32_1 = arith.constant 0 : i32
    return %c0_i32, %get3A_0 : i32, i32
  }
  func.func @transform_2(%arg0: i32, %arg1: memref<80xi32, #tpu.memory_space<smem>>) -> (i32, i32) {
    %c0_i32 = arith.constant 0 : i32
    %c0_i32_0 = arith.constant 0 : i32
    %c0_i32_1 = arith.constant 0 : i32
    return %c0_i32, %c0_i32_0 : i32, i32
  }
  func.func @transform_3(%arg0: i32, %arg1: memref<80xi32, #tpu.memory_space<smem>>) -> (i32, i32, i32) {
    %c0_i32 = arith.constant 0 : i32
    %c0_i32_0 = arith.constant 0 : i32
    %c0_i32_1 = arith.constant 0 : i32
    return %arg0, %c0_i32, %c0_i32_0 : i32, i32, i32
  }
  func.func @transform_4(%arg0: i32, %arg1: memref<80xi32, #tpu.memory_space<smem>>) -> (i32, i32, i32) {
    %c0_i32 = arith.constant 0 : i32
    %c0_i32_0 = arith.constant 0 : i32
    %c0_i32_1 = arith.constant 0 : i32
    return %arg0, %c0_i32, %c0_i32_0 : i32, i32, i32
  }
}

</mosaic_0001>

<sc_bundles>
// kernel: kernel.10.cloned.1.call-start
scs
__scs_entry_jumppad:
0x0: {  	(pc) =	sbr.rel $0x88, $3  }
0x1: {  	(tag) =	ssettag $0x0;
	lr =	simm.s32 $0x1  }
0x2: {  	[smem:$0x3F9C] =	sst lr;
	_ =	strace $0xD0000000  }
0x3: {  	_ = 	snop  }
0x4: {  	_ = 	snop  }
0x5: {  	_ = 	snop  }
0x6: {  	_ = 	snop  }
0x7: {  	_ = 	snop  }
__scs_overlays_trampoline_lowered:
0x8: {  	[smem:$0x3FAB] =	sst s0  }
0x9: {  	[smem:$0x3FAC] =	sst s1  }
0xa: {  	[smem:$0x3FAD] =	sst s2  }
0xb: {  	[smem:$0x3FAE] =	sst s3  }
0xc: {  	[smem:$0x3FAF] =	sst s4  }
0xd: {  	[smem:$0x3FB0] =	sst s5  }
0xe: {  	[smem:$0x3FB1] =	sst s6  }
0xf: {  	[smem:$0x3FB2] =	sst s7  }
0x10: {  	[smem:$0x3FB3] =	sst s8  }
0x11: {  	[smem:$0x3FB4] =	sst s9;
	s0 =	simm.s32 @!p0 $0x0  }
0x12: {  	s1 =	sld [smem:$0x3F9A];
	s0 =	simm.s32 @p0 $0x1  }
0x13: {  	[smem:$0x3FB5] =	sst s0;
	s0 =	simm.s32 @!p1 $0x0  }
0x14: {  	s2 =	sld [smem:$0x3F99];
	s0 =	simm.s32 @p1 $0x1  }
0x15: {  	[smem:$0x3FB6] =	sst s0;
	s0 =	simm.s32 @!p2 $0x0  }
0x16: {  	s3 =	sld [smem:$0x3FDB];
	s0 =	simm.s32 @p2 $0x1  }
0x17: {  	s4 =	simm.s32 $0x1BF5;
	[smem:$0x3FB8] =	sst s0  }
0x18: {  	s0 =	sld [smem:$0x3F9B];
	_ =	swait.ge [sflag:s4], $0x0  }
0x19: {  	s7 =	sld [smem:$0x3F9C]  }
0x1a: {  	s8 =	sadd.s32 $0xFFFFE003, lr  }
0x1b: {  	s9 =	sadd.s32 $0xFFFFFEF7, lr;
	s5 =	simm.s32 $0xFFFFFFFF;
	p2 =	slt.u32 s8, $0xFFFFF086  }
0x1c: {  	p1 =	slt.u32 s9, $0xF7A;
	s5 =	simm.s32 @!p2 $0x0  }
0x1d: {  	s5 =	simm.s32 @p1 $0x1;
	p0 =	seq.s32 s7, s2  }
0x1e: {  	s7 =	smul.u32 @!p0 $0xF7A, s2;
	p2 =	seq.s32 @!p0 s5, $0x0  }
0x1f: {  	s9 =	smul.u32 $0xF7A, s1;
	s8 =	simm.s32 @!p0 $0x1BF5;
	p2 =	por !p2, p0  }
0x20: {  	[sflag:s8] =	ssyncset.s32 @!p0 $0xFFFFF086;
	s6 =	sadd.s32 @!p0 s3, s7;
	s7 =	simm.s32 @!p0 $0x108  }
0x21: {  	s3 =	sadd.s32 s3, s9;
	s6 =	sadd.s32 @!p0 $0x88, s6;
	s7 =	simm.s32 @p2 $0x1082  }
0x22: {  	[simem:s7], [sflag:s8] =	dma.local @!p0 [hbm:s6], $0xF7A  }
0x23: {  	s9 =	sor.u32 $0xD0000000, s2;
	s6 =	simm.s32 $0x108;
	_ =	swait.ge @!p0 [sflag:s8], $0x0  }
0x24: {  	s3 =	sadd.s32 $0x88, s3;
	s6 =	simm.s32 @!p1 $0x1082;
	[sflag:s4] =	ssyncset.s32 $0xFFFFF086  }
0x25: {  	[simem:s6], [sflag:s4] =	dma.local [hbm:s3], $0xF7A  }
0x26: {  	[smem:$0x3F9C] =	sst s1;
	(tag) =	ssettag s2;
	_ =	strace s9  }
0x27: {  	s1 =	sld [smem:$0x3FAC]  }
0x28: {  	s2 =	sld [smem:$0x3FAD]  }
0x29: {  	s4 =	sld [smem:$0x3FAF]  }
0x2a: {  	p0 =	seq.s32 s5, $0x0;
	s5 =	sld [smem:$0x3FB0]  }
0x2b: {  	s6 =	sld [smem:$0x3FB1]  }
0x2c: {  	s7 =	sld [smem:$0x3FB2]  }
0x2d: {  	s3 =	simm.s32 $0x108;
	s8 =	sld [smem:$0x3FB3]  }
0x2e: {  	s3 =	simm.s32 @!p0 $0x1082;
	s9 =	sld [smem:$0x3FB4]  }
0x2f: {  	lr =	sadd.s32 s0, s3;
	s0 =	sld [smem:$0x3FAB]  }
0x30: {  	s3 =	sld [smem:$0x3FAE]  }
0x31: {  	[smem:$0x3FB7] =	sst s10  }
0x32: {  	s10 =	sld [smem:$0x3FB5];
	_ =	sdelay $0x3  }
0x33: {  	p0 =	seq.s32 s10, $0x1;
	s10 =	sld [smem:$0x3FB7];
	_ =	sdelay $0x3  }
0x34: {  	[smem:$0x3FB7] =	sst s10  }
0x35: {  	s10 =	sld [smem:$0x3FB6];
	_ =	sdelay $0x3  }
0x36: {  	p1 =	seq.s32 s10, $0x1;
	s10 =	sld [smem:$0x3FB7];
	_ =	sdelay $0x3  }
0x37: {  	[smem:$0x3FB7] =	sst s10  }
0x38: {  	s10 =	sld [smem:$0x3FB8]  }
0x39: {  	_ = 	snop;
	(pc) =	sbr.ind lr, $3  }
0x3a: {  	_ = 	snop  }
0x3b: {  	_ = 	snop  }
0x3c: {  	p2 =	seq.s32 s10, $0x1;
	s10 =	sld [smem:$0x3FB7]  }
0x3d: {  	_ =	shalt  }
0x3e: {  	_ =	shalt  }
0x3f: {  	_ =	shalt  }
0x40: {  	_ =	shalt  }
0x41: {  	_ =	shalt  }
0x42: {  	_ =	shalt  }
0x43: {  	_ =	shalt  }
0x44: {  	_ =	shalt  }
0x45: {  	_ =	shalt  }
0x46: {  	_ =	shalt  }
0x47: {  	_ =	shalt  }
0x48: {  	_ =	shalt  }
0x49: {  	_ =	shalt  }
0x4a: {  	_ =	shalt  }
0x4b: {  	_ =	shalt  }
0x4c: {  	_ =	shalt  }
0x4d: {  	_ =	shalt  }
0x4e: {  	_ =	shalt  }
0x4f: {  	_ =	shalt  }
0x50: {  	_ =	shalt  }
0x51: {  	_ =	shalt  }
0x52: {  	_ =	shalt  }
0x53: {  	_ =	shalt  }
0x54: {  	_ =	shalt  }
0x55: {  	_ =	shalt  }
0x56: {  	_ =	shalt  }
0x57: {  	_ =	shalt  }
0x58: {  	_ =	shalt  }
0x59: {  	_ =	shalt  }
0x5a: {  	_ =	shalt  }
0x5b: {  	_ =	shalt  }
0x5c: {  	_ =	shalt  }
0x5d: {  	_ =	shalt  }
0x5e: {  	_ =	shalt  }
0x5f: {  	_ =	shalt  }
0x60: {  	_ =	shalt  }
0x61: {  	_ =	shalt  }
0x62: {  	_ =	shalt  }
0x63: {  	_ =	shalt  }
0x64: {  	_ =	shalt  }
0x65: {  	_ =	shalt  }
0x66: {  	_ =	shalt  }
0x67: {  	_ =	shalt  }
0x68: {  	_ =	shalt  }
0x69: {  	_ =	shalt  }
0x6a: {  	_ =	shalt  }
0x6b: {  	_ =	shalt  }
0x6c: {  	_ =	shalt  }
0x6d: {  	_ =	shalt  }
0x6e: {  	_ =	shalt  }
0x6f: {  	_ =	shalt  }
0x70: {  	_ =	shalt  }
0x71: {  	_ =	shalt  }
0x72: {  	_ =	shalt  }
0x73: {  	_ =	shalt  }
0x74: {  	_ =	shalt  }
0x75: {  	_ =	shalt  }
0x76: {  	_ =	shalt  }
0x77: {  	_ =	shalt  }
0x78: {  	_ =	shalt  }
0x79: {  	_ =	shalt  }
0x7a: {  	_ =	shalt  }
0x7b: {  	_ =	shalt  }
0x7c: {  	_ =	shalt  }
0x7d: {  	_ =	shalt  }
0x7e: {  	_ =	shalt  }
0x7f: {  	_ =	shalt  }
0x80: {  	_ =	shalt  }
0x81: {  	_ =	shalt  }
0x82: {  	_ =	shalt  }
0x83: {  	_ =	shalt  }
0x84: {  	_ =	shalt  }
0x85: {  	_ =	shalt  }
0x86: {  	_ =	shalt  }
0x87: {  	_ =	shalt  }
.Lfunc_end0:
.L_simem_size_0:
called_computation.1_lowered:
.L_overlay_start_0:
0x88: {  	s2 =	sld [smem:$0x3FD9]  }
0x89: {  	s3 =	sld [smem:$0x3FFE];
	_ =	sdelay $0x1  }
0x8a: {  	s1 =	srdreg.scid  }
0x8b: {  	s0 =	sand.u32 $0x1, s1  }
0x8c: {  	s16 =	sshll.u32 s0, $0xA;
	s2 =	sadd.s32 s3, s2  }
0x8d: {  	s2 =	sadd.s32 s2, s16  }
0x8e: {  	[smem:$0x3FC3] =	sst s2  }
0x8f: {  	_ = 	snop  }
0x90: {  	(tm) =	ssettm $0x1  }
0x91: {  	s17 =	sld [smem:$0x3FFB];
	_ =	sdelay $0x3  }
0x92: {  	_ =	strace s17  }
0x93: {  	s2 =	sld [smem:$0x3FFC];
	_ =	sdelay $0x3  }
0x94: {  	_ =	strace s2  }
0x95: {  	s2 =	sld [smem:$0x3FFD];
	_ =	sdelay $0x3  }
0x96: {  	_ =	strace s2  }
0x97: {  	_ =	strace $0x8FFFFFFF  }
0x98: {  	s18 =	sld [smem:$0x3FDB];
	_ =	sdelay $0x1  }
0x99: {  	s19 =	simm.s32 $_scs_section_size  }
0x9a: {  	s4 =	simm.s32 $_size__tile_overlayer_lowered;
	s5 =	simm.s32 $_tile_overlayer_lowered  }
0x9b: {  	s22 =	simm.s32 $0x1BFF;
	s21 =	sshll.u32 s5, $0x1;
	s2 =	sadd.s32 s19, s18  }
0x9c: {  	s6 =	simm.s32 $0x0;
	s20 =	sshll.u32 s4, $0x1;
	s4 =	sadd.s32 s21, s2  }
0x9d: {  	[timem:s6], [sflag:s22] =	dma.local [hbm:s4], s20  }
0x9e: {  	_ =	swait.ge [sflag:s22], s20  }
0x9f: {  	s3 =	ssub.s32 $0x0, s20;
	[sflag:s22] =	ssyncset.done $0x0  }
0xa0: {  	[sflag:s22] =	ssyncadd.s32 s3;
	_ =	sdelay $0x1  }
0xa1: {  	s23 =	simm.s32 $0x1B8B  }
0xa2: {  	_ =	swait.ge [sflag:s23], $0x1  }
0xa3: {  	[sflag:s23] =	ssyncset.done $0x0  }
0xa4: {  	s25 =	simm.s32 $0x1B8E;
	s24 =	sld [smem:$0x3FFE];
	[sflag:s23] =	ssyncadd.s32 $0xFFFFFFFF  }
0xa5: {  	s26 =	simm.s32 $execute0_lowered;
	[smem:$0x3FD2] =	sst s25  }
0xa6: {  	s4 =	sshll.u32 s26, $0x1;
	_ =	strace $0x80000049;
	[dreg:$0x1] =	wrdreg $0xFFFFFFFF  }
0xa7: {  	s28 =	simm.s32 $_size_execute0_lowered;
	s2 =	sadd.s32 s2, s4;
	[dreg:$0x0] =	wrdreg $0x0  }
0xa8: {  	s4 =	sshll.u32 s28, $0x1;
	[dreg:$0x2] =	wrdreg s2  }
0xa9: {  	[dreg:$0x3] =	wrdreg s4  }
0xaa: {  	[dreg:$0x4] =	wrdreg $0xC0  }
0xab: {  	_ =	task [dreg:s6], $0x5FFFF  }
0xac: {  	[dreg:$0x1] =	wrdreg $0xFFFFFFFF  }
0xad: {  	[dreg:$0x0] =	wrdreg $0x60  }
0xae: {  	[dreg:$0x2] =	wrdreg s24  }
0xaf: {  	[dreg:$0x3] =	wrdreg $0x9  }
0xb0: {  	_ =	task.clear_ibuf [dreg:s6], $0x4FFFF;
	_ =	strace $0x90000049  }
0xb1: {  	s29 =	simm.s32 $0x9;
	_ =	strace $0x8000004B  }
0xb2: {  	_ =	swait.ge [sflag:s29], $0x1  }
0xb3: {  	[sflag:s29] =	ssyncadd.s32 $0xFFFFFFFF  }
0xb4: {  	_ =	strace $0x9000004B  }
0xb5: {  	_ =	sfence  }
0xb6: {  	s30 =	sld [smem:$0x0];
	_ =	sdelay $0x2  }
0xb7: {  	s31 =	sshll.u32 s1, $0xD;
	s1 =	sshrl.u32 s1, $0x2  }
0xb8: {  	s3 =	sand.u32 $0x4000, s31;
	s1 =	sadd.s32 s1, s30  }
0xb9: {  	s0 =	sor.u32 s3, s0;
	s1 =	sshll.u32 s1, $0x11  }
0xba: {  	s0 =	sor.u32 s1, s0  }
0xbb: {  	s0 =	sadd.s32 $0x8F2B, s0  }
0xbc: {  	[sflag:s0] =	ssyncadd.remote.s32 $0x1  }
0xbd: {  	_ =	sfence.sel $0xFFFF  }
0xbe: {  	[dreg:$0x0] =	wrdreg $0xFFFFFFFF;
	(pc) =	sbr.abs _section_cstart, $3  }
0xbf: {  	[dreg:$0x1] =	wrdreg $0xFFFFFFFF  }
0xc0: {  	_ =	task.clear_ibuf [dreg:s6], $0x2FFFF;
	_ =	strace $0x9FFFFFFF  }
0xc1: {  	(tm) =	ssettm $0x7FFFFFFF  }
tec
execute0_lowered:
.L_overlay_start_1:
0x0: {  	(tag) =	ssettag $0x1  }
0x1: {  	s1 =	srdreg.scid  }
0x2: {  	s0 =	stileid.u32;
	s4 =	rddreg [dreg:$0x0];
	s2 =	simm.s32 $0x0  }
0x3: {  	s23 =	simm.s32 $0x80;
	s28 =	simm.s32 $0xA400;
	s29 =	simm.s32 $0xAC00  }
0x4: {  	s30 =	simm.s32 $0xB400;
	s31 =	simm.s32 $0xBC00;
	s1 =	sand.u32 $0x1, s1  }
0x5: {  	s3 =	sshll.u32 s0, $0x1;
	[smem:$0x7FF] =	sst s2;
	s7 =	sadd.s32 $0x1A00, s4  }
0x6: {  	s13 =	sadd.s32 $0x42000, s4;
	s5 =	sor.u32 s1, s3;
	_ =	strace $0x8000004A  }
0x7: {  	s3 =	sadd.s32 $0x2000, s4;
	s1 =	ssub.s32 $0x2, s1;
	[dreg:$0xc] =	wrdreg s23  }
0x8: {  	s4 =	sadd.s32 $0x2100, s4;
	s6 =	smul.u32 $0xA0, s5;
	s22 =	sshrl.u32 s1, $0x1  }
0x9: {  	s23 =	simm.s32 $0x8400;
	s5 =	smul.u32 $0x2800, s5;
	s1 =	ssub.s32 s1, s22  }
0xa: {  	s22 =	simm.s32 $0x7C00;
	s8 =	sshrl.u32 s6, $0x3;
	s9 =	sadd.s32 $0x20, s6  }
0xb: {  	s11 =	sadd.s32 $0x40, s6;
	s0 =	sadd.s32 $0x60, s6;
	s6 =	sadd.s32 $0x80, s6  }
0xc: {  	s5 =	sadd.s32 s13, s5;
	s8 =	sadd.s32 s7, s8;
	s10 =	sshrl.u32 s9, $0x3  }
0xd: {  	s25 =	sshrl.u32 s11, $0x3;
	s14 =	sshrl.u32 s0, $0x3;
	s12 =	sshrl.u32 s6, $0x3  }
0xe: {  	s15 =	sshll.u32 s9, $0x6;
	[dreg:$0x7] =	wrdreg s5;
	s17 =	sshll.u32 s11, $0x6  }
0xf: {  	s19 =	sshll.u32 s0, $0x6;
	s6 =	sshll.u32 s6, $0x6;
	s5 =	smax.u32 s1, $0x1  }
0x10: {  	s9 =	simm.s32 $0x1400;
	s11 =	simm.s32 $0x2400;
	s1 =	simm.s32 $0x1  }
0x11: {  	[dreg:$0x2] =	wrdreg s8;
	s24 =	sadd.s32 s7, s10;
	s26 =	sadd.s32 s7, s25  }
0x12: {  	s8 =	sadd.s32 s7, s14;
	s7 =	sadd.s32 s7, s12;
	[dreg:$0x3] =	wrdreg s24  }
0x13: {  	s16 =	sadd.s32 s13, s15;
	s18 =	sadd.s32 s13, s17;
	[dreg:$0x4] =	wrdreg s26  }
0x14: {  	s20 =	sadd.s32 s13, s19;
	s21 =	sadd.s32 s13, s6;
	[dreg:$0x5] =	wrdreg s8  }
0x15: {  	s25 =	simm.s32 $0x180;
	s6 =	simm.s32 $0x2;
	[dreg:$0x6] =	wrdreg s7  }
0x16: {  	s10 =	simm.s32 $0x1C00;
	s12 =	simm.s32 $0x2C00;
	[dreg:$0x8] =	wrdreg s16  }
0x17: {  	s13 =	simm.s32 $0x3400;
	s14 =	simm.s32 $0x3C00;
	[dreg:$0x9] =	wrdreg s18  }
0x18: {  	s15 =	simm.s32 $0x4400;
	s17 =	simm.s32 $0x5400;
	[dreg:$0xa] =	wrdreg s20  }
0x19: {  	s19 =	simm.s32 $0x6400;
	[dreg:$0xb] =	wrdreg s21;
	s24 =	simm.s32 $0x100  }
0x1a: {  	[dreg:$0xe] =	wrdreg s25;
	s26 =	simm.s32 $0x200;
	s7 =	simm.s32 $0x400  }
0x1b: {  	v2 =	vlaneseq.u32;
	s8 =	simm.s32 $0xC00;
	s16 =	simm.s32 $0x4C00;
	s18 =	simm.s32 $0x5C00  }
0x1c: {  	vm0 =	vmmov $0xffff;
	v1 =	vshrl.u32 v2, $0x3;
	s20 =	simm.s32 $0x6C00;
	s21 =	simm.s32 $0x7400;
	[dreg:$0xd] =	wrdreg s24  }
0x1d: {  	v0 =	vand.u32 $0x7, v2;
	v2 =	vor.u32 $0x8, v2;
	v1 =	vmul.u32 $0x8, v1;
	s25 =	simm.s32 $0x9400;
	[dreg:$0xf] =	wrdreg s26;
	s26 =	simm.s32 $0x9C00  }
.LBB2_1:
0x1e: {  	s0 =	rddreg [dreg:$0x2]  }
0x1f: {  	[tilespmem:s2], [sflag:$0x2] =	stream.linear.gather [hbm4b:s0+s2], $0x20, $0x38;
	[tilespmem:$0xC400] =	vst v63  }
0x20: {  	_ =	swait.ge [sflag:s6], $0x20  }
0x21: {  	s0 =	rddreg [dreg:$0x3];
	[sflag:s6] =	ssyncset.done $0x0  }
0x22: {  	s24 =	rddreg [dreg:$0xc];
	[sflag:s6] =	ssyncadd.s32 $0xFFFFFFE0  }
0x23: {  	[tilespmem:s24], [sflag:$0x2] =	stream.linear.gather [hbm4b:s0+s2], $0x20, $0x38;
	[tilespmem:$0xC400] =	vst v63  }
0x24: {  	_ =	swait.ge [sflag:s6], $0x20  }
0x25: {  	s0 =	rddreg [dreg:$0x4];
	[sflag:s6] =	ssyncset.done $0x0  }
0x26: {  	s24 =	rddreg [dreg:$0xd];
	[sflag:s6] =	ssyncadd.s32 $0xFFFFFFE0  }
0x27: {  	[tilespmem:s24], [sflag:$0x2] =	stream.linear.gather [hbm4b:s0+s2], $0x20, $0x38;
	[tilespmem:$0xC400] =	vst v63  }
0x28: {  	_ =	swait.ge [sflag:s6], $0x20  }
0x29: {  	s0 =	rddreg [dreg:$0x5];
	[sflag:s6] =	ssyncset.done $0x0  }
0x2a: {  	s24 =	rddreg [dreg:$0xe];
	[sflag:s6] =	ssyncadd.s32 $0xFFFFFFE0  }
0x2b: {  	[tilespmem:s24], [sflag:$0x2] =	stream.linear.gather [hbm4b:s0+s2], $0x20, $0x38;
	[tilespmem:$0xC400] =	vst v63  }
0x2c: {  	_ =	swait.ge [sflag:s6], $0x20  }
0x2d: {  	s0 =	rddreg [dreg:$0x6];
	[sflag:s6] =	ssyncset.done $0x0  }
0x2e: {  	s24 =	rddreg [dreg:$0xf];
	[sflag:s6] =	ssyncadd.s32 $0xFFFFFFE0  }
0x2f: {  	[tilespmem:s24], [sflag:$0x2] =	stream.linear.gather [hbm4b:s0+s2], $0x20, $0x38;
	[tilespmem:$0xC400] =	vst v63  }
0x30: {  	_ =	swait.ge [sflag:s6], $0x20  }
0x31: {  	[sflag:s6] =	ssyncset.done $0x0  }
0x32: {  	[sflag:s6] =	ssyncadd.s32 $0xFFFFFFE0  }
0x33: {  	v3 =	vld [tilespmem:$0x0]  }
0x34: {  	v4 =	vld [tilespmem:$0x10]  }
0x35: {  	v5 =	vld [tilespmem:$0x80]  }
0x36: {  	v6 =	vld [tilespmem:$0x90];
	_ =	sdelay $0x1  }
0x37: {  	v7 =	vld [tilespmem:$0x100];
	vm1 =	vgt.s32 v3, $0x0  }
0x38: {  	v8 =	vld [tilespmem:$0x110];
	v3 =	vnsel vm1, $0x0, v3;
	vm1 =	vgt.s32 v4, $0x0  }
0x39: {  	v9 =	vld [tilespmem:$0x180];
	v3 =	vmin.u32 v3, $0xFFF;
	v4 =	vnsel vm1, $0x0, v4;
	vm1 =	vgt.s32 v5, $0x0  }
0x3a: {  	v4 =	vmin.u32 v4, $0xFFF;
	v5 =	vnsel vm1, $0x0, v5;
	vm1 =	vgt.s32 v6, $0x0  }
0x3b: {  	v10 =	vld [tilespmem:$0x190];
	v11 =	vshll.u32 v3, $0x2;
	[tilespmem:$0x0] =	vst v3;
	v3 =	vand.u32 $0x7, v3;
	v5 =	vmin.u32 v5, $0xFFF  }
0x3c: {  	v12 =	vld [tilespmem:$0x200];
	v6 =	vnsel vm1, $0x0, v6;
	vm1 =	vgt.s32 v7, $0x0;
	v11 =	vand.u32 $0x3FE0, v11  }
0x3d: {  	v45 =	vld [tilespmem:$0x210];
	[tilespmem:$0x10] =	vst v4;
	v44 =	vnsel vm1, $0x0, v7;
	vm1 =	vgt.s32 v8, $0x0;
	v3 =	vor.u32 v3, v11  }
0x3e: {  	[tilespmem:$0x80] =	vst v5;
	v46 =	vmin.u32 v6, $0xFFF;
	v47 =	vnsel vm1, $0x0, v8;
	vm1 =	vgt.s32 v9, $0x0  }
0x3f: {  	[tilespmem:$0x90] =	vst v46;
	v4 =	vmin.u32 v44, $0xFFF;
	v49 =	vperm.xlane v3, v0;
	v48 =	vnsel vm1, $0x0, v9  }
0x40: {  	[tilespmem:$0x100] =	vst v4;
	v50 =	vmin.u32 v47, $0xFFF;
	vm1 =	vgt.s32 v10, $0x0;
	v5 =	vmin.u32 v48, $0xFFF  }
0x41: {  	[tilespmem:$0x110] =	vst v50;
	v51 =	vnsel vm1, $0x0, v10;
	vm1 =	vgt.s32 v12, $0x0;
	v52 =	vadd.s32 v1, v49  }
0x42: {  	[tilespmem:$0x180] =	vst v5;
	v4 =	vmin.u32 v51, $0xFFF;
	v53 =	vnsel vm1, $0x0, v12;
	vm1 =	vgt.s32 v45, $0x0  }
0x43: {  	v3 =	vperm.xlane v3, v2;
	[tilespmem:$0x190] =	vst v4;
	v54 =	vnsel vm1, $0x0, v45;
	v5 =	vmin.u32 v53, $0xFFF  }
0x44: {  	[tilespmem:$0x200] =	vst v5;
	v4 =	vmin.u32 v54, $0xFFF  }
0x45: {  	v3 =	vadd.s32 v1, v3;
	[tilespmem:$0x210] =	vst v4  }
0x46: {  	[tilespmem:s7], [sflag:$0x1] =	stream.indirect_vreg.gather [hbm4b:s3+s2], $0x80, v52, vm0, $0xb8;
	[tilespmem:$0xC400] =	vst v63  }
0x47: {  	_ = 	snop  }
0x48: {  	[tilespmem:s8], [sflag:$0x1] =	stream.indirect_vreg.gather [hbm4b:s4+s2], $0x80, v52, vm0, $0xb8;
	[tilespmem:$0xC400] =	vst v63  }
0x49: {  	_ = 	snop  }
0x4a: {  	[tilespmem:s9], [sflag:$0x1] =	stream.indirect_vreg.gather [hbm4b:s3+s2], $0x80, v3, vm0, $0xb8;
	[tilespmem:$0xC400] =	vst v63  }
0x4b: {  	_ = 	snop  }
0x4c: {  	[tilespmem:s10], [sflag:$0x1] =	stream.indirect_vreg.gather [hbm4b:s4+s2], $0x80, v3, vm0, $0xb8;
	[tilespmem:$0xC400] =	vst v63  }
0x4d: {  	v3 =	vld [tilespmem:$0x10];
	_ =	sdelay $0x4  }
0x4e: {  	v55 =	vshll.u32 v3, $0x2  }
0x4f: {  	v3 =	vand.u32 $0x7, v3;
	v4 =	vand.u32 $0xFFFFFFE0, v55  }
0x50: {  	v3 =	vor.u32 v3, v4  }
0x51: {  	v4 =	vperm.xlane v3, v0;
	_ =	sdelay $0x1  }
0x52: {  	v4 =	vadd.s32 v1, v4;
	_ =	sdelay $0x1  }
0x53: {  	v3 =	vperm.xlane v3, v2;
	_ =	sdelay $0x1  }
0x54: {  	v3 =	vadd.s32 v1, v3  }
0x55: {  	[tilespmem:s11], [sflag:$0x1] =	stream.indirect_vreg.gather [hbm4b:s3+s2], $0x80, v4, vm0, $0xb8;
	[tilespmem:$0xC400] =	vst v63  }
0x56: {  	_ = 	snop  }
0x57: {  	[tilespmem:s12], [sflag:$0x1] =	stream.indirect_vreg.gather [hbm4b:s4+s2], $0x80, v4, vm0, $0xb8;
	[tilespmem:$0xC400] =	vst v63  }
0x58: {  	_ = 	snop  }
0x59: {  	[tilespmem:s13], [sflag:$0x1] =	stream.indirect_vreg.gather [hbm4b:s3+s2], $0x80, v3, vm0, $0xb8;
	[tilespmem:$0xC400] =	vst v63  }
0x5a: {  	_ = 	snop  }
0x5b: {  	[tilespmem:s14], [sflag:$0x1] =	stream.indirect_vreg.gather [hbm4b:s4+s2], $0x80, v3, vm0, $0xb8;
	[tilespmem:$0xC400] =	vst v63  }
0x5c: {  	v3 =	vld [tilespmem:$0x80];
	_ =	sdelay $0x4  }
0x5d: {  	v56 =	vshll.u32 v3, $0x2  }
0x5e: {  	v3 =	vand.u32 $0x7, v3;
	v4 =	vand.u32 $0xFFFFFFE0, v56  }
0x5f: {  	v3 =	vor.u32 v3, v4  }
0x60: {  	v4 =	vperm.xlane v3, v0;
	_ =	sdelay $0x1  }
0x61: {  	v4 =	vadd.s32 v1, v4;
	_ =	sdelay $0x1  }
0x62: {  	v3 =	vperm.xlane v3, v2;
	_ =	sdelay $0x1  }
0x63: {  	v3 =	vadd.s32 v1, v3  }
0x64: {  	[tilespmem:s15], [sflag:$0x1] =	stream.indirect_vreg.gather [hbm4b:s3+s2], $0x80, v4, vm0, $0xb8;
	[tilespmem:$0xC400] =	vst v63  }
0x65: {  	_ = 	snop  }
0x66: {  	[tilespmem:s16], [sflag:$0x1] =	stream.indirect_vreg.gather [hbm4b:s4+s2], $0x80, v4, vm0, $0xb8;
	[tilespmem:$0xC400] =	vst v63  }
0x67: {  	_ = 	snop  }
0x68: {  	[tilespmem:s17], [sflag:$0x1] =	stream.indirect_vreg.gather [hbm4b:s3+s2], $0x80, v3, vm0, $0xb8;
	[tilespmem:$0xC400] =	vst v63  }
0x69: {  	_ = 	snop  }
0x6a: {  	[tilespmem:s18], [sflag:$0x1] =	stream.indirect_vreg.gather [hbm4b:s4+s2], $0x80, v3, vm0, $0xb8;
	[tilespmem:$0xC400] =	vst v63  }
0x6b: {  	v3 =	vld [tilespmem:$0x90];
	_ =	sdelay $0x4  }
0x6c: {  	v57 =	vshll.u32 v3, $0x2  }
0x6d: {  	v3 =	vand.u32 $0x7, v3;
	v4 =	vand.u32 $0xFFFFFFE0, v57  }
0x6e: {  	v3 =	vor.u32 v3, v4  }
0x6f: {  	v4 =	vperm.xlane v3, v0;
	_ =	sdelay $0x1  }
0x70: {  	v4 =	vadd.s32 v1, v4;
	_ =	sdelay $0x1  }
0x71: {  	v3 =	vperm.xlane v3, v2;
	_ =	sdelay $0x1  }
0x72: {  	v3 =	vadd.s32 v1, v3  }
0x73: {  	[tilespmem:s19], [sflag:$0x1] =	stream.indirect_vreg.gather [hbm4b:s3+s2], $0x80, v4, vm0, $0xb8;
	[tilespmem:$0xC400] =	vst v63  }
0x74: {  	_ = 	snop  }
0x75: {  	[tilespmem:s20], [sflag:$0x1] =	stream.indirect_vreg.gather [hbm4b:s4+s2], $0x80, v4, vm0, $0xb8;
	[tilespmem:$0xC400] =	vst v63  }
0x76: {  	_ = 	snop  }
0x77: {  	[tilespmem:s21], [sflag:$0x1] =	stream.indirect_vreg.gather [hbm4b:s3+s2], $0x80, v3, vm0, $0xb8;
	[tilespmem:$0xC400] =	vst v63  }
0x78: {  	_ = 	snop  }
0x79: {  	[tilespmem:s22], [sflag:$0x1] =	stream.indirect_vreg.gather [hbm4b:s4+s2], $0x80, v3, vm0, $0xb8;
	[tilespmem:$0xC400] =	vst v63  }
0x7a: {  	v3 =	vld [tilespmem:$0x100];
	_ =	sdelay $0x4  }
0x7b: {  	v58 =	vshll.u32 v3, $0x2  }
0x7c: {  	v3 =	vand.u32 $0x7, v3;
	v4 =	vand.u32 $0xFFFFFFE0, v58  }
0x7d: {  	v3 =	vor.u32 v3, v4  }
0x7e: {  	v4 =	vperm.xlane v3, v0;
	_ =	sdelay $0x1  }
0x7f: {  	v4 =	vadd.s32 v1, v4;
	_ =	sdelay $0x1  }
0x80: {  	v3 =	vperm.xlane v3, v2;
	_ =	sdelay $0x1  }
0x81: {  	v3 =	vadd.s32 v1, v3  }
0x82: {  	[tilespmem:s23], [sflag:$0x1] =	stream.indirect_vreg.gather [hbm4b:s3+s2], $0x80, v4, vm0, $0xb8;
	[tilespmem:$0xC400] =	vst v63  }
0x83: {  	s24 =	simm.s32 $0x8C00  }
0x84: {  	[tilespmem:s24], [sflag:$0x1] =	stream.indirect_vreg.gather [hbm4b:s4+s2], $0x80, v4, vm0, $0xb8;
	[tilespmem:$0xC400] =	vst v63  }
0x85: {  	_ = 	snop  }
0x86: {  	[tilespmem:s25], [sflag:$0x1] =	stream.indirect_vreg.gather [hbm4b:s3+s2], $0x80, v3, vm0, $0xb8;
	[tilespmem:$0xC400] =	vst v63  }
0x87: {  	_ = 	snop  }
0x88: {  	[tilespmem:s26], [sflag:$0x1] =	stream.indirect_vreg.gather [hbm4b:s4+s2], $0x80, v3, vm0, $0xb8;
	[tilespmem:$0xC400] =	vst v63  }
0x89: {  	v3 =	vld [tilespmem:$0x110];
	_ =	sdelay $0x4  }
0x8a: {  	v59 =	vshll.u32 v3, $0x2  }
0x8b: {  	v3 =	vand.u32 $0x7, v3;
	v4 =	vand.u32 $0xFFFFFFE0, v59  }
0x8c: {  	v3 =	vor.u32 v3, v4  }
0x8d: {  	v4 =	vperm.xlane v3, v0;
	_ =	sdelay $0x1  }
0x8e: {  	v4 =	vadd.s32 v1, v4;
	_ =	sdelay $0x1  }
0x8f: {  	v3 =	vperm.xlane v3, v2;
	_ =	sdelay $0x1  }
0x90: {  	v3 =	vadd.s32 v1, v3  }
0x91: {  	[tilespmem:s28], [sflag:$0x1] =	stream.indirect_vreg.gather [hbm4b:s3+s2], $0x80, v4, vm0, $0xb8;
	[tilespmem:$0xC400] =	vst v63  }
0x92: {  	_ = 	snop  }
0x93: {  	[tilespmem:s29], [sflag:$0x1] =	stream.indirect_vreg.gather [hbm4b:s4+s2], $0x80, v4, vm0, $0xb8;
	[tilespmem:$0xC400] =	vst v63  }
0x94: {  	_ = 	snop  }
0x95: {  	[tilespmem:s30], [sflag:$0x1] =	stream.indirect_vreg.gather [hbm4b:s3+s2], $0x80, v3, vm0, $0xb8;
	[tilespmem:$0xC400] =	vst v63  }
0x96: {  	_ = 	snop  }
0x97: {  	[tilespmem:s31], [sflag:$0x1] =	stream.indirect_vreg.gather [hbm4b:s4+s2], $0x80, v3, vm0, $0xb8;
	[tilespmem:$0xC400] =	vst v63  }
0x98: {  	_ =	swait.ge [sflag:s1], $0x4000  }
0x99: {  	[sflag:s1] =	ssyncset.done $0x0  }
0x9a: {  	[sflag:s1] =	ssyncadd.s32 $0xFFFFC000  }
0x9b: {  	_ =	swait.ge [sflag:s1], $0x4000  }
0x9c: {  	[sflag:s1] =	ssyncset.done $0x0  }
0x9d: {  	[sflag:s1] =	ssyncadd.s32 $0xFFFFC000  }
0x9e: {  	_ =	swait.ge [sflag:s1], $0x4000  }
0x9f: {  	[sflag:s1] =	ssyncset.done $0x0  }
0xa0: {  	s24 =	rddreg [dreg:$0x7];
	[sflag:s1] =	ssyncadd.s32 $0xFFFFC000  }
0xa1: {  	[hbm4b:s24+s2] =	stream.linear.scatter [tilespmem:s7], [sflag:$0x2], $0x4000, $0x38;
	[tilespmem:$0xC400] =	vst v63  }
0xa2: {  	_ =	swait.ge [sflag:s6], $0x4000  }
0xa3: {  	[sflag:s6] =	ssyncset.done $0x0  }
0xa4: {  	s24 =	rddreg [dreg:$0x8];
	[sflag:s6] =	ssyncadd.s32 $0xFFFFC000  }
0xa5: {  	[hbm4b:s24+s2] =	stream.linear.scatter [tilespmem:s15], [sflag:$0x2], $0x4000, $0x38;
	[tilespmem:$0xC400] =	vst v63  }
0xa6: {  	_ =	swait.ge [sflag:s6], $0x4000  }
0xa7: {  	[sflag:s6] =	ssyncset.done $0x0  }
0xa8: {  	s24 =	rddreg [dreg:$0x9];
	[sflag:s6] =	ssyncadd.s32 $0xFFFFC000  }
0xa9: {  	[hbm4b:s24+s2] =	stream.linear.scatter [tilespmem:s23], [sflag:$0x2], $0x4000, $0x38;
	[tilespmem:$0xC400] =	vst v63  }
0xaa: {  	_ =	swait.ge [sflag:s6], $0x4000  }
0xab: {  	[sflag:s6] =	ssyncset.done $0x0  }
0xac: {  	[sflag:s6] =	ssyncadd.s32 $0xFFFFC000  }
0xad: {  	v3 =	vld [tilespmem:$0x180];
	_ =	sdelay $0x4  }
0xae: {  	v60 =	vshll.u32 v3, $0x2  }
0xaf: {  	v3 =	vand.u32 $0x7, v3;
	v4 =	vand.u32 $0xFFFFFFE0, v60  }
0xb0: {  	v3 =	vor.u32 v3, v4  }
0xb1: {  	v4 =	vperm.xlane v3, v0;
	_ =	sdelay $0x1  }
0xb2: {  	v4 =	vadd.s32 v1, v4;
	_ =	sdelay $0x1  }
0xb3: {  	v3 =	vperm.xlane v3, v2;
	_ =	sdelay $0x1  }
0xb4: {  	v3 =	vadd.s32 v1, v3  }
0xb5: {  	[tilespmem:s7], [sflag:$0x1] =	stream.indirect_vreg.gather [hbm4b:s3+s2], $0x80, v4, vm0, $0xb8;
	[tilespmem:$0xC400] =	vst v63  }
0xb6: {  	_ = 	snop  }
0xb7: {  	[tilespmem:s8], [sflag:$0x1] =	stream.indirect_vreg.gather [hbm4b:s4+s2], $0x80, v4, vm0, $0xb8;
	[tilespmem:$0xC400] =	vst v63  }
0xb8: {  	_ = 	snop  }
0xb9: {  	[tilespmem:s9], [sflag:$0x1] =	stream.indirect_vreg.gather [hbm4b:s3+s2], $0x80, v3, vm0, $0xb8;
	[tilespmem:$0xC400] =	vst v63  }
0xba: {  	_ = 	snop  }
0xbb: {  	[tilespmem:s10], [sflag:$0x1] =	stream.indirect_vreg.gather [hbm4b:s4+s2], $0x80, v3, vm0, $0xb8;
	[tilespmem:$0xC400] =	vst v63  }
0xbc: {  	v3 =	vld [tilespmem:$0x190];
	_ =	sdelay $0x4  }
0xbd: {  	v61 =	vshll.u32 v3, $0x2  }
0xbe: {  	v3 =	vand.u32 $0x7, v3;
	v4 =	vand.u32 $0xFFFFFFE0, v61  }
0xbf: {  	v3 =	vor.u32 v3, v4  }
0xc0: {  	v4 =	vperm.xlane v3, v0;
	_ =	sdelay $0x1  }
0xc1: {  	v4 =	vadd.s32 v1, v4;
	_ =	sdelay $0x1  }
0xc2: {  	v3 =	vperm.xlane v3, v2;
	_ =	sdelay $0x1  }
0xc3: {  	v3 =	vadd.s32 v1, v3  }
0xc4: {  	[tilespmem:s11], [sflag:$0x1] =	stream.indirect_vreg.gather [hbm4b:s3+s2], $0x80, v4, vm0, $0xb8;
	[tilespmem:$0xC400] =	vst v63  }
0xc5: {  	_ = 	snop  }
0xc6: {  	[tilespmem:s12], [sflag:$0x1] =	stream.indirect_vreg.gather [hbm4b:s4+s2], $0x80, v4, vm0, $0xb8;
	[tilespmem:$0xC400] =	vst v63  }
0xc7: {  	_ = 	snop  }
0xc8: {  	[tilespmem:s13], [sflag:$0x1] =	stream.indirect_vreg.gather [hbm4b:s3+s2], $0x80, v3, vm0, $0xb8;
	[tilespmem:$0xC400] =	vst v63  }
0xc9: {  	_ = 	snop  }
0xca: {  	[tilespmem:s14], [sflag:$0x1] =	stream.indirect_vreg.gather [hbm4b:s4+s2], $0x80, v3, vm0, $0xb8;
	[tilespmem:$0xC400] =	vst v63  }
0xcb: {  	v3 =	vld [tilespmem:$0x200];
	_ =	sdelay $0x4  }
0xcc: {  	v62 =	vshll.u32 v3, $0x2  }
0xcd: {  	v3 =	vand.u32 $0x7, v3;
	v4 =	vand.u32 $0xFFFFFFE0, v62  }
0xce: {  	v3 =	vor.u32 v3, v4  }
0xcf: {  	v4 =	vperm.xlane v3, v0;
	_ =	sdelay $0x1  }
0xd0: {  	v4 =	vadd.s32 v1, v4;
	_ =	sdelay $0x1  }
0xd1: {  	v3 =	vperm.xlane v3, v2;
	_ =	sdelay $0x1  }
0xd2: {  	v3 =	vadd.s32 v1, v3  }
0xd3: {  	[tilespmem:s15], [sflag:$0x1] =	stream.indirect_vreg.gather [hbm4b:s3+s2], $0x80, v4, vm0, $0xb8;
	[tilespmem:$0xC400] =	vst v63  }
0xd4: {  	_ = 	snop  }
0xd5: {  	[tilespmem:s16], [sflag:$0x1] =	stream.indirect_vreg.gather [hbm4b:s4+s2], $0x80, v4, vm0, $0xb8;
	[tilespmem:$0xC400] =	vst v63  }
0xd6: {  	_ = 	snop  }
0xd7: {  	[tilespmem:s17], [sflag:$0x1] =	stream.indirect_vreg.gather [hbm4b:s3+s2], $0x80, v3, vm0, $0xb8;
	[tilespmem:$0xC400] =	vst v63  }
0xd8: {  	_ = 	snop  }
0xd9: {  	[tilespmem:s18], [sflag:$0x1] =	stream.indirect_vreg.gather [hbm4b:s4+s2], $0x80, v3, vm0, $0xb8;
	[tilespmem:$0xC400] =	vst v63  }
0xda: {  	v3 =	vld [tilespmem:$0x210];
	_ =	sdelay $0x4  }
0xdb: {  	v63 =	vshll.u32 v3, $0x2  }
0xdc: {  	v3 =	vand.u32 $0x7, v3;
	v4 =	vand.u32 $0xFFFFFFE0, v63  }
0xdd: {  	v3 =	vor.u32 v3, v4  }
0xde: {  	v4 =	vperm.xlane v3, v0;
	_ =	sdelay $0x1  }
0xdf: {  	v4 =	vadd.s32 v1, v4;
	_ =	sdelay $0x1  }
0xe0: {  	v3 =	vperm.xlane v3, v2;
	_ =	sdelay $0x1  }
0xe1: {  	v3 =	vadd.s32 v1, v3  }
0xe2: {  	[tilespmem:s19], [sflag:$0x1] =	stream.indirect_vreg.gather [hbm4b:s3+s2], $0x80, v4, vm0, $0xb8;
	[tilespmem:$0xC400] =	vst v63  }
0xe3: {  	_ = 	snop  }
0xe4: {  	[tilespmem:s20], [sflag:$0x1] =	stream.indirect_vreg.gather [hbm4b:s4+s2], $0x80, v4, vm0, $0xb8;
	[tilespmem:$0xC400] =	vst v63  }
0xe5: {  	_ = 	snop  }
0xe6: {  	[tilespmem:s21], [sflag:$0x1] =	stream.indirect_vreg.gather [hbm4b:s3+s2], $0x80, v3, vm0, $0xb8;
	[tilespmem:$0xC400] =	vst v63  }
0xe7: {  	_ = 	snop  }
0xe8: {  	[tilespmem:s22], [sflag:$0x1] =	stream.indirect_vreg.gather [hbm4b:s4+s2], $0x80, v3, vm0, $0xb8;
	[tilespmem:$0xC400] =	vst v63  }
0xe9: {  	_ =	swait.ge [sflag:s1], $0x4000  }
0xea: {  	[sflag:s1] =	ssyncset.done $0x0  }
0xeb: {  	[sflag:s1] =	ssyncadd.s32 $0xFFFFC000  }
0xec: {  	_ =	swait.ge [sflag:s1], $0x4000  }
0xed: {  	[sflag:s1] =	ssyncset.done $0x0  }
0xee: {  	s24 =	rddreg [dreg:$0xa];
	[sflag:s1] =	ssyncadd.s32 $0xFFFFC000  }
0xef: {  	[hbm4b:s24+s2] =	stream.linear.scatter [tilespmem:s7], [sflag:$0x2], $0x4000, $0x38;
	[tilespmem:$0xC400] =	vst v63  }
0xf0: {  	_ =	swait.ge [sflag:s6], $0x4000  }
0xf1: {  	p0 =	sne.s32 s5, $0x1;
	[sflag:s6] =	ssyncset.done $0x0  }
.Ltmp0:
0xf2: {  	s24 =	rddreg [dreg:$0xb];
	[sflag:s6] =	ssyncadd.s32 $0xFFFFC000;
	(pc) =	sbr.rel @p0 .LBB2_1-.Ltmp0, $4  }
0xf3: {  	[hbm4b:s24+s2] =	stream.linear.scatter [tilespmem:s15], [sflag:$0x2], $0x4000, $0x38;
	[tilespmem:$0xC400] =	vst v63  }
0xf4: {  	_ =	swait.ge [sflag:s6], $0x4000  }
0xf5: {  	[sflag:s6] =	ssyncset.done $0x0  }
0xf6: {  	s5 =	sadd.s32 $0xFFFFFFFF, s5;
	[sflag:s6] =	ssyncadd.s32 $0xFFFFC000  }
0xf7: {  	_ =	sfence.sel $0x180000  }
0xf8: {  	[bflag:$0x0] =	sbarrier.arrive $0xFFFF  }
0xf9: {  	_ =	strace $0x9000004A  }
0xfa: {  	s0 =	stileid.u32;
	[bflag:$0x2] =	sbarrier.arrive $0xFFFF  }
0xfb: {  	p0 =	sne.s32 s0, $0x0;
	s0 =	rddreg [dreg:$0x1]  }
0xfc: {  	s0 =	sadd.s32 @!p0 $0x100000, s0  }
0xfd: {  	[sflag:s0] =	ssyncadd.tile.s32 @!p0 $0x1;
	_ =	shalt  }
.Lfunc_end2:
_tile_overlayer_lowered:
.L_overlay_start_2:
0xfe: {  	(tag) =	ssettag $0x2  }
0xff: {  	s0 =	rddreg [dreg:$0x0];
	s2 =	stileid.u32  }
0x100: {  	s1 =	rddreg [dreg:$0x1];
	p0 =	sne.s32 s2, $0x0  }
0x101: {  	s3 =	rddreg [dreg:$0x2];
	[bflag:$0x3] =	sbarrier.arrive $0xFFFF;
	s2 =	simm.s32 @!p0 $0x1C02  }
0x102: {  	[timem:s3], [sflag:s2] =	dma.local @!p0 [hbm:s0], s1  }
0x103: {  	s0 =	simm.s32 @!p0 $0x2  }
0x104: {  	_ =	swait.ge @!p0 [sflag:s0], s1  }
0x105: {  	s1 =	ssub.s32 @!p0 $0x0, s1;
	[sflag:s0] =	ssyncset.done @!p0 $0x0  }
0x106: {  	[sflag:s0] =	ssyncadd.s32 @!p0 s1  }
0x107: {  	[bflag:$0x3] =	sbarrier.arrive $0xFFFF  }
0x108: {  	_ =	shalt  }

// kernel: kernel.13.cloned.1.call-start
scs
__scs_entry_jumppad:
0x0: {  	(pc) =	sbr.rel $0x88, $3  }
0x1: {  	(tag) =	ssettag $0x0;
	lr =	simm.s32 $0x1  }
0x2: {  	[smem:$0x3F9C] =	sst lr;
	_ =	strace $0xD0000000  }
0x3: {  	_ = 	snop  }
0x4: {  	_ = 	snop  }
0x5: {  	_ = 	snop  }
0x6: {  	_ = 	snop  }
0x7: {  	_ = 	snop  }
__scs_overlays_trampoline_lowered:
0x8: {  	[smem:$0x3FAB] =	sst s0  }
0x9: {  	[smem:$0x3FAC] =	sst s1  }
0xa: {  	[smem:$0x3FAD] =	sst s2  }
0xb: {  	[smem:$0x3FAE] =	sst s3  }
0xc: {  	[smem:$0x3FAF] =	sst s4  }
0xd: {  	[smem:$0x3FB0] =	sst s5  }
0xe: {  	[smem:$0x3FB1] =	sst s6  }
0xf: {  	[smem:$0x3FB2] =	sst s7  }
0x10: {  	[smem:$0x3FB3] =	sst s8  }
0x11: {  	[smem:$0x3FB4] =	sst s9;
	s0 =	simm.s32 @!p0 $0x0  }
0x12: {  	s1 =	sld [smem:$0x3F9A];
	s0 =	simm.s32 @p0 $0x1  }
0x13: {  	[smem:$0x3FB5] =	sst s0;
	s0 =	simm.s32 @!p1 $0x0  }
0x14: {  	s2 =	sld [smem:$0x3F99];
	s0 =	simm.s32 @p1 $0x1  }
0x15: {  	[smem:$0x3FB6] =	sst s0;
	s0 =	simm.s32 @!p2 $0x0  }
0x16: {  	s3 =	sld [smem:$0x3FDB];
	s0 =	simm.s32 @p2 $0x1  }
0x17: {  	s4 =	simm.s32 $0x1BF5;
	[smem:$0x3FB8] =	sst s0  }
0x18: {  	s0 =	sld [smem:$0x3F9B];
	_ =	swait.ge [sflag:s4], $0x0  }
0x19: {  	s7 =	sld [smem:$0x3F9C]  }
0x1a: {  	s8 =	sadd.s32 $0xFFFFE003, lr  }
0x1b: {  	s9 =	sadd.s32 $0xFFFFFEF7, lr;
	s5 =	simm.s32 $0xFFFFFFFF;
	p2 =	slt.u32 s8, $0xFFFFF086  }
0x1c: {  	p1 =	slt.u32 s9, $0xF7A;
	s5 =	simm.s32 @!p2 $0x0  }
0x1d: {  	s5 =	simm.s32 @p1 $0x1;
	p0 =	seq.s32 s7, s2  }
0x1e: {  	s7 =	smul.u32 @!p0 $0xF7A, s2;
	p2 =	seq.s32 @!p0 s5, $0x0  }
0x1f: {  	s9 =	smul.u32 $0xF7A, s1;
	s8 =	simm.s32 @!p0 $0x1BF5;
	p2 =	por !p2, p0  }
0x20: {  	[sflag:s8] =	ssyncset.s32 @!p0 $0xFFFFF086;
	s6 =	sadd.s32 @!p0 s3, s7;
	s7 =	simm.s32 @!p0 $0x108  }
0x21: {  	s3 =	sadd.s32 s3, s9;
	s6 =	sadd.s32 @!p0 $0x88, s6;
	s7 =	simm.s32 @p2 $0x1082  }
0x22: {  	[simem:s7], [sflag:s8] =	dma.local @!p0 [hbm:s6], $0xF7A  }
0x23: {  	s9 =	sor.u32 $0xD0000000, s2;
	s6 =	simm.s32 $0x108;
	_ =	swait.ge @!p0 [sflag:s8], $0x0  }
0x24: {  	s3 =	sadd.s32 $0x88, s3;
	s6 =	simm.s32 @!p1 $0x1082;
	[sflag:s4] =	ssyncset.s32 $0xFFFFF086  }
0x25: {  	[simem:s6], [sflag:s4] =	dma.local [hbm:s3], $0xF7A  }
0x26: {  	[smem:$0x3F9C] =	sst s1;
	(tag) =	ssettag s2;
	_ =	strace s9  }
0x27: {  	s1 =	sld [smem:$0x3FAC]  }
0x28: {  	s2 =	sld [smem:$0x3FAD]  }
0x29: {  	s4 =	sld [smem:$0x3FAF]  }
0x2a: {  	p0 =	seq.s32 s5, $0x0;
	s5 =	sld [smem:$0x3FB0]  }
0x2b: {  	s6 =	sld [smem:$0x3FB1]  }
0x2c: {  	s7 =	sld [smem:$0x3FB2]  }
0x2d: {  	s3 =	simm.s32 $0x108;
	s8 =	sld [smem:$0x3FB3]  }
0x2e: {  	s3 =	simm.s32 @!p0 $0x1082;
	s9 =	sld [smem:$0x3FB4]  }
0x2f: {  	lr =	sadd.s32 s0, s3;
	s0 =	sld [smem:$0x3FAB]  }
0x30: {  	s3 =	sld [smem:$0x3FAE]  }
0x31: {  	[smem:$0x3FB7] =	sst s10  }
0x32: {  	s10 =	sld [smem:$0x3FB5];
	_ =	sdelay $0x3  }
0x33: {  	p0 =	seq.s32 s10, $0x1;
	s10 =	sld [smem:$0x3FB7];
	_ =	sdelay $0x3  }
0x34: {  	[smem:$0x3FB7] =	sst s10  }
0x35: {  	s10 =	sld [smem:$0x3FB6];
	_ =	sdelay $0x3  }
0x36: {  	p1 =	seq.s32 s10, $0x1;
	s10 =	sld [smem:$0x3FB7];
	_ =	sdelay $0x3  }
0x37: {  	[smem:$0x3FB7] =	sst s10  }
0x38: {  	s10 =	sld [smem:$0x3FB8]  }
0x39: {  	_ = 	snop;
	(pc) =	sbr.ind lr, $3  }
0x3a: {  	_ = 	snop  }
0x3b: {  	_ = 	snop  }
0x3c: {  	p2 =	seq.s32 s10, $0x1;
	s10 =	sld [smem:$0x3FB7]  }
0x3d: {  	_ =	shalt  }
0x3e: {  	_ =	shalt  }
0x3f: {  	_ =	shalt  }
0x40: {  	_ =	shalt  }
0x41: {  	_ =	shalt  }
0x42: {  	_ =	shalt  }
0x43: {  	_ =	shalt  }
0x44: {  	_ =	shalt  }
0x45: {  	_ =	shalt  }
0x46: {  	_ =	shalt  }
0x47: {  	_ =	shalt  }
0x48: {  	_ =	shalt  }
0x49: {  	_ =	shalt  }
0x4a: {  	_ =	shalt  }
0x4b: {  	_ =	shalt  }
0x4c: {  	_ =	shalt  }
0x4d: {  	_ =	shalt  }
0x4e: {  	_ =	shalt  }
0x4f: {  	_ =	shalt  }
0x50: {  	_ =	shalt  }
0x51: {  	_ =	shalt  }
0x52: {  	_ =	shalt  }
0x53: {  	_ =	shalt  }
0x54: {  	_ =	shalt  }
0x55: {  	_ =	shalt  }
0x56: {  	_ =	shalt  }
0x57: {  	_ =	shalt  }
0x58: {  	_ =	shalt  }
0x59: {  	_ =	shalt  }
0x5a: {  	_ =	shalt  }
0x5b: {  	_ =	shalt  }
0x5c: {  	_ =	shalt  }
0x5d: {  	_ =	shalt  }
0x5e: {  	_ =	shalt  }
0x5f: {  	_ =	shalt  }
0x60: {  	_ =	shalt  }
0x61: {  	_ =	shalt  }
0x62: {  	_ =	shalt  }
0x63: {  	_ =	shalt  }
0x64: {  	_ =	shalt  }
0x65: {  	_ =	shalt  }
0x66: {  	_ =	shalt  }
0x67: {  	_ =	shalt  }
0x68: {  	_ =	shalt  }
0x69: {  	_ =	shalt  }
0x6a: {  	_ =	shalt  }
0x6b: {  	_ =	shalt  }
0x6c: {  	_ =	shalt  }
0x6d: {  	_ =	shalt  }
0x6e: {  	_ =	shalt  }
0x6f: {  	_ =	shalt  }
0x70: {  	_ =	shalt  }
0x71: {  	_ =	shalt  }
0x72: {  	_ =	shalt  }
0x73: {  	_ =	shalt  }
0x74: {  	_ =	shalt  }
0x75: {  	_ =	shalt  }
0x76: {  	_ =	shalt  }
0x77: {  	_ =	shalt  }
0x78: {  	_ =	shalt  }
0x79: {  	_ =	shalt  }
0x7a: {  	_ =	shalt  }
0x7b: {  	_ =	shalt  }
0x7c: {  	_ =	shalt  }
0x7d: {  	_ =	shalt  }
0x7e: {  	_ =	shalt  }
0x7f: {  	_ =	shalt  }
0x80: {  	_ =	shalt  }
0x81: {  	_ =	shalt  }
0x82: {  	_ =	shalt  }
0x83: {  	_ =	shalt  }
0x84: {  	_ =	shalt  }
0x85: {  	_ =	shalt  }
0x86: {  	_ =	shalt  }
0x87: {  	_ =	shalt  }
.Lfunc_end0:
.L_simem_size_0:
called_computation.2_lowered:
.L_overlay_start_0:
0x88: {  	s2 =	sld [smem:$0x3FD9]  }
0x89: {  	s3 =	sld [smem:$0x3FFE];
	_ =	sdelay $0x1  }
0x8a: {  	s1 =	srdreg.scid  }
0x8b: {  	s0 =	sand.u32 $0x1, s1  }
0x8c: {  	s17 =	sshll.u32 s0, $0xA;
	s2 =	sadd.s32 s3, s2  }
0x8d: {  	s2 =	sadd.s32 s2, s17  }
0x8e: {  	[smem:$0x3FC3] =	sst s2  }
0x8f: {  	_ = 	snop  }
0x90: {  	s2 =	sld [smem:$0x3FD0];
	(tm) =	ssettm $0x1  }
0x91: {  	s18 =	sld [smem:$0x3FFB];
	_ =	sdelay $0x3  }
0x92: {  	_ =	strace s18  }
0x93: {  	s3 =	sld [smem:$0x3FFC];
	_ =	sdelay $0x3  }
0x94: {  	_ =	strace s3  }
0x95: {  	s3 =	sld [smem:$0x3FFD];
	_ =	sdelay $0x3  }
0x96: {  	_ =	strace s3  }
0x97: {  	_ =	strace $0x8FFFFFFF  }
0x98: {  	s19 =	sld [smem:$0x3FDB];
	_ =	sdelay $0x1  }
0x99: {  	s4 =	simm.s32 $_scs_section_size  }
0x9a: {  	s5 =	simm.s32 $_size__tile_overlayer_lowered;
	s6 =	simm.s32 $_tile_overlayer_lowered  }
0x9b: {  	s22 =	simm.s32 $0x1BFF;
	s21 =	sshll.u32 s6, $0x1;
	s3 =	sadd.s32 s4, s19  }
0x9c: {  	s7 =	simm.s32 $0x0;
	s20 =	sshll.u32 s5, $0x1;
	s5 =	sadd.s32 s21, s3  }
0x9d: {  	[timem:s7], [sflag:s22] =	dma.local [hbm:s5], s20  }
0x9e: {  	_ =	swait.ge [sflag:s22], s20  }
0x9f: {  	s4 =	ssub.s32 $0x0, s20;
	[sflag:s22] =	ssyncset.done $0x0  }
0xa0: {  	[sflag:s22] =	ssyncadd.s32 s4;
	_ =	sdelay $0x1  }
0xa1: {  	s23 =	simm.s32 $0x1B8B  }
0xa2: {  	_ =	swait.ge [sflag:s23], $0x1  }
0xa3: {  	[sflag:s23] =	ssyncset.done $0x0  }
0xa4: {  	s25 =	simm.s32 $0x1B8E;
	s24 =	sld [smem:$0x3FFE];
	[sflag:s23] =	ssyncadd.s32 $0xFFFFFFFF  }
0xa5: {  	s26 =	simm.s32 $execute0_lowered;
	[smem:$0x3FD2] =	sst s25  }
0xa6: {  	s5 =	sshll.u32 s26, $0x1;
	_ =	strace $0x8000004C;
	[dreg:$0x1] =	wrdreg $0xFFFFFFFF  }
0xa7: {  	s28 =	simm.s32 $_size_execute0_lowered;
	s3 =	sadd.s32 s3, s5;
	[dreg:$0x0] =	wrdreg $0x0  }
0xa8: {  	s5 =	sshll.u32 s28, $0x1;
	[dreg:$0x2] =	wrdreg s3  }
0xa9: {  	[dreg:$0x3] =	wrdreg s5  }
0xaa: {  	[dreg:$0x4] =	wrdreg $0xC0  }
0xab: {  	_ =	task [dreg:s7], $0x5FFFF  }
0xac: {  	[dreg:$0x1] =	wrdreg $0xFFFFFFFF  }
0xad: {  	[dreg:$0x0] =	wrdreg $0x60  }
0xae: {  	[dreg:$0x2] =	wrdreg s24  }
0xaf: {  	[dreg:$0x3] =	wrdreg s2  }
0xb0: {  	[dreg:$0x4] =	wrdreg $0x9  }
0xb1: {  	_ =	task.clear_ibuf [dreg:s7], $0x5FFFF;
	_ =	strace $0x9000004C  }
0xb2: {  	s29 =	simm.s32 $0x9;
	_ =	strace $0x8000004E  }
0xb3: {  	_ =	swait.ge [sflag:s29], $0x1  }
0xb4: {  	[sflag:s29] =	ssyncadd.s32 $0xFFFFFFFF  }
0xb5: {  	_ =	strace $0x9000004E  }
0xb6: {  	_ =	sfence  }
0xb7: {  	s30 =	sld [smem:$0x0];
	_ =	sdelay $0x2  }
0xb8: {  	s31 =	sshll.u32 s1, $0xD;
	s1 =	sshrl.u32 s1, $0x2  }
0xb9: {  	s3 =	sand.u32 $0x4000, s31;
	s1 =	sadd.s32 s1, s30  }
0xba: {  	s0 =	sor.u32 s3, s0;
	s1 =	sshll.u32 s1, $0x11  }
0xbb: {  	s0 =	sor.u32 s1, s0  }
0xbc: {  	s0 =	sadd.s32 $0x8F2B, s0  }
0xbd: {  	[sflag:s0] =	ssyncadd.remote.s32 $0x1  }
0xbe: {  	_ =	sfence.sel $0xFFFF  }
0xbf: {  	[dreg:$0x0] =	wrdreg $0xFFFFFFFF;
	(pc) =	sbr.abs _section_cstart, $3  }
0xc0: {  	[dreg:$0x1] =	wrdreg $0xFFFFFFFF  }
0xc1: {  	_ =	task.clear_ibuf [dreg:s7], $0x2FFFF;
	_ =	strace $0x9FFFFFFF  }
0xc2: {  	(tm) =	ssettm $0x7FFFFFFF  }
0xc3: {  	_ =	shalt  }
tec
execute0_lowered:
.L_overlay_start_1:
0x0: {  	(tag) =	ssettag $0x1  }
0x1: {  	s1 =	srdreg.scid  }
0x2: {  	s4 =	rddreg [dreg:$0x0];
	s0 =	stileid.u32  }
0x3: {  	s6 =	rddreg [dreg:$0x1];
	s2 =	simm.s32 $0x0;
	s5 =	sand.u32 $0x1, s1  }
0x4: {  	s3 =	sshll.u32 s0, $0x5;
	s1 =	rddreg [dreg:$0x2];
	s7 =	sshll.u32 s5, $0x4  }
0x5: {  	[smem:$0x7FF] =	sst s2;
	s5 =	ssub.s32 $0x2, s5;
	s7 =	sor.u32 s7, s3  }
0x6: {  	_ =	strace $0x8000004D;
	s9 =	sshrl.u32 s5, $0x1;
	s3 =	sadd.s32 s7, s4  }
0x7: {  	s5 =	ssub.s32 s5, s9;
	s8 =	sadd.s32 $0x1E00, s3;
	s3 =	simm.s32 $0x2  }
0x8: {  	[tilespmem:s2], [sflag:$0x2] =	stream.linear.gather [hbm4b:s8+s2], $0x80, $0x38;
	[tilespmem:$0x100] =	vst v63  }
0x9: {  	s9 =	smax.u32 s5, $0x1;
	_ =	swait.ge [sflag:s3], $0x80  }
0xa: {  	p0 =	sne.s32 s9, $0x1;
	[sflag:s3] =	ssyncset.done $0x0  }
.Ltmp0:
0xb: {  	[sflag:s3] =	ssyncadd.s32 $0xFFFFFF80;
	(pc) =	sbr.rel @!p0 .LBB2_2-.Ltmp0, $4  }
0xc: {  	v1 =	vld [tilespmem:$0x40]  }
0xd: {  	v2 =	vld [tilespmem:$0x30]  }
0xe: {  	s5 =	sadd.s32 $0x1600, s4;
	s4 =	sadd.s32 s6, s7;
	v3 =	vld [tilespmem:$0x0]  }
0xf: {  	s6 =	simm.s32 $0x80;
	s7 =	simm.s32 $0x1;
	s9 =	sadd.s32 $0xFFFFFFFF, s9;
	v0 =	vld [tilespmem:$0x70]  }
.LBB2_1:
0x10: {  	p0 =	sne.s32 s9, $0x1;
	s9 =	sadd.s32 $0xFFFFFFFF, s9;
	v4 =	vld [tilespmem:$0x50]  }
0x11: {  	v5 =	vld [tilespmem:$0x10]  }
0x12: {  	vm0 =	vgt.s32 v2, $0x0;
	v6 =	vld [tilespmem:$0x60]  }
0x13: {  	vm1 =	vgt.s32 v3, $0x0;
	v7 =	vld [tilespmem:$0x20];
	v2 =	vnsel vm0, $0x0, v2;
	vm0 =	vgt.s32 v1, $0x0  }
0x14: {  	v3 =	vnsel vm1, $0x0, v3;
	v2 =	vmin.u32 v2, $0x13FF;
	v1 =	vnsel vm0, $0x0, v1  }
0x15: {  	vm1 =	vgt.s32 v0, $0x0;
	v3 =	vmin.u32 v3, $0x13FF;
	[tilespmem:$0x30] =	vst v2;
	vm0 =	vgt.s32 v4, $0x0  }
0x16: {  	v1 =	vmin.u32 v1, $0x13FF;
	v0 =	vnsel vm1, $0x0, v0;
	[tilespmem:$0x0] =	vst v3;
	vm2 =	vgt.s32 v5, $0x0  }
0x17: {  	v0 =	vmin.u32 v0, $0x13FF;
	v2 =	vnsel vm2, $0x0, v5;
	[tilespmem:$0x40] =	vst v1;
	vm1 =	vgt.s32 v6, $0x0  }
0x18: {  	v1 =	vmin.u32 v2, $0x13FF;
	v2 =	vnsel vm0, $0x0, v4;
	v3 =	vnsel vm1, $0x0, v6;
	[tilespmem:$0x70] =	vst v0  }
0x19: {  	vm0 =	vgt.s32 v7, $0x0;
	[tilespmem:$0x10] =	vst v1;
	v0 =	vmin.u32 v2, $0x13FF;
	v1 =	vmin.u32 v3, $0x13FF  }
0x1a: {  	v2 =	vnsel vm0, $0x0, v7;
	[tilespmem:$0x50] =	vst v0  }
0x1b: {  	v0 =	vmin.u32 v2, $0x13FF;
	[tilespmem:$0x60] =	vst v1  }
0x1c: {  	[tilespmem:$0x20] =	vst v0  }
0x1d: {  	[tilespmem:s6], [sflag:$0x1] =	stream.indirect.gather [hbm4b:s5+s6], $0x1, s2, s6, $0xb8;
	[tilespmem:$0x100] =	vst v63  }
0x1e: {  	_ =	swait.ge [sflag:s7], $0x80  }
0x1f: {  	[sflag:s7] =	ssyncset.done $0x0  }
0x20: {  	[sflag:s7] =	ssyncadd.s32 $0xFFFFFF80  }
0x21: {  	[hbm4b:s4+s2] =	stream.linear.scatter [tilespmem:s6], [sflag:$0x2], $0x80, $0x38;
	[tilespmem:$0x100] =	vst v63  }
0x22: {  	_ =	swait.ge [sflag:s3], $0x80  }
0x23: {  	[sflag:s3] =	ssyncset.done $0x0  }
0x24: {  	[sflag:s3] =	ssyncadd.s32 $0xFFFFFF80  }
0x25: {  	[tilespmem:s2], [sflag:$0x2] =	stream.linear.gather [hbm4b:s8+s2], $0x80, $0x38;
	[tilespmem:$0x100] =	vst v63  }
0x26: {  	_ =	swait.ge [sflag:s3], $0x80  }
0x27: {  	[sflag:s3] =	ssyncset.done $0x0  }
.Ltmp1:
0x28: {  	[sflag:s3] =	ssyncadd.s32 $0xFFFFFF80;
	(pc) =	sbr.rel @p0 .LBB2_1-.Ltmp1, $4  }
0x29: {  	v1 =	vld [tilespmem:$0x40]  }
0x2a: {  	v2 =	vld [tilespmem:$0x30]  }
0x2b: {  	v3 =	vld [tilespmem:$0x0]  }
0x2c: {  	v0 =	vld [tilespmem:$0x70]  }
.LBB2_2:
0x2d: {  	v4 =	vld [tilespmem:$0x10]  }
0x2e: {  	v5 =	vld [tilespmem:$0x50];
	vm10 =	vgt.s32 v1, $0x0  }
0x2f: {  	v6 =	vld [tilespmem:$0x60];
	vm0 =	vgt.s32 v2, $0x0;
	v1 =	vnsel vm10, $0x0, v1  }
0x30: {  	v7 =	vld [tilespmem:$0x20];
	vm1 =	vgt.s32 v3, $0x0;
	v2 =	vnsel vm0, $0x0, v2;
	v1 =	vmin.u32 v1, $0x13FF  }
0x31: {  	v3 =	vnsel vm1, $0x0, v3;
	v2 =	vmin.u32 v2, $0x13FF;
	vm11 =	vgt.s32 v0, $0x0;
	[tilespmem:$0x40] =	vst v1  }
0x32: {  	v3 =	vmin.u32 v3, $0x13FF;
	[tilespmem:$0x30] =	vst v2;
	vm12 =	vgt.s32 v4, $0x0;
	v0 =	vnsel vm11, $0x0, v0  }
0x33: {  	vm13 =	vgt.s32 v5, $0x0;
	[tilespmem:$0x0] =	vst v3;
	v57 =	vnsel vm12, $0x0, v4;
	v0 =	vmin.u32 v0, $0x13FF  }
0x34: {  	vm14 =	vgt.s32 v6, $0x0;
	v59 =	vnsel vm13, $0x0, v5;
	v58 =	vmin.u32 v57, $0x13FF;
	[tilespmem:$0x70] =	vst v0  }
0x35: {  	vm15 =	vgt.s32 v7, $0x0;
	v60 =	vnsel vm14, $0x0, v6;
	v61 =	vmin.u32 v59, $0x13FF;
	[tilespmem:$0x10] =	vst v58  }
0x36: {  	v62 =	vnsel vm15, $0x0, v7;
	v0 =	vmin.u32 v60, $0x13FF;
	[tilespmem:$0x50] =	vst v61  }
0x37: {  	v63 =	vmin.u32 v62, $0x13FF;
	[tilespmem:$0x60] =	vst v0  }
0x38: {  	[tilespmem:$0x20] =	vst v63  }
0x39: {  	[tilespmem:s6], [sflag:$0x1] =	stream.indirect.gather [hbm4b:s5+s6], $0x1, s2, s6, $0xb8;
	[tilespmem:$0x100] =	vst v63  }
0x3a: {  	_ =	swait.ge [sflag:s7], $0x80  }
0x3b: {  	[sflag:s7] =	ssyncset.done $0x0  }
0x3c: {  	[sflag:s7] =	ssyncadd.s32 $0xFFFFFF80  }
0x3d: {  	[hbm4b:s4+s2] =	stream.linear.scatter [tilespmem:s6], [sflag:$0x2], $0x80, $0x38;
	[tilespmem:$0x100] =	vst v63  }
0x3e: {  	_ =	swait.ge [sflag:s3], $0x80  }
0x3f: {  	[sflag:s3] =	ssyncset.done $0x0  }
0x40: {  	[sflag:s3] =	ssyncadd.s32 $0xFFFFFF80  }
0x41: {  	_ =	sfence.sel $0x180000  }
0x42: {  	[bflag:$0x0] =	sbarrier.arrive $0xFFFF  }
0x43: {  	p0 =	sne.s32 s0, $0x0;
	_ =	strace $0x9000004D  }
0x44: {  	s0 =	sadd.s32 @!p0 $0x100000, s1;
	[bflag:$0x2] =	sbarrier.arrive $0xFFFF  }
0x45: {  	[sflag:s0] =	ssyncadd.tile.s32 @!p0 $0x1;
	_ =	shalt  }
.Lfunc_end2:
_tile_overlayer_lowered:
.L_overlay_start_2:
0x46: {  	(tag) =	ssettag $0x2  }
0x47: {  	s0 =	rddreg [dreg:$0x0];
	s2 =	stileid.u32  }
0x48: {  	s1 =	rddreg [dreg:$0x1];
	p0 =	sne.s32 s2, $0x0  }
0x49: {  	s3 =	rddreg [dreg:$0x2];
	[bflag:$0x3] =	sbarrier.arrive $0xFFFF;
	s2 =	simm.s32 @!p0 $0x1C02  }
0x4a: {  	[timem:s3], [sflag:s2] =	dma.local @!p0 [hbm:s0], s1  }
0x4b: {  	s0 =	simm.s32 @!p0 $0x2  }
0x4c: {  	_ =	swait.ge @!p0 [sflag:s0], s1  }
0x4d: {  	s1 =	ssub.s32 @!p0 $0x0, s1;
	[sflag:s0] =	ssyncset.done @!p0 $0x0  }
0x4e: {  	[sflag:s0] =	ssyncadd.s32 @!p0 s1  }
0x4f: {  	[bflag:$0x3] =	sbarrier.arrive $0xFFFF  }
0x50: {  	_ =	shalt  }

// kernel: kernel.7.cloned.1.call-start
scs
__scs_entry_jumppad:
0x0: {  	(pc) =	sbr.rel $0x88, $3  }
0x1: {  	(tag) =	ssettag $0x0;
	lr =	simm.s32 $0x1  }
0x2: {  	[smem:$0x3F9C] =	sst lr;
	_ =	strace $0xD0000000  }
0x3: {  	_ = 	snop  }
0x4: {  	_ = 	snop  }
0x5: {  	_ = 	snop  }
0x6: {  	_ = 	snop  }
0x7: {  	_ = 	snop  }
__scs_overlays_trampoline_lowered:
0x8: {  	[smem:$0x3FAB] =	sst s0  }
0x9: {  	[smem:$0x3FAC] =	sst s1  }
0xa: {  	[smem:$0x3FAD] =	sst s2  }
0xb: {  	[smem:$0x3FAE] =	sst s3  }
0xc: {  	[smem:$0x3FAF] =	sst s4  }
0xd: {  	[smem:$0x3FB0] =	sst s5  }
0xe: {  	[smem:$0x3FB1] =	sst s6  }
0xf: {  	[smem:$0x3FB2] =	sst s7  }
0x10: {  	[smem:$0x3FB3] =	sst s8  }
0x11: {  	[smem:$0x3FB4] =	sst s9;
	s0 =	simm.s32 @!p0 $0x0  }
0x12: {  	s1 =	sld [smem:$0x3F9A];
	s0 =	simm.s32 @p0 $0x1  }
0x13: {  	[smem:$0x3FB5] =	sst s0;
	s0 =	simm.s32 @!p1 $0x0  }
0x14: {  	s2 =	sld [smem:$0x3F99];
	s0 =	simm.s32 @p1 $0x1  }
0x15: {  	[smem:$0x3FB6] =	sst s0;
	s0 =	simm.s32 @!p2 $0x0  }
0x16: {  	s3 =	sld [smem:$0x3FDB];
	s0 =	simm.s32 @p2 $0x1  }
0x17: {  	s4 =	simm.s32 $0x1BF5;
	[smem:$0x3FB8] =	sst s0  }
0x18: {  	s0 =	sld [smem:$0x3F9B];
	_ =	swait.ge [sflag:s4], $0x0  }
0x19: {  	s7 =	sld [smem:$0x3F9C]  }
0x1a: {  	s8 =	sadd.s32 $0xFFFFE003, lr  }
0x1b: {  	s9 =	sadd.s32 $0xFFFFFEF7, lr;
	s5 =	simm.s32 $0xFFFFFFFF;
	p2 =	slt.u32 s8, $0xFFFFF086  }
0x1c: {  	p1 =	slt.u32 s9, $0xF7A;
	s5 =	simm.s32 @!p2 $0x0  }
0x1d: {  	s5 =	simm.s32 @p1 $0x1;
	p0 =	seq.s32 s7, s2  }
0x1e: {  	s7 =	smul.u32 @!p0 $0xF7A, s2;
	p2 =	seq.s32 @!p0 s5, $0x0  }
0x1f: {  	s9 =	smul.u32 $0xF7A, s1;
	s8 =	simm.s32 @!p0 $0x1BF5;
	p2 =	por !p2, p0  }
0x20: {  	[sflag:s8] =	ssyncset.s32 @!p0 $0xFFFFF086;
	s6 =	sadd.s32 @!p0 s3, s7;
	s7 =	simm.s32 @!p0 $0x108  }
0x21: {  	s3 =	sadd.s32 s3, s9;
	s6 =	sadd.s32 @!p0 $0x88, s6;
	s7 =	simm.s32 @p2 $0x1082  }
0x22: {  	[simem:s7], [sflag:s8] =	dma.local @!p0 [hbm:s6], $0xF7A  }
0x23: {  	s9 =	sor.u32 $0xD0000000, s2;
	s6 =	simm.s32 $0x108;
	_ =	swait.ge @!p0 [sflag:s8], $0x0  }
0x24: {  	s3 =	sadd.s32 $0x88, s3;
	s6 =	simm.s32 @!p1 $0x1082;
	[sflag:s4] =	ssyncset.s32 $0xFFFFF086  }
0x25: {  	[simem:s6], [sflag:s4] =	dma.local [hbm:s3], $0xF7A  }
0x26: {  	[smem:$0x3F9C] =	sst s1;
	(tag) =	ssettag s2;
	_ =	strace s9  }
0x27: {  	s1 =	sld [smem:$0x3FAC]  }
0x28: {  	s2 =	sld [smem:$0x3FAD]  }
0x29: {  	s4 =	sld [smem:$0x3FAF]  }
0x2a: {  	p0 =	seq.s32 s5, $0x0;
	s5 =	sld [smem:$0x3FB0]  }
0x2b: {  	s6 =	sld [smem:$0x3FB1]  }
0x2c: {  	s7 =	sld [smem:$0x3FB2]  }
0x2d: {  	s3 =	simm.s32 $0x108;
	s8 =	sld [smem:$0x3FB3]  }
0x2e: {  	s3 =	simm.s32 @!p0 $0x1082;
	s9 =	sld [smem:$0x3FB4]  }
0x2f: {  	lr =	sadd.s32 s0, s3;
	s0 =	sld [smem:$0x3FAB]  }
0x30: {  	s3 =	sld [smem:$0x3FAE]  }
0x31: {  	[smem:$0x3FB7] =	sst s10  }
0x32: {  	s10 =	sld [smem:$0x3FB5];
	_ =	sdelay $0x3  }
0x33: {  	p0 =	seq.s32 s10, $0x1;
	s10 =	sld [smem:$0x3FB7];
	_ =	sdelay $0x3  }
0x34: {  	[smem:$0x3FB7] =	sst s10  }
0x35: {  	s10 =	sld [smem:$0x3FB6];
	_ =	sdelay $0x3  }
0x36: {  	p1 =	seq.s32 s10, $0x1;
	s10 =	sld [smem:$0x3FB7];
	_ =	sdelay $0x3  }
0x37: {  	[smem:$0x3FB7] =	sst s10  }
0x38: {  	s10 =	sld [smem:$0x3FB8]  }
0x39: {  	_ = 	snop;
	(pc) =	sbr.ind lr, $3  }
0x3a: {  	_ = 	snop  }
0x3b: {  	_ = 	snop  }
0x3c: {  	p2 =	seq.s32 s10, $0x1;
	s10 =	sld [smem:$0x3FB7]  }
0x3d: {  	_ =	shalt  }
0x3e: {  	_ =	shalt  }
0x3f: {  	_ =	shalt  }
0x40: {  	_ =	shalt  }
0x41: {  	_ =	shalt  }
0x42: {  	_ =	shalt  }
0x43: {  	_ =	shalt  }
0x44: {  	_ =	shalt  }
0x45: {  	_ =	shalt  }
0x46: {  	_ =	shalt  }
0x47: {  	_ =	shalt  }
0x48: {  	_ =	shalt  }
0x49: {  	_ =	shalt  }
0x4a: {  	_ =	shalt  }
0x4b: {  	_ =	shalt  }
0x4c: {  	_ =	shalt  }
0x4d: {  	_ =	shalt  }
0x4e: {  	_ =	shalt  }
0x4f: {  	_ =	shalt  }
0x50: {  	_ =	shalt  }
0x51: {  	_ =	shalt  }
0x52: {  	_ =	shalt  }
0x53: {  	_ =	shalt  }
0x54: {  	_ =	shalt  }
0x55: {  	_ =	shalt  }
0x56: {  	_ =	shalt  }
0x57: {  	_ =	shalt  }
0x58: {  	_ =	shalt  }
0x59: {  	_ =	shalt  }
0x5a: {  	_ =	shalt  }
0x5b: {  	_ =	shalt  }
0x5c: {  	_ =	shalt  }
0x5d: {  	_ =	shalt  }
0x5e: {  	_ =	shalt  }
0x5f: {  	_ =	shalt  }
0x60: {  	_ =	shalt  }
0x61: {  	_ =	shalt  }
0x62: {  	_ =	shalt  }
0x63: {  	_ =	shalt  }
0x64: {  	_ =	shalt  }
0x65: {  	_ =	shalt  }
0x66: {  	_ =	shalt  }
0x67: {  	_ =	shalt  }
0x68: {  	_ =	shalt  }
0x69: {  	_ =	shalt  }
0x6a: {  	_ =	shalt  }
0x6b: {  	_ =	shalt  }
0x6c: {  	_ =	shalt  }
0x6d: {  	_ =	shalt  }
0x6e: {  	_ =	shalt  }
0x6f: {  	_ =	shalt  }
0x70: {  	_ =	shalt  }
0x71: {  	_ =	shalt  }
0x72: {  	_ =	shalt  }
0x73: {  	_ =	shalt  }
0x74: {  	_ =	shalt  }
0x75: {  	_ =	shalt  }
0x76: {  	_ =	shalt  }
0x77: {  	_ =	shalt  }
0x78: {  	_ =	shalt  }
0x79: {  	_ =	shalt  }
0x7a: {  	_ =	shalt  }
0x7b: {  	_ =	shalt  }
0x7c: {  	_ =	shalt  }
0x7d: {  	_ =	shalt  }
0x7e: {  	_ =	shalt  }
0x7f: {  	_ =	shalt  }
0x80: {  	_ =	shalt  }
0x81: {  	_ =	shalt  }
0x82: {  	_ =	shalt  }
0x83: {  	_ =	shalt  }
0x84: {  	_ =	shalt  }
0x85: {  	_ =	shalt  }
0x86: {  	_ =	shalt  }
0x87: {  	_ =	shalt  }
.Lfunc_end0:
.L_simem_size_0:
called_computation_lowered:
.L_overlay_start_0:
0x88: {  	s0 =	sld [smem:$0x3FD9]  }
0x89: {  	s1 =	sld [smem:$0x3FFE];
	_ =	sdelay $0x3  }
0x8a: {  	s0 =	sadd.s32 s1, s0  }
0x8b: {  	[smem:$0x3FC3] =	sst s0  }
0x8c: {  	_ = 	snop  }
0x8d: {  	s0 =	sld [smem:$0x3FC8]  }
0x8e: {  	s16 =	sld [smem:$0x3FC7]  }
0x8f: {  	s2 =	sld [smem:$0x3FD0];
	(tm) =	ssettm $0x1  }
0x90: {  	s3 =	sld [smem:$0x3FFB];
	_ =	sdelay $0x3  }
0x91: {  	_ =	strace s3  }
0x92: {  	s3 =	sld [smem:$0x3FFC];
	_ =	sdelay $0x3  }
0x93: {  	_ =	strace s3  }
0x94: {  	s3 =	sld [smem:$0x3FFD];
	_ =	sdelay $0x3  }
0x95: {  	_ =	strace s3  }
0x96: {  	_ =	strace $0x8FFFFFFF  }
0x97: {  	s17 =	sld [smem:$0x3FDB];
	_ =	sdelay $0x1  }
0x98: {  	s4 =	simm.s32 $_scs_section_size  }
0x99: {  	s5 =	simm.s32 $_size__tile_overlayer_lowered;
	s6 =	simm.s32 $_tile_overlayer_lowered  }
0x9a: {  	s20 =	simm.s32 $0x1BFF;
	s19 =	sshll.u32 s6, $0x1;
	s3 =	sadd.s32 s4, s17  }
0x9b: {  	s7 =	simm.s32 $0x0;
	s18 =	sshll.u32 s5, $0x1;
	s5 =	sadd.s32 s19, s3  }
0x9c: {  	[timem:s7], [sflag:s20] =	dma.local [hbm:s5], s18  }
0x9d: {  	_ =	swait.ge [sflag:s20], s18  }
0x9e: {  	s4 =	ssub.s32 $0x0, s18;
	[sflag:s20] =	ssyncset.done $0x0  }
0x9f: {  	[sflag:s20] =	ssyncadd.s32 s4;
	_ =	sdelay $0x1  }
0xa0: {  	s21 =	simm.s32 $0x1B8B  }
0xa1: {  	_ =	swait.ge [sflag:s21], $0x1  }
0xa2: {  	[sflag:s21] =	ssyncset.done $0x0  }
0xa3: {  	s23 =	simm.s32 $0x1B8E;
	s22 =	sld [smem:$0x3FFE];
	[sflag:s21] =	ssyncadd.s32 $0xFFFFFFFF  }
0xa4: {  	s24 =	simm.s32 $execute0_lowered;
	[smem:$0x3FD2] =	sst s23  }
0xa5: {  	s5 =	sshll.u32 s24, $0x1;
	_ =	strace $0x80000046;
	[dreg:$0x1] =	wrdreg $0xFFFFFFFF  }
0xa6: {  	s25 =	simm.s32 $_size_execute0_lowered;
	s3 =	sadd.s32 s3, s5;
	[dreg:$0x0] =	wrdreg $0x0  }
0xa7: {  	s5 =	sshll.u32 s25, $0x1;
	[dreg:$0x2] =	wrdreg s3  }
0xa8: {  	[dreg:$0x3] =	wrdreg s5  }
0xa9: {  	[dreg:$0x4] =	wrdreg $0xC0  }
0xaa: {  	_ =	task [dreg:s7], $0x5FFFF  }
0xab: {  	[dreg:$0x1] =	wrdreg $0xFFFFFFFF  }
0xac: {  	[dreg:$0x0] =	wrdreg $0x60  }
0xad: {  	[dreg:$0x2] =	wrdreg s16  }
0xae: {  	[dreg:$0x3] =	wrdreg s0  }
0xaf: {  	[dreg:$0x4] =	wrdreg s22  }
0xb0: {  	[dreg:$0x5] =	wrdreg s2  }
0xb1: {  	[dreg:$0x6] =	wrdreg $0x12800  }
0xb2: {  	[dreg:$0x7] =	wrdreg $0x9  }
0xb3: {  	_ =	task.clear_ibuf [dreg:s7], $0x8FFFF;
	_ =	strace $0x90000046  }
0xb4: {  	s26 =	simm.s32 $0x9;
	_ =	strace $0x80000048  }
0xb5: {  	_ =	swait.ge [sflag:s26], $0x1  }
0xb6: {  	[sflag:s26] =	ssyncadd.s32 $0xFFFFFFFF  }
0xb7: {  	_ =	strace $0x90000048  }
0xb8: {  	_ =	sfence  }
0xb9: {  	s28 =	sld [smem:$0x0];
	_ =	sdelay $0x1  }
0xba: {  	s29 =	srdreg.scid  }
0xbb: {  	s30 =	sshll.u32 s29, $0xD;
	s31 =	sshrl.u32 s29, $0x2  }
0xbc: {  	s1 =	sand.u32 $0x1, s29;
	s2 =	sand.u32 $0x4000, s30;
	s0 =	sadd.s32 s31, s28  }
0xbd: {  	s1 =	sor.u32 s2, s1;
	s0 =	sshll.u32 s0, $0x11  }
0xbe: {  	s0 =	sor.u32 s0, s1  }
0xbf: {  	s0 =	sadd.s32 $0x8F2B, s0  }
0xc0: {  	[sflag:s0] =	ssyncadd.remote.s32 $0x1  }
0xc1: {  	_ =	sfence.sel $0xFFFF  }
0xc2: {  	[dreg:$0x0] =	wrdreg $0xFFFFFFFF;
	(pc) =	sbr.abs _section_cstart, $3  }
0xc3: {  	[dreg:$0x1] =	wrdreg $0xFFFFFFFF  }
0xc4: {  	_ =	task.clear_ibuf [dreg:s7], $0x2FFFF;
	_ =	strace $0x9FFFFFFF  }
0xc5: {  	(tm) =	ssettm $0x7FFFFFFF  }
tec
execute0_lowered:
.L_overlay_start_1:
0x0: {  	(tag) =	ssettag $0x1  }
0x1: {  	s6 =	rddreg [dreg:$0x0]  }
0x2: {  	s7 =	rddreg [dreg:$0x1]  }
0x3: {  	s3 =	rddreg [dreg:$0x2]  }
0x4: {  	s1 =	rddreg [dreg:$0x3]  }
0x5: {  	s5 =	rddreg [dreg:$0x4]  }
0x6: {  	s0 =	rddreg [dreg:$0x5];
	s8 =	simm.s32 $0x0;
	s4 =	stileid.u32  }
0x7: {  	[smem:$0x7FF] =	sst s8;
	s2 =	sshll.u32 s4, $0x5  }
0x8: {  	s28 =	simm.s32 $0x2;
	_ =	strace $0x80000047;
	s6 =	sadd.s32 s6, s2  }
0x9: {  	[tilespmem:s8], [sflag:$0x2] =	stream.linear.gather [hbm4b:s6+s8], $0x100, $0x38;
	[tilespmem:$0x1298] =	vst v63  }
0xa: {  	_ =	swait.ge [sflag:s28], $0x100  }
0xb: {  	[sflag:s28] =	ssyncset.done $0x0  }
0xc: {  	s9 =	simm.s32 $0x100;
	s7 =	sadd.s32 s7, s2;
	[sflag:s28] =	ssyncadd.s32 $0xFFFFFF00  }
0xd: {  	[tilespmem:s9], [sflag:$0x2] =	stream.linear.gather [hbm4b:s7+s8], $0x100, $0x38;
	[tilespmem:$0x1298] =	vst v63  }
0xe: {  	_ =	swait.ge [sflag:s28], $0x100  }
0xf: {  	[sflag:s28] =	ssyncset.done $0x0  }
0x10: {  	[sflag:s28] =	ssyncadd.s32 $0xFFFFFF00  }
0x11: {  	v0 =	vld [tilespmem:$0x0];
	_ =	sdelay $0x5  }
0x12: {  	v1 =	vimm.s32 $0x0  }
0x13: {  	v2 =	vimm.s32 $0x1;
	s29 =	simm.s32 $0x200;
	[tilespmem:$0x200] =	vst v1  }
0x14: {  	[tilespmem:v0+s29+$0x0] =	vst.idx.add.s32.msk $0xffff, v2  }
0x15: {  	v0 =	vld [tilespmem:$0x10];
	_ =	sdelay $0x7  }
0x16: {  	[tilespmem:v0+s29+$0x0] =	vst.idx.add.s32.msk $0xffff, v2  }
0x17: {  	v0 =	vld [tilespmem:$0x20];
	_ =	sdelay $0x7  }
0x18: {  	[tilespmem:v0+s29+$0x0] =	vst.idx.add.s32.msk $0xffff, v2  }
0x19: {  	v0 =	vld [tilespmem:$0x30];
	_ =	sdelay $0x7  }
0x1a: {  	[tilespmem:v0+s29+$0x0] =	vst.idx.add.s32.msk $0xffff, v2  }
0x1b: {  	v0 =	vld [tilespmem:$0x40];
	_ =	sdelay $0x7  }
0x1c: {  	[tilespmem:v0+s29+$0x0] =	vst.idx.add.s32.msk $0xffff, v2  }
0x1d: {  	v0 =	vld [tilespmem:$0x50];
	_ =	sdelay $0x7  }
0x1e: {  	[tilespmem:v0+s29+$0x0] =	vst.idx.add.s32.msk $0xffff, v2  }
0x1f: {  	v0 =	vld [tilespmem:$0x60];
	_ =	sdelay $0x7  }
0x20: {  	[tilespmem:v0+s29+$0x0] =	vst.idx.add.s32.msk $0xffff, v2  }
0x21: {  	v0 =	vld [tilespmem:$0x70];
	_ =	sdelay $0x7  }
0x22: {  	[tilespmem:v0+s29+$0x0] =	vst.idx.add.s32.msk $0xffff, v2  }
0x23: {  	v0 =	vld [tilespmem:$0x80];
	_ =	sdelay $0x7  }
0x24: {  	[tilespmem:v0+s29+$0x0] =	vst.idx.add.s32.msk $0xffff, v2  }
0x25: {  	v0 =	vld [tilespmem:$0x90];
	_ =	sdelay $0x7  }
0x26: {  	[tilespmem:v0+s29+$0x0] =	vst.idx.add.s32.msk $0xffff, v2  }
0x27: {  	v0 =	vld [tilespmem:$0xA0];
	_ =	sdelay $0x7  }
0x28: {  	[tilespmem:v0+s29+$0x0] =	vst.idx.add.s32.msk $0xffff, v2  }
0x29: {  	v0 =	vld [tilespmem:$0xB0];
	_ =	sdelay $0x7  }
0x2a: {  	[tilespmem:v0+s29+$0x0] =	vst.idx.add.s32.msk $0xffff, v2  }
0x2b: {  	v0 =	vld [tilespmem:$0xC0];
	_ =	sdelay $0x7  }
0x2c: {  	[tilespmem:v0+s29+$0x0] =	vst.idx.add.s32.msk $0xffff, v2  }
0x2d: {  	v0 =	vld [tilespmem:$0xD0];
	_ =	sdelay $0x7  }
0x2e: {  	[tilespmem:v0+s29+$0x0] =	vst.idx.add.s32.msk $0xffff, v2  }
0x2f: {  	v0 =	vld [tilespmem:$0xE0];
	_ =	sdelay $0x7  }
0x30: {  	[tilespmem:v0+s29+$0x0] =	vst.idx.add.s32.msk $0xffff, v2  }
0x31: {  	v0 =	vld [tilespmem:$0xF0];
	_ =	sdelay $0x5  }
0x32: {  	s30 =	sshll.u32 s4, $0x7  }
0x33: {  	s8 =	sadd.s32 s30, s5  }
0x34: {  	s8 =	sadd.s32 $0x400, s8;
	[tilespmem:v0+s29+$0x0] =	vst.idx.add.s32.msk $0xffff, v2  }
0x35: {  	[spmem:s8] =	stream.linear.scatter [tilespmem:s29], [sflag:$0x2], $0x80, $0x38;
	[tilespmem:$0x1298] =	vst v63  }
0x36: {  	_ =	swait.ge [sflag:s28], $0x80  }
0x37: {  	[sflag:s28] =	ssyncset.done $0x0  }
0x38: {  	[sflag:s28] =	ssyncadd.s32 $0xFFFFFF80  }
0x39: {  	[bflag:$0x0] =	sbarrier.arrive $0xFFFF  }
0x3a: {  	s31 =	simm.s32 $0x300;
	s5 =	sadd.s32 $0x400, s5;
	[bflag:$0x0] =	sbarrier.arrive $0xFFFF  }
0x3b: {  	[tilespmem:s31], [sflag:$0x2] =	stream.linear.gather [spmem:s5], $0x800, $0x38;
	[tilespmem:$0x1298] =	vst v63  }
0x3c: {  	_ =	swait.ge [sflag:s28], $0x800  }
0x3d: {  	[sflag:s28] =	ssyncset.done $0x0  }
0x3e: {  	[sflag:s28] =	ssyncadd.s32 $0xFFFFF800  }
0x3f: {  	v0 =	vld [tilespmem:$0x300]  }
0x40: {  	v3 =	vld [tilespmem:$0x380]  }
0x41: {  	v4 =	vld [tilespmem:$0x400]  }
0x42: {  	v5 =	vld [tilespmem:$0x480]  }
0x43: {  	v6 =	vld [tilespmem:$0x500]  }
0x44: {  	v7 =	vld [tilespmem:$0x580]  }
0x45: {  	v8 =	vld [tilespmem:$0x600];
	v9 =	vadd.s32 v3, v0  }
0x46: {  	v10 =	vld [tilespmem:$0x680];
	v9 =	vadd.s32 v4, v9  }
0x47: {  	vm5 =	vcmask $0x3F04;
	vm14 =	vcmask $0x3F08;
	v11 =	vld [tilespmem:$0x700];
	v9 =	vadd.s32 v5, v9  }
0x48: {  	vm3 =	vcmask $0x3F24;
	vm9 =	vcmask $0x3F10;
	p1 =	sgt.u32 s4, $0x1;
	s6 =	simm.s32 $0x1;
	v12 =	vld [tilespmem:$0x780];
	v9 =	vadd.s32 v6, v9  }
0x49: {  	vm13 =	vcmask $0x3F14;
	vm10 =	vcmask $0x3F28;
	p0 =	sne.s32 s4, $0x0;
	s6 =	simm.s32 @!p1 $0x0;
	s5 =	simm.s32 $0x1;
	v13 =	vld [tilespmem:$0x800];
	v9 =	vadd.s32 v7, v9  }
0x4a: {  	vm0 =	vcmask $0x2B00;
	vm11 =	vcmask $0x3F18;
	p1 =	sgt.u32 s4, $0x2;
	s7 =	simm.s32 $0x1;
	s5 =	simm.s32 @!p0 $0x0;
	v14 =	vld [tilespmem:$0x880];
	v9 =	vadd.s32 v8, v9  }
0x4b: {  	s7 =	simm.s32 @!p1 $0x0;
	p1 =	sgt.u32 s4, $0x3;
	s8 =	simm.s32 $0x1;
	v15 =	vld [tilespmem:$0x900];
	v0 =	vmul.u32 s5, v0;
	v3 =	vmul.u32 s6, v3;
	v9 =	vadd.s32 v10, v9  }
0x4c: {  	vm6 =	vcmask $0x3F1C;
	s8 =	simm.s32 @!p1 $0x0;
	p1 =	sgt.u32 s4, $0x4;
	v16 =	vld [tilespmem:$0x980];
	s5 =	simm.s32 $0x1;
	v4 =	vmul.u32 s7, v4;
	v9 =	vadd.s32 v11, v9  }
0x4d: {  	v17 =	vld [tilespmem:$0xA00];
	s6 =	simm.s32 $0x1;
	s5 =	simm.s32 @!p1 $0x0;
	p1 =	sgt.u32 s4, $0x5;
	v0 =	vadd.s32 v0, v3;
	v3 =	vmul.u32 s8, v5;
	v9 =	vadd.s32 v12, v9  }
0x4e: {  	v18 =	vld [tilespmem:$0xA80];
	s7 =	simm.s32 $0x1;
	s6 =	simm.s32 @!p1 $0x0;
	p1 =	sgt.u32 s4, $0x6;
	v0 =	vadd.s32 v4, v0;
	v4 =	vmul.u32 s5, v6;
	v9 =	vadd.s32 v13, v9  }
0x4f: {  	s7 =	simm.s32 @!p1 $0x0;
	p1 =	sgt.u32 s4, $0x7;
	s5 =	simm.s32 $0x1;
	v0 =	vadd.s32 v3, v0;
	v3 =	vmul.u32 s6, v7;
	v5 =	vadd.s32 v14, v9  }
0x50: {  	s5 =	simm.s32 @!p1 $0x0;
	p1 =	sgt.u32 s4, $0x8;
	s6 =	simm.s32 $0x1;
	v0 =	vadd.s32 v4, v0;
	v4 =	vmul.u32 s7, v8;
	v5 =	vadd.s32 v15, v5  }
0x51: {  	s6 =	simm.s32 @!p1 $0x0;
	p1 =	sgt.u32 s4, $0x9;
	s7 =	simm.s32 $0x1;
	v0 =	vadd.s32 v3, v0;
	v3 =	vmul.u32 s5, v10;
	v5 =	vadd.s32 v16, v5  }
0x52: {  	s7 =	simm.s32 @!p1 $0x0;
	p1 =	sgt.u32 s4, $0xA;
	s5 =	simm.s32 $0x1;
	v0 =	vadd.s32 v4, v0;
	v4 =	vmul.u32 s6, v11;
	v5 =	vadd.s32 v17, v5  }
0x53: {  	s5 =	simm.s32 @!p1 $0x0;
	p1 =	sgt.u32 s4, $0xB;
	s6 =	simm.s32 $0x1;
	v0 =	vadd.s32 v3, v0;
	v3 =	vmul.u32 s7, v12;
	v5 =	vadd.s32 v18, v5  }
0x54: {  	s6 =	simm.s32 @!p1 $0x0;
	p1 =	sgt.u32 s4, $0xC;
	s7 =	simm.s32 $0x1;
	v0 =	vadd.s32 v4, v0;
	v4 =	vmul.u32 s5, v13;
	v5 =	vadd.s32 $0x3F, v5  }
0x55: {  	s7 =	simm.s32 @!p1 $0x0;
	p1 =	sgt.u32 s4, $0xD;
	s5 =	simm.s32 $0x1;
	v0 =	vadd.s32 v3, v0;
	v3 =	vmul.u32 s6, v14;
	v5 =	vshra.s32 v5, $0x6  }
0x56: {  	vm15 =	vcmask $0x3F30;
	s5 =	simm.s32 @!p1 $0x0;
	v0 =	vadd.s32 v4, v0;
	v4 =	vmul.u32 s7, v15;
	(xrf0) =	vadd.scan.msk.s32 $0xffff, v5  }
0x57: {  	vm4 =	vcmask $0x3F20;
	v0 =	vadd.s32 v3, v0;
	v3 =	vmul.u32 s5, v16  }
0x58: {  	vm8 =	vcmask $0x3F34;
	vm1 =	vcmask $0x3B38;
	s6 =	simm.s32 $0x1;
	p1 =	seq.s32 s4, $0xF;
	v0 =	vadd.s32 v4, v0  }
0x59: {  	vm2 =	vcmask $0x3B00;
	s6 =	simm.s32 @!p1 $0x0;
	v0 =	vadd.s32 v3, v0;
	v3 =	vimm.s32 $0xEDCBA987  }
0x5a: {  	v7 =	vimm.s32 $0x54321000;
	v4 =	vmul.u32 s6, v17;
	v3 =	vunpack.c.l.s4.s8 v3  }
0x5b: {  	v6 =	vimm.s32 $0x65432100;
	v7 =	vunpack.c.l.s4.s8 v7;
	v11 =	vimm.s32 $0xA9876540  }
0x5c: {  	v12 =	vimm.s32 $0xE4000;
	v4 =	vadd.s32 v4, v0;
	v3 =	vunpack.c.0.s8.s32 v3;
	v0, _, _ =	vpop (xrf0)  }
0x5d: {  	v0 =	vsub.s32 v0, v5;
	v5 =	vunpack.c.l.s4.s8 v6;
	v6 =	vimm.s32 $0xDCBA9876  }
0x5e: {  	v9 =	vimm.s32 $0x39000;
	v6 =	vunpack.c.l.s4.s8 v6;
	v8 =	vshll.u32 v0, $0x6  }
0x5f: {  	v3 =	vand.u32 $0xF, v3;
	v5 =	vunpack.c.0.s8.s32 v5;
	v10 =	vadd.s32 v8, v4  }
0x60: {  	v8 =	vimm.s32 $0xBA987654;
	v4 =	vunpack.c.0.s8.s32 v6;
	v6 =	vimm.s32 $0xCBA98765  }
0x61: {  	v8 =	vunpack.c.l.s4.s8 v8;
	v3 =	vcombine.low v5, v3;
	v5 =	vunpack.c.0.s8.s32 v7  }
0x62: {  	v7 =	vimm.s32 $0x43210000;
	v6 =	vunpack.c.l.s4.s8 v6;
	v4 =	vand.u32 $0xF, v4  }
0x63: {  	v4 =	vcombine.low v5, v4;
	v5 =	vunpack.c.l.s4.s8 v7;
	v7 =	vimm.s32 $0x32100000  }
0x64: {  	v9 =	vunpack.c.l.s2.s4 v9;
	v6 =	vunpack.c.0.s8.s32 v6;
	v7 =	vunpack.c.l.s4.s8 v7  }
0x65: {  	v11 =	vunpack.c.l.s4.s8 v11;
	v8 =	vunpack.c.0.s8.s32 v8;
	v5 =	vunpack.c.0.s8.s32 v5  }
0x66: {  	v9 =	vunpack.c.l.s4.s8 v9;
	v6 =	vand.u32 $0xF, v6;
	v7 =	vunpack.c.0.s8.s32 v7  }
0x67: {  	v12 =	vunpack.c.l.s2.s4 v12;
	v8 =	vand.u32 $0xF, v8;
	v6 =	vcombine.low v5, v6  }
0x68: {  	v5 =	vcombine.low v7, v8;
	v7 =	vunpack.c.0.s8.s32 v9;
	v8 =	vunpack.c.0.s8.s32 v11  }
0x69: {  	v9 =	vunpack.c.l.s4.s8 v12;
	v11 =	vimm.s32 $0x390000;
	v12 =	vimm.s32 $0x98765400  }
0x6a: {  	vm7 =	vcmask $0x3F2C;
	v11 =	vunpack.c.l.s2.s4 v11;
	v12 =	vunpack.c.l.s4.s8 v12  }
0x6b: {  	v14 =	vimm.s32 $0xE400000;
	v7 =	vand.u32 $0x3, v7;
	v9 =	vunpack.c.0.s8.s32 v9  }
0x6c: {  	v8 =	vsel vm3, v8, v7;
	v7 =	vunpack.c.l.s4.s8 v11;
	v11 =	vunpack.c.0.s8.s32 v12  }
0x6d: {  	v13 =	vimm.s32 $0xE40000;
	v14 =	vunpack.c.l.s2.s4 v14;
	v9 =	vand.u32 $0x3, v9  }
0x6e: {  	v12 =	vunpack.c.0.s8.s32 v7;
	v7 =	vsel vm10, v11, v9;
	v11 =	vunpack.c.l.s2.s4 v13  }
0x6f: {  	vm12 =	vcmask $0x3F38;
	v14 =	vunpack.c.l.s4.s8 v14;
	v9 =	vimm.s32 $0x4070605  }
0x70: {  	s6 =	simm.s32 $0x0;
	[tilespmem:$0x280] =	vst v10;
	v9 =	vunpack.c.0.s8.s32 v9;
	v12 =	vand.u32 $0x3, v12;
	v11 =	vunpack.c.l.s4.s8 v11  }
0x71: {  	v21 =	vld [tilespmem:s6+$0x0];
	v13 =	vimm.s32 $0x3900000;
	v12 =	vnsel vm0, $0x8, v12;
	vm0 =	vcmask $0x3B2C  }
0x72: {  	v30 =	vld [tilespmem:s6+$0x100];
	v9 =	vsel vm0, v9, v12;
	v12 =	vimm.s32 $0x7060504;
	v11 =	vunpack.c.0.s8.s32 v11  }
0x73: {  	v15 =	vimm.s32 $0x6050400;
	v13 =	vunpack.c.l.s2.s4 v13;
	v12 =	vunpack.c.0.s8.s32 v12  }
0x74: {  	v15 =	vunpack.c.0.s8.s32 v15;
	v14 =	vunpack.c.0.s8.s32 v14;
	v11 =	vand.u32 $0x3, v11  }
0x75: {  	v12 =	vsel vm15, v12, v11;
	v11 =	vunpack.c.l.s4.s8 v13;
	v13 =	vimm.s32 $0x39000000  }
0x76: {  	v16 =	vimm.s32 $0xE4000000;
	v14 =	vand.u32 $0x3, v14;
	v13 =	vunpack.c.l.s2.s4 v13  }
0x77: {  	v19 =	vperm.xlane v21, v4;
	v30 =	vand.u32 $0x3FF, v30;
	v11 =	vunpack.c.0.s8.s32 v11  }
0x78: {  	v34 =	vperm.xlane v21, v6;
	v33 =	vperm.xlane v21, v5;
	v13 =	vunpack.c.l.s4.s8 v13  }
0x79: {  	vm0 =	vcmask $0x3700;
	v10 =	vand.u32 $0x3, v11;
	v11 =	vunpack.c.l.s2.s4 v16  }
0x7a: {  	v28 =	vperm.xlane v21, v7;
	v14 =	vnsel vm0, $0x5, v14;
	v16 =	vunpack.c.0.s8.s32 v13  }
0x7b: {  	v14 =	vsel vm1, $0x4, v14;
	v13 =	vsel vm8, v15, v10;
	v11 =	vunpack.c.l.s4.s8 v11  }
0x7c: {  	v17 =	vperm.xlane v21, v12;
	v22 =	vperm.xlane v21, v13;
	v10 =	vand.u32 $0x3, v16  }
0x7d: {  	v16 =	vimm.s32 $0x2;
	v11 =	vunpack.c.0.s8.s32 v11;
	v15 =	vnsel vm2, $0x4, v10  }
0x7e: {  	v10 =	vsel vm0, $0x0, v16;
	vm0 =	veq.s32 v17, v21;
	v17 =	vperm.xlane v21, v3  }
0x7f: {  	v18 =	vperm.xlane v21, v15;
	vm0 =	vmand vm0, vm4;
	v16 =	vand.u32 $0x3, v11  }
0x80: {  	v11 =	vsel vm1, $0x1, v10;
	v10 =	vsel vm2, $0x0, v2;
	vm2 =	vcmask $0x3F3C  }
0x81: {  	v25 =	vsel vm0, $0x1, v1;
	vm1 =	veq.s32 v18, v21;
	v18 =	vperm.xlane v21, v16  }
0x82: {  	v31 =	vld [tilespmem:$0x280];
	v23 =	vperm.xlane v21, v10;
	vm0 =	vmand vm1, vm7;
	vm1 =	veq.s32 v19, v21  }
0x83: {  	v19 =	vsel vm0, $0x1, v1;
	vm0 =	veq.s32 v17, v21;
	v17 =	vperm.xlane v21, v14  }
0x84: {  	vm1 =	vmand vm1, vm14;
	vm14 =	vcmask $0x3F0C;
	vm0 =	vmand vm0, vm5  }
0x85: {  	v27 =	vsel vm1, $0x1, v1;
	v26 =	vsel vm0, $0x1, v1;
	vm0 =	veq.s32 v18, v21  }
0x86: {  	vm1 =	veq.s32 v17, v21;
	v17 =	vperm.xlane v21, v11;
	v18 =	vperm.xlane v21, v8  }
0x87: {  	vm0 =	vmand vm0, vm15;
	v27 =	vadd.s32 v26, v27;
	v26 =	vperm.xlane v31, v21  }
0x88: {  	v20 =	vsel vm0, $0x1, v1;
	vm0 =	vmand vm1, vm10;
	vm1 =	veq.s32 v17, v21  }
0x89: {  	v17 =	vperm.xlane v21, v1;
	v29 =	vsel vm0, $0x1, v1;
	vm1 =	vmand vm1, vm8  }
0x8a: {  	vm0 =	veq.s32 v22, v21;
	v22 =	vsel vm1, $0x1, v1;
	vm1 =	veq.s32 v23, v21  }
0x8b: {  	vm8 =	vmmov vm7;
	vm0 =	vmand vm0, vm3;
	vm1 =	vmand vm1, vm12  }
0x8c: {  	s8 =	simm.s32 $0x280;
	v32 =	vsel vm0, $0x1, v1;
	vm0 =	veq.s32 v18, v21;
	v18 =	vperm.xlane v21, v9  }
0x8d: {  	s7 =	simm.s32 $0x10;
	[tilespmem:v21+s8+$0x0] =	vst.idx.add.s32.msk $0xffff, v2;
	vm12 =	vmmov vm4;
	v23 =	vsel vm1, $0x1, v1;
	vm1 =	veq.s32 v17, v21  }
0x8e: {  	vm0 =	vmand vm0, vm13;
	v17 =	vld [tilespmem:s7+$0x0];
	vm13 =	vmmov vm9;
	vm1 =	vmand vm1, vm2  }
0x8f: {  	v24 =	vsel vm1, $0x1, v1;
	vm1 =	veq.s32 v28, v21;
	v28 =	vsel vm0, $0x1, v1  }
0x90: {  	vm0 =	veq.s32 v18, v21;
	v18 =	vlaneseq.u32;
	vm1 =	vmand vm1, vm11  }
0x91: {  	s9 =	sshll.u32 s4, $0x8;
	vm0 =	vmand vm0, vm6;
	v35 =	vsel vm1, $0x1, v1;
	vm1 =	veq.s32 v33, v21  }
0x92: {  	v37 =	vor.u32 s9, v18;
	v58 =	vsel vm0, $0x1, v1;
	vm0 =	vmand vm1, vm9  }
0x93: {  	v59 =	vperm.xlane v17, v12;
	v36 =	vsel vm0, $0x1, v1;
	vm0 =	veq.s32 v34, v21  }
0x94: {  	vm11 =	vmmov vm15;
	v39 =	vperm.xlane v17, v15;
	vm0 =	vmand vm0, vm14  }
0x95: {  	v31 =	vperm.xlane v17, v3;
	v38 =	vsel vm0, $0x1, v1;
	vm0 =	veq.s32 v59, v17  }
0x96: {  	v60 =	vperm.xlane v17, v4;
	vm9 =	vmmov vm5;
	vm0 =	vmand vm0, vm4  }
0x97: {  	v62 =	vperm.xlane v17, v14;
	v21 =	vsel vm0, $0x1, v1;
	vm0 =	veq.s32 v39, v17  }
0x98: {  	vm1 =	vcmask $0x3F08;
	v27 =	vadd.s32 v38, v27;
	vm0 =	vmand vm0, vm7  }
0x99: {  	v36 =	vadd.s32 v36, v27;
	v27 =	vsel vm0, $0x1, v1;
	vm0 =	veq.s32 v31, v17  }
0x9a: {  	v28 =	vadd.s32 v28, v36;
	v31 =	vperm.xlane v17, v16;
	vm0 =	vmand vm0, vm5  }
0x9b: {  	v28 =	vadd.s32 v35, v28;
	v61 =	vsel vm0, $0x1, v1;
	vm0 =	veq.s32 v60, v17  }
0x9c: {  	vm10 =	vmmov vm1;
	v28 =	vadd.s32 v58, v28;
	vm0 =	vmand vm0, vm1  }
0x9d: {  	v25 =	vadd.s32 v25, v28;
	v63 =	vsel vm0, $0x1, v1;
	vm0 =	veq.s32 v31, v17  }
0x9e: {  	s11 =	simm.s32 $0x80;
	[tilespmem:s6+$0xE00] =	vst v30;
	v28 =	vperm.xlane v17, v6;
	v31 =	vadd.s32 v32, v25;
	vm0 =	vmand vm0, vm15  }
0x9f: {  	s4 =	sadd.s32 $0x1E00, s3;
	s5 =	sadd.s32 $0x1A00, s3;
	s3 =	sadd.s32 $0x1600, s3;
	[tilespmem:s6+$0xD00] =	vst v37;
	v25 =	vadd.s32 v61, v63;
	v29 =	vadd.s32 v29, v31;
	vm15 =	veq.s32 v62, v17  }
.LBB2_1:
0xa0: {  	v30 =	vperm.xlane v17, v5  }
0xa1: {  	v31 =	vperm.xlane v17, v8;
	v29 =	vadd.s32 v19, v29;
	vm3 =	vcmask $0x3F14  }
0xa2: {  	vm4 =	vcmask $0x3F18;
	vm5 =	vcmask $0x3F1C;
	vm6 =	vcmask $0x3F24  }
0xa3: {  	v19 =	vmovc v27;
	s10 =	smov.u32 s11;
	vm7 =	vcmask $0x3F34;
	vm1 =	veq.s32 v28, v17;
	v27 =	vadd.s32 v20, v29  }
0xa4: {  	s12 =	sshra.s32 s11, $0x2;
	s9 =	sadd.s32 $0x10, s9;
	s10 =	sadd.s32 $0x40, s11;
	v20 =	vsel vm0, $0x1, v1;
	vm0 =	vmand vm1, vm14;
	vm1 =	veq.s32 v30, v17  }
0xa5: {  	p1 =	sne.s32 s11, $0x3C0;
	v22 =	vadd.s32 v22, v27;
	v27 =	vperm.xlane v17, v7;
	vm2 =	veq.s32 v31, v17  }
0xa6: {  	vm1 =	vmand vm1, vm13;
	v22 =	vadd.s32 v23, v22;
	v23 =	vperm.xlane v17, v9  }
0xa7: {  	vm2 =	vmand vm2, vm3;
	v22 =	vadd.s32 v26, v22;
	vm3 =	veq.s32 v27, v17  }
0xa8: {  	vm3 =	vmand vm3, vm4;
	vm4 =	veq.s32 v23, v17;
	v23 =	vperm.xlane v17, v13  }
0xa9: {  	v22 =	vadd.s32 v24, v22;
	v26 =	vld [tilespmem:s7+$0x100];
	vm4 =	vmand vm4, vm5;
	vm5 =	vcmask $0x3F28  }
0xaa: {  	v24 =	vperm.xlane v17, v11;
	[tilespmem:s6+$0xB00] =	vst v22;
	vm15 =	vmand vm15, vm5;
	vm5 =	veq.s32 v23, v17  }
0xab: {  	v23 =	vperm.xlane v17, v1;
	[tilespmem:s6+$0xC00] =	vst v22;
	s6 =	smov.u32 s7;
	s7 =	smov.u32 s12;
	v22 =	vperm.xlane v17, v10;
	vm5 =	vmand vm5, vm6  }
0xac: {  	vm6 =	veq.s32 v24, v17;
	v24 =	vor.u32 s9, v18;
	v29 =	vsel vm15, $0x1, v1;
	v27 =	vld [tilespmem:$0x280]  }
0xad: {  	vm15 =	vcmask $0x3F38;
	vm6 =	vmand vm6, vm7;
	[tilespmem:v17+s8+$0x0] =	vst.idx.add.s32.msk $0xffff, v2;
	vm7 =	veq.s32 v22, v17  }
0xae: {  	v28 =	vld [tilespmem:s7+$0x0];
	[tilespmem:s6+$0xD00] =	vst v24;
	v22 =	vand.u32 $0x3FF, v26;
	vm7 =	vmand vm7, vm15  }
0xaf: {  	vm15 =	veq.s32 v23, v17;
	[tilespmem:s6+$0xE00] =	vst v22;
	v22 =	vsel vm6, $0x1, v1;
	vm6 =	vcmask $0x3F3C  }
0xb0: {  	v23 =	vsel vm7, $0x1, v1;
	vm6 =	vmand vm15, vm6  }
0xb1: {  	v30 =	vsel vm5, $0x1, v1;
	v24 =	vsel vm6, $0x1, v1;
	v26 =	vperm.xlane v27, v17  }
0xb2: {  	v31 =	vsel vm3, $0x1, v1;
	v32 =	vsel vm4, $0x1, v1;
	v27 =	vsel vm2, $0x1, v1  }
0xb3: {  	v35 =	vsel vm1, $0x1, v1;
	v33 =	vperm.xlane v28, v14;
	v34 =	vperm.xlane v28, v16;
	v17 =	vmovc v28  }
0xb4: {  	v37 =	vsel vm0, $0x1, v1;
	v28 =	vperm.xlane v17, v4;
	v36 =	vperm.xlane v17, v12  }
0xb5: {  	v38 =	vperm.xlane v17, v3;
	vm15 =	veq.s32 v33, v17;
	v33 =	vperm.xlane v17, v15  }
0xb6: {  	v25 =	vadd.s32 v37, v25;
	vm0 =	veq.s32 v28, v17;
	vm1 =	veq.s32 v36, v17  }
0xb7: {  	v25 =	vadd.s32 v35, v25;
	vm2 =	vmand vm0, vm10;
	vm0 =	vmand vm1, vm12  }
0xb8: {  	v25 =	vadd.s32 v27, v25;
	v28 =	vsel vm0, $0x1, v1;
	vm0 =	veq.s32 v34, v17  }
.Ltmp0:
0xb9: {  	v25 =	vadd.s32 v31, v25;
	vm1 =	veq.s32 v33, v17;
	vm0 =	vmand vm0, vm11;
	(pc) =	sbr.rel @p1 .LBB2_1-.Ltmp0, $4  }
0xba: {  	v25 =	vadd.s32 v32, v25;
	vm3 =	veq.s32 v38, v17;
	vm1 =	vmand vm1, vm8  }
0xbb: {  	v25 =	vadd.s32 v21, v25;
	vm3 =	vmand vm3, vm9;
	v27 =	vsel vm1, $0x1, v1;
	v21 =	vmovc v28  }
0xbc: {  	v30 =	vadd.s32 v30, v25;
	v31 =	vsel vm2, $0x1, v1;
	v28 =	vsel vm3, $0x1, v1  }
0xbd: {  	s11 =	smov.u32 s10;
	v29 =	vadd.s32 v29, v30;
	v25 =	vadd.s32 v28, v31;
	v28 =	vperm.xlane v17, v6  }
0xbe: {  	v3 =	vperm.xlane v17, v5;
	v4 =	vperm.xlane v17, v8  }
0xbf: {  	v19 =	vadd.s32 v19, v29;
	v6 =	vsel vm0, $0x1, v1;
	v29 =	vperm.xlane v17, v7  }
0xc0: {  	v30 =	vperm.xlane v17, v9;
	vm3 =	vcmask $0x3F14;
	vm4 =	vcmask $0x3F18  }
0xc1: {  	v32 =	vperm.xlane v17, v13;
	vm6 =	vcmask $0x3F1C;
	vm7 =	vcmask $0x3F28  }
0xc2: {  	v38 =	vperm.xlane v17, v11;
	vm9 =	vcmask $0x3F24;
	v39 =	vperm.xlane v17, v10  }
0xc3: {  	v42 =	vperm.xlane v17, v1;
	vm1 =	veq.s32 v28, v17;
	v5 =	vadd.s32 v20, v19  }
0xc4: {  	vm11 =	vmand vm1, vm14;
	vm12 =	veq.s32 v3, v17;
	v3 =	vadd.s32 v22, v5  }
0xc5: {  	vm2 =	veq.s32 v4, v17;
	vm14 =	veq.s32 v30, v17;
	vm8 =	veq.s32 v32, v17  }
0xc6: {  	vm1 =	vmand vm12, vm13;
	v3 =	vadd.s32 v23, v3;
	vm2 =	vmand vm2, vm3  }
0xc7: {  	vm13 =	veq.s32 v29, v17;
	v31 =	vsel vm11, $0x1, v1;
	vm0 =	vmand vm14, vm6  }
0xc8: {  	v3 =	vadd.s32 v26, v3;
	v33 =	vsel vm1, $0x1, v1;
	v4 =	vadd.s32 v31, v25  }
0xc9: {  	vm3 =	vmand vm13, vm4;
	v34 =	vsel vm2, $0x1, v1;
	v4 =	vadd.s32 v33, v4  }
0xca: {  	v3 =	vadd.s32 v24, v3;
	v36 =	vsel vm3, $0x1, v1;
	v4 =	vadd.s32 v34, v4  }
0xcb: {  	v35 =	vld [tilespmem:s7+$0x100];
	vm10 =	veq.s32 v38, v17;
	v37 =	vsel vm0, $0x1, v1;
	[tilespmem:s6+$0xB00] =	vst v3;
	v4 =	vadd.s32 v36, v4  }
0xcc: {  	vm11 =	veq.s32 v39, v17;
	vm0 =	vmand vm8, vm9;
	[tilespmem:s6+$0xC00] =	vst v3;
	v3 =	vadd.s32 v37, v4  }
0xcd: {  	vm1 =	vmand vm15, vm7;
	v41 =	vsel vm0, $0x1, v1;
	v40 =	vld [tilespmem:$0x280];
	v3 =	vadd.s32 v21, v3  }
0xce: {  	vm12 =	vcmask $0x3F34;
	v43 =	vsel vm1, $0x1, v1;
	v3 =	vadd.s32 v41, v3  }
0xcf: {  	vm14 =	veq.s32 v42, v17;
	vm13 =	vcmask $0x3F38;
	v3 =	vadd.s32 v43, v3  }
0xd0: {  	vm15 =	vcmask $0x3F3C;
	vm0 =	vmand vm10, vm12;
	v3 =	vadd.s32 v27, v3  }
0xd1: {  	vm1 =	vmand vm11, vm13;
	v44 =	vsel vm0, $0x1, v1;
	v3 =	vadd.s32 v6, v3  }
0xd2: {  	s21 =	sadd.s32 $0x10, s9;
	v45 =	vsel vm1, $0x1, v1;
	v5 =	vperm.xlane v40, v17;
	v3 =	vadd.s32 v44, v3  }
0xd3: {  	vm0 =	vmand vm14, vm15;
	[tilespmem:v17+s8+$0x0] =	vst.idx.add.s32.msk $0xffff, v2;
	v2 =	vor.u32 s21, v18;
	v3 =	vadd.s32 v45, v3  }
0xd4: {  	v1 =	vsel vm0, $0x1, v1;
	[tilespmem:s7+$0xD00] =	vst v2;
	v2 =	vand.u32 $0x3FF, v35;
	v3 =	vadd.s32 v5, v3  }
0xd5: {  	[tilespmem:s7+$0xE00] =	vst v2;
	v1 =	vadd.s32 v1, v3  }
0xd6: {  	[tilespmem:s7+$0xB00] =	vst v1  }
0xd7: {  	[tilespmem:s7+$0xC00] =	vst v1  }
0xd8: {  	v1 =	vld [tilespmem:$0xC00]  }
0xd9: {  	v2 =	vld [tilespmem:$0xD00]  }
0xda: {  	v3 =	vld [tilespmem:$0xE00]  }
0xdb: {  	v46 =	vld [tilespmem:$0xC80]  }
0xdc: {  	v47 =	vld [tilespmem:$0xD80]  }
0xdd: {  	[tilespmem:$0xF00] =	vst v1;
	v1 =	vld [tilespmem:$0xE80]  }
0xde: {  	[tilespmem:$0x1000] =	vst v2;
	v2 =	vld [tilespmem:$0xC10]  }
0xdf: {  	[tilespmem:$0x1100] =	vst v3;
	v3 =	vld [tilespmem:$0xD10]  }
0xe0: {  	v48 =	vld [tilespmem:$0xE10];
	[tilespmem:$0xF80] =	vst v46  }
0xe1: {  	v49 =	vld [tilespmem:$0xC90];
	[tilespmem:$0x1080] =	vst v47  }
0xe2: {  	[tilespmem:$0x1180] =	vst v1;
	v1 =	vld [tilespmem:$0xD90]  }
0xe3: {  	[tilespmem:$0xF10] =	vst v2;
	v2 =	vld [tilespmem:$0xE90]  }
0xe4: {  	[tilespmem:$0x1010] =	vst v3;
	v3 =	vld [tilespmem:$0xC20]  }
0xe5: {  	v50 =	vld [tilespmem:$0xD20];
	[tilespmem:$0x1110] =	vst v48  }
0xe6: {  	v51 =	vld [tilespmem:$0xE20];
	[tilespmem:$0xF90] =	vst v49  }
0xe7: {  	[tilespmem:$0x1090] =	vst v1;
	v1 =	vld [tilespmem:$0xCA0]  }
0xe8: {  	[tilespmem:$0x1190] =	vst v2;
	v2 =	vld [tilespmem:$0xDA0]  }
0xe9: {  	[tilespmem:$0xF20] =	vst v3;
	v3 =	vld [tilespmem:$0xEA0]  }
0xea: {  	v52 =	vld [tilespmem:$0xC30];
	[tilespmem:$0x1020] =	vst v50  }
0xeb: {  	v53 =	vld [tilespmem:$0xD30];
	[tilespmem:$0x1120] =	vst v51  }
0xec: {  	[tilespmem:$0xFA0] =	vst v1;
	v1 =	vld [tilespmem:$0xE30]  }
0xed: {  	[tilespmem:$0x10A0] =	vst v2;
	v2 =	vld [tilespmem:$0xCB0]  }
0xee: {  	[tilespmem:$0x11A0] =	vst v3;
	v3 =	vld [tilespmem:$0xDB0]  }
0xef: {  	v54 =	vld [tilespmem:$0xEB0];
	[tilespmem:$0xF30] =	vst v52  }
0xf0: {  	v55 =	vld [tilespmem:$0xC40];
	[tilespmem:$0x1030] =	vst v53  }
0xf1: {  	[tilespmem:$0x1130] =	vst v1;
	v1 =	vld [tilespmem:$0xD40]  }
0xf2: {  	[tilespmem:$0xFB0] =	vst v2;
	v2 =	vld [tilespmem:$0xE40]  }
0xf3: {  	[tilespmem:$0x10B0] =	vst v3;
	v3 =	vld [tilespmem:$0xCC0]  }
0xf4: {  	v56 =	vld [tilespmem:$0xDC0];
	[tilespmem:$0x11B0] =	vst v54  }
0xf5: {  	v57 =	vld [tilespmem:$0xEC0];
	[tilespmem:$0xF40] =	vst v55  }
0xf6: {  	[tilespmem:$0x1040] =	vst v1;
	v1 =	vld [tilespmem:$0xC50]  }
0xf7: {  	[tilespmem:$0x1140] =	vst v2;
	v2 =	vld [tilespmem:$0xD50]  }
0xf8: {  	[tilespmem:$0xFC0] =	vst v3;
	v3 =	vld [tilespmem:$0xE50]  }
0xf9: {  	v58 =	vld [tilespmem:$0xCD0];
	[tilespmem:$0x10C0] =	vst v56  }
0xfa: {  	v59 =	vld [tilespmem:$0xDD0];
	[tilespmem:$0x11C0] =	vst v57  }
0xfb: {  	[tilespmem:$0xF50] =	vst v1;
	v1 =	vld [tilespmem:$0xED0]  }
0xfc: {  	[tilespmem:$0x1050] =	vst v2;
	v2 =	vld [tilespmem:$0xC60]  }
0xfd: {  	[tilespmem:$0x1150] =	vst v3;
	v3 =	vld [tilespmem:$0xD60]  }
0xfe: {  	v60 =	vld [tilespmem:$0xE60];
	[tilespmem:$0xFD0] =	vst v58  }
0xff: {  	v61 =	vld [tilespmem:$0xCE0];
	[tilespmem:$0x10D0] =	vst v59  }
0x100: {  	[tilespmem:$0x11D0] =	vst v1;
	v1 =	vld [tilespmem:$0xDE0]  }
0x101: {  	[tilespmem:$0xF60] =	vst v2;
	v2 =	vld [tilespmem:$0xEE0]  }
0x102: {  	[tilespmem:$0x1060] =	vst v3;
	v3 =	vld [tilespmem:$0xC70]  }
0x103: {  	v62 =	vld [tilespmem:$0xD70];
	[tilespmem:$0x1160] =	vst v60  }
0x104: {  	v63 =	vld [tilespmem:$0xE70];
	[tilespmem:$0xFE0] =	vst v61  }
0x105: {  	[tilespmem:$0x10E0] =	vst v1;
	v1 =	vld [tilespmem:$0xCF0]  }
0x106: {  	[tilespmem:$0x11E0] =	vst v2;
	v2 =	vld [tilespmem:$0xDF0]  }
0x107: {  	[tilespmem:$0xF70] =	vst v3;
	v3 =	vld [tilespmem:$0xEF0]  }
0x108: {  	[tilespmem:$0x1070] =	vst v62  }
0x109: {  	[tilespmem:$0x1170] =	vst v63  }
0x10a: {  	[tilespmem:$0xFF0] =	vst v1  }
0x10b: {  	[tilespmem:$0x10F0] =	vst v2  }
0x10c: {  	s4 =	sadd.s32 s4, s2;
	s2 =	simm.s32 $0x0;
	s22 =	simm.s32 $0xB00;
	[tilespmem:$0x11F0] =	vst v3  }
0x10d: {  	[hbm4b:s4+s2] =	stream.linear.scatter [tilespmem:s22], [sflag:$0x2], $0x100, $0x38;
	[tilespmem:$0x1298] =	vst v63  }
0x10e: {  	s4 =	simm.s32 $0x2  }
0x10f: {  	_ =	swait.ge [sflag:s4], $0x100  }
0x110: {  	s23 =	simm.s32 $0x80;
	[sflag:s4] =	ssyncset.done $0x0  }
0x111: {  	s24 =	simm.s32 $0xF00;
	s25 =	simm.s32 $0x1000;
	[sflag:s4] =	ssyncadd.s32 $0xFFFFFF00  }
0x112: {  	[hbm4b:s5+s23] =	stream.indirect.scatter [tilespmem:s25], [sflag:$0x1], $0x1, s24, s23, $0xb8;
	[tilespmem:$0x1298] =	vst v63  }
0x113: {  	s26 =	simm.s32 $0xF80;
	s28 =	simm.s32 $0x1080  }
0x114: {  	[hbm4b:s5+s23] =	stream.indirect.scatter [tilespmem:s28], [sflag:$0x1], $0x1, s26, s23, $0xb8;
	[tilespmem:$0x1298] =	vst v63  }
0x115: {  	s29 =	simm.s32 $0x1100  }
0x116: {  	[hbm4b:s3+s23] =	stream.indirect.scatter [tilespmem:s29], [sflag:$0x1], $0x1, s24, s23, $0xb8;
	[tilespmem:$0x1298] =	vst v63  }
0x117: {  	s30 =	simm.s32 $0x1180;
	s31 =	simm.s32 $0x1  }
0x118: {  	[hbm4b:s3+s23] =	stream.indirect.scatter [tilespmem:s30], [sflag:$0x1], $0x1, s26, s23, $0xb8;
	[tilespmem:$0x1298] =	vst v63  }
0x119: {  	_ =	swait.ge [sflag:s31], $0x80  }
0x11a: {  	[sflag:s31] =	ssyncset.done $0x0  }
0x11b: {  	[sflag:s31] =	ssyncadd.s32 $0xFFFFFF80  }
0x11c: {  	_ =	swait.ge [sflag:s31], $0x80  }
0x11d: {  	[sflag:s31] =	ssyncset.done $0x0  }
0x11e: {  	[sflag:s31] =	ssyncadd.s32 $0xFFFFFF80  }
0x11f: {  	_ =	swait.ge [sflag:s31], $0x80  }
0x120: {  	[sflag:s31] =	ssyncset.done $0x0  }
0x121: {  	[sflag:s31] =	ssyncadd.s32 $0xFFFFFF80  }
0x122: {  	_ =	swait.ge [sflag:s31], $0x80  }
0x123: {  	[sflag:s31] =	ssyncset.done $0x0  }
0x124: {  	[sflag:s31] =	ssyncadd.s32 $0xFFFFFF80  }
0x125: {  	_ =	sfence.sel @p0 $0x180000  }
0x126: {  	[bflag:$0x0] =	sbarrier.arrive @p0 $0xFFFF  }
0x127: {  	_ =	strace @p0 $0x90000047  }
0x128: {  	[bflag:$0x2] =	sbarrier.arrive @p0 $0xFFFF  }
0x129: {  	_ =	shalt @p0  }
.LBB2_3:
0x12a: {  	v1 =	vimm.s32 $0x0  }
0x12b: {  	v3 =	vimm.s32 $0x1;
	v6 =	vlaneseq.u32;
	v4 =	vimm.s32 $0x2  }
0x12c: {  	v5 =	vimm.s32 $0x3;
	v7 =	vimm.s32 $0x4;
	v8 =	vimm.s32 $0x5  }
0x12d: {  	v9 =	vimm.s32 $0x6;
	v10 =	vimm.s32 $0x7;
	v11 =	vimm.s32 $0x8  }
0x12e: {  	v12 =	vimm.s32 $0x9;
	v23 =	vimm.s32 $0xA;
	v61 =	vimm.s32 $0xB  }
0x12f: {  	v62 =	vimm.s32 $0xC;
	v2 =	vperm.xlane v0, v1;
	v3 =	vperm.xlane v0, v3  }
0x130: {  	v26 =	vimm.s32 $0xD;
	v4 =	vperm.xlane v0, v4;
	v5 =	vperm.xlane v0, v5  }
0x131: {  	v27 =	vimm.s32 $0xE;
	v7 =	vperm.xlane v0, v7;
	v8 =	vperm.xlane v0, v8  }
0x132: {  	v28 =	vimm.s32 $0xF;
	v9 =	vperm.xlane v0, v9;
	v10 =	vperm.xlane v0, v10  }
0x133: {  	v18 =	vadd.s32 $0x1, v6;
	v11 =	vperm.xlane v0, v11;
	v12 =	vperm.xlane v0, v12  }
0x134: {  	v33 =	vadd.s32 $0x11, v6;
	v34 =	vor.u32 $0x10, v6;
	v50 =	vadd.s32 $0x21, v6  }
0x135: {  	v51 =	vor.u32 $0x20, v6;
	vm0 =	vlt.s32 v3, v18;
	vm10 =	vlt.s32 v4, v18  }
0x136: {  	vm11 =	vlt.s32 v5, v18;
	vm12 =	vlt.s32 v7, v18;
	vm1 =	vgt.s32 v2, v6  }
0x137: {  	vm13 =	vlt.s32 v8, v18;
	vm14 =	vlt.s32 v9, v18;
	vm15 =	vlt.s32 v10, v18  }
0x138: {  	vm4 =	vlt.s32 v11, v18;
	vm5 =	vlt.s32 v12, v18;
	v13 =	vsel vm0, $0x1, v1  }
0x139: {  	v14 =	vsel vm10, $0x1, v1;
	v15 =	vsel vm11, $0x1, v1;
	v16 =	vsel vm12, $0x1, v1  }
0x13a: {  	v17 =	vsel vm13, $0x1, v1;
	v19 =	vsel vm14, $0x1, v1;
	v20 =	vsel vm15, $0x1, v1  }
0x13b: {  	v21 =	vsel vm1, $0xFFFFFFFF, v1;
	v22 =	vsel vm4, $0x1, v1;
	v60 =	vsel vm5, $0x1, v1  }
0x13c: {  	vm12 =	vlt.s32 v3, v33;
	vm13 =	vgt.s32 v2, v34;
	vm14 =	vlt.s32 v4, v33  }
0x13d: {  	vm15 =	vlt.s32 v5, v33;
	vm4 =	vlt.s32 v7, v33;
	vm5 =	vlt.s32 v8, v33  }
0x13e: {  	v13 =	vadd.s32 v13, v21;
	v35 =	vsel vm12, $0x1, v1;
	v36 =	vsel vm14, $0x1, v1  }
0x13f: {  	v37 =	vsel vm13, $0xFFFFFFFF, v1;
	v38 =	vsel vm15, $0x1, v1;
	v39 =	vsel vm4, $0x1, v1  }
0x140: {  	v40 =	vsel vm5, $0x1, v1;
	vm4 =	vlt.s32 v3, v50;
	vm5 =	vgt.s32 v2, v51  }
0x141: {  	v14 =	vadd.s32 v14, v13;
	v13 =	vperm.xlane v0, v23;
	v52 =	vsel vm4, $0x1, v1  }
0x142: {  	v54 =	vsel vm5, $0xFFFFFFFF, v1;
	v15 =	vadd.s32 v15, v14;
	v14 =	vperm.xlane v0, v61  }
0x143: {  	v16 =	vadd.s32 v16, v15;
	vm6 =	vlt.s32 v13, v18;
	v15 =	vperm.xlane v0, v62  }
0x144: {  	v16 =	vadd.s32 v17, v16;
	v63 =	vsel vm6, $0x1, v1;
	vm7 =	vlt.s32 v14, v18  }
0x145: {  	v17 =	vperm.xlane v0, v26;
	vm6 =	vlt.s32 v9, v33;
	v16 =	vadd.s32 v19, v16  }
0x146: {  	v24 =	vsel vm7, $0x1, v1;
	vm8 =	vlt.s32 v15, v18;
	v41 =	vsel vm6, $0x1, v1  }
0x147: {  	vm7 =	vlt.s32 v10, v33;
	vm12 =	vlt.s32 v15, v33;
	vm6 =	vlt.s32 v4, v50  }
0x148: {  	vm4 =	vlt.s32 v15, v50;
	v16 =	vadd.s32 v20, v16;
	v25 =	vsel vm8, $0x1, v1  }
0x149: {  	vm9 =	vlt.s32 v17, v18;
	v42 =	vsel vm7, $0x1, v1;
	vm8 =	vlt.s32 v11, v33  }
0x14a: {  	v47 =	vsel vm12, $0x1, v1;
	vm13 =	vlt.s32 v17, v33;
	v53 =	vsel vm6, $0x1, v1  }
0x14b: {  	vm7 =	vlt.s32 v5, v50;
	vm12 =	vlt.s32 v11, v50;
	vm5 =	vlt.s32 v17, v50  }
0x14c: {  	v16 =	vadd.s32 v22, v16;
	v29 =	vsel vm9, $0x1, v1;
	v43 =	vsel vm8, $0x1, v1  }
0x14d: {  	vm9 =	vlt.s32 v12, v33;
	v48 =	vsel vm13, $0x1, v1;
	vm8 =	vlt.s32 v7, v50  }
0x14e: {  	v55 =	vsel vm7, $0x1, v1;
	v59 =	vsel vm12, $0x1, v1;
	vm13 =	vlt.s32 v12, v50  }
0x14f: {  	v21 =	vadd.s32 v60, v16;
	v16 =	vperm.xlane v0, v27;
	v0 =	vperm.xlane v0, v28  }
0x150: {  	v44 =	vsel vm9, $0x1, v1;
	vm9 =	vlt.s32 v8, v50;
	v60 =	vsel vm13, $0x1, v1  }
0x151: {  	v28 =	vsel vm5, $0x1, v1;
	v21 =	vadd.s32 v63, v21;
	v56 =	vsel vm9, $0x1, v1  }
0x152: {  	v63 =	vsel vm4, $0x1, v1;
	v19 =	vadd.s32 v24, v21;
	vm10 =	vlt.s32 v16, v18  }
0x153: {  	vm11 =	vlt.s32 v0, v18;
	vm14 =	vlt.s32 v16, v33;
	vm15 =	vlt.s32 v0, v33  }
0x154: {  	v21 =	vadd.s32 v52, v54;
	v24 =	vsel vm8, $0x1, v1;
	vm6 =	vlt.s32 v16, v50  }
0x155: {  	vm7 =	vlt.s32 v0, v50;
	v19 =	vadd.s32 v25, v19;
	v30 =	vsel vm10, $0x1, v1  }
0x156: {  	v32 =	vsel vm11, $0x1, v1;
	vm10 =	vlt.s32 v13, v33;
	vm11 =	vlt.s32 v14, v33  }
0x157: {  	v49 =	vsel vm14, $0x1, v1;
	v20 =	vsel vm15, $0x1, v1;
	vm14 =	vlt.s32 v13, v50  }
0x158: {  	vm15 =	vlt.s32 v14, v50;
	v22 =	vsel vm7, $0x1, v1;
	v31 =	vadd.s32 v29, v19  }
0x159: {  	v19 =	vadd.s32 v35, v37;
	v45 =	vsel vm10, $0x1, v1;
	v46 =	vsel vm11, $0x1, v1  }
0x15a: {  	vm10 =	vlt.s32 v9, v50;
	vm11 =	vlt.s32 v10, v50;
	v61 =	vsel vm14, $0x1, v1  }
0x15b: {  	v62 =	vsel vm15, $0x1, v1;
	v29 =	vsel vm6, $0x1, v1;
	v18 =	vadd.s32 v30, v31  }
0x15c: {  	v19 =	vadd.s32 v36, v19;
	v57 =	vsel vm10, $0x1, v1;
	v58 =	vsel vm11, $0x1, v1  }
0x15d: {  	v30 =	vadd.s32 $0x31, v6;
	v31 =	vor.u32 $0x30, v6;
	v18 =	vadd.s32 v32, v18  }
0x15e: {  	v19 =	vadd.s32 v38, v19;
	vm8 =	vlt.s32 v3, v30;
	vm9 =	vlt.s32 v4, v30  }
0x15f: {  	vm10 =	vgt.s32 v2, v31;
	vm11 =	vlt.s32 v5, v30;
	vm12 =	vlt.s32 v7, v30  }
0x160: {  	vm13 =	vlt.s32 v8, v30;
	vm14 =	vlt.s32 v9, v30;
	vm15 =	vlt.s32 v10, v30  }
0x161: {  	vm4 =	vlt.s32 v11, v30;
	vm5 =	vlt.s32 v12, v30;
	vm6 =	vlt.s32 v13, v30  }
0x162: {  	vm7 =	vlt.s32 v14, v30;
	v19 =	vadd.s32 v39, v19;
	v32 =	vsel vm8, $0x1, v1  }
0x163: {  	v33 =	vsel vm9, $0x1, v1;
	v34 =	vsel vm11, $0x1, v1;
	v25 =	vsel vm10, $0xFFFFFFFF, v1  }
0x164: {  	v35 =	vsel vm12, $0x1, v1;
	v26 =	vsel vm13, $0x1, v1;
	v19 =	vadd.s32 v40, v19  }
0x165: {  	v36 =	vsel vm14, $0x1, v1;
	v37 =	vsel vm15, $0x1, v1;
	v19 =	vadd.s32 v41, v19  }
0x166: {  	v38 =	vsel vm4, $0x1, v1;
	v39 =	vsel vm5, $0x1, v1;
	v19 =	vadd.s32 v42, v19  }
0x167: {  	vm8 =	vlt.s32 v15, v30;
	vm9 =	vlt.s32 v17, v30;
	v19 =	vadd.s32 v43, v19  }
0x168: {  	vm10 =	vlt.s32 v16, v30;
	vm11 =	vlt.s32 v0, v30;
	v19 =	vadd.s32 v44, v19  }
0x169: {  	v40 =	vsel vm6, $0x1, v1;
	v41 =	vsel vm7, $0x1, v1;
	v19 =	vadd.s32 v45, v19  }
0x16a: {  	v42 =	vsel vm8, $0x1, v1;
	v43 =	vsel vm9, $0x1, v1;
	v19 =	vadd.s32 v46, v19  }
0x16b: {  	v45 =	vsel vm10, $0x1, v1;
	v46 =	vsel vm11, $0x1, v1;
	v19 =	vadd.s32 v47, v19  }
0x16c: {  	v47 =	vor.u32 $0x40, v6;
	v6 =	vadd.s32 $0x41, v6;
	v19 =	vadd.s32 v48, v19  }
0x16d: {  	vm12 =	vgt.s32 v2, v47;
	vm13 =	vlt.s32 v3, v6;
	v19 =	vadd.s32 v49, v19  }
0x16e: {  	vm14 =	vlt.s32 v4, v6;
	v19 =	vadd.s32 v20, v19;
	v20 =	vadd.s32 v53, v21  }
0x16f: {  	vm15 =	vlt.s32 v5, v6;
	vm4 =	vlt.s32 v7, v6;
	v20 =	vadd.s32 v55, v20  }
0x170: {  	vm5 =	vlt.s32 v8, v6;
	vm6 =	vlt.s32 v9, v6;
	v20 =	vadd.s32 v24, v20  }
0x171: {  	vm7 =	vlt.s32 v10, v6;
	vm8 =	vlt.s32 v11, v6;
	v20 =	vadd.s32 v56, v20  }
0x172: {  	vm9 =	vlt.s32 v12, v6;
	vm10 =	vlt.s32 v13, v6;
	v20 =	vadd.s32 v57, v20  }
0x173: {  	vm11 =	vlt.s32 v14, v6;
	v48 =	vsel vm13, $0x1, v1;
	v20 =	vadd.s32 v58, v20  }
0x174: {  	v49 =	vsel vm12, $0xFFFFFFFF, v1;
	v4 =	vsel vm14, $0x1, v1;
	v20 =	vadd.s32 v59, v20  }
0x175: {  	v50 =	vsel vm15, $0x1, v1;
	v51 =	vsel vm4, $0x1, v1;
	v20 =	vadd.s32 v60, v20  }
0x176: {  	v52 =	vsel vm5, $0x1, v1;
	v54 =	vsel vm7, $0x1, v1;
	v20 =	vadd.s32 v61, v20  }
0x177: {  	vm12 =	vlt.s32 v15, v6;
	vm13 =	vlt.s32 v17, v6;
	v20 =	vadd.s32 v62, v20  }
0x178: {  	vm14 =	vlt.s32 v16, v6;
	v2 =	vadd.s32 v48, v49;
	v20 =	vadd.s32 v63, v20  }
0x179: {  	v2 =	vadd.s32 v4, v2;
	v24 =	vadd.s32 v32, v25;
	v20 =	vadd.s32 v28, v20  }
0x17a: {  	v2 =	vadd.s32 v50, v2;
	v23 =	vadd.s32 v33, v24;
	v20 =	vadd.s32 v29, v20  }
0x17b: {  	v2 =	vadd.s32 v51, v2;
	v20 =	vadd.s32 v22, v20;
	v22 =	vadd.s32 v34, v23  }
0x17c: {  	v53 =	vsel vm6, $0x1, v1;
	v2 =	vadd.s32 v52, v2;
	v22 =	vadd.s32 v35, v22  }
0x17d: {  	vm15 =	vlt.s32 v0, v6;
	v2 =	vadd.s32 v53, v2;
	v22 =	vadd.s32 v26, v22  }
0x17e: {  	v55 =	vsel vm8, $0x1, v1;
	v2 =	vadd.s32 v54, v2;
	v22 =	vadd.s32 v36, v22  }
0x17f: {  	v56 =	vsel vm9, $0x1, v1;
	v2 =	vadd.s32 v55, v2;
	v22 =	vadd.s32 v37, v22  }
0x180: {  	v57 =	vsel vm10, $0x1, v1;
	v2 =	vadd.s32 v56, v2;
	v22 =	vadd.s32 v38, v22  }
0x181: {  	v58 =	vsel vm11, $0x1, v1;
	v2 =	vadd.s32 v57, v2;
	v22 =	vadd.s32 v39, v22  }
0x182: {  	v59 =	vsel vm12, $0x1, v1;
	v2 =	vadd.s32 v58, v2;
	v22 =	vadd.s32 v40, v22  }
0x183: {  	v60 =	vsel vm13, $0x1, v1;
	v2 =	vadd.s32 v59, v2;
	v44 =	vadd.s32 v41, v22  }
0x184: {  	[tilespmem:$0x1200] =	vst v18;
	v61 =	vsel vm14, $0x1, v1;
	v62 =	vadd.s32 v60, v2;
	v21 =	vadd.s32 v42, v44  }
0x185: {  	[tilespmem:$0x1210] =	vst v19;
	v1 =	vsel vm15, $0x1, v1;
	v0 =	vadd.s32 v61, v62;
	v21 =	vadd.s32 v43, v21  }
0x186: {  	[tilespmem:$0x1220] =	vst v20;
	v0 =	vadd.s32 v1, v0;
	v21 =	vadd.s32 v45, v21  }
0x187: {  	[tilespmem:$0x1240] =	vst v0;
	v63 =	vadd.s32 v46, v21  }
0x188: {  	s3 =	simm.s32 $0x1200;
	[tilespmem:$0x1230] =	vst v63  }
0x189: {  	[hbm4b:s1+s2] =	stream.linear.scatter [tilespmem:s3], [sflag:$0x2], $0x80, $0x38;
	[tilespmem:$0x1298] =	vst v63  }
0x18a: {  	_ =	swait.ge [sflag:s4], $0x80  }
0x18b: {  	[sflag:s4] =	ssyncset.done $0x0  }
0x18c: {  	[sflag:s4] =	ssyncadd.s32 $0xFFFFFF80  }
0x18d: {  	_ =	sfence.sel $0x180000  }
0x18e: {  	[bflag:$0x0] =	sbarrier.arrive $0xFFFF  }
0x18f: {  	_ =	strace $0x90000047  }
0x190: {  	s0 =	sadd.s32 $0x100000, s0;
	[bflag:$0x2] =	sbarrier.arrive $0xFFFF  }
0x191: {  	[sflag:s0] =	ssyncadd.tile.s32 $0x1;
	_ =	shalt  }
.Lfunc_end2:
_tile_overlayer_lowered:
.L_overlay_start_2:
0x192: {  	(tag) =	ssettag $0x2  }
0x193: {  	s0 =	rddreg [dreg:$0x0];
	s2 =	stileid.u32  }
0x194: {  	s1 =	rddreg [dreg:$0x1];
	p0 =	sne.s32 s2, $0x0  }
0x195: {  	s3 =	rddreg [dreg:$0x2];
	[bflag:$0x3] =	sbarrier.arrive $0xFFFF;
	s2 =	simm.s32 @!p0 $0x1C02  }
0x196: {  	[timem:s3], [sflag:s2] =	dma.local @!p0 [hbm:s0], s1  }
0x197: {  	s0 =	simm.s32 @!p0 $0x2  }
0x198: {  	_ =	swait.ge @!p0 [sflag:s0], s1  }
0x199: {  	s1 =	ssub.s32 @!p0 $0x0, s1;
	[sflag:s0] =	ssyncset.done @!p0 $0x0  }
0x19a: {  	[sflag:s0] =	ssyncadd.s32 @!p0 s1  }
0x19b: {  	[bflag:$0x3] =	sbarrier.arrive $0xFFFF  }
0x19c: {  	_ =	shalt  }

</sc_bundles>
